<compile_context>
chip_gen: v7x
topology: tpu7x:2x2x1
jax: 0.10.2.dev20260603
libtpu: 0.0.44.dev20260713+nightly
codegen_flags: <defaults>
</compile_context>

<pallas_src>
import functools

import jax
import jax.numpy as jnp
from jax import lax
from jax.experimental import pallas as pl
from jax.experimental.pallas import tpu as pltpu
from jax.experimental.pallas import tpu_sc as plsc

_NC = 2
_NS = 16
_NW = _NC * _NS
_CHUNK = 128
_F = 16
_TPW = 80


def _mesh():
    return plsc.VectorSubcoreMesh(core_axis_name="c", subcore_axis_name="s")


def _zero_acc(stage_v, acc_sh, sid, rpt):
    def fill_zero(i, c):
        stage_v[i] = jnp.zeros((_F,), jnp.float32)
        return c

    lax.fori_loop(0, rpt, fill_zero, 0)
    pltpu.sync_copy(stage_v, acc_sh.at[pl.ds(sid * rpt, rpt)])
    plsc.subcore_barrier()


def _copy_out(stage_v, acc_sh, out_hbm, cid, sid, rpt):
    plsc.subcore_barrier()
    pltpu.sync_copy(acc_sh.at[pl.ds(sid * rpt, rpt)], stage_v)
    pltpu.sync_copy(stage_v, out_hbm.at[cid, pl.ds(sid * rpt, rpt)])


def _tile_span(wid, nchunks):
    last = nchunks - (_NW - 1) * _TPW
    base = wid * _TPW
    trips = jnp.where(wid < _NW - 1, _TPW, last)
    return base, trips


def _load_idx(idx_hbm, idx_v, wid, base, nchunks):
    last = nchunks - (_NW - 1) * _TPW

    @pl.when(wid < _NW - 1)
    def _():
        pltpu.sync_copy(idx_hbm.at[pl.ds(base, _TPW), :], idx_v)

    if last < _TPW:
        @pl.when(wid == _NW - 1)
        def _():
            pltpu.sync_copy(idx_hbm.at[pl.ds((_NW - 1) * _TPW, last), :],
                            idx_v.at[pl.ds(0, last), :])


def _sc_count(dst2, n, nchunks):
    rpt = n // _NS

    @functools.partial(
        pl.kernel,
        mesh=_mesh(),
        out_type=jax.ShapeDtypeStruct((_NC, n, _F), jnp.float32),
        compiler_params=pltpu.CompilerParams(use_tc_tiling_on_sc=False),
        scratch_types=[
            pltpu.VMEM((_TPW, _CHUNK), jnp.int32),
            pltpu.VMEM((_CHUNK, _F), jnp.float32),
            pltpu.VMEM((rpt, _F), jnp.float32),
            pltpu.VMEM_SHARED((n, _F), jnp.float32),
            pltpu.SemaphoreType.DMA,
            pltpu.SemaphoreType.DMA,
            pltpu.SemaphoreType.DMA,
            pltpu.SemaphoreType.DMA,
        ],
    )
    def k(dst_hbm, out_hbm, didx_v, ones_v, stage_v, acc_sh, s0, s1, s2, s3):
        cid = lax.axis_index("c")
        sid = lax.axis_index("s")
        wid = sid * _NC + cid
        base, trips = _tile_span(wid, nchunks)
        sems = [s0, s1, s2, s3]

        def fill_ones(i, c):
            ones_v[i] = jnp.ones((_F,), jnp.float32)
            return c

        lax.fori_loop(0, _CHUNK, fill_ones, 0)
        _load_idx(dst_hbm, didx_v, wid, base, nchunks)
        _zero_acc(stage_v, acc_sh, sid, rpt)

        def swait(sem):
            pltpu.make_async_copy(ones_v, acc_sh.at[didx_v.at[0]], sem).wait()

        def step(j, c):
            b = lax.rem(j, 4)

            @pl.when(j >= 4)
            def _():
                for bb in range(4):
                    @pl.when(b == bb)
                    def _():
                        swait(sems[bb])

            for bb in range(4):
                @pl.when(b == bb)
                def _():
                    pltpu.async_copy(ones_v, acc_sh.at[didx_v.at[j]],
                                     sems[bb], add=True)
            return c

        lax.fori_loop(0, trips, step, 0)
        for bb in range(4):
            @pl.when(trips >= bb + 1)
            def _():
                swait(sems[bb])

        _copy_out(stage_v, acc_sh, out_hbm, cid, sid, rpt)

    return k(dst2)


def _sc_segsum(table, src2, dst2, n, nchunks):
    rpt = n // _NS

    @functools.partial(
        pl.kernel,
        mesh=_mesh(),
        out_type=jax.ShapeDtypeStruct((_NC, n, _F), jnp.float32),
        compiler_params=pltpu.CompilerParams(use_tc_tiling_on_sc=False),
        scratch_types=[
            pltpu.VMEM((_TPW, _CHUNK), jnp.int32),
            pltpu.VMEM((_TPW, _CHUNK), jnp.int32),
            pltpu.VMEM((_CHUNK, _F), jnp.float32),
            pltpu.VMEM((_CHUNK, _F), jnp.float32),
            pltpu.VMEM((_CHUNK, _F), jnp.float32),
            pltpu.VMEM((_CHUNK, _F), jnp.float32),
            pltpu.VMEM((_CHUNK, _F), jnp.float32),
            pltpu.VMEM((_CHUNK, _F), jnp.float32),
            pltpu.VMEM((rpt, _F), jnp.float32),
            pltpu.VMEM_SHARED((n, _F), jnp.float32),
            pltpu.VMEM_SHARED((n, _F), jnp.float32),
        ] + [pltpu.SemaphoreType.DMA] * 12,
    )
    def k(table_hbm, src_hbm, dst_hbm, out_hbm,
          sidx_v, didx_v, r0, r1, r2, r3, r4, r5, stage_v, tab_sh, acc_sh,
          *sems):
        cid = lax.axis_index("c")
        sid = lax.axis_index("s")
        wid = sid * _NC + cid
        base, trips = _tile_span(wid, nchunks)
        rows = [r0, r1, r2, r3, r4, r5]
        gsem = list(sems[:6])
        ssem = list(sems[6:])
        NB, DEPTH = 6, 3

        _load_idx(src_hbm, sidx_v, wid, base, nchunks)
        _load_idx(dst_hbm, didx_v, wid, base, nchunks)
        pltpu.sync_copy(table_hbm.at[pl.ds(sid * rpt, rpt), :], stage_v)
        pltpu.sync_copy(stage_v, tab_sh.at[pl.ds(sid * rpt, rpt)])
        _zero_acc(stage_v, acc_sh, sid, rpt)

        def gstart(j, b):
            pltpu.async_copy(tab_sh.at[sidx_v.at[j]], rows[b], gsem[b])

        def gwait(b):
            pltpu.make_async_copy(tab_sh.at[sidx_v.at[0]], rows[b],
                                  gsem[b]).wait()

        def sstart(j, b):
            pltpu.async_copy(rows[b], acc_sh.at[didx_v.at[j]], ssem[b],
                             add=True)

        def swait(b):
            pltpu.make_async_copy(rows[b], acc_sh.at[didx_v.at[0]],
                                  ssem[b]).wait()

        for p in range(DEPTH):
            @pl.when(trips >= p + 1)
            def _():
                gstart(p, p)

        def step(j, c):
            b = lax.rem(j, NB)
            for bb in range(NB):
                @pl.when(b == bb)
                def _():
                    bf = (bb + DEPTH) % NB

                    @pl.when(j + DEPTH < trips)
                    def _():
                        @pl.when(j >= NB - DEPTH)
                        def _():
                            swait(bf)

                        gstart(j + DEPTH, bf)

                    gwait(bb)
                    sstart(j, bb)
            return c

        lax.fori_loop(0, trips, step, 0)
        for bb in range(NB):
            @pl.when(trips >= bb + 1)
            def _():
                swait(bb)

        _copy_out(stage_v, acc_sh, out_hbm, cid, sid, rpt)

    return k(table, src2, dst2)


_G = 8
_PBLK = 128


def _tc_edges(edge_index, nc_pad):
    blk_rows = 256
    nblk = nc_pad // blk_rows

    def body(e_ref, s_ref, d_ref):
        s_ref[...] = e_ref[0].reshape(blk_rows, _CHUNK)
        d_ref[...] = e_ref[1].reshape(blk_rows, _CHUNK)

    oblk = pl.BlockSpec((blk_rows, _CHUNK), lambda i: (i, 0))
    shp = jax.ShapeDtypeStruct((nc_pad, _CHUNK), jnp.int32)
    return pl.pallas_call(
        body,
        grid=(nblk,),
        in_specs=[pl.BlockSpec((2, blk_rows * _CHUNK), lambda i: (0, i))],
        out_specs=(oblk, oblk),
        out_shape=(shp, shp),
    )(edge_index)


def _tc_mm(xv, W1bd, np_rows):
    K = xv.shape[1]

    def body(x_ref, w_ref, hx_ref):
        hx_ref[...] = jnp.dot(x_ref[...], w_ref[...],
                              preferred_element_type=jnp.float32)

    return pl.pallas_call(
        body,
        grid=(np_rows // _PBLK,),
        in_specs=[
            pl.BlockSpec((_PBLK, K), lambda i: (i, 0)),
            pl.BlockSpec((K, _G * _F), lambda i: (0, 0)),
        ],
        out_specs=pl.BlockSpec((_PBLK, _G * _F), lambda i: (i, 0)),
        out_shape=jax.ShapeDtypeStruct((np_rows, _G * _F), jnp.float32),
    )(xv, W1bd)


def _tc_prep(hxp, cnt_pp):
    np_rows = hxp.shape[0]

    def body(hx_ref, cnt_ref, hxs_ref, dinv_ref, invc_ref):
        cnt = cnt_ref[0] + cnt_ref[1]
        dinv = lax.rsqrt(cnt + 1.0)
        dinv_ref[...] = dinv
        invc_ref[...] = 1.0 / jnp.maximum(cnt, 1.0)
        hxs_ref[...] = hx_ref[...] * dinv

    shp = jax.ShapeDtypeStruct((np_rows, _G * _F), jnp.float32)
    blk = pl.BlockSpec((_PBLK, _G * _F), lambda i: (i, 0))
    return pl.pallas_call(
        body,
        grid=(np_rows // _PBLK,),
        in_specs=[blk, pl.BlockSpec((_NC, _PBLK, _G * _F), lambda i: (0, i, 0))],
        out_specs=(blk, blk, blk),
        out_shape=(shp, shp, shp),
    )(hxp, cnt_pp)


def _tc_comb(t1_pp, hxp, dinvp, b1t):
    np_rows = hxp.shape[0]

    def body(t1_ref, hx_ref, dinv_ref, b1_ref, h_ref):
        d = dinv_ref[...]
        t1 = t1_ref[0] + t1_ref[1]
        h_ref[...] = d * t1 + d * d * hx_ref[...] + b1_ref[...][None, :]

    blk = pl.BlockSpec((_PBLK, _G * _F), lambda i: (i, 0))
    return pl.pallas_call(
        body,
        grid=(np_rows // _PBLK,),
        in_specs=[pl.BlockSpec((_NC, _PBLK, _G * _F), lambda i: (0, i, 0)),
                  blk, blk, pl.BlockSpec((_G * _F,), lambda i: (0,))],
        out_specs=blk,
        out_shape=jax.ShapeDtypeStruct((np_rows, _G * _F), jnp.float32),
    )(t1_pp, hxp, dinvp, b1t)


_OBLK = 128


def _tc_out(t2_pp, hp, invcp, Wlt, blv, Wrt, N):
    np_rows = hp.shape[0]
    C = Wlt.shape[1]
    rblk = _OBLK * _G
    Ewide = (jax.lax.broadcasted_iota(jnp.int32, (rblk, _OBLK), 0) // _G
             == jax.lax.broadcasted_iota(jnp.int32, (rblk, _OBLK), 1)
             ).astype(jnp.float32)

    def body(t2_ref, h_ref, invc_ref, e_ref, wl_ref, bl_ref, wr_ref, o_ref):
        mean = (t2_ref[0] + t2_ref[1]) * invc_ref[...]
        e = e_ref[...]
        qm = jnp.dot(e, mean, preferred_element_type=jnp.float32)
        qh = jnp.dot(e, h_ref[...], preferred_element_type=jnp.float32)
        row = jax.lax.broadcasted_iota(jnp.int32, (rblk, _G * _F), 0)
        lane = jax.lax.broadcasted_iota(jnp.int32, (rblk, _G * _F), 1)
        mask = ((lane // _F) == (row % _G)).astype(jnp.float32)
        o = (jnp.dot(qm * mask, wl_ref[...], preferred_element_type=jnp.float32)
             + jnp.dot(qh * mask, wr_ref[...], preferred_element_type=jnp.float32)
             + bl_ref[...][None, :])
        m = jnp.max(o, axis=1, keepdims=True)
        lse = m + jnp.log(jnp.sum(jnp.exp(o - m), axis=1, keepdims=True))
        o_ref[...] = o - lse

    blk = pl.BlockSpec((_OBLK, _G * _F), lambda i: (i, 0))
    return pl.pallas_call(
        body,
        grid=(np_rows // _OBLK,),
        in_specs=[
            pl.BlockSpec((_NC, _OBLK, _G * _F), lambda i: (0, i, 0)),
            blk,
            blk,
            pl.BlockSpec((rblk, _OBLK), lambda i: (0, 0)),
            pl.BlockSpec((_G * _F, C), lambda i: (0, 0)),
            pl.BlockSpec((C,), lambda i: (0,)),
            pl.BlockSpec((_G * _F, C), lambda i: (0, 0)),
        ],
        out_specs=pl.BlockSpec((rblk, C), lambda i: (i, 0)),
        out_shape=jax.ShapeDtypeStruct((N, C), jnp.float32),
    )(t2_pp, hp, invcp, Ewide, Wlt, blv, Wrt)


def kernel(x, edge_index, W1, b1, Wl, bl, Wr):
    N, F_IN = x.shape
    E = edge_index.shape[1]
    n_pad = ((N + _G * _PBLK - 1) // (_G * _PBLK)) * (_G * _PBLK)
    np_rows = n_pad // _G
    assert E % _CHUNK == 0 and np_rows % _PBLK == 0
    nchunks = E // _CHUNK
    assert (_NW - 1) * _TPW <= nchunks <= _NW * _TPW
    nc_pad = ((nchunks + 255) // 256) * 256
    src2, dst2 = _tc_edges(edge_index, nc_pad)

    xv = jnp.pad(x, ((0, n_pad - N), (0, 0))).reshape(np_rows, _G * F_IN)
    W1bd = jnp.einsum("ab,kf->akbf", jnp.eye(_G, dtype=x.dtype),
                      W1).reshape(_G * F_IN, _G * _F)
    b1t = jnp.tile(b1, _G)
    Wlt = jnp.tile(Wl, (_G, 1))
    Wrt = jnp.tile(Wr, (_G, 1))

    hxp = _tc_mm(xv, W1bd, np_rows)
    cnt_p = _sc_count(dst2, n_pad, nchunks)
    cnt_pp = cnt_p.reshape(_NC, np_rows, _G * _F)
    hxsp, dinvp, invcp = _tc_prep(hxp, cnt_pp)
    t1_p = _sc_segsum(hxsp.reshape(n_pad, _F), src2, dst2, n_pad, nchunks)
    hp = _tc_comb(t1_p.reshape(_NC, np_rows, _G * _F), hxp, dinvp, b1t)
    t2_p = _sc_segsum(hp.reshape(n_pad, _F), src2, dst2, n_pad, nchunks)
    return _tc_out(t2_p.reshape(_NC, np_rows, _G * _F), hp, invcp,
                   Wlt, bl, Wrt, N)

# --- scband reference (transcript-rebuilt; emitter-appended) ---
"""Pipeline reference for scband-sage-63780264346292 (READ-ONLY COPY).

The authoritative reference and input builder live on the scoring server;
editing this copy changes nothing except your own understanding.
"""

import jax, jax.numpy as jnp
import numpy as np

N, E, F_IN, H, C = 10000, 320000, 128, 16, 40

def setup_inputs(seed: int = 0) -> dict:
    key = jax.random.key(seed)
    k1, k2, k3, k4, k5, k6, k7 = jax.random.split(key, 7)
    x = jax.random.normal(k1, (N, F_IN), dtype=jnp.float32)
    edge_index = jax.random.randint(k2, (2, E), 0, N, dtype=jnp.int32)
    W1 = jax.random.normal(k3, (F_IN, H), dtype=jnp.float32) * (1.0 / np.sqrt(F_IN))
    b1 = jnp.zeros((H,), dtype=jnp.float32)
    Wl = jax.random.normal(k4, (H, C), dtype=jnp.float32) * (1.0 / np.sqrt(H))
    bl = jnp.zeros((C,), dtype=jnp.float32)
    Wr = jax.random.normal(k5, (H, C), dtype=jnp.float32) * (1.0 / np.sqrt(H))
    return {"x": x, "edge_index": edge_index, "W1": W1, "b1": b1, "Wl": Wl, "bl": bl, "Wr": Wr}

def _gcn_conv(x, edge_index, W, b):
    # GCNConv: add self-loops, symmetric normalization, linear transform
    loop = jnp.arange(N, dtype=edge_index.dtype)
    src = jnp.concatenate([edge_index[0], loop])
    dst = jnp.concatenate([edge_index[1], loop])
    deg = jax.ops.segment_sum(jnp.ones_like(src, dtype=jnp.float32), dst, num_segments=N)
    dinv = jnp.where(deg > 0, 1.0 / jnp.sqrt(deg), 0.0)
    norm = dinv[src] * dinv[dst]
    h = x @ W
    msg = h[src] * norm[:, None]
    out = jax.ops.segment_sum(msg, dst, num_segments=N) + b
    return out

def _sage_conv(h, edge_index, Wl, bl, Wr):
    # SAGEConv(mean): lin_l(mean_{j in N(i)} h_j) + lin_r(h_i)
    src = edge_index[0]
    dst = edge_index[1]
    agg = jax.ops.segment_sum(h[src], dst, num_segments=N)
    cnt = jax.ops.segment_sum(jnp.ones_like(src, dtype=jnp.float32), dst, num_segments=N)
    mean = agg / jnp.clip(cnt, 1.0)[:, None]
    return mean @ Wl + bl + h @ Wr

def reference(x, edge_index, W1, b1, Wl, bl, Wr):
    h = _gcn_conv(x, edge_index, W1, b1)
    out = _sage_conv(h, edge_index, Wl, bl, Wr)
    return out - jax.nn.logsumexp(out, axis=1, keepdims=True)

if __name__ == "__main__":
    import jax
    _d = setup_inputs()
    print(jax.jit(kernel)(*tuple(_d.values())))

</pallas_src>

<mosaic_0001>
#map = affine_map<(d0, d1) -> (0, 0)>
#map1 = affine_map<(d0, d1) -> (0, 0, 0)>
module attributes {stable_mosaic.version = 14 : i64} {
  func.func @k(%arg0: i32, %arg1: i32, %arg2: memref<2560x128xi32, #tpu.memory_space<hbm>>, %arg3: memref<2x10240x16xf32, #tpu.memory_space<hbm>>, %arg4: memref<80x128xi32, #tpu.memory_space<vmem>>, %arg5: memref<128x16xf32, #tpu.memory_space<vmem>>, %arg6: memref<640x16xf32, #tpu.memory_space<vmem>>, %arg7: memref<10240x16xf32, #tpu.memory_space<vmem_shared>>, %arg8: memref<!tpu.dma_semaphore, #tpu.memory_space<semaphore_mem>>, %arg9: memref<!tpu.dma_semaphore, #tpu.memory_space<semaphore_mem>>, %arg10: memref<!tpu.dma_semaphore, #tpu.memory_space<semaphore_mem>>, %arg11: memref<!tpu.dma_semaphore, #tpu.memory_space<semaphore_mem>>) attributes {dimension_semantics = [#tpu.dimension_semantics<core_parallel>, #tpu.dimension_semantics<subcore_parallel>], iteration_bounds = array<i64: 2, 16>, scalar_prefetch = 0 : i64, scratch_operands = 8 : i64, tpu.core_type = #tpu.core_type<sc_vector_subcore>, window_params = [{transform_indices = #map}, {transform_indices = #map1}]} {
    %mul3A = arith.constant 2 : i32
    %mul3A_0 = arith.muli %arg1, %mul3A : i32
    %add3A = arith.addi %mul3A_0, %arg0 : i32
    %mul3A_1 = arith.constant 80 : i32
    %mul3A_2 = arith.muli %add3A, %mul3A_1 : i32
    %lt3A = arith.constant 31 : i32
    %lt3A_3 = arith.cmpi slt, %add3A, %lt3A : i32
    %jit3A = arith.constant 80 : i32
    %jit3A_4 = arith.constant 20 : i32
    %select_n3A = arith.select %lt3A_3, %jit3A, %jit3A_4 : i32
    %scan3A = arith.constant 0 : i32
    %scan3A_5 = arith.constant 0 : i32
    %scan3A_6 = arith.constant 128 : i32
    %scan3A_7 = arith.addi %scan3A_5, %scan3A_6 : i32
    %scan3A_8 = arith.constant 1 : i32
    scf.for %scan3A_58 = %scan3A_5 to %scan3A_7 step %scan3A_8  : i32 {
      %broadcast_in_dim3A = arith.constant 1.000000e+00 : f32
      %broadcast_in_dim3A_59 = vector.broadcast %broadcast_in_dim3A : f32 to vector<16xf32>
      %swap3A = arith.index_cast %scan3A_58 : i32 to index
      %swap3A_60 = arith.constant 0 : index
      %swap3A_61 = tpu.vector_load %arg5[%swap3A, %swap3A_60] {strides = array<i32>} : memref<128x16xf32, #tpu.memory_space<vmem>>, vector<1x16xf32>,
      %swap3A_62 = vector.shape_cast %swap3A_61 : vector<1x16xf32> to vector<16xf32>
      %swap3A_63 = vector.shape_cast %broadcast_in_dim3A_59 : vector<16xf32> to vector<1x16xf32>
      tpu.vector_store %arg5[%swap3A, %swap3A_60], %swap3A_63 {strides = array<i32>} : memref<128x16xf32, #tpu.memory_space<vmem>>, vector<1x16xf32>,
    }
    %scan3A_9 = arith.constant 128 : i32
    %lt3A_10 = arith.constant 31 : i32
    %lt3A_11 = arith.cmpi slt, %add3A, %lt3A_10 : i32
    %convert_element_type3A = arith.extui %lt3A_11 : i1 to i32
    %cond3A = arith.constant 0 : i32
    %cond3A_12 = arith.cmpi ne, %convert_element_type3A, %cond3A : i32
    scf.if %cond3A_12 {
      "tpu.region"() ({
        %run_scoped3A = tpu.sem_alloc : memref<!tpu.dma_semaphore, #tpu.memory_space<semaphore_mem>>
        %dma_start3A = arith.constant 0 : i32
        %dma_start3A_58 = tpu.memref_slice %arg2[%mul3A_2, %dma_start3A] : memref<2560x128xi32, #tpu.memory_space<hbm>> -> memref<80x128xi32, #tpu.memory_space<hbm>>
        %dma_start3A_59 = arith.constant 0 : i32
        %dma_start3A_60 = tpu.memref_slice %arg2[%mul3A_2, %dma_start3A_59] : memref<2560x128xi32, #tpu.memory_space<hbm>> -> memref<80x128xi32, #tpu.memory_space<hbm>>
        tpu.enqueue_dma source(%dma_start3A_60 : memref<80x128xi32, #tpu.memory_space<hbm>>) target(%arg4 : memref<80x128xi32, #tpu.memory_space<vmem>>) target_semaphore(%run_scoped3A : memref<!tpu.dma_semaphore, #tpu.memory_space<semaphore_mem>>)
        %dma_wait3A = arith.constant 0 : i32
        %dma_wait3A_61 = tpu.memref_slice %arg2[%mul3A_2, %dma_wait3A] : memref<2560x128xi32, #tpu.memory_space<hbm>> -> memref<80x128xi32, #tpu.memory_space<hbm>>
        %dma_wait3A_62 = arith.constant 0 : i32
        %dma_wait3A_63 = tpu.memref_slice %arg2[%mul3A_2, %dma_wait3A_62] : memref<2560x128xi32, #tpu.memory_space<hbm>> -> memref<80x128xi32, #tpu.memory_space<hbm>>
        tpu.wait_dma2 semaphore(%run_scoped3A : memref<!tpu.dma_semaphore, #tpu.memory_space<semaphore_mem>>) src(%dma_wait3A_63 : memref<80x128xi32, #tpu.memory_space<hbm>>) dst(%arg4 : memref<80x128xi32, #tpu.memory_space<vmem>>)
        tpu.yield
      }) : () -> ()
    } else {
    }
    %eq3A = arith.constant 31 : i32
    %eq3A_13 = arith.cmpi eq, %add3A, %eq3A : i32
    %convert_element_type3A_14 = arith.extui %eq3A_13 : i1 to i32
    %cond3A_15 = arith.constant 0 : i32
    %cond3A_16 = arith.cmpi ne, %convert_element_type3A_14, %cond3A_15 : i32
    scf.if %cond3A_16 {
      "tpu.region"() ({
        %run_scoped3A = tpu.sem_alloc : memref<!tpu.dma_semaphore, #tpu.memory_space<semaphore_mem>>
        %dma_start3A = arith.constant 0 : i32
        %dma_start3A_58 = arith.constant 0 : i32
        %dma_start3A_59 = tpu.memref_slice %arg4[%dma_start3A, %dma_start3A_58] : memref<80x128xi32, #tpu.memory_space<vmem>> -> memref<20x128xi32, #tpu.memory_space<vmem>>
        %dma_start3A_60 = arith.constant 2480 : i32
        %dma_start3A_61 = arith.constant 0 : i32
        %dma_start3A_62 = tpu.memref_slice %arg2[%dma_start3A_60, %dma_start3A_61] : memref<2560x128xi32, #tpu.memory_space<hbm>> -> memref<20x128xi32, #tpu.memory_space<hbm>>
        %dma_start3A_63 = arith.constant 0 : i32
        %dma_start3A_64 = arith.constant 0 : i32
        %dma_start3A_65 = tpu.memref_slice %arg4[%dma_start3A_63, %dma_start3A_64] : memref<80x128xi32, #tpu.memory_space<vmem>> -> memref<20x128xi32, #tpu.memory_space<vmem>>
        %dma_start3A_66 = arith.constant 2480 : i32
        %dma_start3A_67 = arith.constant 0 : i32
        %dma_start3A_68 = tpu.memref_slice %arg2[%dma_start3A_66, %dma_start3A_67] : memref<2560x128xi32, #tpu.memory_space<hbm>> -> memref<20x128xi32, #tpu.memory_space<hbm>>
        tpu.enqueue_dma source(%dma_start3A_68 : memref<20x128xi32, #tpu.memory_space<hbm>>) target(%dma_start3A_65 : memref<20x128xi32, #tpu.memory_space<vmem>>) target_semaphore(%run_scoped3A : memref<!tpu.dma_semaphore, #tpu.memory_space<semaphore_mem>>)
        %dma_wait3A = arith.constant 0 : i32
        %dma_wait3A_69 = arith.constant 0 : i32
        %dma_wait3A_70 = tpu.memref_slice %arg4[%dma_wait3A, %dma_wait3A_69] : memref<80x128xi32, #tpu.memory_space<vmem>> -> memref<20x128xi32, #tpu.memory_space<vmem>>
        %dma_wait3A_71 = arith.constant 2480 : i32
        %dma_wait3A_72 = arith.constant 0 : i32
        %dma_wait3A_73 = tpu.memref_slice %arg2[%dma_wait3A_71, %dma_wait3A_72] : memref<2560x128xi32, #tpu.memory_space<hbm>> -> memref<20x128xi32, #tpu.memory_space<hbm>>
        %dma_wait3A_74 = arith.constant 0 : i32
        %dma_wait3A_75 = arith.constant 0 : i32
        %dma_wait3A_76 = tpu.memref_slice %arg4[%dma_wait3A_74, %dma_wait3A_75] : memref<80x128xi32, #tpu.memory_space<vmem>> -> memref<20x128xi32, #tpu.memory_space<vmem>>
        %dma_wait3A_77 = arith.constant 2480 : i32
        %dma_wait3A_78 = arith.constant 0 : i32
        %dma_wait3A_79 = tpu.memref_slice %arg2[%dma_wait3A_77, %dma_wait3A_78] : memref<2560x128xi32, #tpu.memory_space<hbm>> -> memref<20x128xi32, #tpu.memory_space<hbm>>
        tpu.wait_dma2 semaphore(%run_scoped3A : memref<!tpu.dma_semaphore, #tpu.memory_space<semaphore_mem>>) src(%dma_wait3A_79 : memref<20x128xi32, #tpu.memory_space<hbm>>) dst(%dma_wait3A_76 : memref<20x128xi32, #tpu.memory_space<vmem>>)
        tpu.yield
      }) : () -> ()
    } else {
    }
    %scan3A_17 = arith.constant 0 : i32
    %scan3A_18 = arith.constant 0 : i32
    %scan3A_19 = arith.constant 640 : i32
    %scan3A_20 = arith.addi %scan3A_18, %scan3A_19 : i32
    %scan3A_21 = arith.constant 1 : i32
    scf.for %scan3A_58 = %scan3A_18 to %scan3A_20 step %scan3A_21  : i32 {
      %broadcast_in_dim3A = arith.constant 0.000000e+00 : f32
      %broadcast_in_dim3A_59 = vector.broadcast %broadcast_in_dim3A : f32 to vector<16xf32>
      %swap3A = arith.index_cast %scan3A_58 : i32 to index
      %swap3A_60 = arith.constant 0 : index
      %swap3A_61 = tpu.vector_load %arg6[%swap3A, %swap3A_60] {strides = array<i32>} : memref<640x16xf32, #tpu.memory_space<vmem>>, vector<1x16xf32>,
      %swap3A_62 = vector.shape_cast %swap3A_61 : vector<1x16xf32> to vector<16xf32>
      %swap3A_63 = vector.shape_cast %broadcast_in_dim3A_59 : vector<16xf32> to vector<1x16xf32>
      tpu.vector_store %arg6[%swap3A, %swap3A_60], %swap3A_63 {strides = array<i32>} : memref<640x16xf32, #tpu.memory_space<vmem>>, vector<1x16xf32>,
    }
    %scan3A_22 = arith.constant 640 : i32
    %mul3A_23 = arith.constant 640 : i32
    %mul3A_24 = arith.muli %arg1, %mul3A_23 : i32
    "tpu.region"() ({
      %run_scoped3A = tpu.sem_alloc : memref<!tpu.dma_semaphore, #tpu.memory_space<semaphore_mem>>
      %dma_start3A = arith.constant 0 : i32
      %dma_start3A_58 = tpu.memref_slice %arg7[%mul3A_24, %dma_start3A] : memref<10240x16xf32, #tpu.memory_space<vmem_shared>> -> memref<640x16xf32, #tpu.memory_space<vmem_shared>>
      %dma_start3A_59 = arith.constant 0 : i32
      %dma_start3A_60 = tpu.memref_slice %arg7[%mul3A_24, %dma_start3A_59] : memref<10240x16xf32, #tpu.memory_space<vmem_shared>> -> memref<640x16xf32, #tpu.memory_space<vmem_shared>>
      tpu.enqueue_dma source(%arg6 : memref<640x16xf32, #tpu.memory_space<vmem>>) target(%dma_start3A_60 : memref<640x16xf32, #tpu.memory_space<vmem_shared>>) target_semaphore(%run_scoped3A : memref<!tpu.dma_semaphore, #tpu.memory_space<semaphore_mem>>)
      %dma_wait3A = arith.constant 0 : i32
      %dma_wait3A_61 = tpu.memref_slice %arg7[%mul3A_24, %dma_wait3A] : memref<10240x16xf32, #tpu.memory_space<vmem_shared>> -> memref<640x16xf32, #tpu.memory_space<vmem_shared>>
      %dma_wait3A_62 = arith.constant 0 : i32
      %dma_wait3A_63 = tpu.memref_slice %arg7[%mul3A_24, %dma_wait3A_62] : memref<10240x16xf32, #tpu.memory_space<vmem_shared>> -> memref<640x16xf32, #tpu.memory_space<vmem_shared>>
      tpu.wait_dma2 semaphore(%run_scoped3A : memref<!tpu.dma_semaphore, #tpu.memory_space<semaphore_mem>>) src(%arg6 : memref<640x16xf32, #tpu.memory_space<vmem>>) dst(%dma_wait3A_63 : memref<640x16xf32, #tpu.memory_space<vmem_shared>>)
      tpu.yield
    }) : () -> ()
    %barrier3A = arith.constant 0 : index
    tpu.barrier barrier_id(%barrier3A)
    %while3A = arith.constant 0 : i32
    %while3A_25 = arith.constant 0 : i32
    %while3A_26 = arith.subi %select_n3A, %while3A_25 : i32
    %while3A_27 = arith.addi %while3A_25, %while3A_26 : i32
    %while3A_28 = arith.constant 1 : i32
    %while3A_29 = arith.divsi %while3A_26, %while3A_28 : i32
    %while3A_30 = arith.muli %while3A_29, %while3A_28 : i32
    %while3A_31 = arith.addi %while3A_25, %while3A_30 : i32
    %while3A_32 = arith.constant 1 : i32
    scf.for %while3A_58 = %while3A_25 to %while3A_31 step %while3A_32  : i32 {
      %rem3A = arith.constant 4 : i32
      %rem3A_59 = arith.remsi %while3A_58, %rem3A : i32
      %ge3A_60 = arith.constant 4 : i32
      %ge3A_61 = arith.cmpi sge, %while3A_58, %ge3A_60 : i32
      %convert_element_type3A_62 = arith.extui %ge3A_61 : i1 to i32
      %cond3A_63 = arith.constant 0 : i32
      %cond3A_64 = arith.cmpi ne, %convert_element_type3A_62, %cond3A_63 : i32
      scf.if %cond3A_64 {
        %eq3A_85 = arith.constant 0 : i32
        %eq3A_86 = arith.cmpi eq, %rem3A_59, %eq3A_85 : i32
        %convert_element_type3A_87 = arith.extui %eq3A_86 : i1 to i32
        %cond3A_88 = arith.constant 0 : i32
        %cond3A_89 = arith.cmpi ne, %convert_element_type3A_87, %cond3A_88 : i32
        scf.if %cond3A_89 {
          %dma_wait3A = arith.constant 0 : i32
          %dma_wait3A_105 = arith.constant 0 : i32
          %dma_wait3A_106 = tpu.memref_slice %arg4[%dma_wait3A, %dma_wait3A_105] : memref<80x128xi32, #tpu.memory_space<vmem>> -> memref<1x128xi32, #tpu.memory_space<vmem>>
          %dma_wait3A_107 = tpu.memref_squeeze %dma_wait3A_106 : memref<1x128xi32, #tpu.memory_space<vmem>> -> memref<128xi32, #tpu.memory_space<vmem>>
          %dma_wait3A_108 = arith.constant 0 : i32
          %dma_wait3A_109 = arith.constant 0 : i32
          %dma_wait3A_110 = tpu.memref_slice %arg7[%dma_wait3A_108, %dma_wait3A_109] : memref<10240x16xf32, #tpu.memory_space<vmem_shared>> -> memref<10240x16xf32, #tpu.memory_space<vmem_shared>>
          tpu.wait_indirect_dma semaphore(%arg8 : memref<!tpu.dma_semaphore, #tpu.memory_space<semaphore_mem>>) src(%arg5 : memref<128x16xf32, #tpu.memory_space<vmem>>) dst(%dma_wait3A_110 : memref<10240x16xf32, #tpu.memory_space<vmem_shared>>)
        } else {
        }
        %eq3A_90 = arith.constant 1 : i32
        %eq3A_91 = arith.cmpi eq, %rem3A_59, %eq3A_90 : i32
        %convert_element_type3A_92 = arith.extui %eq3A_91 : i1 to i32
        %cond3A_93 = arith.constant 0 : i32
        %cond3A_94 = arith.cmpi ne, %convert_element_type3A_92, %cond3A_93 : i32
        scf.if %cond3A_94 {
          %dma_wait3A = arith.constant 0 : i32
          %dma_wait3A_105 = arith.constant 0 : i32
          %dma_wait3A_106 = tpu.memref_slice %arg4[%dma_wait3A, %dma_wait3A_105] : memref<80x128xi32, #tpu.memory_space<vmem>> -> memref<1x128xi32, #tpu.memory_space<vmem>>
          %dma_wait3A_107 = tpu.memref_squeeze %dma_wait3A_106 : memref<1x128xi32, #tpu.memory_space<vmem>> -> memref<128xi32, #tpu.memory_space<vmem>>
          %dma_wait3A_108 = arith.constant 0 : i32
          %dma_wait3A_109 = arith.constant 0 : i32
          %dma_wait3A_110 = tpu.memref_slice %arg7[%dma_wait3A_108, %dma_wait3A_109] : memref<10240x16xf32, #tpu.memory_space<vmem_shared>> -> memref<10240x16xf32, #tpu.memory_space<vmem_shared>>
          tpu.wait_indirect_dma semaphore(%arg9 : memref<!tpu.dma_semaphore, #tpu.memory_space<semaphore_mem>>) src(%arg5 : memref<128x16xf32, #tpu.memory_space<vmem>>) dst(%dma_wait3A_110 : memref<10240x16xf32, #tpu.memory_space<vmem_shared>>)
        } else {
        }
        %eq3A_95 = arith.constant 2 : i32
        %eq3A_96 = arith.cmpi eq, %rem3A_59, %eq3A_95 : i32
        %convert_element_type3A_97 = arith.extui %eq3A_96 : i1 to i32
        %cond3A_98 = arith.constant 0 : i32
        %cond3A_99 = arith.cmpi ne, %convert_element_type3A_97, %cond3A_98 : i32
        scf.if %cond3A_99 {
          %dma_wait3A = arith.constant 0 : i32
          %dma_wait3A_105 = arith.constant 0 : i32
          %dma_wait3A_106 = tpu.memref_slice %arg4[%dma_wait3A, %dma_wait3A_105] : memref<80x128xi32, #tpu.memory_space<vmem>> -> memref<1x128xi32, #tpu.memory_space<vmem>>
          %dma_wait3A_107 = tpu.memref_squeeze %dma_wait3A_106 : memref<1x128xi32, #tpu.memory_space<vmem>> -> memref<128xi32, #tpu.memory_space<vmem>>
          %dma_wait3A_108 = arith.constant 0 : i32
          %dma_wait3A_109 = arith.constant 0 : i32
          %dma_wait3A_110 = tpu.memref_slice %arg7[%dma_wait3A_108, %dma_wait3A_109] : memref<10240x16xf32, #tpu.memory_space<vmem_shared>> -> memref<10240x16xf32, #tpu.memory_space<vmem_shared>>
          tpu.wait_indirect_dma semaphore(%arg10 : memref<!tpu.dma_semaphore, #tpu.memory_space<semaphore_mem>>) src(%arg5 : memref<128x16xf32, #tpu.memory_space<vmem>>) dst(%dma_wait3A_110 : memref<10240x16xf32, #tpu.memory_space<vmem_shared>>)
        } else {
        }
        %eq3A_100 = arith.constant 3 : i32
        %eq3A_101 = arith.cmpi eq, %rem3A_59, %eq3A_100 : i32
        %convert_element_type3A_102 = arith.extui %eq3A_101 : i1 to i32
        %cond3A_103 = arith.constant 0 : i32
        %cond3A_104 = arith.cmpi ne, %convert_element_type3A_102, %cond3A_103 : i32
        scf.if %cond3A_104 {
          %dma_wait3A = arith.constant 0 : i32
          %dma_wait3A_105 = arith.constant 0 : i32
          %dma_wait3A_106 = tpu.memref_slice %arg4[%dma_wait3A, %dma_wait3A_105] : memref<80x128xi32, #tpu.memory_space<vmem>> -> memref<1x128xi32, #tpu.memory_space<vmem>>
          %dma_wait3A_107 = tpu.memref_squeeze %dma_wait3A_106 : memref<1x128xi32, #tpu.memory_space<vmem>> -> memref<128xi32, #tpu.memory_space<vmem>>
          %dma_wait3A_108 = arith.constant 0 : i32
          %dma_wait3A_109 = arith.constant 0 : i32
          %dma_wait3A_110 = tpu.memref_slice %arg7[%dma_wait3A_108, %dma_wait3A_109] : memref<10240x16xf32, #tpu.memory_space<vmem_shared>> -> memref<10240x16xf32, #tpu.memory_space<vmem_shared>>
          tpu.wait_indirect_dma semaphore(%arg11 : memref<!tpu.dma_semaphore, #tpu.memory_space<semaphore_mem>>) src(%arg5 : memref<128x16xf32, #tpu.memory_space<vmem>>) dst(%dma_wait3A_110 : memref<10240x16xf32, #tpu.memory_space<vmem_shared>>)
        } else {
        }
      } else {
      }
      %eq3A_65 = arith.constant 0 : i32
      %eq3A_66 = arith.cmpi eq, %rem3A_59, %eq3A_65 : i32
      %convert_element_type3A_67 = arith.extui %eq3A_66 : i1 to i32
      %cond3A_68 = arith.constant 0 : i32
      %cond3A_69 = arith.cmpi ne, %convert_element_type3A_67, %cond3A_68 : i32
      scf.if %cond3A_69 {
        %dma_start3A = arith.constant 0 : i32
        %dma_start3A_85 = tpu.memref_slice %arg4[%while3A_58, %dma_start3A] : memref<80x128xi32, #tpu.memory_space<vmem>> -> memref<1x128xi32, #tpu.memory_space<vmem>>
        %dma_start3A_86 = tpu.memref_squeeze %dma_start3A_85 : memref<1x128xi32, #tpu.memory_space<vmem>> -> memref<128xi32, #tpu.memory_space<vmem>>
        %dma_start3A_87 = arith.constant 0 : i32
        %dma_start3A_88 = arith.constant 0 : i32
        %dma_start3A_89 = tpu.memref_slice %arg7[%dma_start3A_87, %dma_start3A_88] : memref<10240x16xf32, #tpu.memory_space<vmem_shared>> -> memref<10240x16xf32, #tpu.memory_space<vmem_shared>>
        tpu.enqueue_indirect_dma source(%arg5 : memref<128x16xf32, #tpu.memory_space<vmem>>) target(%dma_start3A_89 : memref<10240x16xf32, #tpu.memory_space<vmem_shared>>) offsets(%dma_start3A_86 : memref<128xi32, #tpu.memory_space<vmem>>) semaphore(%arg8 : memref<!tpu.dma_semaphore, #tpu.memory_space<semaphore_mem>>) {add = true}
      } else {
      }
      %eq3A_70 = arith.constant 1 : i32
      %eq3A_71 = arith.cmpi eq, %rem3A_59, %eq3A_70 : i32
      %convert_element_type3A_72 = arith.extui %eq3A_71 : i1 to i32
      %cond3A_73 = arith.constant 0 : i32
      %cond3A_74 = arith.cmpi ne, %convert_element_type3A_72, %cond3A_73 : i32
      scf.if %cond3A_74 {
        %dma_start3A = arith.constant 0 : i32
        %dma_start3A_85 = tpu.memref_slice %arg4[%while3A_58, %dma_start3A] : memref<80x128xi32, #tpu.memory_space<vmem>> -> memref<1x128xi32, #tpu.memory_space<vmem>>
        %dma_start3A_86 = tpu.memref_squeeze %dma_start3A_85 : memref<1x128xi32, #tpu.memory_space<vmem>> -> memref<128xi32, #tpu.memory_space<vmem>>
        %dma_start3A_87 = arith.constant 0 : i32
        %dma_start3A_88 = arith.constant 0 : i32
        %dma_start3A_89 = tpu.memref_slice %arg7[%dma_start3A_87, %dma_start3A_88] : memref<10240x16xf32, #tpu.memory_space<vmem_shared>> -> memref<10240x16xf32, #tpu.memory_space<vmem_shared>>
        tpu.enqueue_indirect_dma source(%arg5 : memref<128x16xf32, #tpu.memory_space<vmem>>) target(%dma_start3A_89 : memref<10240x16xf32, #tpu.memory_space<vmem_shared>>) offsets(%dma_start3A_86 : memref<128xi32, #tpu.memory_space<vmem>>) semaphore(%arg9 : memref<!tpu.dma_semaphore, #tpu.memory_space<semaphore_mem>>) {add = true}
      } else {
      }
      %eq3A_75 = arith.constant 2 : i32
      %eq3A_76 = arith.cmpi eq, %rem3A_59, %eq3A_75 : i32
      %convert_element_type3A_77 = arith.extui %eq3A_76 : i1 to i32
      %cond3A_78 = arith.constant 0 : i32
      %cond3A_79 = arith.cmpi ne, %convert_element_type3A_77, %cond3A_78 : i32
      scf.if %cond3A_79 {
        %dma_start3A = arith.constant 0 : i32
        %dma_start3A_85 = tpu.memref_slice %arg4[%while3A_58, %dma_start3A] : memref<80x128xi32, #tpu.memory_space<vmem>> -> memref<1x128xi32, #tpu.memory_space<vmem>>
        %dma_start3A_86 = tpu.memref_squeeze %dma_start3A_85 : memref<1x128xi32, #tpu.memory_space<vmem>> -> memref<128xi32, #tpu.memory_space<vmem>>
        %dma_start3A_87 = arith.constant 0 : i32
        %dma_start3A_88 = arith.constant 0 : i32
        %dma_start3A_89 = tpu.memref_slice %arg7[%dma_start3A_87, %dma_start3A_88] : memref<10240x16xf32, #tpu.memory_space<vmem_shared>> -> memref<10240x16xf32, #tpu.memory_space<vmem_shared>>
        tpu.enqueue_indirect_dma source(%arg5 : memref<128x16xf32, #tpu.memory_space<vmem>>) target(%dma_start3A_89 : memref<10240x16xf32, #tpu.memory_space<vmem_shared>>) offsets(%dma_start3A_86 : memref<128xi32, #tpu.memory_space<vmem>>) semaphore(%arg10 : memref<!tpu.dma_semaphore, #tpu.memory_space<semaphore_mem>>) {add = true}
      } else {
      }
      %eq3A_80 = arith.constant 3 : i32
      %eq3A_81 = arith.cmpi eq, %rem3A_59, %eq3A_80 : i32
      %convert_element_type3A_82 = arith.extui %eq3A_81 : i1 to i32
      %cond3A_83 = arith.constant 0 : i32
      %cond3A_84 = arith.cmpi ne, %convert_element_type3A_82, %cond3A_83 : i32
      scf.if %cond3A_84 {
        %dma_start3A = arith.constant 0 : i32
        %dma_start3A_85 = tpu.memref_slice %arg4[%while3A_58, %dma_start3A] : memref<80x128xi32, #tpu.memory_space<vmem>> -> memref<1x128xi32, #tpu.memory_space<vmem>>
        %dma_start3A_86 = tpu.memref_squeeze %dma_start3A_85 : memref<1x128xi32, #tpu.memory_space<vmem>> -> memref<128xi32, #tpu.memory_space<vmem>>
        %dma_start3A_87 = arith.constant 0 : i32
        %dma_start3A_88 = arith.constant 0 : i32
        %dma_start3A_89 = tpu.memref_slice %arg7[%dma_start3A_87, %dma_start3A_88] : memref<10240x16xf32, #tpu.memory_space<vmem_shared>> -> memref<10240x16xf32, #tpu.memory_space<vmem_shared>>
        tpu.enqueue_indirect_dma source(%arg5 : memref<128x16xf32, #tpu.memory_space<vmem>>) target(%dma_start3A_89 : memref<10240x16xf32, #tpu.memory_space<vmem_shared>>) offsets(%dma_start3A_86 : memref<128xi32, #tpu.memory_space<vmem>>) semaphore(%arg11 : memref<!tpu.dma_semaphore, #tpu.memory_space<semaphore_mem>>) {add = true}
      } else {
      }
    }
    %while3A_33 = arith.constant 1 : i32
    scf.for %while3A_58 = %while3A_31 to %while3A_27 step %while3A_33  : i32 {
      %rem3A = arith.constant 4 : i32
      %rem3A_59 = arith.remsi %while3A_58, %rem3A : i32
      %ge3A_60 = arith.constant 4 : i32
      %ge3A_61 = arith.cmpi sge, %while3A_58, %ge3A_60 : i32
      %convert_element_type3A_62 = arith.extui %ge3A_61 : i1 to i32
      %cond3A_63 = arith.constant 0 : i32
      %cond3A_64 = arith.cmpi ne, %convert_element_type3A_62, %cond3A_63 : i32
      scf.if %cond3A_64 {
        %eq3A_85 = arith.constant 0 : i32
        %eq3A_86 = arith.cmpi eq, %rem3A_59, %eq3A_85 : i32
        %convert_element_type3A_87 = arith.extui %eq3A_86 : i1 to i32
        %cond3A_88 = arith.constant 0 : i32
        %cond3A_89 = arith.cmpi ne, %convert_element_type3A_87, %cond3A_88 : i32
        scf.if %cond3A_89 {
          %dma_wait3A = arith.constant 0 : i32
          %dma_wait3A_105 = arith.constant 0 : i32
          %dma_wait3A_106 = tpu.memref_slice %arg4[%dma_wait3A, %dma_wait3A_105] : memref<80x128xi32, #tpu.memory_space<vmem>> -> memref<1x128xi32, #tpu.memory_space<vmem>>
          %dma_wait3A_107 = tpu.memref_squeeze %dma_wait3A_106 : memref<1x128xi32, #tpu.memory_space<vmem>> -> memref<128xi32, #tpu.memory_space<vmem>>
          %dma_wait3A_108 = arith.constant 0 : i32
          %dma_wait3A_109 = arith.constant 0 : i32
          %dma_wait3A_110 = tpu.memref_slice %arg7[%dma_wait3A_108, %dma_wait3A_109] : memref<10240x16xf32, #tpu.memory_space<vmem_shared>> -> memref<10240x16xf32, #tpu.memory_space<vmem_shared>>
          tpu.wait_indirect_dma semaphore(%arg8 : memref<!tpu.dma_semaphore, #tpu.memory_space<semaphore_mem>>) src(%arg5 : memref<128x16xf32, #tpu.memory_space<vmem>>) dst(%dma_wait3A_110 : memref<10240x16xf32, #tpu.memory_space<vmem_shared>>)
        } else {
        }
        %eq3A_90 = arith.constant 1 : i32
        %eq3A_91 = arith.cmpi eq, %rem3A_59, %eq3A_90 : i32
        %convert_element_type3A_92 = arith.extui %eq3A_91 : i1 to i32
        %cond3A_93 = arith.constant 0 : i32
        %cond3A_94 = arith.cmpi ne, %convert_element_type3A_92, %cond3A_93 : i32
        scf.if %cond3A_94 {
          %dma_wait3A = arith.constant 0 : i32
          %dma_wait3A_105 = arith.constant 0 : i32
          %dma_wait3A_106 = tpu.memref_slice %arg4[%dma_wait3A, %dma_wait3A_105] : memref<80x128xi32, #tpu.memory_space<vmem>> -> memref<1x128xi32, #tpu.memory_space<vmem>>
          %dma_wait3A_107 = tpu.memref_squeeze %dma_wait3A_106 : memref<1x128xi32, #tpu.memory_space<vmem>> -> memref<128xi32, #tpu.memory_space<vmem>>
          %dma_wait3A_108 = arith.constant 0 : i32
          %dma_wait3A_109 = arith.constant 0 : i32
          %dma_wait3A_110 = tpu.memref_slice %arg7[%dma_wait3A_108, %dma_wait3A_109] : memref<10240x16xf32, #tpu.memory_space<vmem_shared>> -> memref<10240x16xf32, #tpu.memory_space<vmem_shared>>
          tpu.wait_indirect_dma semaphore(%arg9 : memref<!tpu.dma_semaphore, #tpu.memory_space<semaphore_mem>>) src(%arg5 : memref<128x16xf32, #tpu.memory_space<vmem>>) dst(%dma_wait3A_110 : memref<10240x16xf32, #tpu.memory_space<vmem_shared>>)
        } else {
        }
        %eq3A_95 = arith.constant 2 : i32
        %eq3A_96 = arith.cmpi eq, %rem3A_59, %eq3A_95 : i32
        %convert_element_type3A_97 = arith.extui %eq3A_96 : i1 to i32
        %cond3A_98 = arith.constant 0 : i32
        %cond3A_99 = arith.cmpi ne, %convert_element_type3A_97, %cond3A_98 : i32
        scf.if %cond3A_99 {
          %dma_wait3A = arith.constant 0 : i32
          %dma_wait3A_105 = arith.constant 0 : i32
          %dma_wait3A_106 = tpu.memref_slice %arg4[%dma_wait3A, %dma_wait3A_105] : memref<80x128xi32, #tpu.memory_space<vmem>> -> memref<1x128xi32, #tpu.memory_space<vmem>>
          %dma_wait3A_107 = tpu.memref_squeeze %dma_wait3A_106 : memref<1x128xi32, #tpu.memory_space<vmem>> -> memref<128xi32, #tpu.memory_space<vmem>>
          %dma_wait3A_108 = arith.constant 0 : i32
          %dma_wait3A_109 = arith.constant 0 : i32
          %dma_wait3A_110 = tpu.memref_slice %arg7[%dma_wait3A_108, %dma_wait3A_109] : memref<10240x16xf32, #tpu.memory_space<vmem_shared>> -> memref<10240x16xf32, #tpu.memory_space<vmem_shared>>
          tpu.wait_indirect_dma semaphore(%arg10 : memref<!tpu.dma_semaphore, #tpu.memory_space<semaphore_mem>>) src(%arg5 : memref<128x16xf32, #tpu.memory_space<vmem>>) dst(%dma_wait3A_110 : memref<10240x16xf32, #tpu.memory_space<vmem_shared>>)
        } else {
        }
        %eq3A_100 = arith.constant 3 : i32
        %eq3A_101 = arith.cmpi eq, %rem3A_59, %eq3A_100 : i32
        %convert_element_type3A_102 = arith.extui %eq3A_101 : i1 to i32
        %cond3A_103 = arith.constant 0 : i32
        %cond3A_104 = arith.cmpi ne, %convert_element_type3A_102, %cond3A_103 : i32
        scf.if %cond3A_104 {
          %dma_wait3A = arith.constant 0 : i32
          %dma_wait3A_105 = arith.constant 0 : i32
          %dma_wait3A_106 = tpu.memref_slice %arg4[%dma_wait3A, %dma_wait3A_105] : memref<80x128xi32, #tpu.memory_space<vmem>> -> memref<1x128xi32, #tpu.memory_space<vmem>>
          %dma_wait3A_107 = tpu.memref_squeeze %dma_wait3A_106 : memref<1x128xi32, #tpu.memory_space<vmem>> -> memref<128xi32, #tpu.memory_space<vmem>>
          %dma_wait3A_108 = arith.constant 0 : i32
          %dma_wait3A_109 = arith.constant 0 : i32
          %dma_wait3A_110 = tpu.memref_slice %arg7[%dma_wait3A_108, %dma_wait3A_109] : memref<10240x16xf32, #tpu.memory_space<vmem_shared>> -> memref<10240x16xf32, #tpu.memory_space<vmem_shared>>
          tpu.wait_indirect_dma semaphore(%arg11 : memref<!tpu.dma_semaphore, #tpu.memory_space<semaphore_mem>>) src(%arg5 : memref<128x16xf32, #tpu.memory_space<vmem>>) dst(%dma_wait3A_110 : memref<10240x16xf32, #tpu.memory_space<vmem_shared>>)
        } else {
        }
      } else {
      }
      %eq3A_65 = arith.constant 0 : i32
      %eq3A_66 = arith.cmpi eq, %rem3A_59, %eq3A_65 : i32
      %convert_element_type3A_67 = arith.extui %eq3A_66 : i1 to i32
      %cond3A_68 = arith.constant 0 : i32
      %cond3A_69 = arith.cmpi ne, %convert_element_type3A_67, %cond3A_68 : i32
      scf.if %cond3A_69 {
        %dma_start3A = arith.constant 0 : i32
        %dma_start3A_85 = tpu.memref_slice %arg4[%while3A_58, %dma_start3A] : memref<80x128xi32, #tpu.memory_space<vmem>> -> memref<1x128xi32, #tpu.memory_space<vmem>>
        %dma_start3A_86 = tpu.memref_squeeze %dma_start3A_85 : memref<1x128xi32, #tpu.memory_space<vmem>> -> memref<128xi32, #tpu.memory_space<vmem>>
        %dma_start3A_87 = arith.constant 0 : i32
        %dma_start3A_88 = arith.constant 0 : i32
        %dma_start3A_89 = tpu.memref_slice %arg7[%dma_start3A_87, %dma_start3A_88] : memref<10240x16xf32, #tpu.memory_space<vmem_shared>> -> memref<10240x16xf32, #tpu.memory_space<vmem_shared>>
        tpu.enqueue_indirect_dma source(%arg5 : memref<128x16xf32, #tpu.memory_space<vmem>>) target(%dma_start3A_89 : memref<10240x16xf32, #tpu.memory_space<vmem_shared>>) offsets(%dma_start3A_86 : memref<128xi32, #tpu.memory_space<vmem>>) semaphore(%arg8 : memref<!tpu.dma_semaphore, #tpu.memory_space<semaphore_mem>>) {add = true}
      } else {
      }
      %eq3A_70 = arith.constant 1 : i32
      %eq3A_71 = arith.cmpi eq, %rem3A_59, %eq3A_70 : i32
      %convert_element_type3A_72 = arith.extui %eq3A_71 : i1 to i32
      %cond3A_73 = arith.constant 0 : i32
      %cond3A_74 = arith.cmpi ne, %convert_element_type3A_72, %cond3A_73 : i32
      scf.if %cond3A_74 {
        %dma_start3A = arith.constant 0 : i32
        %dma_start3A_85 = tpu.memref_slice %arg4[%while3A_58, %dma_start3A] : memref<80x128xi32, #tpu.memory_space<vmem>> -> memref<1x128xi32, #tpu.memory_space<vmem>>
        %dma_start3A_86 = tpu.memref_squeeze %dma_start3A_85 : memref<1x128xi32, #tpu.memory_space<vmem>> -> memref<128xi32, #tpu.memory_space<vmem>>
        %dma_start3A_87 = arith.constant 0 : i32
        %dma_start3A_88 = arith.constant 0 : i32
        %dma_start3A_89 = tpu.memref_slice %arg7[%dma_start3A_87, %dma_start3A_88] : memref<10240x16xf32, #tpu.memory_space<vmem_shared>> -> memref<10240x16xf32, #tpu.memory_space<vmem_shared>>
        tpu.enqueue_indirect_dma source(%arg5 : memref<128x16xf32, #tpu.memory_space<vmem>>) target(%dma_start3A_89 : memref<10240x16xf32, #tpu.memory_space<vmem_shared>>) offsets(%dma_start3A_86 : memref<128xi32, #tpu.memory_space<vmem>>) semaphore(%arg9 : memref<!tpu.dma_semaphore, #tpu.memory_space<semaphore_mem>>) {add = true}
      } else {
      }
      %eq3A_75 = arith.constant 2 : i32
      %eq3A_76 = arith.cmpi eq, %rem3A_59, %eq3A_75 : i32
      %convert_element_type3A_77 = arith.extui %eq3A_76 : i1 to i32
      %cond3A_78 = arith.constant 0 : i32
      %cond3A_79 = arith.cmpi ne, %convert_element_type3A_77, %cond3A_78 : i32
      scf.if %cond3A_79 {
        %dma_start3A = arith.constant 0 : i32
        %dma_start3A_85 = tpu.memref_slice %arg4[%while3A_58, %dma_start3A] : memref<80x128xi32, #tpu.memory_space<vmem>> -> memref<1x128xi32, #tpu.memory_space<vmem>>
        %dma_start3A_86 = tpu.memref_squeeze %dma_start3A_85 : memref<1x128xi32, #tpu.memory_space<vmem>> -> memref<128xi32, #tpu.memory_space<vmem>>
        %dma_start3A_87 = arith.constant 0 : i32
        %dma_start3A_88 = arith.constant 0 : i32
        %dma_start3A_89 = tpu.memref_slice %arg7[%dma_start3A_87, %dma_start3A_88] : memref<10240x16xf32, #tpu.memory_space<vmem_shared>> -> memref<10240x16xf32, #tpu.memory_space<vmem_shared>>
        tpu.enqueue_indirect_dma source(%arg5 : memref<128x16xf32, #tpu.memory_space<vmem>>) target(%dma_start3A_89 : memref<10240x16xf32, #tpu.memory_space<vmem_shared>>) offsets(%dma_start3A_86 : memref<128xi32, #tpu.memory_space<vmem>>) semaphore(%arg10 : memref<!tpu.dma_semaphore, #tpu.memory_space<semaphore_mem>>) {add = true}
      } else {
      }
      %eq3A_80 = arith.constant 3 : i32
      %eq3A_81 = arith.cmpi eq, %rem3A_59, %eq3A_80 : i32
      %convert_element_type3A_82 = arith.extui %eq3A_81 : i1 to i32
      %cond3A_83 = arith.constant 0 : i32
      %cond3A_84 = arith.cmpi ne, %convert_element_type3A_82, %cond3A_83 : i32
      scf.if %cond3A_84 {
        %dma_start3A = arith.constant 0 : i32
        %dma_start3A_85 = tpu.memref_slice %arg4[%while3A_58, %dma_start3A] : memref<80x128xi32, #tpu.memory_space<vmem>> -> memref<1x128xi32, #tpu.memory_space<vmem>>
        %dma_start3A_86 = tpu.memref_squeeze %dma_start3A_85 : memref<1x128xi32, #tpu.memory_space<vmem>> -> memref<128xi32, #tpu.memory_space<vmem>>
        %dma_start3A_87 = arith.constant 0 : i32
        %dma_start3A_88 = arith.constant 0 : i32
        %dma_start3A_89 = tpu.memref_slice %arg7[%dma_start3A_87, %dma_start3A_88] : memref<10240x16xf32, #tpu.memory_space<vmem_shared>> -> memref<10240x16xf32, #tpu.memory_space<vmem_shared>>
        tpu.enqueue_indirect_dma source(%arg5 : memref<128x16xf32, #tpu.memory_space<vmem>>) target(%dma_start3A_89 : memref<10240x16xf32, #tpu.memory_space<vmem_shared>>) offsets(%dma_start3A_86 : memref<128xi32, #tpu.memory_space<vmem>>) semaphore(%arg11 : memref<!tpu.dma_semaphore, #tpu.memory_space<semaphore_mem>>) {add = true}
      } else {
      }
    }
    %ge3A = arith.constant 1 : i32
    %ge3A_34 = arith.cmpi sge, %select_n3A, %ge3A : i32
    %convert_element_type3A_35 = arith.extui %ge3A_34 : i1 to i32
    %cond3A_36 = arith.constant 0 : i32
    %cond3A_37 = arith.cmpi ne, %convert_element_type3A_35, %cond3A_36 : i32
    scf.if %cond3A_37 {
      %dma_wait3A = arith.constant 0 : i32
      %dma_wait3A_58 = arith.constant 0 : i32
      %dma_wait3A_59 = tpu.memref_slice %arg4[%dma_wait3A, %dma_wait3A_58] : memref<80x128xi32, #tpu.memory_space<vmem>> -> memref<1x128xi32, #tpu.memory_space<vmem>>
      %dma_wait3A_60 = tpu.memref_squeeze %dma_wait3A_59 : memref<1x128xi32, #tpu.memory_space<vmem>> -> memref<128xi32, #tpu.memory_space<vmem>>
      %dma_wait3A_61 = arith.constant 0 : i32
      %dma_wait3A_62 = arith.constant 0 : i32
      %dma_wait3A_63 = tpu.memref_slice %arg7[%dma_wait3A_61, %dma_wait3A_62] : memref<10240x16xf32, #tpu.memory_space<vmem_shared>> -> memref<10240x16xf32, #tpu.memory_space<vmem_shared>>
      tpu.wait_indirect_dma semaphore(%arg8 : memref<!tpu.dma_semaphore, #tpu.memory_space<semaphore_mem>>) src(%arg5 : memref<128x16xf32, #tpu.memory_space<vmem>>) dst(%dma_wait3A_63 : memref<10240x16xf32, #tpu.memory_space<vmem_shared>>)
    } else {
    }
    %ge3A_38 = arith.constant 2 : i32
    %ge3A_39 = arith.cmpi sge, %select_n3A, %ge3A_38 : i32
    %convert_element_type3A_40 = arith.extui %ge3A_39 : i1 to i32
    %cond3A_41 = arith.constant 0 : i32
    %cond3A_42 = arith.cmpi ne, %convert_element_type3A_40, %cond3A_41 : i32
    scf.if %cond3A_42 {
      %dma_wait3A = arith.constant 0 : i32
      %dma_wait3A_58 = arith.constant 0 : i32
      %dma_wait3A_59 = tpu.memref_slice %arg4[%dma_wait3A, %dma_wait3A_58] : memref<80x128xi32, #tpu.memory_space<vmem>> -> memref<1x128xi32, #tpu.memory_space<vmem>>
      %dma_wait3A_60 = tpu.memref_squeeze %dma_wait3A_59 : memref<1x128xi32, #tpu.memory_space<vmem>> -> memref<128xi32, #tpu.memory_space<vmem>>
      %dma_wait3A_61 = arith.constant 0 : i32
      %dma_wait3A_62 = arith.constant 0 : i32
      %dma_wait3A_63 = tpu.memref_slice %arg7[%dma_wait3A_61, %dma_wait3A_62] : memref<10240x16xf32, #tpu.memory_space<vmem_shared>> -> memref<10240x16xf32, #tpu.memory_space<vmem_shared>>
      tpu.wait_indirect_dma semaphore(%arg9 : memref<!tpu.dma_semaphore, #tpu.memory_space<semaphore_mem>>) src(%arg5 : memref<128x16xf32, #tpu.memory_space<vmem>>) dst(%dma_wait3A_63 : memref<10240x16xf32, #tpu.memory_space<vmem_shared>>)
    } else {
    }
    %ge3A_43 = arith.constant 3 : i32
    %ge3A_44 = arith.cmpi sge, %select_n3A, %ge3A_43 : i32
    %convert_element_type3A_45 = arith.extui %ge3A_44 : i1 to i32
    %cond3A_46 = arith.constant 0 : i32
    %cond3A_47 = arith.cmpi ne, %convert_element_type3A_45, %cond3A_46 : i32
    scf.if %cond3A_47 {
      %dma_wait3A = arith.constant 0 : i32
      %dma_wait3A_58 = arith.constant 0 : i32
      %dma_wait3A_59 = tpu.memref_slice %arg4[%dma_wait3A, %dma_wait3A_58] : memref<80x128xi32, #tpu.memory_space<vmem>> -> memref<1x128xi32, #tpu.memory_space<vmem>>
      %dma_wait3A_60 = tpu.memref_squeeze %dma_wait3A_59 : memref<1x128xi32, #tpu.memory_space<vmem>> -> memref<128xi32, #tpu.memory_space<vmem>>
      %dma_wait3A_61 = arith.constant 0 : i32
      %dma_wait3A_62 = arith.constant 0 : i32
      %dma_wait3A_63 = tpu.memref_slice %arg7[%dma_wait3A_61, %dma_wait3A_62] : memref<10240x16xf32, #tpu.memory_space<vmem_shared>> -> memref<10240x16xf32, #tpu.memory_space<vmem_shared>>
      tpu.wait_indirect_dma semaphore(%arg10 : memref<!tpu.dma_semaphore, #tpu.memory_space<semaphore_mem>>) src(%arg5 : memref<128x16xf32, #tpu.memory_space<vmem>>) dst(%dma_wait3A_63 : memref<10240x16xf32, #tpu.memory_space<vmem_shared>>)
    } else {
    }
    %ge3A_48 = arith.constant 4 : i32
    %ge3A_49 = arith.cmpi sge, %select_n3A, %ge3A_48 : i32
    %convert_element_type3A_50 = arith.extui %ge3A_49 : i1 to i32
    %cond3A_51 = arith.constant 0 : i32
    %cond3A_52 = arith.cmpi ne, %convert_element_type3A_50, %cond3A_51 : i32
    scf.if %cond3A_52 {
      %dma_wait3A = arith.constant 0 : i32
      %dma_wait3A_58 = arith.constant 0 : i32
      %dma_wait3A_59 = tpu.memref_slice %arg4[%dma_wait3A, %dma_wait3A_58] : memref<80x128xi32, #tpu.memory_space<vmem>> -> memref<1x128xi32, #tpu.memory_space<vmem>>
      %dma_wait3A_60 = tpu.memref_squeeze %dma_wait3A_59 : memref<1x128xi32, #tpu.memory_space<vmem>> -> memref<128xi32, #tpu.memory_space<vmem>>
      %dma_wait3A_61 = arith.constant 0 : i32
      %dma_wait3A_62 = arith.constant 0 : i32
      %dma_wait3A_63 = tpu.memref_slice %arg7[%dma_wait3A_61, %dma_wait3A_62] : memref<10240x16xf32, #tpu.memory_space<vmem_shared>> -> memref<10240x16xf32, #tpu.memory_space<vmem_shared>>
      tpu.wait_indirect_dma semaphore(%arg11 : memref<!tpu.dma_semaphore, #tpu.memory_space<semaphore_mem>>) src(%arg5 : memref<128x16xf32, #tpu.memory_space<vmem>>) dst(%dma_wait3A_63 : memref<10240x16xf32, #tpu.memory_space<vmem_shared>>)
    } else {
    }
    %barrier3A_53 = arith.constant 0 : index
    tpu.barrier barrier_id(%barrier3A_53)
    %mul3A_54 = arith.constant 640 : i32
    %mul3A_55 = arith.muli %arg1, %mul3A_54 : i32
    "tpu.region"() ({
      %run_scoped3A = tpu.sem_alloc : memref<!tpu.dma_semaphore, #tpu.memory_space<semaphore_mem>>
      %dma_start3A = arith.constant 0 : i32
      %dma_start3A_58 = tpu.memref_slice %arg7[%mul3A_55, %dma_start3A] : memref<10240x16xf32, #tpu.memory_space<vmem_shared>> -> memref<640x16xf32, #tpu.memory_space<vmem_shared>>
      %dma_start3A_59 = arith.constant 0 : i32
      %dma_start3A_60 = tpu.memref_slice %arg7[%mul3A_55, %dma_start3A_59] : memref<10240x16xf32, #tpu.memory_space<vmem_shared>> -> memref<640x16xf32, #tpu.memory_space<vmem_shared>>
      tpu.enqueue_dma source(%dma_start3A_60 : memref<640x16xf32, #tpu.memory_space<vmem_shared>>) target(%arg6 : memref<640x16xf32, #tpu.memory_space<vmem>>) target_semaphore(%run_scoped3A : memref<!tpu.dma_semaphore, #tpu.memory_space<semaphore_mem>>)
      %dma_wait3A = arith.constant 0 : i32
      %dma_wait3A_61 = tpu.memref_slice %arg7[%mul3A_55, %dma_wait3A] : memref<10240x16xf32, #tpu.memory_space<vmem_shared>> -> memref<640x16xf32, #tpu.memory_space<vmem_shared>>
      %dma_wait3A_62 = arith.constant 0 : i32
      %dma_wait3A_63 = tpu.memref_slice %arg7[%mul3A_55, %dma_wait3A_62] : memref<10240x16xf32, #tpu.memory_space<vmem_shared>> -> memref<640x16xf32, #tpu.memory_space<vmem_shared>>
      tpu.wait_dma2 semaphore(%run_scoped3A : memref<!tpu.dma_semaphore, #tpu.memory_space<semaphore_mem>>) src(%dma_wait3A_63 : memref<640x16xf32, #tpu.memory_space<vmem_shared>>) dst(%arg6 : memref<640x16xf32, #tpu.memory_space<vmem>>)
      tpu.yield
    }) : () -> ()
    %mul3A_56 = arith.constant 640 : i32
    %mul3A_57 = arith.muli %arg1, %mul3A_56 : i32
    "tpu.region"() ({
      %run_scoped3A = tpu.sem_alloc : memref<!tpu.dma_semaphore, #tpu.memory_space<semaphore_mem>>
      %dma_start3A = arith.constant 0 : i32
      %dma_start3A_58 = tpu.memref_slice %arg3[%arg0, %mul3A_57, %dma_start3A] : memref<2x10240x16xf32, #tpu.memory_space<hbm>> -> memref<1x640x16xf32, #tpu.memory_space<hbm>>
      %dma_start3A_59 = tpu.memref_squeeze %dma_start3A_58 : memref<1x640x16xf32, #tpu.memory_space<hbm>> -> memref<640x16xf32, #tpu.memory_space<hbm>>
      %dma_start3A_60 = arith.constant 0 : i32
      %dma_start3A_61 = tpu.memref_slice %arg3[%arg0, %mul3A_57, %dma_start3A_60] : memref<2x10240x16xf32, #tpu.memory_space<hbm>> -> memref<1x640x16xf32, #tpu.memory_space<hbm>>
      %dma_start3A_62 = tpu.memref_squeeze %dma_start3A_61 : memref<1x640x16xf32, #tpu.memory_space<hbm>> -> memref<640x16xf32, #tpu.memory_space<hbm>>
      tpu.enqueue_dma source(%arg6 : memref<640x16xf32, #tpu.memory_space<vmem>>) target(%dma_start3A_62 : memref<640x16xf32, #tpu.memory_space<hbm>>) target_semaphore(%run_scoped3A : memref<!tpu.dma_semaphore, #tpu.memory_space<semaphore_mem>>)
      %dma_wait3A = arith.constant 0 : i32
      %dma_wait3A_63 = tpu.memref_slice %arg3[%arg0, %mul3A_57, %dma_wait3A] : memref<2x10240x16xf32, #tpu.memory_space<hbm>> -> memref<1x640x16xf32, #tpu.memory_space<hbm>>
      %dma_wait3A_64 = tpu.memref_squeeze %dma_wait3A_63 : memref<1x640x16xf32, #tpu.memory_space<hbm>> -> memref<640x16xf32, #tpu.memory_space<hbm>>
      %dma_wait3A_65 = arith.constant 0 : i32
      %dma_wait3A_66 = tpu.memref_slice %arg3[%arg0, %mul3A_57, %dma_wait3A_65] : memref<2x10240x16xf32, #tpu.memory_space<hbm>> -> memref<1x640x16xf32, #tpu.memory_space<hbm>>
      %dma_wait3A_67 = tpu.memref_squeeze %dma_wait3A_66 : memref<1x640x16xf32, #tpu.memory_space<hbm>> -> memref<640x16xf32, #tpu.memory_space<hbm>>
      tpu.wait_dma2 semaphore(%run_scoped3A : memref<!tpu.dma_semaphore, #tpu.memory_space<semaphore_mem>>) src(%arg6 : memref<640x16xf32, #tpu.memory_space<vmem>>) dst(%dma_wait3A_67 : memref<640x16xf32, #tpu.memory_space<hbm>>)
      tpu.yield
    }) : () -> ()
    return
  }
}

#map = affine_map<(d0, d1) -> (0, 0)>
#map1 = affine_map<(d0, d1) -> (0, 0, 0)>
module attributes {stable_mosaic.version = 14 : i64} {
  func.func @k(%arg0: i32, %arg1: i32, %arg2: memref<10240x16xf32, #tpu.memory_space<hbm>>, %arg3: memref<2560x128xi32, #tpu.memory_space<hbm>>, %arg4: memref<2560x128xi32, #tpu.memory_space<hbm>>, %arg5: memref<2x10240x16xf32, #tpu.memory_space<hbm>>, %arg6: memref<80x128xi32, #tpu.memory_space<vmem>>, %arg7: memref<80x128xi32, #tpu.memory_space<vmem>>, %arg8: memref<128x16xf32, #tpu.memory_space<vmem>>, %arg9: memref<128x16xf32, #tpu.memory_space<vmem>>, %arg10: memref<128x16xf32, #tpu.memory_space<vmem>>, %arg11: memref<128x16xf32, #tpu.memory_space<vmem>>, %arg12: memref<128x16xf32, #tpu.memory_space<vmem>>, %arg13: memref<128x16xf32, #tpu.memory_space<vmem>>, %arg14: memref<640x16xf32, #tpu.memory_space<vmem>>, %arg15: memref<10240x16xf32, #tpu.memory_space<vmem_shared>>, %arg16: memref<10240x16xf32, #tpu.memory_space<vmem_shared>>, %arg17: memref<!tpu.dma_semaphore, #tpu.memory_space<semaphore_mem>>, %arg18: memref<!tpu.dma_semaphore, #tpu.memory_space<semaphore_mem>>, %arg19: memref<!tpu.dma_semaphore, #tpu.memory_space<semaphore_mem>>, %arg20: memref<!tpu.dma_semaphore, #tpu.memory_space<semaphore_mem>>, %arg21: memref<!tpu.dma_semaphore, #tpu.memory_space<semaphore_mem>>, %arg22: memref<!tpu.dma_semaphore, #tpu.memory_space<semaphore_mem>>, %arg23: memref<!tpu.dma_semaphore, #tpu.memory_space<semaphore_mem>>, %arg24: memref<!tpu.dma_semaphore, #tpu.memory_space<semaphore_mem>>, %arg25: memref<!tpu.dma_semaphore, #tpu.memory_space<semaphore_mem>>, %arg26: memref<!tpu.dma_semaphore, #tpu.memory_space<semaphore_mem>>, %arg27: memref<!tpu.dma_semaphore, #tpu.memory_space<semaphore_mem>>, %arg28: memref<!tpu.dma_semaphore, #tpu.memory_space<semaphore_mem>>) attributes {dimension_semantics = [#tpu.dimension_semantics<core_parallel>, #tpu.dimension_semantics<subcore_parallel>], iteration_bounds = array<i64: 2, 16>, scalar_prefetch = 0 : i64, scratch_operands = 23 : i64, tpu.core_type = #tpu.core_type<sc_vector_subcore>, window_params = [{transform_indices = #map}, {transform_indices = #map}, {transform_indices = #map}, {transform_indices = #map1}]} {
    %mul3A = arith.constant 2 : i32
    %mul3A_0 = arith.muli %arg1, %mul3A : i32
    %add3A = arith.addi %mul3A_0, %arg0 : i32
    %mul3A_1 = arith.constant 80 : i32
    %mul3A_2 = arith.muli %add3A, %mul3A_1 : i32
    %lt3A = arith.constant 31 : i32
    %lt3A_3 = arith.cmpi slt, %add3A, %lt3A : i32
    %jit3A = arith.constant 80 : i32
    %jit3A_4 = arith.constant 20 : i32
    %select_n3A = arith.select %lt3A_3, %jit3A, %jit3A_4 : i32
    %lt3A_5 = arith.constant 31 : i32
    %lt3A_6 = arith.cmpi slt, %add3A, %lt3A_5 : i32
    %convert_element_type3A = arith.extui %lt3A_6 : i1 to i32
    %cond3A = arith.constant 0 : i32
    %cond3A_7 = arith.cmpi ne, %convert_element_type3A, %cond3A : i32
    scf.if %cond3A_7 {
      "tpu.region"() ({
        %run_scoped3A = tpu.sem_alloc : memref<!tpu.dma_semaphore, #tpu.memory_space<semaphore_mem>>
        %dma_start3A = arith.constant 0 : i32
        %dma_start3A_91 = tpu.memref_slice %arg3[%mul3A_2, %dma_start3A] : memref<2560x128xi32, #tpu.memory_space<hbm>> -> memref<80x128xi32, #tpu.memory_space<hbm>>
        %dma_start3A_92 = arith.constant 0 : i32
        %dma_start3A_93 = tpu.memref_slice %arg3[%mul3A_2, %dma_start3A_92] : memref<2560x128xi32, #tpu.memory_space<hbm>> -> memref<80x128xi32, #tpu.memory_space<hbm>>
        tpu.enqueue_dma source(%dma_start3A_93 : memref<80x128xi32, #tpu.memory_space<hbm>>) target(%arg6 : memref<80x128xi32, #tpu.memory_space<vmem>>) target_semaphore(%run_scoped3A : memref<!tpu.dma_semaphore, #tpu.memory_space<semaphore_mem>>)
        %dma_wait3A = arith.constant 0 : i32
        %dma_wait3A_94 = tpu.memref_slice %arg3[%mul3A_2, %dma_wait3A] : memref<2560x128xi32, #tpu.memory_space<hbm>> -> memref<80x128xi32, #tpu.memory_space<hbm>>
        %dma_wait3A_95 = arith.constant 0 : i32
        %dma_wait3A_96 = tpu.memref_slice %arg3[%mul3A_2, %dma_wait3A_95] : memref<2560x128xi32, #tpu.memory_space<hbm>> -> memref<80x128xi32, #tpu.memory_space<hbm>>
        tpu.wait_dma2 semaphore(%run_scoped3A : memref<!tpu.dma_semaphore, #tpu.memory_space<semaphore_mem>>) src(%dma_wait3A_96 : memref<80x128xi32, #tpu.memory_space<hbm>>) dst(%arg6 : memref<80x128xi32, #tpu.memory_space<vmem>>)
        tpu.yield
      }) : () -> ()
    } else {
    }
    %eq3A = arith.constant 31 : i32
    %eq3A_8 = arith.cmpi eq, %add3A, %eq3A : i32
    %convert_element_type3A_9 = arith.extui %eq3A_8 : i1 to i32
    %cond3A_10 = arith.constant 0 : i32
    %cond3A_11 = arith.cmpi ne, %convert_element_type3A_9, %cond3A_10 : i32
    scf.if %cond3A_11 {
      "tpu.region"() ({
        %run_scoped3A = tpu.sem_alloc : memref<!tpu.dma_semaphore, #tpu.memory_space<semaphore_mem>>
        %dma_start3A = arith.constant 0 : i32
        %dma_start3A_91 = arith.constant 0 : i32
        %dma_start3A_92 = tpu.memref_slice %arg6[%dma_start3A, %dma_start3A_91] : memref<80x128xi32, #tpu.memory_space<vmem>> -> memref<20x128xi32, #tpu.memory_space<vmem>>
        %dma_start3A_93 = arith.constant 2480 : i32
        %dma_start3A_94 = arith.constant 0 : i32
        %dma_start3A_95 = tpu.memref_slice %arg3[%dma_start3A_93, %dma_start3A_94] : memref<2560x128xi32, #tpu.memory_space<hbm>> -> memref<20x128xi32, #tpu.memory_space<hbm>>
        %dma_start3A_96 = arith.constant 0 : i32
        %dma_start3A_97 = arith.constant 0 : i32
        %dma_start3A_98 = tpu.memref_slice %arg6[%dma_start3A_96, %dma_start3A_97] : memref<80x128xi32, #tpu.memory_space<vmem>> -> memref<20x128xi32, #tpu.memory_space<vmem>>
        %dma_start3A_99 = arith.constant 2480 : i32
        %dma_start3A_100 = arith.constant 0 : i32
        %dma_start3A_101 = tpu.memref_slice %arg3[%dma_start3A_99, %dma_start3A_100] : memref<2560x128xi32, #tpu.memory_space<hbm>> -> memref<20x128xi32, #tpu.memory_space<hbm>>
        tpu.enqueue_dma source(%dma_start3A_101 : memref<20x128xi32, #tpu.memory_space<hbm>>) target(%dma_start3A_98 : memref<20x128xi32, #tpu.memory_space<vmem>>) target_semaphore(%run_scoped3A : memref<!tpu.dma_semaphore, #tpu.memory_space<semaphore_mem>>)
        %dma_wait3A = arith.constant 0 : i32
        %dma_wait3A_102 = arith.constant 0 : i32
        %dma_wait3A_103 = tpu.memref_slice %arg6[%dma_wait3A, %dma_wait3A_102] : memref<80x128xi32, #tpu.memory_space<vmem>> -> memref<20x128xi32, #tpu.memory_space<vmem>>
        %dma_wait3A_104 = arith.constant 2480 : i32
        %dma_wait3A_105 = arith.constant 0 : i32
        %dma_wait3A_106 = tpu.memref_slice %arg3[%dma_wait3A_104, %dma_wait3A_105] : memref<2560x128xi32, #tpu.memory_space<hbm>> -> memref<20x128xi32, #tpu.memory_space<hbm>>
        %dma_wait3A_107 = arith.constant 0 : i32
        %dma_wait3A_108 = arith.constant 0 : i32
        %dma_wait3A_109 = tpu.memref_slice %arg6[%dma_wait3A_107, %dma_wait3A_108] : memref<80x128xi32, #tpu.memory_space<vmem>> -> memref<20x128xi32, #tpu.memory_space<vmem>>
        %dma_wait3A_110 = arith.constant 2480 : i32
        %dma_wait3A_111 = arith.constant 0 : i32
        %dma_wait3A_112 = tpu.memref_slice %arg3[%dma_wait3A_110, %dma_wait3A_111] : memref<2560x128xi32, #tpu.memory_space<hbm>> -> memref<20x128xi32, #tpu.memory_space<hbm>>
        tpu.wait_dma2 semaphore(%run_scoped3A : memref<!tpu.dma_semaphore, #tpu.memory_space<semaphore_mem>>) src(%dma_wait3A_112 : memref<20x128xi32, #tpu.memory_space<hbm>>) dst(%dma_wait3A_109 : memref<20x128xi32, #tpu.memory_space<vmem>>)
        tpu.yield
      }) : () -> ()
    } else {
    }
    %lt3A_12 = arith.constant 31 : i32
    %lt3A_13 = arith.cmpi slt, %add3A, %lt3A_12 : i32
    %convert_element_type3A_14 = arith.extui %lt3A_13 : i1 to i32
    %cond3A_15 = arith.constant 0 : i32
    %cond3A_16 = arith.cmpi ne, %convert_element_type3A_14, %cond3A_15 : i32
    scf.if %cond3A_16 {
      "tpu.region"() ({
        %run_scoped3A = tpu.sem_alloc : memref<!tpu.dma_semaphore, #tpu.memory_space<semaphore_mem>>
        %dma_start3A = arith.constant 0 : i32
        %dma_start3A_91 = tpu.memref_slice %arg4[%mul3A_2, %dma_start3A] : memref<2560x128xi32, #tpu.memory_space<hbm>> -> memref<80x128xi32, #tpu.memory_space<hbm>>
        %dma_start3A_92 = arith.constant 0 : i32
        %dma_start3A_93 = tpu.memref_slice %arg4[%mul3A_2, %dma_start3A_92] : memref<2560x128xi32, #tpu.memory_space<hbm>> -> memref<80x128xi32, #tpu.memory_space<hbm>>
        tpu.enqueue_dma source(%dma_start3A_93 : memref<80x128xi32, #tpu.memory_space<hbm>>) target(%arg7 : memref<80x128xi32, #tpu.memory_space<vmem>>) target_semaphore(%run_scoped3A : memref<!tpu.dma_semaphore, #tpu.memory_space<semaphore_mem>>)
        %dma_wait3A = arith.constant 0 : i32
        %dma_wait3A_94 = tpu.memref_slice %arg4[%mul3A_2, %dma_wait3A] : memref<2560x128xi32, #tpu.memory_space<hbm>> -> memref<80x128xi32, #tpu.memory_space<hbm>>
        %dma_wait3A_95 = arith.constant 0 : i32
        %dma_wait3A_96 = tpu.memref_slice %arg4[%mul3A_2, %dma_wait3A_95] : memref<2560x128xi32, #tpu.memory_space<hbm>> -> memref<80x128xi32, #tpu.memory_space<hbm>>
        tpu.wait_dma2 semaphore(%run_scoped3A : memref<!tpu.dma_semaphore, #tpu.memory_space<semaphore_mem>>) src(%dma_wait3A_96 : memref<80x128xi32, #tpu.memory_space<hbm>>) dst(%arg7 : memref<80x128xi32, #tpu.memory_space<vmem>>)
        tpu.yield
      }) : () -> ()
    } else {
    }
    %eq3A_17 = arith.constant 31 : i32
    %eq3A_18 = arith.cmpi eq, %add3A, %eq3A_17 : i32
    %convert_element_type3A_19 = arith.extui %eq3A_18 : i1 to i32
    %cond3A_20 = arith.constant 0 : i32
    %cond3A_21 = arith.cmpi ne, %convert_element_type3A_19, %cond3A_20 : i32
    scf.if %cond3A_21 {
      "tpu.region"() ({
        %run_scoped3A = tpu.sem_alloc : memref<!tpu.dma_semaphore, #tpu.memory_space<semaphore_mem>>
        %dma_start3A = arith.constant 0 : i32
        %dma_start3A_91 = arith.constant 0 : i32
        %dma_start3A_92 = tpu.memref_slice %arg7[%dma_start3A, %dma_start3A_91] : memref<80x128xi32, #tpu.memory_space<vmem>> -> memref<20x128xi32, #tpu.memory_space<vmem>>
        %dma_start3A_93 = arith.constant 2480 : i32
        %dma_start3A_94 = arith.constant 0 : i32
        %dma_start3A_95 = tpu.memref_slice %arg4[%dma_start3A_93, %dma_start3A_94] : memref<2560x128xi32, #tpu.memory_space<hbm>> -> memref<20x128xi32, #tpu.memory_space<hbm>>
        %dma_start3A_96 = arith.constant 0 : i32
        %dma_start3A_97 = arith.constant 0 : i32
        %dma_start3A_98 = tpu.memref_slice %arg7[%dma_start3A_96, %dma_start3A_97] : memref<80x128xi32, #tpu.memory_space<vmem>> -> memref<20x128xi32, #tpu.memory_space<vmem>>
        %dma_start3A_99 = arith.constant 2480 : i32
        %dma_start3A_100 = arith.constant 0 : i32
        %dma_start3A_101 = tpu.memref_slice %arg4[%dma_start3A_99, %dma_start3A_100] : memref<2560x128xi32, #tpu.memory_space<hbm>> -> memref<20x128xi32, #tpu.memory_space<hbm>>
        tpu.enqueue_dma source(%dma_start3A_101 : memref<20x128xi32, #tpu.memory_space<hbm>>) target(%dma_start3A_98 : memref<20x128xi32, #tpu.memory_space<vmem>>) target_semaphore(%run_scoped3A : memref<!tpu.dma_semaphore, #tpu.memory_space<semaphore_mem>>)
        %dma_wait3A = arith.constant 0 : i32
        %dma_wait3A_102 = arith.constant 0 : i32
        %dma_wait3A_103 = tpu.memref_slice %arg7[%dma_wait3A, %dma_wait3A_102] : memref<80x128xi32, #tpu.memory_space<vmem>> -> memref<20x128xi32, #tpu.memory_space<vmem>>
        %dma_wait3A_104 = arith.constant 2480 : i32
        %dma_wait3A_105 = arith.constant 0 : i32
        %dma_wait3A_106 = tpu.memref_slice %arg4[%dma_wait3A_104, %dma_wait3A_105] : memref<2560x128xi32, #tpu.memory_space<hbm>> -> memref<20x128xi32, #tpu.memory_space<hbm>>
        %dma_wait3A_107 = arith.constant 0 : i32
        %dma_wait3A_108 = arith.constant 0 : i32
        %dma_wait3A_109 = tpu.memref_slice %arg7[%dma_wait3A_107, %dma_wait3A_108] : memref<80x128xi32, #tpu.memory_space<vmem>> -> memref<20x128xi32, #tpu.memory_space<vmem>>
        %dma_wait3A_110 = arith.constant 2480 : i32
        %dma_wait3A_111 = arith.constant 0 : i32
        %dma_wait3A_112 = tpu.memref_slice %arg4[%dma_wait3A_110, %dma_wait3A_111] : memref<2560x128xi32, #tpu.memory_space<hbm>> -> memref<20x128xi32, #tpu.memory_space<hbm>>
        tpu.wait_dma2 semaphore(%run_scoped3A : memref<!tpu.dma_semaphore, #tpu.memory_space<semaphore_mem>>) src(%dma_wait3A_112 : memref<20x128xi32, #tpu.memory_space<hbm>>) dst(%dma_wait3A_109 : memref<20x128xi32, #tpu.memory_space<vmem>>)
        tpu.yield
      }) : () -> ()
    } else {
    }
    %mul3A_22 = arith.constant 640 : i32
    %mul3A_23 = arith.muli %arg1, %mul3A_22 : i32
    "tpu.region"() ({
      %run_scoped3A = tpu.sem_alloc : memref<!tpu.dma_semaphore, #tpu.memory_space<semaphore_mem>>
      %dma_start3A = arith.constant 0 : i32
      %dma_start3A_91 = tpu.memref_slice %arg2[%mul3A_23, %dma_start3A] : memref<10240x16xf32, #tpu.memory_space<hbm>> -> memref<640x16xf32, #tpu.memory_space<hbm>>
      %dma_start3A_92 = arith.constant 0 : i32
      %dma_start3A_93 = tpu.memref_slice %arg2[%mul3A_23, %dma_start3A_92] : memref<10240x16xf32, #tpu.memory_space<hbm>> -> memref<640x16xf32, #tpu.memory_space<hbm>>
      tpu.enqueue_dma source(%dma_start3A_93 : memref<640x16xf32, #tpu.memory_space<hbm>>) target(%arg14 : memref<640x16xf32, #tpu.memory_space<vmem>>) target_semaphore(%run_scoped3A : memref<!tpu.dma_semaphore, #tpu.memory_space<semaphore_mem>>)
      %dma_wait3A = arith.constant 0 : i32
      %dma_wait3A_94 = tpu.memref_slice %arg2[%mul3A_23, %dma_wait3A] : memref<10240x16xf32, #tpu.memory_space<hbm>> -> memref<640x16xf32, #tpu.memory_space<hbm>>
      %dma_wait3A_95 = arith.constant 0 : i32
      %dma_wait3A_96 = tpu.memref_slice %arg2[%mul3A_23, %dma_wait3A_95] : memref<10240x16xf32, #tpu.memory_space<hbm>> -> memref<640x16xf32, #tpu.memory_space<hbm>>
      tpu.wait_dma2 semaphore(%run_scoped3A : memref<!tpu.dma_semaphore, #tpu.memory_space<semaphore_mem>>) src(%dma_wait3A_96 : memref<640x16xf32, #tpu.memory_space<hbm>>) dst(%arg14 : memref<640x16xf32, #tpu.memory_space<vmem>>)
      tpu.yield
    }) : () -> ()
    %mul3A_24 = arith.constant 640 : i32
    %mul3A_25 = arith.muli %arg1, %mul3A_24 : i32
    "tpu.region"() ({
      %run_scoped3A = tpu.sem_alloc : memref<!tpu.dma_semaphore, #tpu.memory_space<semaphore_mem>>
      %dma_start3A = arith.constant 0 : i32
      %dma_start3A_91 = tpu.memref_slice %arg15[%mul3A_25, %dma_start3A] : memref<10240x16xf32, #tpu.memory_space<vmem_shared>> -> memref<640x16xf32, #tpu.memory_space<vmem_shared>>
      %dma_start3A_92 = arith.constant 0 : i32
      %dma_start3A_93 = tpu.memref_slice %arg15[%mul3A_25, %dma_start3A_92] : memref<10240x16xf32, #tpu.memory_space<vmem_shared>> -> memref<640x16xf32, #tpu.memory_space<vmem_shared>>
      tpu.enqueue_dma source(%arg14 : memref<640x16xf32, #tpu.memory_space<vmem>>) target(%dma_start3A_93 : memref<640x16xf32, #tpu.memory_space<vmem_shared>>) target_semaphore(%run_scoped3A : memref<!tpu.dma_semaphore, #tpu.memory_space<semaphore_mem>>)
      %dma_wait3A = arith.constant 0 : i32
      %dma_wait3A_94 = tpu.memref_slice %arg15[%mul3A_25, %dma_wait3A] : memref<10240x16xf32, #tpu.memory_space<vmem_shared>> -> memref<640x16xf32, #tpu.memory_space<vmem_shared>>
      %dma_wait3A_95 = arith.constant 0 : i32
      %dma_wait3A_96 = tpu.memref_slice %arg15[%mul3A_25, %dma_wait3A_95] : memref<10240x16xf32, #tpu.memory_space<vmem_shared>> -> memref<640x16xf32, #tpu.memory_space<vmem_shared>>
      tpu.wait_dma2 semaphore(%run_scoped3A : memref<!tpu.dma_semaphore, #tpu.memory_space<semaphore_mem>>) src(%arg14 : memref<640x16xf32, #tpu.memory_space<vmem>>) dst(%dma_wait3A_96 : memref<640x16xf32, #tpu.memory_space<vmem_shared>>)
      tpu.yield
    }) : () -> ()
    %scan3A = arith.constant 0 : i32
    %scan3A_26 = arith.constant 0 : i32
    %scan3A_27 = arith.constant 640 : i32
    %scan3A_28 = arith.addi %scan3A_26, %scan3A_27 : i32
    %scan3A_29 = arith.constant 1 : i32
    scf.for %scan3A_91 = %scan3A_26 to %scan3A_28 step %scan3A_29  : i32 {
      %broadcast_in_dim3A = arith.constant 0.000000e+00 : f32
      %broadcast_in_dim3A_92 = vector.broadcast %broadcast_in_dim3A : f32 to vector<16xf32>
      %swap3A = arith.index_cast %scan3A_91 : i32 to index
      %swap3A_93 = arith.constant 0 : index
      %swap3A_94 = tpu.vector_load %arg14[%swap3A, %swap3A_93] {strides = array<i32>} : memref<640x16xf32, #tpu.memory_space<vmem>>, vector<1x16xf32>,
      %swap3A_95 = vector.shape_cast %swap3A_94 : vector<1x16xf32> to vector<16xf32>
      %swap3A_96 = vector.shape_cast %broadcast_in_dim3A_92 : vector<16xf32> to vector<1x16xf32>
      tpu.vector_store %arg14[%swap3A, %swap3A_93], %swap3A_96 {strides = array<i32>} : memref<640x16xf32, #tpu.memory_space<vmem>>, vector<1x16xf32>,
    }
    %scan3A_30 = arith.constant 640 : i32
    %mul3A_31 = arith.constant 640 : i32
    %mul3A_32 = arith.muli %arg1, %mul3A_31 : i32
    "tpu.region"() ({
      %run_scoped3A = tpu.sem_alloc : memref<!tpu.dma_semaphore, #tpu.memory_space<semaphore_mem>>
      %dma_start3A = arith.constant 0 : i32
      %dma_start3A_91 = tpu.memref_slice %arg16[%mul3A_32, %dma_start3A] : memref<10240x16xf32, #tpu.memory_space<vmem_shared>> -> memref<640x16xf32, #tpu.memory_space<vmem_shared>>
      %dma_start3A_92 = arith.constant 0 : i32
      %dma_start3A_93 = tpu.memref_slice %arg16[%mul3A_32, %dma_start3A_92] : memref<10240x16xf32, #tpu.memory_space<vmem_shared>> -> memref<640x16xf32, #tpu.memory_space<vmem_shared>>
      tpu.enqueue_dma source(%arg14 : memref<640x16xf32, #tpu.memory_space<vmem>>) target(%dma_start3A_93 : memref<640x16xf32, #tpu.memory_space<vmem_shared>>) target_semaphore(%run_scoped3A : memref<!tpu.dma_semaphore, #tpu.memory_space<semaphore_mem>>)
      %dma_wait3A = arith.constant 0 : i32
      %dma_wait3A_94 = tpu.memref_slice %arg16[%mul3A_32, %dma_wait3A] : memref<10240x16xf32, #tpu.memory_space<vmem_shared>> -> memref<640x16xf32, #tpu.memory_space<vmem_shared>>
      %dma_wait3A_95 = arith.constant 0 : i32
      %dma_wait3A_96 = tpu.memref_slice %arg16[%mul3A_32, %dma_wait3A_95] : memref<10240x16xf32, #tpu.memory_space<vmem_shared>> -> memref<640x16xf32, #tpu.memory_space<vmem_shared>>
      tpu.wait_dma2 semaphore(%run_scoped3A : memref<!tpu.dma_semaphore, #tpu.memory_space<semaphore_mem>>) src(%arg14 : memref<640x16xf32, #tpu.memory_space<vmem>>) dst(%dma_wait3A_96 : memref<640x16xf32, #tpu.memory_space<vmem_shared>>)
      tpu.yield
    }) : () -> ()
    %barrier3A = arith.constant 0 : index
    tpu.barrier barrier_id(%barrier3A)
    %ge3A = arith.constant 1 : i32
    %ge3A_33 = arith.cmpi sge, %select_n3A, %ge3A : i32
    %convert_element_type3A_34 = arith.extui %ge3A_33 : i1 to i32
    %cond3A_35 = arith.constant 0 : i32
    %cond3A_36 = arith.cmpi ne, %convert_element_type3A_34, %cond3A_35 : i32
    scf.if %cond3A_36 {
      %dma_start3A = arith.constant 0 : i32
      %dma_start3A_91 = arith.constant 0 : i32
      %dma_start3A_92 = tpu.memref_slice %arg6[%dma_start3A, %dma_start3A_91] : memref<80x128xi32, #tpu.memory_space<vmem>> -> memref<1x128xi32, #tpu.memory_space<vmem>>
      %dma_start3A_93 = tpu.memref_squeeze %dma_start3A_92 : memref<1x128xi32, #tpu.memory_space<vmem>> -> memref<128xi32, #tpu.memory_space<vmem>>
      %dma_start3A_94 = arith.constant 0 : i32
      %dma_start3A_95 = arith.constant 0 : i32
      %dma_start3A_96 = tpu.memref_slice %arg15[%dma_start3A_94, %dma_start3A_95] : memref<10240x16xf32, #tpu.memory_space<vmem_shared>> -> memref<10240x16xf32, #tpu.memory_space<vmem_shared>>
      tpu.enqueue_indirect_dma source(%dma_start3A_96 : memref<10240x16xf32, #tpu.memory_space<vmem_shared>>) target(%arg8 : memref<128x16xf32, #tpu.memory_space<vmem>>) offsets(%dma_start3A_93 : memref<128xi32, #tpu.memory_space<vmem>>) semaphore(%arg17 : memref<!tpu.dma_semaphore, #tpu.memory_space<semaphore_mem>>)
    } else {
    }
    %ge3A_37 = arith.constant 2 : i32
    %ge3A_38 = arith.cmpi sge, %select_n3A, %ge3A_37 : i32
    %convert_element_type3A_39 = arith.extui %ge3A_38 : i1 to i32
    %cond3A_40 = arith.constant 0 : i32
    %cond3A_41 = arith.cmpi ne, %convert_element_type3A_39, %cond3A_40 : i32
    scf.if %cond3A_41 {
      %dma_start3A = arith.constant 1 : i32
      %dma_start3A_91 = arith.constant 0 : i32
      %dma_start3A_92 = tpu.memref_slice %arg6[%dma_start3A, %dma_start3A_91] : memref<80x128xi32, #tpu.memory_space<vmem>> -> memref<1x128xi32, #tpu.memory_space<vmem>>
      %dma_start3A_93 = tpu.memref_squeeze %dma_start3A_92 : memref<1x128xi32, #tpu.memory_space<vmem>> -> memref<128xi32, #tpu.memory_space<vmem>>
      %dma_start3A_94 = arith.constant 0 : i32
      %dma_start3A_95 = arith.constant 0 : i32
      %dma_start3A_96 = tpu.memref_slice %arg15[%dma_start3A_94, %dma_start3A_95] : memref<10240x16xf32, #tpu.memory_space<vmem_shared>> -> memref<10240x16xf32, #tpu.memory_space<vmem_shared>>
      tpu.enqueue_indirect_dma source(%dma_start3A_96 : memref<10240x16xf32, #tpu.memory_space<vmem_shared>>) target(%arg9 : memref<128x16xf32, #tpu.memory_space<vmem>>) offsets(%dma_start3A_93 : memref<128xi32, #tpu.memory_space<vmem>>) semaphore(%arg18 : memref<!tpu.dma_semaphore, #tpu.memory_space<semaphore_mem>>)
    } else {
    }
    %ge3A_42 = arith.constant 3 : i32
    %ge3A_43 = arith.cmpi sge, %select_n3A, %ge3A_42 : i32
    %convert_element_type3A_44 = arith.extui %ge3A_43 : i1 to i32
    %cond3A_45 = arith.constant 0 : i32
    %cond3A_46 = arith.cmpi ne, %convert_element_type3A_44, %cond3A_45 : i32
    scf.if %cond3A_46 {
      %dma_start3A = arith.constant 2 : i32
      %dma_start3A_91 = arith.constant 0 : i32
      %dma_start3A_92 = tpu.memref_slice %arg6[%dma_start3A, %dma_start3A_91] : memref<80x128xi32, #tpu.memory_space<vmem>> -> memref<1x128xi32, #tpu.memory_space<vmem>>
      %dma_start3A_93 = tpu.memref_squeeze %dma_start3A_92 : memref<1x128xi32, #tpu.memory_space<vmem>> -> memref<128xi32, #tpu.memory_space<vmem>>
      %dma_start3A_94 = arith.constant 0 : i32
      %dma_start3A_95 = arith.constant 0 : i32
      %dma_start3A_96 = tpu.memref_slice %arg15[%dma_start3A_94, %dma_start3A_95] : memref<10240x16xf32, #tpu.memory_space<vmem_shared>> -> memref<10240x16xf32, #tpu.memory_space<vmem_shared>>
      tpu.enqueue_indirect_dma source(%dma_start3A_96 : memref<10240x16xf32, #tpu.memory_space<vmem_shared>>) target(%arg10 : memref<128x16xf32, #tpu.memory_space<vmem>>) offsets(%dma_start3A_93 : memref<128xi32, #tpu.memory_space<vmem>>) semaphore(%arg19 : memref<!tpu.dma_semaphore, #tpu.memory_space<semaphore_mem>>)
    } else {
    }
    %while3A = arith.constant 0 : i32
    %while3A_47 = arith.constant 0 : i32
    %while3A_48 = arith.subi %select_n3A, %while3A_47 : i32
    %while3A_49 = arith.addi %while3A_47, %while3A_48 : i32
    %while3A_50 = arith.constant 1 : i32
    %while3A_51 = arith.divsi %while3A_48, %while3A_50 : i32
    %while3A_52 = arith.muli %while3A_51, %while3A_50 : i32
    %while3A_53 = arith.addi %while3A_47, %while3A_52 : i32
    %while3A_54 = arith.constant 1 : i32
    scf.for %while3A_91 = %while3A_47 to %while3A_53 step %while3A_54  : i32 {
      %rem3A = arith.constant 6 : i32
      %rem3A_92 = arith.remsi %while3A_91, %rem3A : i32
      %eq3A_93 = arith.constant 0 : i32
      %eq3A_94 = arith.cmpi eq, %rem3A_92, %eq3A_93 : i32
      %convert_element_type3A_95 = arith.extui %eq3A_94 : i1 to i32
      %cond3A_96 = arith.constant 0 : i32
      %cond3A_97 = arith.cmpi ne, %convert_element_type3A_95, %cond3A_96 : i32
      scf.if %cond3A_97 {
        %add3A_123 = arith.constant 3 : i32
        %add3A_124 = arith.addi %while3A_91, %add3A_123 : i32
        %lt3A_125 = arith.cmpi slt, %add3A_124, %select_n3A : i32
        %convert_element_type3A_126 = arith.extui %lt3A_125 : i1 to i32
        %cond3A_127 = arith.constant 0 : i32
        %cond3A_128 = arith.cmpi ne, %convert_element_type3A_126, %cond3A_127 : i32
        scf.if %cond3A_128 {
          %ge3A_140 = arith.constant 3 : i32
          %ge3A_141 = arith.cmpi sge, %while3A_91, %ge3A_140 : i32
          %convert_element_type3A_142 = arith.extui %ge3A_141 : i1 to i32
          %cond3A_143 = arith.constant 0 : i32
          %cond3A_144 = arith.cmpi ne, %convert_element_type3A_142, %cond3A_143 : i32
          scf.if %cond3A_144 {
            %dma_wait3A_153 = arith.constant 0 : i32
            %dma_wait3A_154 = arith.constant 0 : i32
            %dma_wait3A_155 = tpu.memref_slice %arg7[%dma_wait3A_153, %dma_wait3A_154] : memref<80x128xi32, #tpu.memory_space<vmem>> -> memref<1x128xi32, #tpu.memory_space<vmem>>
            %dma_wait3A_156 = tpu.memref_squeeze %dma_wait3A_155 : memref<1x128xi32, #tpu.memory_space<vmem>> -> memref<128xi32, #tpu.memory_space<vmem>>
            %dma_wait3A_157 = arith.constant 0 : i32
            %dma_wait3A_158 = arith.constant 0 : i32
            %dma_wait3A_159 = tpu.memref_slice %arg16[%dma_wait3A_157, %dma_wait3A_158] : memref<10240x16xf32, #tpu.memory_space<vmem_shared>> -> memref<10240x16xf32, #tpu.memory_space<vmem_shared>>
            tpu.wait_indirect_dma semaphore(%arg26 : memref<!tpu.dma_semaphore, #tpu.memory_space<semaphore_mem>>) src(%arg11 : memref<128x16xf32, #tpu.memory_space<vmem>>) dst(%dma_wait3A_159 : memref<10240x16xf32, #tpu.memory_space<vmem_shared>>)
          } else {
          }
          %add3A_145 = arith.constant 3 : i32
          %add3A_146 = arith.addi %while3A_91, %add3A_145 : i32
          %dma_start3A_147 = arith.constant 0 : i32
          %dma_start3A_148 = tpu.memref_slice %arg6[%add3A_146, %dma_start3A_147] : memref<80x128xi32, #tpu.memory_space<vmem>> -> memref<1x128xi32, #tpu.memory_space<vmem>>
          %dma_start3A_149 = tpu.memref_squeeze %dma_start3A_148 : memref<1x128xi32, #tpu.memory_space<vmem>> -> memref<128xi32, #tpu.memory_space<vmem>>
          %dma_start3A_150 = arith.constant 0 : i32
          %dma_start3A_151 = arith.constant 0 : i32
          %dma_start3A_152 = tpu.memref_slice %arg15[%dma_start3A_150, %dma_start3A_151] : memref<10240x16xf32, #tpu.memory_space<vmem_shared>> -> memref<10240x16xf32, #tpu.memory_space<vmem_shared>>
          tpu.enqueue_indirect_dma source(%dma_start3A_152 : memref<10240x16xf32, #tpu.memory_space<vmem_shared>>) target(%arg11 : memref<128x16xf32, #tpu.memory_space<vmem>>) offsets(%dma_start3A_149 : memref<128xi32, #tpu.memory_space<vmem>>) semaphore(%arg20 : memref<!tpu.dma_semaphore, #tpu.memory_space<semaphore_mem>>)
        } else {
        }
        %dma_wait3A = arith.constant 0 : i32
        %dma_wait3A_129 = arith.constant 0 : i32
        %dma_wait3A_130 = tpu.memref_slice %arg6[%dma_wait3A, %dma_wait3A_129] : memref<80x128xi32, #tpu.memory_space<vmem>> -> memref<1x128xi32, #tpu.memory_space<vmem>>
        %dma_wait3A_131 = tpu.memref_squeeze %dma_wait3A_130 : memref<1x128xi32, #tpu.memory_space<vmem>> -> memref<128xi32, #tpu.memory_space<vmem>>
        %dma_wait3A_132 = arith.constant 0 : i32
        %dma_wait3A_133 = arith.constant 0 : i32
        %dma_wait3A_134 = tpu.memref_slice %arg15[%dma_wait3A_132, %dma_wait3A_133] : memref<10240x16xf32, #tpu.memory_space<vmem_shared>> -> memref<10240x16xf32, #tpu.memory_space<vmem_shared>>
        tpu.wait_indirect_dma semaphore(%arg17 : memref<!tpu.dma_semaphore, #tpu.memory_space<semaphore_mem>>) src(%dma_wait3A_134 : memref<10240x16xf32, #tpu.memory_space<vmem_shared>>) dst(%arg8 : memref<128x16xf32, #tpu.memory_space<vmem>>)
        %dma_start3A = arith.constant 0 : i32
        %dma_start3A_135 = tpu.memref_slice %arg7[%while3A_91, %dma_start3A] : memref<80x128xi32, #tpu.memory_space<vmem>> -> memref<1x128xi32, #tpu.memory_space<vmem>>
        %dma_start3A_136 = tpu.memref_squeeze %dma_start3A_135 : memref<1x128xi32, #tpu.memory_space<vmem>> -> memref<128xi32, #tpu.memory_space<vmem>>
        %dma_start3A_137 = arith.constant 0 : i32
        %dma_start3A_138 = arith.constant 0 : i32
        %dma_start3A_139 = tpu.memref_slice %arg16[%dma_start3A_137, %dma_start3A_138] : memref<10240x16xf32, #tpu.memory_space<vmem_shared>> -> memref<10240x16xf32, #tpu.memory_space<vmem_shared>>
        tpu.enqueue_indirect_dma source(%arg8 : memref<128x16xf32, #tpu.memory_space<vmem>>) target(%dma_start3A_139 : memref<10240x16xf32, #tpu.memory_space<vmem_shared>>) offsets(%dma_start3A_136 : memref<128xi32, #tpu.memory_space<vmem>>) semaphore(%arg23 : memref<!tpu.dma_semaphore, #tpu.memory_space<semaphore_mem>>) {add = true}
      } else {
      }
      %eq3A_98 = arith.constant 1 : i32
      %eq3A_99 = arith.cmpi eq, %rem3A_92, %eq3A_98 : i32
      %convert_element_type3A_100 = arith.extui %eq3A_99 : i1 to i32
      %cond3A_101 = arith.constant 0 : i32
      %cond3A_102 = arith.cmpi ne, %convert_element_type3A_100, %cond3A_101 : i32
      scf.if %cond3A_102 {
        %add3A_123 = arith.constant 3 : i32
        %add3A_124 = arith.addi %while3A_91, %add3A_123 : i32
        %lt3A_125 = arith.cmpi slt, %add3A_124, %select_n3A : i32
        %convert_element_type3A_126 = arith.extui %lt3A_125 : i1 to i32
        %cond3A_127 = arith.constant 0 : i32
        %cond3A_128 = arith.cmpi ne, %convert_element_type3A_126, %cond3A_127 : i32
        scf.if %cond3A_128 {
          %ge3A_140 = arith.constant 3 : i32
          %ge3A_141 = arith.cmpi sge, %while3A_91, %ge3A_140 : i32
          %convert_element_type3A_142 = arith.extui %ge3A_141 : i1 to i32
          %cond3A_143 = arith.constant 0 : i32
          %cond3A_144 = arith.cmpi ne, %convert_element_type3A_142, %cond3A_143 : i32
          scf.if %cond3A_144 {
            %dma_wait3A_153 = arith.constant 0 : i32
            %dma_wait3A_154 = arith.constant 0 : i32
            %dma_wait3A_155 = tpu.memref_slice %arg7[%dma_wait3A_153, %dma_wait3A_154] : memref<80x128xi32, #tpu.memory_space<vmem>> -> memref<1x128xi32, #tpu.memory_space<vmem>>
            %dma_wait3A_156 = tpu.memref_squeeze %dma_wait3A_155 : memref<1x128xi32, #tpu.memory_space<vmem>> -> memref<128xi32, #tpu.memory_space<vmem>>
            %dma_wait3A_157 = arith.constant 0 : i32
            %dma_wait3A_158 = arith.constant 0 : i32
            %dma_wait3A_159 = tpu.memref_slice %arg16[%dma_wait3A_157, %dma_wait3A_158] : memref<10240x16xf32, #tpu.memory_space<vmem_shared>> -> memref<10240x16xf32, #tpu.memory_space<vmem_shared>>
            tpu.wait_indirect_dma semaphore(%arg27 : memref<!tpu.dma_semaphore, #tpu.memory_space<semaphore_mem>>) src(%arg12 : memref<128x16xf32, #tpu.memory_space<vmem>>) dst(%dma_wait3A_159 : memref<10240x16xf32, #tpu.memory_space<vmem_shared>>)
          } else {
          }
          %add3A_145 = arith.constant 3 : i32
          %add3A_146 = arith.addi %while3A_91, %add3A_145 : i32
          %dma_start3A_147 = arith.constant 0 : i32
          %dma_start3A_148 = tpu.memref_slice %arg6[%add3A_146, %dma_start3A_147] : memref<80x128xi32, #tpu.memory_space<vmem>> -> memref<1x128xi32, #tpu.memory_space<vmem>>
          %dma_start3A_149 = tpu.memref_squeeze %dma_start3A_148 : memref<1x128xi32, #tpu.memory_space<vmem>> -> memref<128xi32, #tpu.memory_space<vmem>>
          %dma_start3A_150 = arith.constant 0 : i32
          %dma_start3A_151 = arith.constant 0 : i32
          %dma_start3A_152 = tpu.memref_slice %arg15[%dma_start3A_150, %dma_start3A_151] : memref<10240x16xf32, #tpu.memory_space<vmem_shared>> -> memref<10240x16xf32, #tpu.memory_space<vmem_shared>>
          tpu.enqueue_indirect_dma source(%dma_start3A_152 : memref<10240x16xf32, #tpu.memory_space<vmem_shared>>) target(%arg12 : memref<128x16xf32, #tpu.memory_space<vmem>>) offsets(%dma_start3A_149 : memref<128xi32, #tpu.memory_space<vmem>>) semaphore(%arg21 : memref<!tpu.dma_semaphore, #tpu.memory_space<semaphore_mem>>)
        } else {
        }
        %dma_wait3A = arith.constant 0 : i32
        %dma_wait3A_129 = arith.constant 0 : i32
        %dma_wait3A_130 = tpu.memref_slice %arg6[%dma_wait3A, %dma_wait3A_129] : memref<80x128xi32, #tpu.memory_space<vmem>> -> memref<1x128xi32, #tpu.memory_space<vmem>>
        %dma_wait3A_131 = tpu.memref_squeeze %dma_wait3A_130 : memref<1x128xi32, #tpu.memory_space<vmem>> -> memref<128xi32, #tpu.memory_space<vmem>>
        %dma_wait3A_132 = arith.constant 0 : i32
        %dma_wait3A_133 = arith.constant 0 : i32
        %dma_wait3A_134 = tpu.memref_slice %arg15[%dma_wait3A_132, %dma_wait3A_133] : memref<10240x16xf32, #tpu.memory_space<vmem_shared>> -> memref<10240x16xf32, #tpu.memory_space<vmem_shared>>
        tpu.wait_indirect_dma semaphore(%arg18 : memref<!tpu.dma_semaphore, #tpu.memory_space<semaphore_mem>>) src(%dma_wait3A_134 : memref<10240x16xf32, #tpu.memory_space<vmem_shared>>) dst(%arg9 : memref<128x16xf32, #tpu.memory_space<vmem>>)
        %dma_start3A = arith.constant 0 : i32
        %dma_start3A_135 = tpu.memref_slice %arg7[%while3A_91, %dma_start3A] : memref<80x128xi32, #tpu.memory_space<vmem>> -> memref<1x128xi32, #tpu.memory_space<vmem>>
        %dma_start3A_136 = tpu.memref_squeeze %dma_start3A_135 : memref<1x128xi32, #tpu.memory_space<vmem>> -> memref<128xi32, #tpu.memory_space<vmem>>
        %dma_start3A_137 = arith.constant 0 : i32
        %dma_start3A_138 = arith.constant 0 : i32
        %dma_start3A_139 = tpu.memref_slice %arg16[%dma_start3A_137, %dma_start3A_138] : memref<10240x16xf32, #tpu.memory_space<vmem_shared>> -> memref<10240x16xf32, #tpu.memory_space<vmem_shared>>
        tpu.enqueue_indirect_dma source(%arg9 : memref<128x16xf32, #tpu.memory_space<vmem>>) target(%dma_start3A_139 : memref<10240x16xf32, #tpu.memory_space<vmem_shared>>) offsets(%dma_start3A_136 : memref<128xi32, #tpu.memory_space<vmem>>) semaphore(%arg24 : memref<!tpu.dma_semaphore, #tpu.memory_space<semaphore_mem>>) {add = true}
      } else {
      }
      %eq3A_103 = arith.constant 2 : i32
      %eq3A_104 = arith.cmpi eq, %rem3A_92, %eq3A_103 : i32
      %convert_element_type3A_105 = arith.extui %eq3A_104 : i1 to i32
      %cond3A_106 = arith.constant 0 : i32
      %cond3A_107 = arith.cmpi ne, %convert_element_type3A_105, %cond3A_106 : i32
      scf.if %cond3A_107 {
        %add3A_123 = arith.constant 3 : i32
        %add3A_124 = arith.addi %while3A_91, %add3A_123 : i32
        %lt3A_125 = arith.cmpi slt, %add3A_124, %select_n3A : i32
        %convert_element_type3A_126 = arith.extui %lt3A_125 : i1 to i32
        %cond3A_127 = arith.constant 0 : i32
        %cond3A_128 = arith.cmpi ne, %convert_element_type3A_126, %cond3A_127 : i32
        scf.if %cond3A_128 {
          %ge3A_140 = arith.constant 3 : i32
          %ge3A_141 = arith.cmpi sge, %while3A_91, %ge3A_140 : i32
          %convert_element_type3A_142 = arith.extui %ge3A_141 : i1 to i32
          %cond3A_143 = arith.constant 0 : i32
          %cond3A_144 = arith.cmpi ne, %convert_element_type3A_142, %cond3A_143 : i32
          scf.if %cond3A_144 {
            %dma_wait3A_153 = arith.constant 0 : i32
            %dma_wait3A_154 = arith.constant 0 : i32
            %dma_wait3A_155 = tpu.memref_slice %arg7[%dma_wait3A_153, %dma_wait3A_154] : memref<80x128xi32, #tpu.memory_space<vmem>> -> memref<1x128xi32, #tpu.memory_space<vmem>>
            %dma_wait3A_156 = tpu.memref_squeeze %dma_wait3A_155 : memref<1x128xi32, #tpu.memory_space<vmem>> -> memref<128xi32, #tpu.memory_space<vmem>>
            %dma_wait3A_157 = arith.constant 0 : i32
            %dma_wait3A_158 = arith.constant 0 : i32
            %dma_wait3A_159 = tpu.memref_slice %arg16[%dma_wait3A_157, %dma_wait3A_158] : memref<10240x16xf32, #tpu.memory_space<vmem_shared>> -> memref<10240x16xf32, #tpu.memory_space<vmem_shared>>
            tpu.wait_indirect_dma semaphore(%arg28 : memref<!tpu.dma_semaphore, #tpu.memory_space<semaphore_mem>>) src(%arg13 : memref<128x16xf32, #tpu.memory_space<vmem>>) dst(%dma_wait3A_159 : memref<10240x16xf32, #tpu.memory_space<vmem_shared>>)
          } else {
          }
          %add3A_145 = arith.constant 3 : i32
          %add3A_146 = arith.addi %while3A_91, %add3A_145 : i32
          %dma_start3A_147 = arith.constant 0 : i32
          %dma_start3A_148 = tpu.memref_slice %arg6[%add3A_146, %dma_start3A_147] : memref<80x128xi32, #tpu.memory_space<vmem>> -> memref<1x128xi32, #tpu.memory_space<vmem>>
          %dma_start3A_149 = tpu.memref_squeeze %dma_start3A_148 : memref<1x128xi32, #tpu.memory_space<vmem>> -> memref<128xi32, #tpu.memory_space<vmem>>
          %dma_start3A_150 = arith.constant 0 : i32
          %dma_start3A_151 = arith.constant 0 : i32
          %dma_start3A_152 = tpu.memref_slice %arg15[%dma_start3A_150, %dma_start3A_151] : memref<10240x16xf32, #tpu.memory_space<vmem_shared>> -> memref<10240x16xf32, #tpu.memory_space<vmem_shared>>
          tpu.enqueue_indirect_dma source(%dma_start3A_152 : memref<10240x16xf32, #tpu.memory_space<vmem_shared>>) target(%arg13 : memref<128x16xf32, #tpu.memory_space<vmem>>) offsets(%dma_start3A_149 : memref<128xi32, #tpu.memory_space<vmem>>) semaphore(%arg22 : memref<!tpu.dma_semaphore, #tpu.memory_space<semaphore_mem>>)
        } else {
        }
        %dma_wait3A = arith.constant 0 : i32
        %dma_wait3A_129 = arith.constant 0 : i32
        %dma_wait3A_130 = tpu.memref_slice %arg6[%dma_wait3A, %dma_wait3A_129] : memref<80x128xi32, #tpu.memory_space<vmem>> -> memref<1x128xi32, #tpu.memory_space<vmem>>
        %dma_wait3A_131 = tpu.memref_squeeze %dma_wait3A_130 : memref<1x128xi32, #tpu.memory_space<vmem>> -> memref<128xi32, #tpu.memory_space<vmem>>
        %dma_wait3A_132 = arith.constant 0 : i32
        %dma_wait3A_133 = arith.constant 0 : i32
        %dma_wait3A_134 = tpu.memref_slice %arg15[%dma_wait3A_132, %dma_wait3A_133] : memref<10240x16xf32, #tpu.memory_space<vmem_shared>> -> memref<10240x16xf32, #tpu.memory_space<vmem_shared>>
        tpu.wait_indirect_dma semaphore(%arg19 : memref<!tpu.dma_semaphore, #tpu.memory_space<semaphore_mem>>) src(%dma_wait3A_134 : memref<10240x16xf32, #tpu.memory_space<vmem_shared>>) dst(%arg10 : memref<128x16xf32, #tpu.memory_space<vmem>>)
        %dma_start3A = arith.constant 0 : i32
        %dma_start3A_135 = tpu.memref_slice %arg7[%while3A_91, %dma_start3A] : memref<80x128xi32, #tpu.memory_space<vmem>> -> memref<1x128xi32, #tpu.memory_space<vmem>>
        %dma_start3A_136 = tpu.memref_squeeze %dma_start3A_135 : memref<1x128xi32, #tpu.memory_space<vmem>> -> memref<128xi32, #tpu.memory_space<vmem>>
        %dma_start3A_137 = arith.constant 0 : i32
        %dma_start3A_138 = arith.constant 0 : i32
        %dma_start3A_139 = tpu.memref_slice %arg16[%dma_start3A_137, %dma_start3A_138] : memref<10240x16xf32, #tpu.memory_space<vmem_shared>> -> memref<10240x16xf32, #tpu.memory_space<vmem_shared>>
        tpu.enqueue_indirect_dma source(%arg10 : memref<128x16xf32, #tpu.memory_space<vmem>>) target(%dma_start3A_139 : memref<10240x16xf32, #tpu.memory_space<vmem_shared>>) offsets(%dma_start3A_136 : memref<128xi32, #tpu.memory_space<vmem>>) semaphore(%arg25 : memref<!tpu.dma_semaphore, #tpu.memory_space<semaphore_mem>>) {add = true}
      } else {
      }
      %eq3A_108 = arith.constant 3 : i32
      %eq3A_109 = arith.cmpi eq, %rem3A_92, %eq3A_108 : i32
      %convert_element_type3A_110 = arith.extui %eq3A_109 : i1 to i32
      %cond3A_111 = arith.constant 0 : i32
      %cond3A_112 = arith.cmpi ne, %convert_element_type3A_110, %cond3A_111 : i32
      scf.if %cond3A_112 {
        %add3A_123 = arith.constant 3 : i32
        %add3A_124 = arith.addi %while3A_91, %add3A_123 : i32
        %lt3A_125 = arith.cmpi slt, %add3A_124, %select_n3A : i32
        %convert_element_type3A_126 = arith.extui %lt3A_125 : i1 to i32
        %cond3A_127 = arith.constant 0 : i32
        %cond3A_128 = arith.cmpi ne, %convert_element_type3A_126, %cond3A_127 : i32
        scf.if %cond3A_128 {
          %ge3A_140 = arith.constant 3 : i32
          %ge3A_141 = arith.cmpi sge, %while3A_91, %ge3A_140 : i32
          %convert_element_type3A_142 = arith.extui %ge3A_141 : i1 to i32
          %cond3A_143 = arith.constant 0 : i32
          %cond3A_144 = arith.cmpi ne, %convert_element_type3A_142, %cond3A_143 : i32
          scf.if %cond3A_144 {
            %dma_wait3A_153 = arith.constant 0 : i32
            %dma_wait3A_154 = arith.constant 0 : i32
            %dma_wait3A_155 = tpu.memref_slice %arg7[%dma_wait3A_153, %dma_wait3A_154] : memref<80x128xi32, #tpu.memory_space<vmem>> -> memref<1x128xi32, #tpu.memory_space<vmem>>
            %dma_wait3A_156 = tpu.memref_squeeze %dma_wait3A_155 : memref<1x128xi32, #tpu.memory_space<vmem>> -> memref<128xi32, #tpu.memory_space<vmem>>
            %dma_wait3A_157 = arith.constant 0 : i32
            %dma_wait3A_158 = arith.constant 0 : i32
            %dma_wait3A_159 = tpu.memref_slice %arg16[%dma_wait3A_157, %dma_wait3A_158] : memref<10240x16xf32, #tpu.memory_space<vmem_shared>> -> memref<10240x16xf32, #tpu.memory_space<vmem_shared>>
            tpu.wait_indirect_dma semaphore(%arg23 : memref<!tpu.dma_semaphore, #tpu.memory_space<semaphore_mem>>) src(%arg8 : memref<128x16xf32, #tpu.memory_space<vmem>>) dst(%dma_wait3A_159 : memref<10240x16xf32, #tpu.memory_space<vmem_shared>>)
          } else {
          }
          %add3A_145 = arith.constant 3 : i32
          %add3A_146 = arith.addi %while3A_91, %add3A_145 : i32
          %dma_start3A_147 = arith.constant 0 : i32
          %dma_start3A_148 = tpu.memref_slice %arg6[%add3A_146, %dma_start3A_147] : memref<80x128xi32, #tpu.memory_space<vmem>> -> memref<1x128xi32, #tpu.memory_space<vmem>>
          %dma_start3A_149 = tpu.memref_squeeze %dma_start3A_148 : memref<1x128xi32, #tpu.memory_space<vmem>> -> memref<128xi32, #tpu.memory_space<vmem>>
          %dma_start3A_150 = arith.constant 0 : i32
          %dma_start3A_151 = arith.constant 0 : i32
          %dma_start3A_152 = tpu.memref_slice %arg15[%dma_start3A_150, %dma_start3A_151] : memref<10240x16xf32, #tpu.memory_space<vmem_shared>> -> memref<10240x16xf32, #tpu.memory_space<vmem_shared>>
          tpu.enqueue_indirect_dma source(%dma_start3A_152 : memref<10240x16xf32, #tpu.memory_space<vmem_shared>>) target(%arg8 : memref<128x16xf32, #tpu.memory_space<vmem>>) offsets(%dma_start3A_149 : memref<128xi32, #tpu.memory_space<vmem>>) semaphore(%arg17 : memref<!tpu.dma_semaphore, #tpu.memory_space<semaphore_mem>>)
        } else {
        }
        %dma_wait3A = arith.constant 0 : i32
        %dma_wait3A_129 = arith.constant 0 : i32
        %dma_wait3A_130 = tpu.memref_slice %arg6[%dma_wait3A, %dma_wait3A_129] : memref<80x128xi32, #tpu.memory_space<vmem>> -> memref<1x128xi32, #tpu.memory_space<vmem>>
        %dma_wait3A_131 = tpu.memref_squeeze %dma_wait3A_130 : memref<1x128xi32, #tpu.memory_space<vmem>> -> memref<128xi32, #tpu.memory_space<vmem>>
        %dma_wait3A_132 = arith.constant 0 : i32
        %dma_wait3A_133 = arith.constant 0 : i32
        %dma_wait3A_134 = tpu.memref_slice %arg15[%dma_wait3A_132, %dma_wait3A_133] : memref<10240x16xf32, #tpu.memory_space<vmem_shared>> -> memref<10240x16xf32, #tpu.memory_space<vmem_shared>>
        tpu.wait_indirect_dma semaphore(%arg20 : memref<!tpu.dma_semaphore, #tpu.memory_space<semaphore_mem>>) src(%dma_wait3A_134 : memref<10240x16xf32, #tpu.memory_space<vmem_shared>>) dst(%arg11 : memref<128x16xf32, #tpu.memory_space<vmem>>)
        %dma_start3A = arith.constant 0 : i32
        %dma_start3A_135 = tpu.memref_slice %arg7[%while3A_91, %dma_start3A] : memref<80x128xi32, #tpu.memory_space<vmem>> -> memref<1x128xi32, #tpu.memory_space<vmem>>
        %dma_start3A_136 = tpu.memref_squeeze %dma_start3A_135 : memref<1x128xi32, #tpu.memory_space<vmem>> -> memref<128xi32, #tpu.memory_space<vmem>>
        %dma_start3A_137 = arith.constant 0 : i32
        %dma_start3A_138 = arith.constant 0 : i32
        %dma_start3A_139 = tpu.memref_slice %arg16[%dma_start3A_137, %dma_start3A_138] : memref<10240x16xf32, #tpu.memory_space<vmem_shared>> -> memref<10240x16xf32, #tpu.memory_space<vmem_shared>>
        tpu.enqueue_indirect_dma source(%arg11 : memref<128x16xf32, #tpu.memory_space<vmem>>) target(%dma_start3A_139 : memref<10240x16xf32, #tpu.memory_space<vmem_shared>>) offsets(%dma_start3A_136 : memref<128xi32, #tpu.memory_space<vmem>>) semaphore(%arg26 : memref<!tpu.dma_semaphore, #tpu.memory_space<semaphore_mem>>) {add = true}
      } else {
      }
      %eq3A_113 = arith.constant 4 : i32
      %eq3A_114 = arith.cmpi eq, %rem3A_92, %eq3A_113 : i32
      %convert_element_type3A_115 = arith.extui %eq3A_114 : i1 to i32
      %cond3A_116 = arith.constant 0 : i32
      %cond3A_117 = arith.cmpi ne, %convert_element_type3A_115, %cond3A_116 : i32
      scf.if %cond3A_117 {
        %add3A_123 = arith.constant 3 : i32
        %add3A_124 = arith.addi %while3A_91, %add3A_123 : i32
        %lt3A_125 = arith.cmpi slt, %add3A_124, %select_n3A : i32
        %convert_element_type3A_126 = arith.extui %lt3A_125 : i1 to i32
        %cond3A_127 = arith.constant 0 : i32
        %cond3A_128 = arith.cmpi ne, %convert_element_type3A_126, %cond3A_127 : i32
        scf.if %cond3A_128 {
          %ge3A_140 = arith.constant 3 : i32
          %ge3A_141 = arith.cmpi sge, %while3A_91, %ge3A_140 : i32
          %convert_element_type3A_142 = arith.extui %ge3A_141 : i1 to i32
          %cond3A_143 = arith.constant 0 : i32
          %cond3A_144 = arith.cmpi ne, %convert_element_type3A_142, %cond3A_143 : i32
          scf.if %cond3A_144 {
            %dma_wait3A_153 = arith.constant 0 : i32
            %dma_wait3A_154 = arith.constant 0 : i32
            %dma_wait3A_155 = tpu.memref_slice %arg7[%dma_wait3A_153, %dma_wait3A_154] : memref<80x128xi32, #tpu.memory_space<vmem>> -> memref<1x128xi32, #tpu.memory_space<vmem>>
            %dma_wait3A_156 = tpu.memref_squeeze %dma_wait3A_155 : memref<1x128xi32, #tpu.memory_space<vmem>> -> memref<128xi32, #tpu.memory_space<vmem>>
            %dma_wait3A_157 = arith.constant 0 : i32
            %dma_wait3A_158 = arith.constant 0 : i32
            %dma_wait3A_159 = tpu.memref_slice %arg16[%dma_wait3A_157, %dma_wait3A_158] : memref<10240x16xf32, #tpu.memory_space<vmem_shared>> -> memref<10240x16xf32, #tpu.memory_space<vmem_shared>>
            tpu.wait_indirect_dma semaphore(%arg24 : memref<!tpu.dma_semaphore, #tpu.memory_space<semaphore_mem>>) src(%arg9 : memref<128x16xf32, #tpu.memory_space<vmem>>) dst(%dma_wait3A_159 : memref<10240x16xf32, #tpu.memory_space<vmem_shared>>)
          } else {
          }
          %add3A_145 = arith.constant 3 : i32
          %add3A_146 = arith.addi %while3A_91, %add3A_145 : i32
          %dma_start3A_147 = arith.constant 0 : i32
          %dma_start3A_148 = tpu.memref_slice %arg6[%add3A_146, %dma_start3A_147] : memref<80x128xi32, #tpu.memory_space<vmem>> -> memref<1x128xi32, #tpu.memory_space<vmem>>
          %dma_start3A_149 = tpu.memref_squeeze %dma_start3A_148 : memref<1x128xi32, #tpu.memory_space<vmem>> -> memref<128xi32, #tpu.memory_space<vmem>>
          %dma_start3A_150 = arith.constant 0 : i32
          %dma_start3A_151 = arith.constant 0 : i32
          %dma_start3A_152 = tpu.memref_slice %arg15[%dma_start3A_150, %dma_start3A_151] : memref<10240x16xf32, #tpu.memory_space<vmem_shared>> -> memref<10240x16xf32, #tpu.memory_space<vmem_shared>>
          tpu.enqueue_indirect_dma source(%dma_start3A_152 : memref<10240x16xf32, #tpu.memory_space<vmem_shared>>) target(%arg9 : memref<128x16xf32, #tpu.memory_space<vmem>>) offsets(%dma_start3A_149 : memref<128xi32, #tpu.memory_space<vmem>>) semaphore(%arg18 : memref<!tpu.dma_semaphore, #tpu.memory_space<semaphore_mem>>)
        } else {
        }
        %dma_wait3A = arith.constant 0 : i32
        %dma_wait3A_129 = arith.constant 0 : i32
        %dma_wait3A_130 = tpu.memref_slice %arg6[%dma_wait3A, %dma_wait3A_129] : memref<80x128xi32, #tpu.memory_space<vmem>> -> memref<1x128xi32, #tpu.memory_space<vmem>>
        %dma_wait3A_131 = tpu.memref_squeeze %dma_wait3A_130 : memref<1x128xi32, #tpu.memory_space<vmem>> -> memref<128xi32, #tpu.memory_space<vmem>>
        %dma_wait3A_132 = arith.constant 0 : i32
        %dma_wait3A_133 = arith.constant 0 : i32
        %dma_wait3A_134 = tpu.memref_slice %arg15[%dma_wait3A_132, %dma_wait3A_133] : memref<10240x16xf32, #tpu.memory_space<vmem_shared>> -> memref<10240x16xf32, #tpu.memory_space<vmem_shared>>
        tpu.wait_indirect_dma semaphore(%arg21 : memref<!tpu.dma_semaphore, #tpu.memory_space<semaphore_mem>>) src(%dma_wait3A_134 : memref<10240x16xf32, #tpu.memory_space<vmem_shared>>) dst(%arg12 : memref<128x16xf32, #tpu.memory_space<vmem>>)
        %dma_start3A = arith.constant 0 : i32
        %dma_start3A_135 = tpu.memref_slice %arg7[%while3A_91, %dma_start3A] : memref<80x128xi32, #tpu.memory_space<vmem>> -> memref<1x128xi32, #tpu.memory_space<vmem>>
        %dma_start3A_136 = tpu.memref_squeeze %dma_start3A_135 : memref<1x128xi32, #tpu.memory_space<vmem>> -> memref<128xi32, #tpu.memory_space<vmem>>
        %dma_start3A_137 = arith.constant 0 : i32
        %dma_start3A_138 = arith.constant 0 : i32
        %dma_start3A_139 = tpu.memref_slice %arg16[%dma_start3A_137, %dma_start3A_138] : memref<10240x16xf32, #tpu.memory_space<vmem_shared>> -> memref<10240x16xf32, #tpu.memory_space<vmem_shared>>
        tpu.enqueue_indirect_dma source(%arg12 : memref<128x16xf32, #tpu.memory_space<vmem>>) target(%dma_start3A_139 : memref<10240x16xf32, #tpu.memory_space<vmem_shared>>) offsets(%dma_start3A_136 : memref<128xi32, #tpu.memory_space<vmem>>) semaphore(%arg27 : memref<!tpu.dma_semaphore, #tpu.memory_space<semaphore_mem>>) {add = true}
      } else {
      }
      %eq3A_118 = arith.constant 5 : i32
      %eq3A_119 = arith.cmpi eq, %rem3A_92, %eq3A_118 : i32
      %convert_element_type3A_120 = arith.extui %eq3A_119 : i1 to i32
      %cond3A_121 = arith.constant 0 : i32
      %cond3A_122 = arith.cmpi ne, %convert_element_type3A_120, %cond3A_121 : i32
      scf.if %cond3A_122 {
        %add3A_123 = arith.constant 3 : i32
        %add3A_124 = arith.addi %while3A_91, %add3A_123 : i32
        %lt3A_125 = arith.cmpi slt, %add3A_124, %select_n3A : i32
        %convert_element_type3A_126 = arith.extui %lt3A_125 : i1 to i32
        %cond3A_127 = arith.constant 0 : i32
        %cond3A_128 = arith.cmpi ne, %convert_element_type3A_126, %cond3A_127 : i32
        scf.if %cond3A_128 {
          %ge3A_140 = arith.constant 3 : i32
          %ge3A_141 = arith.cmpi sge, %while3A_91, %ge3A_140 : i32
          %convert_element_type3A_142 = arith.extui %ge3A_141 : i1 to i32
          %cond3A_143 = arith.constant 0 : i32
          %cond3A_144 = arith.cmpi ne, %convert_element_type3A_142, %cond3A_143 : i32
          scf.if %cond3A_144 {
            %dma_wait3A_153 = arith.constant 0 : i32
            %dma_wait3A_154 = arith.constant 0 : i32
            %dma_wait3A_155 = tpu.memref_slice %arg7[%dma_wait3A_153, %dma_wait3A_154] : memref<80x128xi32, #tpu.memory_space<vmem>> -> memref<1x128xi32, #tpu.memory_space<vmem>>
            %dma_wait3A_156 = tpu.memref_squeeze %dma_wait3A_155 : memref<1x128xi32, #tpu.memory_space<vmem>> -> memref<128xi32, #tpu.memory_space<vmem>>
            %dma_wait3A_157 = arith.constant 0 : i32
            %dma_wait3A_158 = arith.constant 0 : i32
            %dma_wait3A_159 = tpu.memref_slice %arg16[%dma_wait3A_157, %dma_wait3A_158] : memref<10240x16xf32, #tpu.memory_space<vmem_shared>> -> memref<10240x16xf32, #tpu.memory_space<vmem_shared>>
            tpu.wait_indirect_dma semaphore(%arg25 : memref<!tpu.dma_semaphore, #tpu.memory_space<semaphore_mem>>) src(%arg10 : memref<128x16xf32, #tpu.memory_space<vmem>>) dst(%dma_wait3A_159 : memref<10240x16xf32, #tpu.memory_space<vmem_shared>>)
          } else {
          }
          %add3A_145 = arith.constant 3 : i32
          %add3A_146 = arith.addi %while3A_91, %add3A_145 : i32
          %dma_start3A_147 = arith.constant 0 : i32
          %dma_start3A_148 = tpu.memref_slice %arg6[%add3A_146, %dma_start3A_147] : memref<80x128xi32, #tpu.memory_space<vmem>> -> memref<1x128xi32, #tpu.memory_space<vmem>>
          %dma_start3A_149 = tpu.memref_squeeze %dma_start3A_148 : memref<1x128xi32, #tpu.memory_space<vmem>> -> memref<128xi32, #tpu.memory_space<vmem>>
          %dma_start3A_150 = arith.constant 0 : i32
          %dma_start3A_151 = arith.constant 0 : i32
          %dma_start3A_152 = tpu.memref_slice %arg15[%dma_start3A_150, %dma_start3A_151] : memref<10240x16xf32, #tpu.memory_space<vmem_shared>> -> memref<10240x16xf32, #tpu.memory_space<vmem_shared>>
          tpu.enqueue_indirect_dma source(%dma_start3A_152 : memref<10240x16xf32, #tpu.memory_space<vmem_shared>>) target(%arg10 : memref<128x16xf32, #tpu.memory_space<vmem>>) offsets(%dma_start3A_149 : memref<128xi32, #tpu.memory_space<vmem>>) semaphore(%arg19 : memref<!tpu.dma_semaphore, #tpu.memory_space<semaphore_mem>>)
        } else {
        }
        %dma_wait3A = arith.constant 0 : i32
        %dma_wait3A_129 = arith.constant 0 : i32
        %dma_wait3A_130 = tpu.memref_slice %arg6[%dma_wait3A, %dma_wait3A_129] : memref<80x128xi32, #tpu.memory_space<vmem>> -> memref<1x128xi32, #tpu.memory_space<vmem>>
        %dma_wait3A_131 = tpu.memref_squeeze %dma_wait3A_130 : memref<1x128xi32, #tpu.memory_space<vmem>> -> memref<128xi32, #tpu.memory_space<vmem>>
        %dma_wait3A_132 = arith.constant 0 : i32
        %dma_wait3A_133 = arith.constant 0 : i32
        %dma_wait3A_134 = tpu.memref_slice %arg15[%dma_wait3A_132, %dma_wait3A_133] : memref<10240x16xf32, #tpu.memory_space<vmem_shared>> -> memref<10240x16xf32, #tpu.memory_space<vmem_shared>>
        tpu.wait_indirect_dma semaphore(%arg22 : memref<!tpu.dma_semaphore, #tpu.memory_space<semaphore_mem>>) src(%dma_wait3A_134 : memref<10240x16xf32, #tpu.memory_space<vmem_shared>>) dst(%arg13 : memref<128x16xf32, #tpu.memory_space<vmem>>)
        %dma_start3A = arith.constant 0 : i32
        %dma_start3A_135 = tpu.memref_slice %arg7[%while3A_91, %dma_start3A] : memref<80x128xi32, #tpu.memory_space<vmem>> -> memref<1x128xi32, #tpu.memory_space<vmem>>
        %dma_start3A_136 = tpu.memref_squeeze %dma_start3A_135 : memref<1x128xi32, #tpu.memory_space<vmem>> -> memref<128xi32, #tpu.memory_space<vmem>>
        %dma_start3A_137 = arith.constant 0 : i32
        %dma_start3A_138 = arith.constant 0 : i32
        %dma_start3A_139 = tpu.memref_slice %arg16[%dma_start3A_137, %dma_start3A_138] : memref<10240x16xf32, #tpu.memory_space<vmem_shared>> -> memref<10240x16xf32, #tpu.memory_space<vmem_shared>>
        tpu.enqueue_indirect_dma source(%arg13 : memref<128x16xf32, #tpu.memory_space<vmem>>) target(%dma_start3A_139 : memref<10240x16xf32, #tpu.memory_space<vmem_shared>>) offsets(%dma_start3A_136 : memref<128xi32, #tpu.memory_space<vmem>>) semaphore(%arg28 : memref<!tpu.dma_semaphore, #tpu.memory_space<semaphore_mem>>) {add = true}
      } else {
      }
    }
    %while3A_55 = arith.constant 1 : i32
    scf.for %while3A_91 = %while3A_53 to %while3A_49 step %while3A_55  : i32 {
      %rem3A = arith.constant 6 : i32
      %rem3A_92 = arith.remsi %while3A_91, %rem3A : i32
      %eq3A_93 = arith.constant 0 : i32
      %eq3A_94 = arith.cmpi eq, %rem3A_92, %eq3A_93 : i32
      %convert_element_type3A_95 = arith.extui %eq3A_94 : i1 to i32
      %cond3A_96 = arith.constant 0 : i32
      %cond3A_97 = arith.cmpi ne, %convert_element_type3A_95, %cond3A_96 : i32
      scf.if %cond3A_97 {
        %add3A_123 = arith.constant 3 : i32
        %add3A_124 = arith.addi %while3A_91, %add3A_123 : i32
        %lt3A_125 = arith.cmpi slt, %add3A_124, %select_n3A : i32
        %convert_element_type3A_126 = arith.extui %lt3A_125 : i1 to i32
        %cond3A_127 = arith.constant 0 : i32
        %cond3A_128 = arith.cmpi ne, %convert_element_type3A_126, %cond3A_127 : i32
        scf.if %cond3A_128 {
          %ge3A_140 = arith.constant 3 : i32
          %ge3A_141 = arith.cmpi sge, %while3A_91, %ge3A_140 : i32
          %convert_element_type3A_142 = arith.extui %ge3A_141 : i1 to i32
          %cond3A_143 = arith.constant 0 : i32
          %cond3A_144 = arith.cmpi ne, %convert_element_type3A_142, %cond3A_143 : i32
          scf.if %cond3A_144 {
            %dma_wait3A_153 = arith.constant 0 : i32
            %dma_wait3A_154 = arith.constant 0 : i32
            %dma_wait3A_155 = tpu.memref_slice %arg7[%dma_wait3A_153, %dma_wait3A_154] : memref<80x128xi32, #tpu.memory_space<vmem>> -> memref<1x128xi32, #tpu.memory_space<vmem>>
            %dma_wait3A_156 = tpu.memref_squeeze %dma_wait3A_155 : memref<1x128xi32, #tpu.memory_space<vmem>> -> memref<128xi32, #tpu.memory_space<vmem>>
            %dma_wait3A_157 = arith.constant 0 : i32
            %dma_wait3A_158 = arith.constant 0 : i32
            %dma_wait3A_159 = tpu.memref_slice %arg16[%dma_wait3A_157, %dma_wait3A_158] : memref<10240x16xf32, #tpu.memory_space<vmem_shared>> -> memref<10240x16xf32, #tpu.memory_space<vmem_shared>>
            tpu.wait_indirect_dma semaphore(%arg26 : memref<!tpu.dma_semaphore, #tpu.memory_space<semaphore_mem>>) src(%arg11 : memref<128x16xf32, #tpu.memory_space<vmem>>) dst(%dma_wait3A_159 : memref<10240x16xf32, #tpu.memory_space<vmem_shared>>)
          } else {
          }
          %add3A_145 = arith.constant 3 : i32
          %add3A_146 = arith.addi %while3A_91, %add3A_145 : i32
          %dma_start3A_147 = arith.constant 0 : i32
          %dma_start3A_148 = tpu.memref_slice %arg6[%add3A_146, %dma_start3A_147] : memref<80x128xi32, #tpu.memory_space<vmem>> -> memref<1x128xi32, #tpu.memory_space<vmem>>
          %dma_start3A_149 = tpu.memref_squeeze %dma_start3A_148 : memref<1x128xi32, #tpu.memory_space<vmem>> -> memref<128xi32, #tpu.memory_space<vmem>>
          %dma_start3A_150 = arith.constant 0 : i32
          %dma_start3A_151 = arith.constant 0 : i32
          %dma_start3A_152 = tpu.memref_slice %arg15[%dma_start3A_150, %dma_start3A_151] : memref<10240x16xf32, #tpu.memory_space<vmem_shared>> -> memref<10240x16xf32, #tpu.memory_space<vmem_shared>>
          tpu.enqueue_indirect_dma source(%dma_start3A_152 : memref<10240x16xf32, #tpu.memory_space<vmem_shared>>) target(%arg11 : memref<128x16xf32, #tpu.memory_space<vmem>>) offsets(%dma_start3A_149 : memref<128xi32, #tpu.memory_space<vmem>>) semaphore(%arg20 : memref<!tpu.dma_semaphore, #tpu.memory_space<semaphore_mem>>)
        } else {
        }
        %dma_wait3A = arith.constant 0 : i32
        %dma_wait3A_129 = arith.constant 0 : i32
        %dma_wait3A_130 = tpu.memref_slice %arg6[%dma_wait3A, %dma_wait3A_129] : memref<80x128xi32, #tpu.memory_space<vmem>> -> memref<1x128xi32, #tpu.memory_space<vmem>>
        %dma_wait3A_131 = tpu.memref_squeeze %dma_wait3A_130 : memref<1x128xi32, #tpu.memory_space<vmem>> -> memref<128xi32, #tpu.memory_space<vmem>>
        %dma_wait3A_132 = arith.constant 0 : i32
        %dma_wait3A_133 = arith.constant 0 : i32
        %dma_wait3A_134 = tpu.memref_slice %arg15[%dma_wait3A_132, %dma_wait3A_133] : memref<10240x16xf32, #tpu.memory_space<vmem_shared>> -> memref<10240x16xf32, #tpu.memory_space<vmem_shared>>
        tpu.wait_indirect_dma semaphore(%arg17 : memref<!tpu.dma_semaphore, #tpu.memory_space<semaphore_mem>>) src(%dma_wait3A_134 : memref<10240x16xf32, #tpu.memory_space<vmem_shared>>) dst(%arg8 : memref<128x16xf32, #tpu.memory_space<vmem>>)
        %dma_start3A = arith.constant 0 : i32
        %dma_start3A_135 = tpu.memref_slice %arg7[%while3A_91, %dma_start3A] : memref<80x128xi32, #tpu.memory_space<vmem>> -> memref<1x128xi32, #tpu.memory_space<vmem>>
        %dma_start3A_136 = tpu.memref_squeeze %dma_start3A_135 : memref<1x128xi32, #tpu.memory_space<vmem>> -> memref<128xi32, #tpu.memory_space<vmem>>
        %dma_start3A_137 = arith.constant 0 : i32
        %dma_start3A_138 = arith.constant 0 : i32
        %dma_start3A_139 = tpu.memref_slice %arg16[%dma_start3A_137, %dma_start3A_138] : memref<10240x16xf32, #tpu.memory_space<vmem_shared>> -> memref<10240x16xf32, #tpu.memory_space<vmem_shared>>
        tpu.enqueue_indirect_dma source(%arg8 : memref<128x16xf32, #tpu.memory_space<vmem>>) target(%dma_start3A_139 : memref<10240x16xf32, #tpu.memory_space<vmem_shared>>) offsets(%dma_start3A_136 : memref<128xi32, #tpu.memory_space<vmem>>) semaphore(%arg23 : memref<!tpu.dma_semaphore, #tpu.memory_space<semaphore_mem>>) {add = true}
      } else {
      }
      %eq3A_98 = arith.constant 1 : i32
      %eq3A_99 = arith.cmpi eq, %rem3A_92, %eq3A_98 : i32
      %convert_element_type3A_100 = arith.extui %eq3A_99 : i1 to i32
      %cond3A_101 = arith.constant 0 : i32
      %cond3A_102 = arith.cmpi ne, %convert_element_type3A_100, %cond3A_101 : i32
      scf.if %cond3A_102 {
        %add3A_123 = arith.constant 3 : i32
        %add3A_124 = arith.addi %while3A_91, %add3A_123 : i32
        %lt3A_125 = arith.cmpi slt, %add3A_124, %select_n3A : i32
        %convert_element_type3A_126 = arith.extui %lt3A_125 : i1 to i32
        %cond3A_127 = arith.constant 0 : i32
        %cond3A_128 = arith.cmpi ne, %convert_element_type3A_126, %cond3A_127 : i32
        scf.if %cond3A_128 {
          %ge3A_140 = arith.constant 3 : i32
          %ge3A_141 = arith.cmpi sge, %while3A_91, %ge3A_140 : i32
          %convert_element_type3A_142 = arith.extui %ge3A_141 : i1 to i32
          %cond3A_143 = arith.constant 0 : i32
          %cond3A_144 = arith.cmpi ne, %convert_element_type3A_142, %cond3A_143 : i32
          scf.if %cond3A_144 {
            %dma_wait3A_153 = arith.constant 0 : i32
            %dma_wait3A_154 = arith.constant 0 : i32
            %dma_wait3A_155 = tpu.memref_slice %arg7[%dma_wait3A_153, %dma_wait3A_154] : memref<80x128xi32, #tpu.memory_space<vmem>> -> memref<1x128xi32, #tpu.memory_space<vmem>>
            %dma_wait3A_156 = tpu.memref_squeeze %dma_wait3A_155 : memref<1x128xi32, #tpu.memory_space<vmem>> -> memref<128xi32, #tpu.memory_space<vmem>>
            %dma_wait3A_157 = arith.constant 0 : i32
            %dma_wait3A_158 = arith.constant 0 : i32
            %dma_wait3A_159 = tpu.memref_slice %arg16[%dma_wait3A_157, %dma_wait3A_158] : memref<10240x16xf32, #tpu.memory_space<vmem_shared>> -> memref<10240x16xf32, #tpu.memory_space<vmem_shared>>
            tpu.wait_indirect_dma semaphore(%arg27 : memref<!tpu.dma_semaphore, #tpu.memory_space<semaphore_mem>>) src(%arg12 : memref<128x16xf32, #tpu.memory_space<vmem>>) dst(%dma_wait3A_159 : memref<10240x16xf32, #tpu.memory_space<vmem_shared>>)
          } else {
          }
          %add3A_145 = arith.constant 3 : i32
          %add3A_146 = arith.addi %while3A_91, %add3A_145 : i32
          %dma_start3A_147 = arith.constant 0 : i32
          %dma_start3A_148 = tpu.memref_slice %arg6[%add3A_146, %dma_start3A_147] : memref<80x128xi32, #tpu.memory_space<vmem>> -> memref<1x128xi32, #tpu.memory_space<vmem>>
          %dma_start3A_149 = tpu.memref_squeeze %dma_start3A_148 : memref<1x128xi32, #tpu.memory_space<vmem>> -> memref<128xi32, #tpu.memory_space<vmem>>
          %dma_start3A_150 = arith.constant 0 : i32
          %dma_start3A_151 = arith.constant 0 : i32
          %dma_start3A_152 = tpu.memref_slice %arg15[%dma_start3A_150, %dma_start3A_151] : memref<10240x16xf32, #tpu.memory_space<vmem_shared>> -> memref<10240x16xf32, #tpu.memory_space<vmem_shared>>
          tpu.enqueue_indirect_dma source(%dma_start3A_152 : memref<10240x16xf32, #tpu.memory_space<vmem_shared>>) target(%arg12 : memref<128x16xf32, #tpu.memory_space<vmem>>) offsets(%dma_start3A_149 : memref<128xi32, #tpu.memory_space<vmem>>) semaphore(%arg21 : memref<!tpu.dma_semaphore, #tpu.memory_space<semaphore_mem>>)
        } else {
        }
        %dma_wait3A = arith.constant 0 : i32
        %dma_wait3A_129 = arith.constant 0 : i32
        %dma_wait3A_130 = tpu.memref_slice %arg6[%dma_wait3A, %dma_wait3A_129] : memref<80x128xi32, #tpu.memory_space<vmem>> -> memref<1x128xi32, #tpu.memory_space<vmem>>
        %dma_wait3A_131 = tpu.memref_squeeze %dma_wait3A_130 : memref<1x128xi32, #tpu.memory_space<vmem>> -> memref<128xi32, #tpu.memory_space<vmem>>
        %dma_wait3A_132 = arith.constant 0 : i32
        %dma_wait3A_133 = arith.constant 0 : i32
        %dma_wait3A_134 = tpu.memref_slice %arg15[%dma_wait3A_132, %dma_wait3A_133] : memref<10240x16xf32, #tpu.memory_space<vmem_shared>> -> memref<10240x16xf32, #tpu.memory_space<vmem_shared>>
        tpu.wait_indirect_dma semaphore(%arg18 : memref<!tpu.dma_semaphore, #tpu.memory_space<semaphore_mem>>) src(%dma_wait3A_134 : memref<10240x16xf32, #tpu.memory_space<vmem_shared>>) dst(%arg9 : memref<128x16xf32, #tpu.memory_space<vmem>>)
        %dma_start3A = arith.constant 0 : i32
        %dma_start3A_135 = tpu.memref_slice %arg7[%while3A_91, %dma_start3A] : memref<80x128xi32, #tpu.memory_space<vmem>> -> memref<1x128xi32, #tpu.memory_space<vmem>>
        %dma_start3A_136 = tpu.memref_squeeze %dma_start3A_135 : memref<1x128xi32, #tpu.memory_space<vmem>> -> memref<128xi32, #tpu.memory_space<vmem>>
        %dma_start3A_137 = arith.constant 0 : i32
        %dma_start3A_138 = arith.constant 0 : i32
        %dma_start3A_139 = tpu.memref_slice %arg16[%dma_start3A_137, %dma_start3A_138] : memref<10240x16xf32, #tpu.memory_space<vmem_shared>> -> memref<10240x16xf32, #tpu.memory_space<vmem_shared>>
        tpu.enqueue_indirect_dma source(%arg9 : memref<128x16xf32, #tpu.memory_space<vmem>>) target(%dma_start3A_139 : memref<10240x16xf32, #tpu.memory_space<vmem_shared>>) offsets(%dma_start3A_136 : memref<128xi32, #tpu.memory_space<vmem>>) semaphore(%arg24 : memref<!tpu.dma_semaphore, #tpu.memory_space<semaphore_mem>>) {add = true}
      } else {
      }
      %eq3A_103 = arith.constant 2 : i32
      %eq3A_104 = arith.cmpi eq, %rem3A_92, %eq3A_103 : i32
      %convert_element_type3A_105 = arith.extui %eq3A_104 : i1 to i32
      %cond3A_106 = arith.constant 0 : i32
      %cond3A_107 = arith.cmpi ne, %convert_element_type3A_105, %cond3A_106 : i32
      scf.if %cond3A_107 {
        %add3A_123 = arith.constant 3 : i32
        %add3A_124 = arith.addi %while3A_91, %add3A_123 : i32
        %lt3A_125 = arith.cmpi slt, %add3A_124, %select_n3A : i32
        %convert_element_type3A_126 = arith.extui %lt3A_125 : i1 to i32
        %cond3A_127 = arith.constant 0 : i32
        %cond3A_128 = arith.cmpi ne, %convert_element_type3A_126, %cond3A_127 : i32
        scf.if %cond3A_128 {
          %ge3A_140 = arith.constant 3 : i32
          %ge3A_141 = arith.cmpi sge, %while3A_91, %ge3A_140 : i32
          %convert_element_type3A_142 = arith.extui %ge3A_141 : i1 to i32
          %cond3A_143 = arith.constant 0 : i32
          %cond3A_144 = arith.cmpi ne, %convert_element_type3A_142, %cond3A_143 : i32
          scf.if %cond3A_144 {
            %dma_wait3A_153 = arith.constant 0 : i32
            %dma_wait3A_154 = arith.constant 0 : i32
            %dma_wait3A_155 = tpu.memref_slice %arg7[%dma_wait3A_153, %dma_wait3A_154] : memref<80x128xi32, #tpu.memory_space<vmem>> -> memref<1x128xi32, #tpu.memory_space<vmem>>
            %dma_wait3A_156 = tpu.memref_squeeze %dma_wait3A_155 : memref<1x128xi32, #tpu.memory_space<vmem>> -> memref<128xi32, #tpu.memory_space<vmem>>
            %dma_wait3A_157 = arith.constant 0 : i32
            %dma_wait3A_158 = arith.constant 0 : i32
            %dma_wait3A_159 = tpu.memref_slice %arg16[%dma_wait3A_157, %dma_wait3A_158] : memref<10240x16xf32, #tpu.memory_space<vmem_shared>> -> memref<10240x16xf32, #tpu.memory_space<vmem_shared>>
            tpu.wait_indirect_dma semaphore(%arg28 : memref<!tpu.dma_semaphore, #tpu.memory_space<semaphore_mem>>) src(%arg13 : memref<128x16xf32, #tpu.memory_space<vmem>>) dst(%dma_wait3A_159 : memref<10240x16xf32, #tpu.memory_space<vmem_shared>>)
          } else {
          }
          %add3A_145 = arith.constant 3 : i32
          %add3A_146 = arith.addi %while3A_91, %add3A_145 : i32
          %dma_start3A_147 = arith.constant 0 : i32
          %dma_start3A_148 = tpu.memref_slice %arg6[%add3A_146, %dma_start3A_147] : memref<80x128xi32, #tpu.memory_space<vmem>> -> memref<1x128xi32, #tpu.memory_space<vmem>>
          %dma_start3A_149 = tpu.memref_squeeze %dma_start3A_148 : memref<1x128xi32, #tpu.memory_space<vmem>> -> memref<128xi32, #tpu.memory_space<vmem>>
          %dma_start3A_150 = arith.constant 0 : i32
          %dma_start3A_151 = arith.constant 0 : i32
          %dma_start3A_152 = tpu.memref_slice %arg15[%dma_start3A_150, %dma_start3A_151] : memref<10240x16xf32, #tpu.memory_space<vmem_shared>> -> memref<10240x16xf32, #tpu.memory_space<vmem_shared>>
          tpu.enqueue_indirect_dma source(%dma_start3A_152 : memref<10240x16xf32, #tpu.memory_space<vmem_shared>>) target(%arg13 : memref<128x16xf32, #tpu.memory_space<vmem>>) offsets(%dma_start3A_149 : memref<128xi32, #tpu.memory_space<vmem>>) semaphore(%arg22 : memref<!tpu.dma_semaphore, #tpu.memory_space<semaphore_mem>>)
        } else {
        }
        %dma_wait3A = arith.constant 0 : i32
        %dma_wait3A_129 = arith.constant 0 : i32
        %dma_wait3A_130 = tpu.memref_slice %arg6[%dma_wait3A, %dma_wait3A_129] : memref<80x128xi32, #tpu.memory_space<vmem>> -> memref<1x128xi32, #tpu.memory_space<vmem>>
        %dma_wait3A_131 = tpu.memref_squeeze %dma_wait3A_130 : memref<1x128xi32, #tpu.memory_space<vmem>> -> memref<128xi32, #tpu.memory_space<vmem>>
        %dma_wait3A_132 = arith.constant 0 : i32
        %dma_wait3A_133 = arith.constant 0 : i32
        %dma_wait3A_134 = tpu.memref_slice %arg15[%dma_wait3A_132, %dma_wait3A_133] : memref<10240x16xf32, #tpu.memory_space<vmem_shared>> -> memref<10240x16xf32, #tpu.memory_space<vmem_shared>>
        tpu.wait_indirect_dma semaphore(%arg19 : memref<!tpu.dma_semaphore, #tpu.memory_space<semaphore_mem>>) src(%dma_wait3A_134 : memref<10240x16xf32, #tpu.memory_space<vmem_shared>>) dst(%arg10 : memref<128x16xf32, #tpu.memory_space<vmem>>)
        %dma_start3A = arith.constant 0 : i32
        %dma_start3A_135 = tpu.memref_slice %arg7[%while3A_91, %dma_start3A] : memref<80x128xi32, #tpu.memory_space<vmem>> -> memref<1x128xi32, #tpu.memory_space<vmem>>
        %dma_start3A_136 = tpu.memref_squeeze %dma_start3A_135 : memref<1x128xi32, #tpu.memory_space<vmem>> -> memref<128xi32, #tpu.memory_space<vmem>>
        %dma_start3A_137 = arith.constant 0 : i32
        %dma_start3A_138 = arith.constant 0 : i32
        %dma_start3A_139 = tpu.memref_slice %arg16[%dma_start3A_137, %dma_start3A_138] : memref<10240x16xf32, #tpu.memory_space<vmem_shared>> -> memref<10240x16xf32, #tpu.memory_space<vmem_shared>>
        tpu.enqueue_indirect_dma source(%arg10 : memref<128x16xf32, #tpu.memory_space<vmem>>) target(%dma_start3A_139 : memref<10240x16xf32, #tpu.memory_space<vmem_shared>>) offsets(%dma_start3A_136 : memref<128xi32, #tpu.memory_space<vmem>>) semaphore(%arg25 : memref<!tpu.dma_semaphore, #tpu.memory_space<semaphore_mem>>) {add = true}
      } else {
      }
      %eq3A_108 = arith.constant 3 : i32
      %eq3A_109 = arith.cmpi eq, %rem3A_92, %eq3A_108 : i32
      %convert_element_type3A_110 = arith.extui %eq3A_109 : i1 to i32
      %cond3A_111 = arith.constant 0 : i32
      %cond3A_112 = arith.cmpi ne, %convert_element_type3A_110, %cond3A_111 : i32
      scf.if %cond3A_112 {
        %add3A_123 = arith.constant 3 : i32
        %add3A_124 = arith.addi %while3A_91, %add3A_123 : i32
        %lt3A_125 = arith.cmpi slt, %add3A_124, %select_n3A : i32
        %convert_element_type3A_126 = arith.extui %lt3A_125 : i1 to i32
        %cond3A_127 = arith.constant 0 : i32
        %cond3A_128 = arith.cmpi ne, %convert_element_type3A_126, %cond3A_127 : i32
        scf.if %cond3A_128 {
          %ge3A_140 = arith.constant 3 : i32
          %ge3A_141 = arith.cmpi sge, %while3A_91, %ge3A_140 : i32
          %convert_element_type3A_142 = arith.extui %ge3A_141 : i1 to i32
          %cond3A_143 = arith.constant 0 : i32
          %cond3A_144 = arith.cmpi ne, %convert_element_type3A_142, %cond3A_143 : i32
          scf.if %cond3A_144 {
            %dma_wait3A_153 = arith.constant 0 : i32
            %dma_wait3A_154 = arith.constant 0 : i32
            %dma_wait3A_155 = tpu.memref_slice %arg7[%dma_wait3A_153, %dma_wait3A_154] : memref<80x128xi32, #tpu.memory_space<vmem>> -> memref<1x128xi32, #tpu.memory_space<vmem>>
            %dma_wait3A_156 = tpu.memref_squeeze %dma_wait3A_155 : memref<1x128xi32, #tpu.memory_space<vmem>> -> memref<128xi32, #tpu.memory_space<vmem>>
            %dma_wait3A_157 = arith.constant 0 : i32
            %dma_wait3A_158 = arith.constant 0 : i32
            %dma_wait3A_159 = tpu.memref_slice %arg16[%dma_wait3A_157, %dma_wait3A_158] : memref<10240x16xf32, #tpu.memory_space<vmem_shared>> -> memref<10240x16xf32, #tpu.memory_space<vmem_shared>>
            tpu.wait_indirect_dma semaphore(%arg23 : memref<!tpu.dma_semaphore, #tpu.memory_space<semaphore_mem>>) src(%arg8 : memref<128x16xf32, #tpu.memory_space<vmem>>) dst(%dma_wait3A_159 : memref<10240x16xf32, #tpu.memory_space<vmem_shared>>)
          } else {
          }
          %add3A_145 = arith.constant 3 : i32
          %add3A_146 = arith.addi %while3A_91, %add3A_145 : i32
          %dma_start3A_147 = arith.constant 0 : i32
          %dma_start3A_148 = tpu.memref_slice %arg6[%add3A_146, %dma_start3A_147] : memref<80x128xi32, #tpu.memory_space<vmem>> -> memref<1x128xi32, #tpu.memory_space<vmem>>
          %dma_start3A_149 = tpu.memref_squeeze %dma_start3A_148 : memref<1x128xi32, #tpu.memory_space<vmem>> -> memref<128xi32, #tpu.memory_space<vmem>>
          %dma_start3A_150 = arith.constant 0 : i32
          %dma_start3A_151 = arith.constant 0 : i32
          %dma_start3A_152 = tpu.memref_slice %arg15[%dma_start3A_150, %dma_start3A_151] : memref<10240x16xf32, #tpu.memory_space<vmem_shared>> -> memref<10240x16xf32, #tpu.memory_space<vmem_shared>>
          tpu.enqueue_indirect_dma source(%dma_start3A_152 : memref<10240x16xf32, #tpu.memory_space<vmem_shared>>) target(%arg8 : memref<128x16xf32, #tpu.memory_space<vmem>>) offsets(%dma_start3A_149 : memref<128xi32, #tpu.memory_space<vmem>>) semaphore(%arg17 : memref<!tpu.dma_semaphore, #tpu.memory_space<semaphore_mem>>)
        } else {
        }
        %dma_wait3A = arith.constant 0 : i32
        %dma_wait3A_129 = arith.constant 0 : i32
        %dma_wait3A_130 = tpu.memref_slice %arg6[%dma_wait3A, %dma_wait3A_129] : memref<80x128xi32, #tpu.memory_space<vmem>> -> memref<1x128xi32, #tpu.memory_space<vmem>>
        %dma_wait3A_131 = tpu.memref_squeeze %dma_wait3A_130 : memref<1x128xi32, #tpu.memory_space<vmem>> -> memref<128xi32, #tpu.memory_space<vmem>>
        %dma_wait3A_132 = arith.constant 0 : i32
        %dma_wait3A_133 = arith.constant 0 : i32
        %dma_wait3A_134 = tpu.memref_slice %arg15[%dma_wait3A_132, %dma_wait3A_133] : memref<10240x16xf32, #tpu.memory_space<vmem_shared>> -> memref<10240x16xf32, #tpu.memory_space<vmem_shared>>
        tpu.wait_indirect_dma semaphore(%arg20 : memref<!tpu.dma_semaphore, #tpu.memory_space<semaphore_mem>>) src(%dma_wait3A_134 : memref<10240x16xf32, #tpu.memory_space<vmem_shared>>) dst(%arg11 : memref<128x16xf32, #tpu.memory_space<vmem>>)
        %dma_start3A = arith.constant 0 : i32
        %dma_start3A_135 = tpu.memref_slice %arg7[%while3A_91, %dma_start3A] : memref<80x128xi32, #tpu.memory_space<vmem>> -> memref<1x128xi32, #tpu.memory_space<vmem>>
        %dma_start3A_136 = tpu.memref_squeeze %dma_start3A_135 : memref<1x128xi32, #tpu.memory_space<vmem>> -> memref<128xi32, #tpu.memory_space<vmem>>
        %dma_start3A_137 = arith.constant 0 : i32
        %dma_start3A_138 = arith.constant 0 : i32
        %dma_start3A_139 = tpu.memref_slice %arg16[%dma_start3A_137, %dma_start3A_138] : memref<10240x16xf32, #tpu.memory_space<vmem_shared>> -> memref<10240x16xf32, #tpu.memory_space<vmem_shared>>
        tpu.enqueue_indirect_dma source(%arg11 : memref<128x16xf32, #tpu.memory_space<vmem>>) target(%dma_start3A_139 : memref<10240x16xf32, #tpu.memory_space<vmem_shared>>) offsets(%dma_start3A_136 : memref<128xi32, #tpu.memory_space<vmem>>) semaphore(%arg26 : memref<!tpu.dma_semaphore, #tpu.memory_space<semaphore_mem>>) {add = true}
      } else {
      }
      %eq3A_113 = arith.constant 4 : i32
      %eq3A_114 = arith.cmpi eq, %rem3A_92, %eq3A_113 : i32
      %convert_element_type3A_115 = arith.extui %eq3A_114 : i1 to i32
      %cond3A_116 = arith.constant 0 : i32
      %cond3A_117 = arith.cmpi ne, %convert_element_type3A_115, %cond3A_116 : i32
      scf.if %cond3A_117 {
        %add3A_123 = arith.constant 3 : i32
        %add3A_124 = arith.addi %while3A_91, %add3A_123 : i32
        %lt3A_125 = arith.cmpi slt, %add3A_124, %select_n3A : i32
        %convert_element_type3A_126 = arith.extui %lt3A_125 : i1 to i32
        %cond3A_127 = arith.constant 0 : i32
        %cond3A_128 = arith.cmpi ne, %convert_element_type3A_126, %cond3A_127 : i32
        scf.if %cond3A_128 {
          %ge3A_140 = arith.constant 3 : i32
          %ge3A_141 = arith.cmpi sge, %while3A_91, %ge3A_140 : i32
          %convert_element_type3A_142 = arith.extui %ge3A_141 : i1 to i32
          %cond3A_143 = arith.constant 0 : i32
          %cond3A_144 = arith.cmpi ne, %convert_element_type3A_142, %cond3A_143 : i32
          scf.if %cond3A_144 {
            %dma_wait3A_153 = arith.constant 0 : i32
            %dma_wait3A_154 = arith.constant 0 : i32
            %dma_wait3A_155 = tpu.memref_slice %arg7[%dma_wait3A_153, %dma_wait3A_154] : memref<80x128xi32, #tpu.memory_space<vmem>> -> memref<1x128xi32, #tpu.memory_space<vmem>>
            %dma_wait3A_156 = tpu.memref_squeeze %dma_wait3A_155 : memref<1x128xi32, #tpu.memory_space<vmem>> -> memref<128xi32, #tpu.memory_space<vmem>>
            %dma_wait3A_157 = arith.constant 0 : i32
            %dma_wait3A_158 = arith.constant 0 : i32
            %dma_wait3A_159 = tpu.memref_slice %arg16[%dma_wait3A_157, %dma_wait3A_158] : memref<10240x16xf32, #tpu.memory_space<vmem_shared>> -> memref<10240x16xf32, #tpu.memory_space<vmem_shared>>
            tpu.wait_indirect_dma semaphore(%arg24 : memref<!tpu.dma_semaphore, #tpu.memory_space<semaphore_mem>>) src(%arg9 : memref<128x16xf32, #tpu.memory_space<vmem>>) dst(%dma_wait3A_159 : memref<10240x16xf32, #tpu.memory_space<vmem_shared>>)
          } else {
          }
          %add3A_145 = arith.constant 3 : i32
          %add3A_146 = arith.addi %while3A_91, %add3A_145 : i32
          %dma_start3A_147 = arith.constant 0 : i32
          %dma_start3A_148 = tpu.memref_slice %arg6[%add3A_146, %dma_start3A_147] : memref<80x128xi32, #tpu.memory_space<vmem>> -> memref<1x128xi32, #tpu.memory_space<vmem>>
          %dma_start3A_149 = tpu.memref_squeeze %dma_start3A_148 : memref<1x128xi32, #tpu.memory_space<vmem>> -> memref<128xi32, #tpu.memory_space<vmem>>
          %dma_start3A_150 = arith.constant 0 : i32
          %dma_start3A_151 = arith.constant 0 : i32
          %dma_start3A_152 = tpu.memref_slice %arg15[%dma_start3A_150, %dma_start3A_151] : memref<10240x16xf32, #tpu.memory_space<vmem_shared>> -> memref<10240x16xf32, #tpu.memory_space<vmem_shared>>
          tpu.enqueue_indirect_dma source(%dma_start3A_152 : memref<10240x16xf32, #tpu.memory_space<vmem_shared>>) target(%arg9 : memref<128x16xf32, #tpu.memory_space<vmem>>) offsets(%dma_start3A_149 : memref<128xi32, #tpu.memory_space<vmem>>) semaphore(%arg18 : memref<!tpu.dma_semaphore, #tpu.memory_space<semaphore_mem>>)
        } else {
        }
        %dma_wait3A = arith.constant 0 : i32
        %dma_wait3A_129 = arith.constant 0 : i32
        %dma_wait3A_130 = tpu.memref_slice %arg6[%dma_wait3A, %dma_wait3A_129] : memref<80x128xi32, #tpu.memory_space<vmem>> -> memref<1x128xi32, #tpu.memory_space<vmem>>
        %dma_wait3A_131 = tpu.memref_squeeze %dma_wait3A_130 : memref<1x128xi32, #tpu.memory_space<vmem>> -> memref<128xi32, #tpu.memory_space<vmem>>
        %dma_wait3A_132 = arith.constant 0 : i32
        %dma_wait3A_133 = arith.constant 0 : i32
        %dma_wait3A_134 = tpu.memref_slice %arg15[%dma_wait3A_132, %dma_wait3A_133] : memref<10240x16xf32, #tpu.memory_space<vmem_shared>> -> memref<10240x16xf32, #tpu.memory_space<vmem_shared>>
        tpu.wait_indirect_dma semaphore(%arg21 : memref<!tpu.dma_semaphore, #tpu.memory_space<semaphore_mem>>) src(%dma_wait3A_134 : memref<10240x16xf32, #tpu.memory_space<vmem_shared>>) dst(%arg12 : memref<128x16xf32, #tpu.memory_space<vmem>>)
        %dma_start3A = arith.constant 0 : i32
        %dma_start3A_135 = tpu.memref_slice %arg7[%while3A_91, %dma_start3A] : memref<80x128xi32, #tpu.memory_space<vmem>> -> memref<1x128xi32, #tpu.memory_space<vmem>>
        %dma_start3A_136 = tpu.memref_squeeze %dma_start3A_135 : memref<1x128xi32, #tpu.memory_space<vmem>> -> memref<128xi32, #tpu.memory_space<vmem>>
        %dma_start3A_137 = arith.constant 0 : i32
        %dma_start3A_138 = arith.constant 0 : i32
        %dma_start3A_139 = tpu.memref_slice %arg16[%dma_start3A_137, %dma_start3A_138] : memref<10240x16xf32, #tpu.memory_space<vmem_shared>> -> memref<10240x16xf32, #tpu.memory_space<vmem_shared>>
        tpu.enqueue_indirect_dma source(%arg12 : memref<128x16xf32, #tpu.memory_space<vmem>>) target(%dma_start3A_139 : memref<10240x16xf32, #tpu.memory_space<vmem_shared>>) offsets(%dma_start3A_136 : memref<128xi32, #tpu.memory_space<vmem>>) semaphore(%arg27 : memref<!tpu.dma_semaphore, #tpu.memory_space<semaphore_mem>>) {add = true}
      } else {
      }
      %eq3A_118 = arith.constant 5 : i32
      %eq3A_119 = arith.cmpi eq, %rem3A_92, %eq3A_118 : i32
      %convert_element_type3A_120 = arith.extui %eq3A_119 : i1 to i32
      %cond3A_121 = arith.constant 0 : i32
      %cond3A_122 = arith.cmpi ne, %convert_element_type3A_120, %cond3A_121 : i32
      scf.if %cond3A_122 {
        %add3A_123 = arith.constant 3 : i32
        %add3A_124 = arith.addi %while3A_91, %add3A_123 : i32
        %lt3A_125 = arith.cmpi slt, %add3A_124, %select_n3A : i32
        %convert_element_type3A_126 = arith.extui %lt3A_125 : i1 to i32
        %cond3A_127 = arith.constant 0 : i32
        %cond3A_128 = arith.cmpi ne, %convert_element_type3A_126, %cond3A_127 : i32
        scf.if %cond3A_128 {
          %ge3A_140 = arith.constant 3 : i32
          %ge3A_141 = arith.cmpi sge, %while3A_91, %ge3A_140 : i32
          %convert_element_type3A_142 = arith.extui %ge3A_141 : i1 to i32
          %cond3A_143 = arith.constant 0 : i32
          %cond3A_144 = arith.cmpi ne, %convert_element_type3A_142, %cond3A_143 : i32
          scf.if %cond3A_144 {
            %dma_wait3A_153 = arith.constant 0 : i32
            %dma_wait3A_154 = arith.constant 0 : i32
            %dma_wait3A_155 = tpu.memref_slice %arg7[%dma_wait3A_153, %dma_wait3A_154] : memref<80x128xi32, #tpu.memory_space<vmem>> -> memref<1x128xi32, #tpu.memory_space<vmem>>
            %dma_wait3A_156 = tpu.memref_squeeze %dma_wait3A_155 : memref<1x128xi32, #tpu.memory_space<vmem>> -> memref<128xi32, #tpu.memory_space<vmem>>
            %dma_wait3A_157 = arith.constant 0 : i32
            %dma_wait3A_158 = arith.constant 0 : i32
            %dma_wait3A_159 = tpu.memref_slice %arg16[%dma_wait3A_157, %dma_wait3A_158] : memref<10240x16xf32, #tpu.memory_space<vmem_shared>> -> memref<10240x16xf32, #tpu.memory_space<vmem_shared>>
            tpu.wait_indirect_dma semaphore(%arg25 : memref<!tpu.dma_semaphore, #tpu.memory_space<semaphore_mem>>) src(%arg10 : memref<128x16xf32, #tpu.memory_space<vmem>>) dst(%dma_wait3A_159 : memref<10240x16xf32, #tpu.memory_space<vmem_shared>>)
          } else {
          }
          %add3A_145 = arith.constant 3 : i32
          %add3A_146 = arith.addi %while3A_91, %add3A_145 : i32
          %dma_start3A_147 = arith.constant 0 : i32
          %dma_start3A_148 = tpu.memref_slice %arg6[%add3A_146, %dma_start3A_147] : memref<80x128xi32, #tpu.memory_space<vmem>> -> memref<1x128xi32, #tpu.memory_space<vmem>>
          %dma_start3A_149 = tpu.memref_squeeze %dma_start3A_148 : memref<1x128xi32, #tpu.memory_space<vmem>> -> memref<128xi32, #tpu.memory_space<vmem>>
          %dma_start3A_150 = arith.constant 0 : i32
          %dma_start3A_151 = arith.constant 0 : i32
          %dma_start3A_152 = tpu.memref_slice %arg15[%dma_start3A_150, %dma_start3A_151] : memref<10240x16xf32, #tpu.memory_space<vmem_shared>> -> memref<10240x16xf32, #tpu.memory_space<vmem_shared>>
          tpu.enqueue_indirect_dma source(%dma_start3A_152 : memref<10240x16xf32, #tpu.memory_space<vmem_shared>>) target(%arg10 : memref<128x16xf32, #tpu.memory_space<vmem>>) offsets(%dma_start3A_149 : memref<128xi32, #tpu.memory_space<vmem>>) semaphore(%arg19 : memref<!tpu.dma_semaphore, #tpu.memory_space<semaphore_mem>>)
        } else {
        }
        %dma_wait3A = arith.constant 0 : i32
        %dma_wait3A_129 = arith.constant 0 : i32
        %dma_wait3A_130 = tpu.memref_slice %arg6[%dma_wait3A, %dma_wait3A_129] : memref<80x128xi32, #tpu.memory_space<vmem>> -> memref<1x128xi32, #tpu.memory_space<vmem>>
        %dma_wait3A_131 = tpu.memref_squeeze %dma_wait3A_130 : memref<1x128xi32, #tpu.memory_space<vmem>> -> memref<128xi32, #tpu.memory_space<vmem>>
        %dma_wait3A_132 = arith.constant 0 : i32
        %dma_wait3A_133 = arith.constant 0 : i32
        %dma_wait3A_134 = tpu.memref_slice %arg15[%dma_wait3A_132, %dma_wait3A_133] : memref<10240x16xf32, #tpu.memory_space<vmem_shared>> -> memref<10240x16xf32, #tpu.memory_space<vmem_shared>>
        tpu.wait_indirect_dma semaphore(%arg22 : memref<!tpu.dma_semaphore, #tpu.memory_space<semaphore_mem>>) src(%dma_wait3A_134 : memref<10240x16xf32, #tpu.memory_space<vmem_shared>>) dst(%arg13 : memref<128x16xf32, #tpu.memory_space<vmem>>)
        %dma_start3A = arith.constant 0 : i32
        %dma_start3A_135 = tpu.memref_slice %arg7[%while3A_91, %dma_start3A] : memref<80x128xi32, #tpu.memory_space<vmem>> -> memref<1x128xi32, #tpu.memory_space<vmem>>
        %dma_start3A_136 = tpu.memref_squeeze %dma_start3A_135 : memref<1x128xi32, #tpu.memory_space<vmem>> -> memref<128xi32, #tpu.memory_space<vmem>>
        %dma_start3A_137 = arith.constant 0 : i32
        %dma_start3A_138 = arith.constant 0 : i32
        %dma_start3A_139 = tpu.memref_slice %arg16[%dma_start3A_137, %dma_start3A_138] : memref<10240x16xf32, #tpu.memory_space<vmem_shared>> -> memref<10240x16xf32, #tpu.memory_space<vmem_shared>>
        tpu.enqueue_indirect_dma source(%arg13 : memref<128x16xf32, #tpu.memory_space<vmem>>) target(%dma_start3A_139 : memref<10240x16xf32, #tpu.memory_space<vmem_shared>>) offsets(%dma_start3A_136 : memref<128xi32, #tpu.memory_space<vmem>>) semaphore(%arg28 : memref<!tpu.dma_semaphore, #tpu.memory_space<semaphore_mem>>) {add = true}
      } else {
      }
    }
    %ge3A_56 = arith.constant 1 : i32
    %ge3A_57 = arith.cmpi sge, %select_n3A, %ge3A_56 : i32
    %convert_element_type3A_58 = arith.extui %ge3A_57 : i1 to i32
    %cond3A_59 = arith.constant 0 : i32
    %cond3A_60 = arith.cmpi ne, %convert_element_type3A_58, %cond3A_59 : i32
    scf.if %cond3A_60 {
      %dma_wait3A = arith.constant 0 : i32
      %dma_wait3A_91 = arith.constant 0 : i32
      %dma_wait3A_92 = tpu.memref_slice %arg7[%dma_wait3A, %dma_wait3A_91] : memref<80x128xi32, #tpu.memory_space<vmem>> -> memref<1x128xi32, #tpu.memory_space<vmem>>
      %dma_wait3A_93 = tpu.memref_squeeze %dma_wait3A_92 : memref<1x128xi32, #tpu.memory_space<vmem>> -> memref<128xi32, #tpu.memory_space<vmem>>
      %dma_wait3A_94 = arith.constant 0 : i32
      %dma_wait3A_95 = arith.constant 0 : i32
      %dma_wait3A_96 = tpu.memref_slice %arg16[%dma_wait3A_94, %dma_wait3A_95] : memref<10240x16xf32, #tpu.memory_space<vmem_shared>> -> memref<10240x16xf32, #tpu.memory_space<vmem_shared>>
      tpu.wait_indirect_dma semaphore(%arg23 : memref<!tpu.dma_semaphore, #tpu.memory_space<semaphore_mem>>) src(%arg8 : memref<128x16xf32, #tpu.memory_space<vmem>>) dst(%dma_wait3A_96 : memref<10240x16xf32, #tpu.memory_space<vmem_shared>>)
    } else {
    }
    %ge3A_61 = arith.constant 2 : i32
    %ge3A_62 = arith.cmpi sge, %select_n3A, %ge3A_61 : i32
    %convert_element_type3A_63 = arith.extui %ge3A_62 : i1 to i32
    %cond3A_64 = arith.constant 0 : i32
    %cond3A_65 = arith.cmpi ne, %convert_element_type3A_63, %cond3A_64 : i32
    scf.if %cond3A_65 {
      %dma_wait3A = arith.constant 0 : i32
      %dma_wait3A_91 = arith.constant 0 : i32
      %dma_wait3A_92 = tpu.memref_slice %arg7[%dma_wait3A, %dma_wait3A_91] : memref<80x128xi32, #tpu.memory_space<vmem>> -> memref<1x128xi32, #tpu.memory_space<vmem>>
      %dma_wait3A_93 = tpu.memref_squeeze %dma_wait3A_92 : memref<1x128xi32, #tpu.memory_space<vmem>> -> memref<128xi32, #tpu.memory_space<vmem>>
      %dma_wait3A_94 = arith.constant 0 : i32
      %dma_wait3A_95 = arith.constant 0 : i32
      %dma_wait3A_96 = tpu.memref_slice %arg16[%dma_wait3A_94, %dma_wait3A_95] : memref<10240x16xf32, #tpu.memory_space<vmem_shared>> -> memref<10240x16xf32, #tpu.memory_space<vmem_shared>>
      tpu.wait_indirect_dma semaphore(%arg24 : memref<!tpu.dma_semaphore, #tpu.memory_space<semaphore_mem>>) src(%arg9 : memref<128x16xf32, #tpu.memory_space<vmem>>) dst(%dma_wait3A_96 : memref<10240x16xf32, #tpu.memory_space<vmem_shared>>)
    } else {
    }
    %ge3A_66 = arith.constant 3 : i32
    %ge3A_67 = arith.cmpi sge, %select_n3A, %ge3A_66 : i32
    %convert_element_type3A_68 = arith.extui %ge3A_67 : i1 to i32
    %cond3A_69 = arith.constant 0 : i32
    %cond3A_70 = arith.cmpi ne, %convert_element_type3A_68, %cond3A_69 : i32
    scf.if %cond3A_70 {
      %dma_wait3A = arith.constant 0 : i32
      %dma_wait3A_91 = arith.constant 0 : i32
      %dma_wait3A_92 = tpu.memref_slice %arg7[%dma_wait3A, %dma_wait3A_91] : memref<80x128xi32, #tpu.memory_space<vmem>> -> memref<1x128xi32, #tpu.memory_space<vmem>>
      %dma_wait3A_93 = tpu.memref_squeeze %dma_wait3A_92 : memref<1x128xi32, #tpu.memory_space<vmem>> -> memref<128xi32, #tpu.memory_space<vmem>>
      %dma_wait3A_94 = arith.constant 0 : i32
      %dma_wait3A_95 = arith.constant 0 : i32
      %dma_wait3A_96 = tpu.memref_slice %arg16[%dma_wait3A_94, %dma_wait3A_95] : memref<10240x16xf32, #tpu.memory_space<vmem_shared>> -> memref<10240x16xf32, #tpu.memory_space<vmem_shared>>
      tpu.wait_indirect_dma semaphore(%arg25 : memref<!tpu.dma_semaphore, #tpu.memory_space<semaphore_mem>>) src(%arg10 : memref<128x16xf32, #tpu.memory_space<vmem>>) dst(%dma_wait3A_96 : memref<10240x16xf32, #tpu.memory_space<vmem_shared>>)
    } else {
    }
    %ge3A_71 = arith.constant 4 : i32
    %ge3A_72 = arith.cmpi sge, %select_n3A, %ge3A_71 : i32
    %convert_element_type3A_73 = arith.extui %ge3A_72 : i1 to i32
    %cond3A_74 = arith.constant 0 : i32
    %cond3A_75 = arith.cmpi ne, %convert_element_type3A_73, %cond3A_74 : i32
    scf.if %cond3A_75 {
      %dma_wait3A = arith.constant 0 : i32
      %dma_wait3A_91 = arith.constant 0 : i32
      %dma_wait3A_92 = tpu.memref_slice %arg7[%dma_wait3A, %dma_wait3A_91] : memref<80x128xi32, #tpu.memory_space<vmem>> -> memref<1x128xi32, #tpu.memory_space<vmem>>
      %dma_wait3A_93 = tpu.memref_squeeze %dma_wait3A_92 : memref<1x128xi32, #tpu.memory_space<vmem>> -> memref<128xi32, #tpu.memory_space<vmem>>
      %dma_wait3A_94 = arith.constant 0 : i32
      %dma_wait3A_95 = arith.constant 0 : i32
      %dma_wait3A_96 = tpu.memref_slice %arg16[%dma_wait3A_94, %dma_wait3A_95] : memref<10240x16xf32, #tpu.memory_space<vmem_shared>> -> memref<10240x16xf32, #tpu.memory_space<vmem_shared>>
      tpu.wait_indirect_dma semaphore(%arg26 : memref<!tpu.dma_semaphore, #tpu.memory_space<semaphore_mem>>) src(%arg11 : memref<128x16xf32, #tpu.memory_space<vmem>>) dst(%dma_wait3A_96 : memref<10240x16xf32, #tpu.memory_space<vmem_shared>>)
    } else {
    }
    %ge3A_76 = arith.constant 5 : i32
    %ge3A_77 = arith.cmpi sge, %select_n3A, %ge3A_76 : i32
    %convert_element_type3A_78 = arith.extui %ge3A_77 : i1 to i32
    %cond3A_79 = arith.constant 0 : i32
    %cond3A_80 = arith.cmpi ne, %convert_element_type3A_78, %cond3A_79 : i32
    scf.if %cond3A_80 {
      %dma_wait3A = arith.constant 0 : i32
      %dma_wait3A_91 = arith.constant 0 : i32
      %dma_wait3A_92 = tpu.memref_slice %arg7[%dma_wait3A, %dma_wait3A_91] : memref<80x128xi32, #tpu.memory_space<vmem>> -> memref<1x128xi32, #tpu.memory_space<vmem>>
      %dma_wait3A_93 = tpu.memref_squeeze %dma_wait3A_92 : memref<1x128xi32, #tpu.memory_space<vmem>> -> memref<128xi32, #tpu.memory_space<vmem>>
      %dma_wait3A_94 = arith.constant 0 : i32
      %dma_wait3A_95 = arith.constant 0 : i32
      %dma_wait3A_96 = tpu.memref_slice %arg16[%dma_wait3A_94, %dma_wait3A_95] : memref<10240x16xf32, #tpu.memory_space<vmem_shared>> -> memref<10240x16xf32, #tpu.memory_space<vmem_shared>>
      tpu.wait_indirect_dma semaphore(%arg27 : memref<!tpu.dma_semaphore, #tpu.memory_space<semaphore_mem>>) src(%arg12 : memref<128x16xf32, #tpu.memory_space<vmem>>) dst(%dma_wait3A_96 : memref<10240x16xf32, #tpu.memory_space<vmem_shared>>)
    } else {
    }
    %ge3A_81 = arith.constant 6 : i32
    %ge3A_82 = arith.cmpi sge, %select_n3A, %ge3A_81 : i32
    %convert_element_type3A_83 = arith.extui %ge3A_82 : i1 to i32
    %cond3A_84 = arith.constant 0 : i32
    %cond3A_85 = arith.cmpi ne, %convert_element_type3A_83, %cond3A_84 : i32
    scf.if %cond3A_85 {
      %dma_wait3A = arith.constant 0 : i32
      %dma_wait3A_91 = arith.constant 0 : i32
      %dma_wait3A_92 = tpu.memref_slice %arg7[%dma_wait3A, %dma_wait3A_91] : memref<80x128xi32, #tpu.memory_space<vmem>> -> memref<1x128xi32, #tpu.memory_space<vmem>>
      %dma_wait3A_93 = tpu.memref_squeeze %dma_wait3A_92 : memref<1x128xi32, #tpu.memory_space<vmem>> -> memref<128xi32, #tpu.memory_space<vmem>>
      %dma_wait3A_94 = arith.constant 0 : i32
      %dma_wait3A_95 = arith.constant 0 : i32
      %dma_wait3A_96 = tpu.memref_slice %arg16[%dma_wait3A_94, %dma_wait3A_95] : memref<10240x16xf32, #tpu.memory_space<vmem_shared>> -> memref<10240x16xf32, #tpu.memory_space<vmem_shared>>
      tpu.wait_indirect_dma semaphore(%arg28 : memref<!tpu.dma_semaphore, #tpu.memory_space<semaphore_mem>>) src(%arg13 : memref<128x16xf32, #tpu.memory_space<vmem>>) dst(%dma_wait3A_96 : memref<10240x16xf32, #tpu.memory_space<vmem_shared>>)
    } else {
    }
    %barrier3A_86 = arith.constant 0 : index
    tpu.barrier barrier_id(%barrier3A_86)
    %mul3A_87 = arith.constant 640 : i32
    %mul3A_88 = arith.muli %arg1, %mul3A_87 : i32
    "tpu.region"() ({
      %run_scoped3A = tpu.sem_alloc : memref<!tpu.dma_semaphore, #tpu.memory_space<semaphore_mem>>
      %dma_start3A = arith.constant 0 : i32
      %dma_start3A_91 = tpu.memref_slice %arg16[%mul3A_88, %dma_start3A] : memref<10240x16xf32, #tpu.memory_space<vmem_shared>> -> memref<640x16xf32, #tpu.memory_space<vmem_shared>>
      %dma_start3A_92 = arith.constant 0 : i32
      %dma_start3A_93 = tpu.memref_slice %arg16[%mul3A_88, %dma_start3A_92] : memref<10240x16xf32, #tpu.memory_space<vmem_shared>> -> memref<640x16xf32, #tpu.memory_space<vmem_shared>>
      tpu.enqueue_dma source(%dma_start3A_93 : memref<640x16xf32, #tpu.memory_space<vmem_shared>>) target(%arg14 : memref<640x16xf32, #tpu.memory_space<vmem>>) target_semaphore(%run_scoped3A : memref<!tpu.dma_semaphore, #tpu.memory_space<semaphore_mem>>)
      %dma_wait3A = arith.constant 0 : i32
      %dma_wait3A_94 = tpu.memref_slice %arg16[%mul3A_88, %dma_wait3A] : memref<10240x16xf32, #tpu.memory_space<vmem_shared>> -> memref<640x16xf32, #tpu.memory_space<vmem_shared>>
      %dma_wait3A_95 = arith.constant 0 : i32
      %dma_wait3A_96 = tpu.memref_slice %arg16[%mul3A_88, %dma_wait3A_95] : memref<10240x16xf32, #tpu.memory_space<vmem_shared>> -> memref<640x16xf32, #tpu.memory_space<vmem_shared>>
      tpu.wait_dma2 semaphore(%run_scoped3A : memref<!tpu.dma_semaphore, #tpu.memory_space<semaphore_mem>>) src(%dma_wait3A_96 : memref<640x16xf32, #tpu.memory_space<vmem_shared>>) dst(%arg14 : memref<640x16xf32, #tpu.memory_space<vmem>>)
      tpu.yield
    }) : () -> ()
    %mul3A_89 = arith.constant 640 : i32
    %mul3A_90 = arith.muli %arg1, %mul3A_89 : i32
    "tpu.region"() ({
      %run_scoped3A = tpu.sem_alloc : memref<!tpu.dma_semaphore, #tpu.memory_space<semaphore_mem>>
      %dma_start3A = arith.constant 0 : i32
      %dma_start3A_91 = tpu.memref_slice %arg5[%arg0, %mul3A_90, %dma_start3A] : memref<2x10240x16xf32, #tpu.memory_space<hbm>> -> memref<1x640x16xf32, #tpu.memory_space<hbm>>
      %dma_start3A_92 = tpu.memref_squeeze %dma_start3A_91 : memref<1x640x16xf32, #tpu.memory_space<hbm>> -> memref<640x16xf32, #tpu.memory_space<hbm>>
      %dma_start3A_93 = arith.constant 0 : i32
      %dma_start3A_94 = tpu.memref_slice %arg5[%arg0, %mul3A_90, %dma_start3A_93] : memref<2x10240x16xf32, #tpu.memory_space<hbm>> -> memref<1x640x16xf32, #tpu.memory_space<hbm>>
      %dma_start3A_95 = tpu.memref_squeeze %dma_start3A_94 : memref<1x640x16xf32, #tpu.memory_space<hbm>> -> memref<640x16xf32, #tpu.memory_space<hbm>>
      tpu.enqueue_dma source(%arg14 : memref<640x16xf32, #tpu.memory_space<vmem>>) target(%dma_start3A_95 : memref<640x16xf32, #tpu.memory_space<hbm>>) target_semaphore(%run_scoped3A : memref<!tpu.dma_semaphore, #tpu.memory_space<semaphore_mem>>)
      %dma_wait3A = arith.constant 0 : i32
      %dma_wait3A_96 = tpu.memref_slice %arg5[%arg0, %mul3A_90, %dma_wait3A] : memref<2x10240x16xf32, #tpu.memory_space<hbm>> -> memref<1x640x16xf32, #tpu.memory_space<hbm>>
      %dma_wait3A_97 = tpu.memref_squeeze %dma_wait3A_96 : memref<1x640x16xf32, #tpu.memory_space<hbm>> -> memref<640x16xf32, #tpu.memory_space<hbm>>
      %dma_wait3A_98 = arith.constant 0 : i32
      %dma_wait3A_99 = tpu.memref_slice %arg5[%arg0, %mul3A_90, %dma_wait3A_98] : memref<2x10240x16xf32, #tpu.memory_space<hbm>> -> memref<1x640x16xf32, #tpu.memory_space<hbm>>
      %dma_wait3A_100 = tpu.memref_squeeze %dma_wait3A_99 : memref<1x640x16xf32, #tpu.memory_space<hbm>> -> memref<640x16xf32, #tpu.memory_space<hbm>>
      tpu.wait_dma2 semaphore(%run_scoped3A : memref<!tpu.dma_semaphore, #tpu.memory_space<semaphore_mem>>) src(%arg14 : memref<640x16xf32, #tpu.memory_space<vmem>>) dst(%dma_wait3A_100 : memref<640x16xf32, #tpu.memory_space<hbm>>)
      tpu.yield
    }) : () -> ()
    return
  }
}

#map = affine_map<(d0, d1) -> (0, 0)>
#map1 = affine_map<(d0, d1) -> (0, 0, 0)>
module attributes {stable_mosaic.version = 14 : i64} {
  func.func @k(%arg0: i32, %arg1: i32, %arg2: memref<10240x16xf32, #tpu.memory_space<hbm>>, %arg3: memref<2560x128xi32, #tpu.memory_space<hbm>>, %arg4: memref<2560x128xi32, #tpu.memory_space<hbm>>, %arg5: memref<2x10240x16xf32, #tpu.memory_space<hbm>>, %arg6: memref<80x128xi32, #tpu.memory_space<vmem>>, %arg7: memref<80x128xi32, #tpu.memory_space<vmem>>, %arg8: memref<128x16xf32, #tpu.memory_space<vmem>>, %arg9: memref<128x16xf32, #tpu.memory_space<vmem>>, %arg10: memref<128x16xf32, #tpu.memory_space<vmem>>, %arg11: memref<128x16xf32, #tpu.memory_space<vmem>>, %arg12: memref<128x16xf32, #tpu.memory_space<vmem>>, %arg13: memref<128x16xf32, #tpu.memory_space<vmem>>, %arg14: memref<640x16xf32, #tpu.memory_space<vmem>>, %arg15: memref<10240x16xf32, #tpu.memory_space<vmem_shared>>, %arg16: memref<10240x16xf32, #tpu.memory_space<vmem_shared>>, %arg17: memref<!tpu.dma_semaphore, #tpu.memory_space<semaphore_mem>>, %arg18: memref<!tpu.dma_semaphore, #tpu.memory_space<semaphore_mem>>, %arg19: memref<!tpu.dma_semaphore, #tpu.memory_space<semaphore_mem>>, %arg20: memref<!tpu.dma_semaphore, #tpu.memory_space<semaphore_mem>>, %arg21: memref<!tpu.dma_semaphore, #tpu.memory_space<semaphore_mem>>, %arg22: memref<!tpu.dma_semaphore, #tpu.memory_space<semaphore_mem>>, %arg23: memref<!tpu.dma_semaphore, #tpu.memory_space<semaphore_mem>>, %arg24: memref<!tpu.dma_semaphore, #tpu.memory_space<semaphore_mem>>, %arg25: memref<!tpu.dma_semaphore, #tpu.memory_space<semaphore_mem>>, %arg26: memref<!tpu.dma_semaphore, #tpu.memory_space<semaphore_mem>>, %arg27: memref<!tpu.dma_semaphore, #tpu.memory_space<semaphore_mem>>, %arg28: memref<!tpu.dma_semaphore, #tpu.memory_space<semaphore_mem>>) attributes {dimension_semantics = [#tpu.dimension_semantics<core_parallel>, #tpu.dimension_semantics<subcore_parallel>], iteration_bounds = array<i64: 2, 16>, scalar_prefetch = 0 : i64, scratch_operands = 23 : i64, tpu.core_type = #tpu.core_type<sc_vector_subcore>, window_params = [{transform_indices = #map}, {transform_indices = #map}, {transform_indices = #map}, {transform_indices = #map1}]} {
    %mul3A = arith.constant 2 : i32
    %mul3A_0 = arith.muli %arg1, %mul3A : i32
    %add3A = arith.addi %mul3A_0, %arg0 : i32
    %mul3A_1 = arith.constant 80 : i32
    %mul3A_2 = arith.muli %add3A, %mul3A_1 : i32
    %lt3A = arith.constant 31 : i32
    %lt3A_3 = arith.cmpi slt, %add3A, %lt3A : i32
    %jit3A = arith.constant 80 : i32
    %jit3A_4 = arith.constant 20 : i32
    %select_n3A = arith.select %lt3A_3, %jit3A, %jit3A_4 : i32
    %lt3A_5 = arith.constant 31 : i32
    %lt3A_6 = arith.cmpi slt, %add3A, %lt3A_5 : i32
    %convert_element_type3A = arith.extui %lt3A_6 : i1 to i32
    %cond3A = arith.constant 0 : i32
    %cond3A_7 = arith.cmpi ne, %convert_element_type3A, %cond3A : i32
    scf.if %cond3A_7 {
      "tpu.region"() ({
        %run_scoped3A = tpu.sem_alloc : memref<!tpu.dma_semaphore, #tpu.memory_space<semaphore_mem>>
        %dma_start3A = arith.constant 0 : i32
        %dma_start3A_91 = tpu.memref_slice %arg3[%mul3A_2, %dma_start3A] : memref<2560x128xi32, #tpu.memory_space<hbm>> -> memref<80x128xi32, #tpu.memory_space<hbm>>
        %dma_start3A_92 = arith.constant 0 : i32
        %dma_start3A_93 = tpu.memref_slice %arg3[%mul3A_2, %dma_start3A_92] : memref<2560x128xi32, #tpu.memory_space<hbm>> -> memref<80x128xi32, #tpu.memory_space<hbm>>
        tpu.enqueue_dma source(%dma_start3A_93 : memref<80x128xi32, #tpu.memory_space<hbm>>) target(%arg6 : memref<80x128xi32, #tpu.memory_space<vmem>>) target_semaphore(%run_scoped3A : memref<!tpu.dma_semaphore, #tpu.memory_space<semaphore_mem>>)
        %dma_wait3A = arith.constant 0 : i32
        %dma_wait3A_94 = tpu.memref_slice %arg3[%mul3A_2, %dma_wait3A] : memref<2560x128xi32, #tpu.memory_space<hbm>> -> memref<80x128xi32, #tpu.memory_space<hbm>>
        %dma_wait3A_95 = arith.constant 0 : i32
        %dma_wait3A_96 = tpu.memref_slice %arg3[%mul3A_2, %dma_wait3A_95] : memref<2560x128xi32, #tpu.memory_space<hbm>> -> memref<80x128xi32, #tpu.memory_space<hbm>>
        tpu.wait_dma2 semaphore(%run_scoped3A : memref<!tpu.dma_semaphore, #tpu.memory_space<semaphore_mem>>) src(%dma_wait3A_96 : memref<80x128xi32, #tpu.memory_space<hbm>>) dst(%arg6 : memref<80x128xi32, #tpu.memory_space<vmem>>)
        tpu.yield
      }) : () -> ()
    } else {
    }
    %eq3A = arith.constant 31 : i32
    %eq3A_8 = arith.cmpi eq, %add3A, %eq3A : i32
    %convert_element_type3A_9 = arith.extui %eq3A_8 : i1 to i32
    %cond3A_10 = arith.constant 0 : i32
    %cond3A_11 = arith.cmpi ne, %convert_element_type3A_9, %cond3A_10 : i32
    scf.if %cond3A_11 {
      "tpu.region"() ({
        %run_scoped3A = tpu.sem_alloc : memref<!tpu.dma_semaphore, #tpu.memory_space<semaphore_mem>>
        %dma_start3A = arith.constant 0 : i32
        %dma_start3A_91 = arith.constant 0 : i32
        %dma_start3A_92 = tpu.memref_slice %arg6[%dma_start3A, %dma_start3A_91] : memref<80x128xi32, #tpu.memory_space<vmem>> -> memref<20x128xi32, #tpu.memory_space<vmem>>
        %dma_start3A_93 = arith.constant 2480 : i32
        %dma_start3A_94 = arith.constant 0 : i32
        %dma_start3A_95 = tpu.memref_slice %arg3[%dma_start3A_93, %dma_start3A_94] : memref<2560x128xi32, #tpu.memory_space<hbm>> -> memref<20x128xi32, #tpu.memory_space<hbm>>
        %dma_start3A_96 = arith.constant 0 : i32
        %dma_start3A_97 = arith.constant 0 : i32
        %dma_start3A_98 = tpu.memref_slice %arg6[%dma_start3A_96, %dma_start3A_97] : memref<80x128xi32, #tpu.memory_space<vmem>> -> memref<20x128xi32, #tpu.memory_space<vmem>>
        %dma_start3A_99 = arith.constant 2480 : i32
        %dma_start3A_100 = arith.constant 0 : i32
        %dma_start3A_101 = tpu.memref_slice %arg3[%dma_start3A_99, %dma_start3A_100] : memref<2560x128xi32, #tpu.memory_space<hbm>> -> memref<20x128xi32, #tpu.memory_space<hbm>>
        tpu.enqueue_dma source(%dma_start3A_101 : memref<20x128xi32, #tpu.memory_space<hbm>>) target(%dma_start3A_98 : memref<20x128xi32, #tpu.memory_space<vmem>>) target_semaphore(%run_scoped3A : memref<!tpu.dma_semaphore, #tpu.memory_space<semaphore_mem>>)
        %dma_wait3A = arith.constant 0 : i32
        %dma_wait3A_102 = arith.constant 0 : i32
        %dma_wait3A_103 = tpu.memref_slice %arg6[%dma_wait3A, %dma_wait3A_102] : memref<80x128xi32, #tpu.memory_space<vmem>> -> memref<20x128xi32, #tpu.memory_space<vmem>>
        %dma_wait3A_104 = arith.constant 2480 : i32
        %dma_wait3A_105 = arith.constant 0 : i32
        %dma_wait3A_106 = tpu.memref_slice %arg3[%dma_wait3A_104, %dma_wait3A_105] : memref<2560x128xi32, #tpu.memory_space<hbm>> -> memref<20x128xi32, #tpu.memory_space<hbm>>
        %dma_wait3A_107 = arith.constant 0 : i32
        %dma_wait3A_108 = arith.constant 0 : i32
        %dma_wait3A_109 = tpu.memref_slice %arg6[%dma_wait3A_107, %dma_wait3A_108] : memref<80x128xi32, #tpu.memory_space<vmem>> -> memref<20x128xi32, #tpu.memory_space<vmem>>
        %dma_wait3A_110 = arith.constant 2480 : i32
        %dma_wait3A_111 = arith.constant 0 : i32
        %dma_wait3A_112 = tpu.memref_slice %arg3[%dma_wait3A_110, %dma_wait3A_111] : memref<2560x128xi32, #tpu.memory_space<hbm>> -> memref<20x128xi32, #tpu.memory_space<hbm>>
        tpu.wait_dma2 semaphore(%run_scoped3A : memref<!tpu.dma_semaphore, #tpu.memory_space<semaphore_mem>>) src(%dma_wait3A_112 : memref<20x128xi32, #tpu.memory_space<hbm>>) dst(%dma_wait3A_109 : memref<20x128xi32, #tpu.memory_space<vmem>>)
        tpu.yield
      }) : () -> ()
    } else {
    }
    %lt3A_12 = arith.constant 31 : i32
    %lt3A_13 = arith.cmpi slt, %add3A, %lt3A_12 : i32
    %convert_element_type3A_14 = arith.extui %lt3A_13 : i1 to i32
    %cond3A_15 = arith.constant 0 : i32
    %cond3A_16 = arith.cmpi ne, %convert_element_type3A_14, %cond3A_15 : i32
    scf.if %cond3A_16 {
      "tpu.region"() ({
        %run_scoped3A = tpu.sem_alloc : memref<!tpu.dma_semaphore, #tpu.memory_space<semaphore_mem>>
        %dma_start3A = arith.constant 0 : i32
        %dma_start3A_91 = tpu.memref_slice %arg4[%mul3A_2, %dma_start3A] : memref<2560x128xi32, #tpu.memory_space<hbm>> -> memref<80x128xi32, #tpu.memory_space<hbm>>
        %dma_start3A_92 = arith.constant 0 : i32
        %dma_start3A_93 = tpu.memref_slice %arg4[%mul3A_2, %dma_start3A_92] : memref<2560x128xi32, #tpu.memory_space<hbm>> -> memref<80x128xi32, #tpu.memory_space<hbm>>
        tpu.enqueue_dma source(%dma_start3A_93 : memref<80x128xi32, #tpu.memory_space<hbm>>) target(%arg7 : memref<80x128xi32, #tpu.memory_space<vmem>>) target_semaphore(%run_scoped3A : memref<!tpu.dma_semaphore, #tpu.memory_space<semaphore_mem>>)
        %dma_wait3A = arith.constant 0 : i32
        %dma_wait3A_94 = tpu.memref_slice %arg4[%mul3A_2, %dma_wait3A] : memref<2560x128xi32, #tpu.memory_space<hbm>> -> memref<80x128xi32, #tpu.memory_space<hbm>>
        %dma_wait3A_95 = arith.constant 0 : i32
        %dma_wait3A_96 = tpu.memref_slice %arg4[%mul3A_2, %dma_wait3A_95] : memref<2560x128xi32, #tpu.memory_space<hbm>> -> memref<80x128xi32, #tpu.memory_space<hbm>>
        tpu.wait_dma2 semaphore(%run_scoped3A : memref<!tpu.dma_semaphore, #tpu.memory_space<semaphore_mem>>) src(%dma_wait3A_96 : memref<80x128xi32, #tpu.memory_space<hbm>>) dst(%arg7 : memref<80x128xi32, #tpu.memory_space<vmem>>)
        tpu.yield
      }) : () -> ()
    } else {
    }
    %eq3A_17 = arith.constant 31 : i32
    %eq3A_18 = arith.cmpi eq, %add3A, %eq3A_17 : i32
    %convert_element_type3A_19 = arith.extui %eq3A_18 : i1 to i32
    %cond3A_20 = arith.constant 0 : i32
    %cond3A_21 = arith.cmpi ne, %convert_element_type3A_19, %cond3A_20 : i32
    scf.if %cond3A_21 {
      "tpu.region"() ({
        %run_scoped3A = tpu.sem_alloc : memref<!tpu.dma_semaphore, #tpu.memory_space<semaphore_mem>>
        %dma_start3A = arith.constant 0 : i32
        %dma_start3A_91 = arith.constant 0 : i32
        %dma_start3A_92 = tpu.memref_slice %arg7[%dma_start3A, %dma_start3A_91] : memref<80x128xi32, #tpu.memory_space<vmem>> -> memref<20x128xi32, #tpu.memory_space<vmem>>
        %dma_start3A_93 = arith.constant 2480 : i32
        %dma_start3A_94 = arith.constant 0 : i32
        %dma_start3A_95 = tpu.memref_slice %arg4[%dma_start3A_93, %dma_start3A_94] : memref<2560x128xi32, #tpu.memory_space<hbm>> -> memref<20x128xi32, #tpu.memory_space<hbm>>
        %dma_start3A_96 = arith.constant 0 : i32
        %dma_start3A_97 = arith.constant 0 : i32
        %dma_start3A_98 = tpu.memref_slice %arg7[%dma_start3A_96, %dma_start3A_97] : memref<80x128xi32, #tpu.memory_space<vmem>> -> memref<20x128xi32, #tpu.memory_space<vmem>>
        %dma_start3A_99 = arith.constant 2480 : i32
        %dma_start3A_100 = arith.constant 0 : i32
        %dma_start3A_101 = tpu.memref_slice %arg4[%dma_start3A_99, %dma_start3A_100] : memref<2560x128xi32, #tpu.memory_space<hbm>> -> memref<20x128xi32, #tpu.memory_space<hbm>>
        tpu.enqueue_dma source(%dma_start3A_101 : memref<20x128xi32, #tpu.memory_space<hbm>>) target(%dma_start3A_98 : memref<20x128xi32, #tpu.memory_space<vmem>>) target_semaphore(%run_scoped3A : memref<!tpu.dma_semaphore, #tpu.memory_space<semaphore_mem>>)
        %dma_wait3A = arith.constant 0 : i32
        %dma_wait3A_102 = arith.constant 0 : i32
        %dma_wait3A_103 = tpu.memref_slice %arg7[%dma_wait3A, %dma_wait3A_102] : memref<80x128xi32, #tpu.memory_space<vmem>> -> memref<20x128xi32, #tpu.memory_space<vmem>>
        %dma_wait3A_104 = arith.constant 2480 : i32
        %dma_wait3A_105 = arith.constant 0 : i32
        %dma_wait3A_106 = tpu.memref_slice %arg4[%dma_wait3A_104, %dma_wait3A_105] : memref<2560x128xi32, #tpu.memory_space<hbm>> -> memref<20x128xi32, #tpu.memory_space<hbm>>
        %dma_wait3A_107 = arith.constant 0 : i32
        %dma_wait3A_108 = arith.constant 0 : i32
        %dma_wait3A_109 = tpu.memref_slice %arg7[%dma_wait3A_107, %dma_wait3A_108] : memref<80x128xi32, #tpu.memory_space<vmem>> -> memref<20x128xi32, #tpu.memory_space<vmem>>
        %dma_wait3A_110 = arith.constant 2480 : i32
        %dma_wait3A_111 = arith.constant 0 : i32
        %dma_wait3A_112 = tpu.memref_slice %arg4[%dma_wait3A_110, %dma_wait3A_111] : memref<2560x128xi32, #tpu.memory_space<hbm>> -> memref<20x128xi32, #tpu.memory_space<hbm>>
        tpu.wait_dma2 semaphore(%run_scoped3A : memref<!tpu.dma_semaphore, #tpu.memory_space<semaphore_mem>>) src(%dma_wait3A_112 : memref<20x128xi32, #tpu.memory_space<hbm>>) dst(%dma_wait3A_109 : memref<20x128xi32, #tpu.memory_space<vmem>>)
        tpu.yield
      }) : () -> ()
    } else {
    }
    %mul3A_22 = arith.constant 640 : i32
    %mul3A_23 = arith.muli %arg1, %mul3A_22 : i32
    "tpu.region"() ({
      %run_scoped3A = tpu.sem_alloc : memref<!tpu.dma_semaphore, #tpu.memory_space<semaphore_mem>>
      %dma_start3A = arith.constant 0 : i32
      %dma_start3A_91 = tpu.memref_slice %arg2[%mul3A_23, %dma_start3A] : memref<10240x16xf32, #tpu.memory_space<hbm>> -> memref<640x16xf32, #tpu.memory_space<hbm>>
      %dma_start3A_92 = arith.constant 0 : i32
      %dma_start3A_93 = tpu.memref_slice %arg2[%mul3A_23, %dma_start3A_92] : memref<10240x16xf32, #tpu.memory_space<hbm>> -> memref<640x16xf32, #tpu.memory_space<hbm>>
      tpu.enqueue_dma source(%dma_start3A_93 : memref<640x16xf32, #tpu.memory_space<hbm>>) target(%arg14 : memref<640x16xf32, #tpu.memory_space<vmem>>) target_semaphore(%run_scoped3A : memref<!tpu.dma_semaphore, #tpu.memory_space<semaphore_mem>>)
      %dma_wait3A = arith.constant 0 : i32
      %dma_wait3A_94 = tpu.memref_slice %arg2[%mul3A_23, %dma_wait3A] : memref<10240x16xf32, #tpu.memory_space<hbm>> -> memref<640x16xf32, #tpu.memory_space<hbm>>
      %dma_wait3A_95 = arith.constant 0 : i32
      %dma_wait3A_96 = tpu.memref_slice %arg2[%mul3A_23, %dma_wait3A_95] : memref<10240x16xf32, #tpu.memory_space<hbm>> -> memref<640x16xf32, #tpu.memory_space<hbm>>
      tpu.wait_dma2 semaphore(%run_scoped3A : memref<!tpu.dma_semaphore, #tpu.memory_space<semaphore_mem>>) src(%dma_wait3A_96 : memref<640x16xf32, #tpu.memory_space<hbm>>) dst(%arg14 : memref<640x16xf32, #tpu.memory_space<vmem>>)
      tpu.yield
    }) : () -> ()
    %mul3A_24 = arith.constant 640 : i32
    %mul3A_25 = arith.muli %arg1, %mul3A_24 : i32
    "tpu.region"() ({
      %run_scoped3A = tpu.sem_alloc : memref<!tpu.dma_semaphore, #tpu.memory_space<semaphore_mem>>
      %dma_start3A = arith.constant 0 : i32
      %dma_start3A_91 = tpu.memref_slice %arg15[%mul3A_25, %dma_start3A] : memref<10240x16xf32, #tpu.memory_space<vmem_shared>> -> memref<640x16xf32, #tpu.memory_space<vmem_shared>>
      %dma_start3A_92 = arith.constant 0 : i32
      %dma_start3A_93 = tpu.memref_slice %arg15[%mul3A_25, %dma_start3A_92] : memref<10240x16xf32, #tpu.memory_space<vmem_shared>> -> memref<640x16xf32, #tpu.memory_space<vmem_shared>>
      tpu.enqueue_dma source(%arg14 : memref<640x16xf32, #tpu.memory_space<vmem>>) target(%dma_start3A_93 : memref<640x16xf32, #tpu.memory_space<vmem_shared>>) target_semaphore(%run_scoped3A : memref<!tpu.dma_semaphore, #tpu.memory_space<semaphore_mem>>)
      %dma_wait3A = arith.constant 0 : i32
      %dma_wait3A_94 = tpu.memref_slice %arg15[%mul3A_25, %dma_wait3A] : memref<10240x16xf32, #tpu.memory_space<vmem_shared>> -> memref<640x16xf32, #tpu.memory_space<vmem_shared>>
      %dma_wait3A_95 = arith.constant 0 : i32
      %dma_wait3A_96 = tpu.memref_slice %arg15[%mul3A_25, %dma_wait3A_95] : memref<10240x16xf32, #tpu.memory_space<vmem_shared>> -> memref<640x16xf32, #tpu.memory_space<vmem_shared>>
      tpu.wait_dma2 semaphore(%run_scoped3A : memref<!tpu.dma_semaphore, #tpu.memory_space<semaphore_mem>>) src(%arg14 : memref<640x16xf32, #tpu.memory_space<vmem>>) dst(%dma_wait3A_96 : memref<640x16xf32, #tpu.memory_space<vmem_shared>>)
      tpu.yield
    }) : () -> ()
    %scan3A = arith.constant 0 : i32
    %scan3A_26 = arith.constant 0 : i32
    %scan3A_27 = arith.constant 640 : i32
    %scan3A_28 = arith.addi %scan3A_26, %scan3A_27 : i32
    %scan3A_29 = arith.constant 1 : i32
    scf.for %scan3A_91 = %scan3A_26 to %scan3A_28 step %scan3A_29  : i32 {
      %broadcast_in_dim3A = arith.constant 0.000000e+00 : f32
      %broadcast_in_dim3A_92 = vector.broadcast %broadcast_in_dim3A : f32 to vector<16xf32>
      %swap3A = arith.index_cast %scan3A_91 : i32 to index
      %swap3A_93 = arith.constant 0 : index
      %swap3A_94 = tpu.vector_load %arg14[%swap3A, %swap3A_93] {strides = array<i32>} : memref<640x16xf32, #tpu.memory_space<vmem>>, vector<1x16xf32>,
      %swap3A_95 = vector.shape_cast %swap3A_94 : vector<1x16xf32> to vector<16xf32>
      %swap3A_96 = vector.shape_cast %broadcast_in_dim3A_92 : vector<16xf32> to vector<1x16xf32>
      tpu.vector_store %arg14[%swap3A, %swap3A_93], %swap3A_96 {strides = array<i32>} : memref<640x16xf32, #tpu.memory_space<vmem>>, vector<1x16xf32>,
    }
    %scan3A_30 = arith.constant 640 : i32
    %mul3A_31 = arith.constant 640 : i32
    %mul3A_32 = arith.muli %arg1, %mul3A_31 : i32
    "tpu.region"() ({
      %run_scoped3A = tpu.sem_alloc : memref<!tpu.dma_semaphore, #tpu.memory_space<semaphore_mem>>
      %dma_start3A = arith.constant 0 : i32
      %dma_start3A_91 = tpu.memref_slice %arg16[%mul3A_32, %dma_start3A] : memref<10240x16xf32, #tpu.memory_space<vmem_shared>> -> memref<640x16xf32, #tpu.memory_space<vmem_shared>>
      %dma_start3A_92 = arith.constant 0 : i32
      %dma_start3A_93 = tpu.memref_slice %arg16[%mul3A_32, %dma_start3A_92] : memref<10240x16xf32, #tpu.memory_space<vmem_shared>> -> memref<640x16xf32, #tpu.memory_space<vmem_shared>>
      tpu.enqueue_dma source(%arg14 : memref<640x16xf32, #tpu.memory_space<vmem>>) target(%dma_start3A_93 : memref<640x16xf32, #tpu.memory_space<vmem_shared>>) target_semaphore(%run_scoped3A : memref<!tpu.dma_semaphore, #tpu.memory_space<semaphore_mem>>)
      %dma_wait3A = arith.constant 0 : i32
      %dma_wait3A_94 = tpu.memref_slice %arg16[%mul3A_32, %dma_wait3A] : memref<10240x16xf32, #tpu.memory_space<vmem_shared>> -> memref<640x16xf32, #tpu.memory_space<vmem_shared>>
      %dma_wait3A_95 = arith.constant 0 : i32
      %dma_wait3A_96 = tpu.memref_slice %arg16[%mul3A_32, %dma_wait3A_95] : memref<10240x16xf32, #tpu.memory_space<vmem_shared>> -> memref<640x16xf32, #tpu.memory_space<vmem_shared>>
      tpu.wait_dma2 semaphore(%run_scoped3A : memref<!tpu.dma_semaphore, #tpu.memory_space<semaphore_mem>>) src(%arg14 : memref<640x16xf32, #tpu.memory_space<vmem>>) dst(%dma_wait3A_96 : memref<640x16xf32, #tpu.memory_space<vmem_shared>>)
      tpu.yield
    }) : () -> ()
    %barrier3A = arith.constant 0 : index
    tpu.barrier barrier_id(%barrier3A)
    %ge3A = arith.constant 1 : i32
    %ge3A_33 = arith.cmpi sge, %select_n3A, %ge3A : i32
    %convert_element_type3A_34 = arith.extui %ge3A_33 : i1 to i32
    %cond3A_35 = arith.constant 0 : i32
    %cond3A_36 = arith.cmpi ne, %convert_element_type3A_34, %cond3A_35 : i32
    scf.if %cond3A_36 {
      %dma_start3A = arith.constant 0 : i32
      %dma_start3A_91 = arith.constant 0 : i32
      %dma_start3A_92 = tpu.memref_slice %arg6[%dma_start3A, %dma_start3A_91] : memref<80x128xi32, #tpu.memory_space<vmem>> -> memref<1x128xi32, #tpu.memory_space<vmem>>
      %dma_start3A_93 = tpu.memref_squeeze %dma_start3A_92 : memref<1x128xi32, #tpu.memory_space<vmem>> -> memref<128xi32, #tpu.memory_space<vmem>>
      %dma_start3A_94 = arith.constant 0 : i32
      %dma_start3A_95 = arith.constant 0 : i32
      %dma_start3A_96 = tpu.memref_slice %arg15[%dma_start3A_94, %dma_start3A_95] : memref<10240x16xf32, #tpu.memory_space<vmem_shared>> -> memref<10240x16xf32, #tpu.memory_space<vmem_shared>>
      tpu.enqueue_indirect_dma source(%dma_start3A_96 : memref<10240x16xf32, #tpu.memory_space<vmem_shared>>) target(%arg8 : memref<128x16xf32, #tpu.memory_space<vmem>>) offsets(%dma_start3A_93 : memref<128xi32, #tpu.memory_space<vmem>>) semaphore(%arg17 : memref<!tpu.dma_semaphore, #tpu.memory_space<semaphore_mem>>)
    } else {
    }
    %ge3A_37 = arith.constant 2 : i32
    %ge3A_38 = arith.cmpi sge, %select_n3A, %ge3A_37 : i32
    %convert_element_type3A_39 = arith.extui %ge3A_38 : i1 to i32
    %cond3A_40 = arith.constant 0 : i32
    %cond3A_41 = arith.cmpi ne, %convert_element_type3A_39, %cond3A_40 : i32
    scf.if %cond3A_41 {
      %dma_start3A = arith.constant 1 : i32
      %dma_start3A_91 = arith.constant 0 : i32
      %dma_start3A_92 = tpu.memref_slice %arg6[%dma_start3A, %dma_start3A_91] : memref<80x128xi32, #tpu.memory_space<vmem>> -> memref<1x128xi32, #tpu.memory_space<vmem>>
      %dma_start3A_93 = tpu.memref_squeeze %dma_start3A_92 : memref<1x128xi32, #tpu.memory_space<vmem>> -> memref<128xi32, #tpu.memory_space<vmem>>
      %dma_start3A_94 = arith.constant 0 : i32
      %dma_start3A_95 = arith.constant 0 : i32
      %dma_start3A_96 = tpu.memref_slice %arg15[%dma_start3A_94, %dma_start3A_95] : memref<10240x16xf32, #tpu.memory_space<vmem_shared>> -> memref<10240x16xf32, #tpu.memory_space<vmem_shared>>
      tpu.enqueue_indirect_dma source(%dma_start3A_96 : memref<10240x16xf32, #tpu.memory_space<vmem_shared>>) target(%arg9 : memref<128x16xf32, #tpu.memory_space<vmem>>) offsets(%dma_start3A_93 : memref<128xi32, #tpu.memory_space<vmem>>) semaphore(%arg18 : memref<!tpu.dma_semaphore, #tpu.memory_space<semaphore_mem>>)
    } else {
    }
    %ge3A_42 = arith.constant 3 : i32
    %ge3A_43 = arith.cmpi sge, %select_n3A, %ge3A_42 : i32
    %convert_element_type3A_44 = arith.extui %ge3A_43 : i1 to i32
    %cond3A_45 = arith.constant 0 : i32
    %cond3A_46 = arith.cmpi ne, %convert_element_type3A_44, %cond3A_45 : i32
    scf.if %cond3A_46 {
      %dma_start3A = arith.constant 2 : i32
      %dma_start3A_91 = arith.constant 0 : i32
      %dma_start3A_92 = tpu.memref_slice %arg6[%dma_start3A, %dma_start3A_91] : memref<80x128xi32, #tpu.memory_space<vmem>> -> memref<1x128xi32, #tpu.memory_space<vmem>>
      %dma_start3A_93 = tpu.memref_squeeze %dma_start3A_92 : memref<1x128xi32, #tpu.memory_space<vmem>> -> memref<128xi32, #tpu.memory_space<vmem>>
      %dma_start3A_94 = arith.constant 0 : i32
      %dma_start3A_95 = arith.constant 0 : i32
      %dma_start3A_96 = tpu.memref_slice %arg15[%dma_start3A_94, %dma_start3A_95] : memref<10240x16xf32, #tpu.memory_space<vmem_shared>> -> memref<10240x16xf32, #tpu.memory_space<vmem_shared>>
      tpu.enqueue_indirect_dma source(%dma_start3A_96 : memref<10240x16xf32, #tpu.memory_space<vmem_shared>>) target(%arg10 : memref<128x16xf32, #tpu.memory_space<vmem>>) offsets(%dma_start3A_93 : memref<128xi32, #tpu.memory_space<vmem>>) semaphore(%arg19 : memref<!tpu.dma_semaphore, #tpu.memory_space<semaphore_mem>>)
    } else {
    }
    %while3A = arith.constant 0 : i32
    %while3A_47 = arith.constant 0 : i32
    %while3A_48 = arith.subi %select_n3A, %while3A_47 : i32
    %while3A_49 = arith.addi %while3A_47, %while3A_48 : i32
    %while3A_50 = arith.constant 1 : i32
    %while3A_51 = arith.divsi %while3A_48, %while3A_50 : i32
    %while3A_52 = arith.muli %while3A_51, %while3A_50 : i32
    %while3A_53 = arith.addi %while3A_47, %while3A_52 : i32
    %while3A_54 = arith.constant 1 : i32
    scf.for %while3A_91 = %while3A_47 to %while3A_53 step %while3A_54  : i32 {
      %rem3A = arith.constant 6 : i32
      %rem3A_92 = arith.remsi %while3A_91, %rem3A : i32
      %eq3A_93 = arith.constant 0 : i32
      %eq3A_94 = arith.cmpi eq, %rem3A_92, %eq3A_93 : i32
      %convert_element_type3A_95 = arith.extui %eq3A_94 : i1 to i32
      %cond3A_96 = arith.constant 0 : i32
      %cond3A_97 = arith.cmpi ne, %convert_element_type3A_95, %cond3A_96 : i32
      scf.if %cond3A_97 {
        %add3A_123 = arith.constant 3 : i32
        %add3A_124 = arith.addi %while3A_91, %add3A_123 : i32
        %lt3A_125 = arith.cmpi slt, %add3A_124, %select_n3A : i32
        %convert_element_type3A_126 = arith.extui %lt3A_125 : i1 to i32
        %cond3A_127 = arith.constant 0 : i32
        %cond3A_128 = arith.cmpi ne, %convert_element_type3A_126, %cond3A_127 : i32
        scf.if %cond3A_128 {
          %ge3A_140 = arith.constant 3 : i32
          %ge3A_141 = arith.cmpi sge, %while3A_91, %ge3A_140 : i32
          %convert_element_type3A_142 = arith.extui %ge3A_141 : i1 to i32
          %cond3A_143 = arith.constant 0 : i32
          %cond3A_144 = arith.cmpi ne, %convert_element_type3A_142, %cond3A_143 : i32
          scf.if %cond3A_144 {
            %dma_wait3A_153 = arith.constant 0 : i32
            %dma_wait3A_154 = arith.constant 0 : i32
            %dma_wait3A_155 = tpu.memref_slice %arg7[%dma_wait3A_153, %dma_wait3A_154] : memref<80x128xi32, #tpu.memory_space<vmem>> -> memref<1x128xi32, #tpu.memory_space<vmem>>
            %dma_wait3A_156 = tpu.memref_squeeze %dma_wait3A_155 : memref<1x128xi32, #tpu.memory_space<vmem>> -> memref<128xi32, #tpu.memory_space<vmem>>
            %dma_wait3A_157 = arith.constant 0 : i32
            %dma_wait3A_158 = arith.constant 0 : i32
            %dma_wait3A_159 = tpu.memref_slice %arg16[%dma_wait3A_157, %dma_wait3A_158] : memref<10240x16xf32, #tpu.memory_space<vmem_shared>> -> memref<10240x16xf32, #tpu.memory_space<vmem_shared>>
            tpu.wait_indirect_dma semaphore(%arg26 : memref<!tpu.dma_semaphore, #tpu.memory_space<semaphore_mem>>) src(%arg11 : memref<128x16xf32, #tpu.memory_space<vmem>>) dst(%dma_wait3A_159 : memref<10240x16xf32, #tpu.memory_space<vmem_shared>>)
          } else {
          }
          %add3A_145 = arith.constant 3 : i32
          %add3A_146 = arith.addi %while3A_91, %add3A_145 : i32
          %dma_start3A_147 = arith.constant 0 : i32
          %dma_start3A_148 = tpu.memref_slice %arg6[%add3A_146, %dma_start3A_147] : memref<80x128xi32, #tpu.memory_space<vmem>> -> memref<1x128xi32, #tpu.memory_space<vmem>>
          %dma_start3A_149 = tpu.memref_squeeze %dma_start3A_148 : memref<1x128xi32, #tpu.memory_space<vmem>> -> memref<128xi32, #tpu.memory_space<vmem>>
          %dma_start3A_150 = arith.constant 0 : i32
          %dma_start3A_151 = arith.constant 0 : i32
          %dma_start3A_152 = tpu.memref_slice %arg15[%dma_start3A_150, %dma_start3A_151] : memref<10240x16xf32, #tpu.memory_space<vmem_shared>> -> memref<10240x16xf32, #tpu.memory_space<vmem_shared>>
          tpu.enqueue_indirect_dma source(%dma_start3A_152 : memref<10240x16xf32, #tpu.memory_space<vmem_shared>>) target(%arg11 : memref<128x16xf32, #tpu.memory_space<vmem>>) offsets(%dma_start3A_149 : memref<128xi32, #tpu.memory_space<vmem>>) semaphore(%arg20 : memref<!tpu.dma_semaphore, #tpu.memory_space<semaphore_mem>>)
        } else {
        }
        %dma_wait3A = arith.constant 0 : i32
        %dma_wait3A_129 = arith.constant 0 : i32
        %dma_wait3A_130 = tpu.memref_slice %arg6[%dma_wait3A, %dma_wait3A_129] : memref<80x128xi32, #tpu.memory_space<vmem>> -> memref<1x128xi32, #tpu.memory_space<vmem>>
        %dma_wait3A_131 = tpu.memref_squeeze %dma_wait3A_130 : memref<1x128xi32, #tpu.memory_space<vmem>> -> memref<128xi32, #tpu.memory_space<vmem>>
        %dma_wait3A_132 = arith.constant 0 : i32
        %dma_wait3A_133 = arith.constant 0 : i32
        %dma_wait3A_134 = tpu.memref_slice %arg15[%dma_wait3A_132, %dma_wait3A_133] : memref<10240x16xf32, #tpu.memory_space<vmem_shared>> -> memref<10240x16xf32, #tpu.memory_space<vmem_shared>>
        tpu.wait_indirect_dma semaphore(%arg17 : memref<!tpu.dma_semaphore, #tpu.memory_space<semaphore_mem>>) src(%dma_wait3A_134 : memref<10240x16xf32, #tpu.memory_space<vmem_shared>>) dst(%arg8 : memref<128x16xf32, #tpu.memory_space<vmem>>)
        %dma_start3A = arith.constant 0 : i32
        %dma_start3A_135 = tpu.memref_slice %arg7[%while3A_91, %dma_start3A] : memref<80x128xi32, #tpu.memory_space<vmem>> -> memref<1x128xi32, #tpu.memory_space<vmem>>
        %dma_start3A_136 = tpu.memref_squeeze %dma_start3A_135 : memref<1x128xi32, #tpu.memory_space<vmem>> -> memref<128xi32, #tpu.memory_space<vmem>>
        %dma_start3A_137 = arith.constant 0 : i32
        %dma_start3A_138 = arith.constant 0 : i32
        %dma_start3A_139 = tpu.memref_slice %arg16[%dma_start3A_137, %dma_start3A_138] : memref<10240x16xf32, #tpu.memory_space<vmem_shared>> -> memref<10240x16xf32, #tpu.memory_space<vmem_shared>>
        tpu.enqueue_indirect_dma source(%arg8 : memref<128x16xf32, #tpu.memory_space<vmem>>) target(%dma_start3A_139 : memref<10240x16xf32, #tpu.memory_space<vmem_shared>>) offsets(%dma_start3A_136 : memref<128xi32, #tpu.memory_space<vmem>>) semaphore(%arg23 : memref<!tpu.dma_semaphore, #tpu.memory_space<semaphore_mem>>) {add = true}
      } else {
      }
      %eq3A_98 = arith.constant 1 : i32
      %eq3A_99 = arith.cmpi eq, %rem3A_92, %eq3A_98 : i32
      %convert_element_type3A_100 = arith.extui %eq3A_99 : i1 to i32
      %cond3A_101 = arith.constant 0 : i32
      %cond3A_102 = arith.cmpi ne, %convert_element_type3A_100, %cond3A_101 : i32
      scf.if %cond3A_102 {
        %add3A_123 = arith.constant 3 : i32
        %add3A_124 = arith.addi %while3A_91, %add3A_123 : i32
        %lt3A_125 = arith.cmpi slt, %add3A_124, %select_n3A : i32
        %convert_element_type3A_126 = arith.extui %lt3A_125 : i1 to i32
        %cond3A_127 = arith.constant 0 : i32
        %cond3A_128 = arith.cmpi ne, %convert_element_type3A_126, %cond3A_127 : i32
        scf.if %cond3A_128 {
          %ge3A_140 = arith.constant 3 : i32
          %ge3A_141 = arith.cmpi sge, %while3A_91, %ge3A_140 : i32
          %convert_element_type3A_142 = arith.extui %ge3A_141 : i1 to i32
          %cond3A_143 = arith.constant 0 : i32
          %cond3A_144 = arith.cmpi ne, %convert_element_type3A_142, %cond3A_143 : i32
          scf.if %cond3A_144 {
            %dma_wait3A_153 = arith.constant 0 : i32
            %dma_wait3A_154 = arith.constant 0 : i32
            %dma_wait3A_155 = tpu.memref_slice %arg7[%dma_wait3A_153, %dma_wait3A_154] : memref<80x128xi32, #tpu.memory_space<vmem>> -> memref<1x128xi32, #tpu.memory_space<vmem>>
            %dma_wait3A_156 = tpu.memref_squeeze %dma_wait3A_155 : memref<1x128xi32, #tpu.memory_space<vmem>> -> memref<128xi32, #tpu.memory_space<vmem>>
            %dma_wait3A_157 = arith.constant 0 : i32
            %dma_wait3A_158 = arith.constant 0 : i32
            %dma_wait3A_159 = tpu.memref_slice %arg16[%dma_wait3A_157, %dma_wait3A_158] : memref<10240x16xf32, #tpu.memory_space<vmem_shared>> -> memref<10240x16xf32, #tpu.memory_space<vmem_shared>>
            tpu.wait_indirect_dma semaphore(%arg27 : memref<!tpu.dma_semaphore, #tpu.memory_space<semaphore_mem>>) src(%arg12 : memref<128x16xf32, #tpu.memory_space<vmem>>) dst(%dma_wait3A_159 : memref<10240x16xf32, #tpu.memory_space<vmem_shared>>)
          } else {
          }
          %add3A_145 = arith.constant 3 : i32
          %add3A_146 = arith.addi %while3A_91, %add3A_145 : i32
          %dma_start3A_147 = arith.constant 0 : i32
          %dma_start3A_148 = tpu.memref_slice %arg6[%add3A_146, %dma_start3A_147] : memref<80x128xi32, #tpu.memory_space<vmem>> -> memref<1x128xi32, #tpu.memory_space<vmem>>
          %dma_start3A_149 = tpu.memref_squeeze %dma_start3A_148 : memref<1x128xi32, #tpu.memory_space<vmem>> -> memref<128xi32, #tpu.memory_space<vmem>>
          %dma_start3A_150 = arith.constant 0 : i32
          %dma_start3A_151 = arith.constant 0 : i32
          %dma_start3A_152 = tpu.memref_slice %arg15[%dma_start3A_150, %dma_start3A_151] : memref<10240x16xf32, #tpu.memory_space<vmem_shared>> -> memref<10240x16xf32, #tpu.memory_space<vmem_shared>>
          tpu.enqueue_indirect_dma source(%dma_start3A_152 : memref<10240x16xf32, #tpu.memory_space<vmem_shared>>) target(%arg12 : memref<128x16xf32, #tpu.memory_space<vmem>>) offsets(%dma_start3A_149 : memref<128xi32, #tpu.memory_space<vmem>>) semaphore(%arg21 : memref<!tpu.dma_semaphore, #tpu.memory_space<semaphore_mem>>)
        } else {
        }
        %dma_wait3A = arith.constant 0 : i32
        %dma_wait3A_129 = arith.constant 0 : i32
        %dma_wait3A_130 = tpu.memref_slice %arg6[%dma_wait3A, %dma_wait3A_129] : memref<80x128xi32, #tpu.memory_space<vmem>> -> memref<1x128xi32, #tpu.memory_space<vmem>>
        %dma_wait3A_131 = tpu.memref_squeeze %dma_wait3A_130 : memref<1x128xi32, #tpu.memory_space<vmem>> -> memref<128xi32, #tpu.memory_space<vmem>>
        %dma_wait3A_132 = arith.constant 0 : i32
        %dma_wait3A_133 = arith.constant 0 : i32
        %dma_wait3A_134 = tpu.memref_slice %arg15[%dma_wait3A_132, %dma_wait3A_133] : memref<10240x16xf32, #tpu.memory_space<vmem_shared>> -> memref<10240x16xf32, #tpu.memory_space<vmem_shared>>
        tpu.wait_indirect_dma semaphore(%arg18 : memref<!tpu.dma_semaphore, #tpu.memory_space<semaphore_mem>>) src(%dma_wait3A_134 : memref<10240x16xf32, #tpu.memory_space<vmem_shared>>) dst(%arg9 : memref<128x16xf32, #tpu.memory_space<vmem>>)
        %dma_start3A = arith.constant 0 : i32
        %dma_start3A_135 = tpu.memref_slice %arg7[%while3A_91, %dma_start3A] : memref<80x128xi32, #tpu.memory_space<vmem>> -> memref<1x128xi32, #tpu.memory_space<vmem>>
        %dma_start3A_136 = tpu.memref_squeeze %dma_start3A_135 : memref<1x128xi32, #tpu.memory_space<vmem>> -> memref<128xi32, #tpu.memory_space<vmem>>
        %dma_start3A_137 = arith.constant 0 : i32
        %dma_start3A_138 = arith.constant 0 : i32
        %dma_start3A_139 = tpu.memref_slice %arg16[%dma_start3A_137, %dma_start3A_138] : memref<10240x16xf32, #tpu.memory_space<vmem_shared>> -> memref<10240x16xf32, #tpu.memory_space<vmem_shared>>
        tpu.enqueue_indirect_dma source(%arg9 : memref<128x16xf32, #tpu.memory_space<vmem>>) target(%dma_start3A_139 : memref<10240x16xf32, #tpu.memory_space<vmem_shared>>) offsets(%dma_start3A_136 : memref<128xi32, #tpu.memory_space<vmem>>) semaphore(%arg24 : memref<!tpu.dma_semaphore, #tpu.memory_space<semaphore_mem>>) {add = true}
      } else {
      }
      %eq3A_103 = arith.constant 2 : i32
      %eq3A_104 = arith.cmpi eq, %rem3A_92, %eq3A_103 : i32
      %convert_element_type3A_105 = arith.extui %eq3A_104 : i1 to i32
      %cond3A_106 = arith.constant 0 : i32
      %cond3A_107 = arith.cmpi ne, %convert_element_type3A_105, %cond3A_106 : i32
      scf.if %cond3A_107 {
        %add3A_123 = arith.constant 3 : i32
        %add3A_124 = arith.addi %while3A_91, %add3A_123 : i32
        %lt3A_125 = arith.cmpi slt, %add3A_124, %select_n3A : i32
        %convert_element_type3A_126 = arith.extui %lt3A_125 : i1 to i32
        %cond3A_127 = arith.constant 0 : i32
        %cond3A_128 = arith.cmpi ne, %convert_element_type3A_126, %cond3A_127 : i32
        scf.if %cond3A_128 {
          %ge3A_140 = arith.constant 3 : i32
          %ge3A_141 = arith.cmpi sge, %while3A_91, %ge3A_140 : i32
          %convert_element_type3A_142 = arith.extui %ge3A_141 : i1 to i32
          %cond3A_143 = arith.constant 0 : i32
          %cond3A_144 = arith.cmpi ne, %convert_element_type3A_142, %cond3A_143 : i32
          scf.if %cond3A_144 {
            %dma_wait3A_153 = arith.constant 0 : i32
            %dma_wait3A_154 = arith.constant 0 : i32
            %dma_wait3A_155 = tpu.memref_slice %arg7[%dma_wait3A_153, %dma_wait3A_154] : memref<80x128xi32, #tpu.memory_space<vmem>> -> memref<1x128xi32, #tpu.memory_space<vmem>>
            %dma_wait3A_156 = tpu.memref_squeeze %dma_wait3A_155 : memref<1x128xi32, #tpu.memory_space<vmem>> -> memref<128xi32, #tpu.memory_space<vmem>>
            %dma_wait3A_157 = arith.constant 0 : i32
            %dma_wait3A_158 = arith.constant 0 : i32
            %dma_wait3A_159 = tpu.memref_slice %arg16[%dma_wait3A_157, %dma_wait3A_158] : memref<10240x16xf32, #tpu.memory_space<vmem_shared>> -> memref<10240x16xf32, #tpu.memory_space<vmem_shared>>
            tpu.wait_indirect_dma semaphore(%arg28 : memref<!tpu.dma_semaphore, #tpu.memory_space<semaphore_mem>>) src(%arg13 : memref<128x16xf32, #tpu.memory_space<vmem>>) dst(%dma_wait3A_159 : memref<10240x16xf32, #tpu.memory_space<vmem_shared>>)
          } else {
          }
          %add3A_145 = arith.constant 3 : i32
          %add3A_146 = arith.addi %while3A_91, %add3A_145 : i32
          %dma_start3A_147 = arith.constant 0 : i32
          %dma_start3A_148 = tpu.memref_slice %arg6[%add3A_146, %dma_start3A_147] : memref<80x128xi32, #tpu.memory_space<vmem>> -> memref<1x128xi32, #tpu.memory_space<vmem>>
          %dma_start3A_149 = tpu.memref_squeeze %dma_start3A_148 : memref<1x128xi32, #tpu.memory_space<vmem>> -> memref<128xi32, #tpu.memory_space<vmem>>
          %dma_start3A_150 = arith.constant 0 : i32
          %dma_start3A_151 = arith.constant 0 : i32
          %dma_start3A_152 = tpu.memref_slice %arg15[%dma_start3A_150, %dma_start3A_151] : memref<10240x16xf32, #tpu.memory_space<vmem_shared>> -> memref<10240x16xf32, #tpu.memory_space<vmem_shared>>
          tpu.enqueue_indirect_dma source(%dma_start3A_152 : memref<10240x16xf32, #tpu.memory_space<vmem_shared>>) target(%arg13 : memref<128x16xf32, #tpu.memory_space<vmem>>) offsets(%dma_start3A_149 : memref<128xi32, #tpu.memory_space<vmem>>) semaphore(%arg22 : memref<!tpu.dma_semaphore, #tpu.memory_space<semaphore_mem>>)
        } else {
        }
        %dma_wait3A = arith.constant 0 : i32
        %dma_wait3A_129 = arith.constant 0 : i32
        %dma_wait3A_130 = tpu.memref_slice %arg6[%dma_wait3A, %dma_wait3A_129] : memref<80x128xi32, #tpu.memory_space<vmem>> -> memref<1x128xi32, #tpu.memory_space<vmem>>
        %dma_wait3A_131 = tpu.memref_squeeze %dma_wait3A_130 : memref<1x128xi32, #tpu.memory_space<vmem>> -> memref<128xi32, #tpu.memory_space<vmem>>
        %dma_wait3A_132 = arith.constant 0 : i32
        %dma_wait3A_133 = arith.constant 0 : i32
        %dma_wait3A_134 = tpu.memref_slice %arg15[%dma_wait3A_132, %dma_wait3A_133] : memref<10240x16xf32, #tpu.memory_space<vmem_shared>> -> memref<10240x16xf32, #tpu.memory_space<vmem_shared>>
        tpu.wait_indirect_dma semaphore(%arg19 : memref<!tpu.dma_semaphore, #tpu.memory_space<semaphore_mem>>) src(%dma_wait3A_134 : memref<10240x16xf32, #tpu.memory_space<vmem_shared>>) dst(%arg10 : memref<128x16xf32, #tpu.memory_space<vmem>>)
        %dma_start3A = arith.constant 0 : i32
        %dma_start3A_135 = tpu.memref_slice %arg7[%while3A_91, %dma_start3A] : memref<80x128xi32, #tpu.memory_space<vmem>> -> memref<1x128xi32, #tpu.memory_space<vmem>>
        %dma_start3A_136 = tpu.memref_squeeze %dma_start3A_135 : memref<1x128xi32, #tpu.memory_space<vmem>> -> memref<128xi32, #tpu.memory_space<vmem>>
        %dma_start3A_137 = arith.constant 0 : i32
        %dma_start3A_138 = arith.constant 0 : i32
        %dma_start3A_139 = tpu.memref_slice %arg16[%dma_start3A_137, %dma_start3A_138] : memref<10240x16xf32, #tpu.memory_space<vmem_shared>> -> memref<10240x16xf32, #tpu.memory_space<vmem_shared>>
        tpu.enqueue_indirect_dma source(%arg10 : memref<128x16xf32, #tpu.memory_space<vmem>>) target(%dma_start3A_139 : memref<10240x16xf32, #tpu.memory_space<vmem_shared>>) offsets(%dma_start3A_136 : memref<128xi32, #tpu.memory_space<vmem>>) semaphore(%arg25 : memref<!tpu.dma_semaphore, #tpu.memory_space<semaphore_mem>>) {add = true}
      } else {
      }
      %eq3A_108 = arith.constant 3 : i32
      %eq3A_109 = arith.cmpi eq, %rem3A_92, %eq3A_108 : i32
      %convert_element_type3A_110 = arith.extui %eq3A_109 : i1 to i32
      %cond3A_111 = arith.constant 0 : i32
      %cond3A_112 = arith.cmpi ne, %convert_element_type3A_110, %cond3A_111 : i32
      scf.if %cond3A_112 {
        %add3A_123 = arith.constant 3 : i32
        %add3A_124 = arith.addi %while3A_91, %add3A_123 : i32
        %lt3A_125 = arith.cmpi slt, %add3A_124, %select_n3A : i32
        %convert_element_type3A_126 = arith.extui %lt3A_125 : i1 to i32
        %cond3A_127 = arith.constant 0 : i32
        %cond3A_128 = arith.cmpi ne, %convert_element_type3A_126, %cond3A_127 : i32
        scf.if %cond3A_128 {
          %ge3A_140 = arith.constant 3 : i32
          %ge3A_141 = arith.cmpi sge, %while3A_91, %ge3A_140 : i32
          %convert_element_type3A_142 = arith.extui %ge3A_141 : i1 to i32
          %cond3A_143 = arith.constant 0 : i32
          %cond3A_144 = arith.cmpi ne, %convert_element_type3A_142, %cond3A_143 : i32
          scf.if %cond3A_144 {
            %dma_wait3A_153 = arith.constant 0 : i32
            %dma_wait3A_154 = arith.constant 0 : i32
            %dma_wait3A_155 = tpu.memref_slice %arg7[%dma_wait3A_153, %dma_wait3A_154] : memref<80x128xi32, #tpu.memory_space<vmem>> -> memref<1x128xi32, #tpu.memory_space<vmem>>
            %dma_wait3A_156 = tpu.memref_squeeze %dma_wait3A_155 : memref<1x128xi32, #tpu.memory_space<vmem>> -> memref<128xi32, #tpu.memory_space<vmem>>
            %dma_wait3A_157 = arith.constant 0 : i32
            %dma_wait3A_158 = arith.constant 0 : i32
            %dma_wait3A_159 = tpu.memref_slice %arg16[%dma_wait3A_157, %dma_wait3A_158] : memref<10240x16xf32, #tpu.memory_space<vmem_shared>> -> memref<10240x16xf32, #tpu.memory_space<vmem_shared>>
            tpu.wait_indirect_dma semaphore(%arg23 : memref<!tpu.dma_semaphore, #tpu.memory_space<semaphore_mem>>) src(%arg8 : memref<128x16xf32, #tpu.memory_space<vmem>>) dst(%dma_wait3A_159 : memref<10240x16xf32, #tpu.memory_space<vmem_shared>>)
          } else {
          }
          %add3A_145 = arith.constant 3 : i32
          %add3A_146 = arith.addi %while3A_91, %add3A_145 : i32
          %dma_start3A_147 = arith.constant 0 : i32
          %dma_start3A_148 = tpu.memref_slice %arg6[%add3A_146, %dma_start3A_147] : memref<80x128xi32, #tpu.memory_space<vmem>> -> memref<1x128xi32, #tpu.memory_space<vmem>>
          %dma_start3A_149 = tpu.memref_squeeze %dma_start3A_148 : memref<1x128xi32, #tpu.memory_space<vmem>> -> memref<128xi32, #tpu.memory_space<vmem>>
          %dma_start3A_150 = arith.constant 0 : i32
          %dma_start3A_151 = arith.constant 0 : i32
          %dma_start3A_152 = tpu.memref_slice %arg15[%dma_start3A_150, %dma_start3A_151] : memref<10240x16xf32, #tpu.memory_space<vmem_shared>> -> memref<10240x16xf32, #tpu.memory_space<vmem_shared>>
          tpu.enqueue_indirect_dma source(%dma_start3A_152 : memref<10240x16xf32, #tpu.memory_space<vmem_shared>>) target(%arg8 : memref<128x16xf32, #tpu.memory_space<vmem>>) offsets(%dma_start3A_149 : memref<128xi32, #tpu.memory_space<vmem>>) semaphore(%arg17 : memref<!tpu.dma_semaphore, #tpu.memory_space<semaphore_mem>>)
        } else {
        }
        %dma_wait3A = arith.constant 0 : i32
        %dma_wait3A_129 = arith.constant 0 : i32
        %dma_wait3A_130 = tpu.memref_slice %arg6[%dma_wait3A, %dma_wait3A_129] : memref<80x128xi32, #tpu.memory_space<vmem>> -> memref<1x128xi32, #tpu.memory_space<vmem>>
        %dma_wait3A_131 = tpu.memref_squeeze %dma_wait3A_130 : memref<1x128xi32, #tpu.memory_space<vmem>> -> memref<128xi32, #tpu.memory_space<vmem>>
        %dma_wait3A_132 = arith.constant 0 : i32
        %dma_wait3A_133 = arith.constant 0 : i32
        %dma_wait3A_134 = tpu.memref_slice %arg15[%dma_wait3A_132, %dma_wait3A_133] : memref<10240x16xf32, #tpu.memory_space<vmem_shared>> -> memref<10240x16xf32, #tpu.memory_space<vmem_shared>>
        tpu.wait_indirect_dma semaphore(%arg20 : memref<!tpu.dma_semaphore, #tpu.memory_space<semaphore_mem>>) src(%dma_wait3A_134 : memref<10240x16xf32, #tpu.memory_space<vmem_shared>>) dst(%arg11 : memref<128x16xf32, #tpu.memory_space<vmem>>)
        %dma_start3A = arith.constant 0 : i32
        %dma_start3A_135 = tpu.memref_slice %arg7[%while3A_91, %dma_start3A] : memref<80x128xi32, #tpu.memory_space<vmem>> -> memref<1x128xi32, #tpu.memory_space<vmem>>
        %dma_start3A_136 = tpu.memref_squeeze %dma_start3A_135 : memref<1x128xi32, #tpu.memory_space<vmem>> -> memref<128xi32, #tpu.memory_space<vmem>>
        %dma_start3A_137 = arith.constant 0 : i32
        %dma_start3A_138 = arith.constant 0 : i32
        %dma_start3A_139 = tpu.memref_slice %arg16[%dma_start3A_137, %dma_start3A_138] : memref<10240x16xf32, #tpu.memory_space<vmem_shared>> -> memref<10240x16xf32, #tpu.memory_space<vmem_shared>>
        tpu.enqueue_indirect_dma source(%arg11 : memref<128x16xf32, #tpu.memory_space<vmem>>) target(%dma_start3A_139 : memref<10240x16xf32, #tpu.memory_space<vmem_shared>>) offsets(%dma_start3A_136 : memref<128xi32, #tpu.memory_space<vmem>>) semaphore(%arg26 : memref<!tpu.dma_semaphore, #tpu.memory_space<semaphore_mem>>) {add = true}
      } else {
      }
      %eq3A_113 = arith.constant 4 : i32
      %eq3A_114 = arith.cmpi eq, %rem3A_92, %eq3A_113 : i32
      %convert_element_type3A_115 = arith.extui %eq3A_114 : i1 to i32
      %cond3A_116 = arith.constant 0 : i32
      %cond3A_117 = arith.cmpi ne, %convert_element_type3A_115, %cond3A_116 : i32
      scf.if %cond3A_117 {
        %add3A_123 = arith.constant 3 : i32
        %add3A_124 = arith.addi %while3A_91, %add3A_123 : i32
        %lt3A_125 = arith.cmpi slt, %add3A_124, %select_n3A : i32
        %convert_element_type3A_126 = arith.extui %lt3A_125 : i1 to i32
        %cond3A_127 = arith.constant 0 : i32
        %cond3A_128 = arith.cmpi ne, %convert_element_type3A_126, %cond3A_127 : i32
        scf.if %cond3A_128 {
          %ge3A_140 = arith.constant 3 : i32
          %ge3A_141 = arith.cmpi sge, %while3A_91, %ge3A_140 : i32
          %convert_element_type3A_142 = arith.extui %ge3A_141 : i1 to i32
          %cond3A_143 = arith.constant 0 : i32
          %cond3A_144 = arith.cmpi ne, %convert_element_type3A_142, %cond3A_143 : i32
          scf.if %cond3A_144 {
            %dma_wait3A_153 = arith.constant 0 : i32
            %dma_wait3A_154 = arith.constant 0 : i32
            %dma_wait3A_155 = tpu.memref_slice %arg7[%dma_wait3A_153, %dma_wait3A_154] : memref<80x128xi32, #tpu.memory_space<vmem>> -> memref<1x128xi32, #tpu.memory_space<vmem>>
            %dma_wait3A_156 = tpu.memref_squeeze %dma_wait3A_155 : memref<1x128xi32, #tpu.memory_space<vmem>> -> memref<128xi32, #tpu.memory_space<vmem>>
            %dma_wait3A_157 = arith.constant 0 : i32
            %dma_wait3A_158 = arith.constant 0 : i32
            %dma_wait3A_159 = tpu.memref_slice %arg16[%dma_wait3A_157, %dma_wait3A_158] : memref<10240x16xf32, #tpu.memory_space<vmem_shared>> -> memref<10240x16xf32, #tpu.memory_space<vmem_shared>>
            tpu.wait_indirect_dma semaphore(%arg24 : memref<!tpu.dma_semaphore, #tpu.memory_space<semaphore_mem>>) src(%arg9 : memref<128x16xf32, #tpu.memory_space<vmem>>) dst(%dma_wait3A_159 : memref<10240x16xf32, #tpu.memory_space<vmem_shared>>)
          } else {
          }
          %add3A_145 = arith.constant 3 : i32
          %add3A_146 = arith.addi %while3A_91, %add3A_145 : i32
          %dma_start3A_147 = arith.constant 0 : i32
          %dma_start3A_148 = tpu.memref_slice %arg6[%add3A_146, %dma_start3A_147] : memref<80x128xi32, #tpu.memory_space<vmem>> -> memref<1x128xi32, #tpu.memory_space<vmem>>
          %dma_start3A_149 = tpu.memref_squeeze %dma_start3A_148 : memref<1x128xi32, #tpu.memory_space<vmem>> -> memref<128xi32, #tpu.memory_space<vmem>>
          %dma_start3A_150 = arith.constant 0 : i32
          %dma_start3A_151 = arith.constant 0 : i32
          %dma_start3A_152 = tpu.memref_slice %arg15[%dma_start3A_150, %dma_start3A_151] : memref<10240x16xf32, #tpu.memory_space<vmem_shared>> -> memref<10240x16xf32, #tpu.memory_space<vmem_shared>>
          tpu.enqueue_indirect_dma source(%dma_start3A_152 : memref<10240x16xf32, #tpu.memory_space<vmem_shared>>) target(%arg9 : memref<128x16xf32, #tpu.memory_space<vmem>>) offsets(%dma_start3A_149 : memref<128xi32, #tpu.memory_space<vmem>>) semaphore(%arg18 : memref<!tpu.dma_semaphore, #tpu.memory_space<semaphore_mem>>)
        } else {
        }
        %dma_wait3A = arith.constant 0 : i32
        %dma_wait3A_129 = arith.constant 0 : i32
        %dma_wait3A_130 = tpu.memref_slice %arg6[%dma_wait3A, %dma_wait3A_129] : memref<80x128xi32, #tpu.memory_space<vmem>> -> memref<1x128xi32, #tpu.memory_space<vmem>>
        %dma_wait3A_131 = tpu.memref_squeeze %dma_wait3A_130 : memref<1x128xi32, #tpu.memory_space<vmem>> -> memref<128xi32, #tpu.memory_space<vmem>>
        %dma_wait3A_132 = arith.constant 0 : i32
        %dma_wait3A_133 = arith.constant 0 : i32
        %dma_wait3A_134 = tpu.memref_slice %arg15[%dma_wait3A_132, %dma_wait3A_133] : memref<10240x16xf32, #tpu.memory_space<vmem_shared>> -> memref<10240x16xf32, #tpu.memory_space<vmem_shared>>
        tpu.wait_indirect_dma semaphore(%arg21 : memref<!tpu.dma_semaphore, #tpu.memory_space<semaphore_mem>>) src(%dma_wait3A_134 : memref<10240x16xf32, #tpu.memory_space<vmem_shared>>) dst(%arg12 : memref<128x16xf32, #tpu.memory_space<vmem>>)
        %dma_start3A = arith.constant 0 : i32
        %dma_start3A_135 = tpu.memref_slice %arg7[%while3A_91, %dma_start3A] : memref<80x128xi32, #tpu.memory_space<vmem>> -> memref<1x128xi32, #tpu.memory_space<vmem>>
        %dma_start3A_136 = tpu.memref_squeeze %dma_start3A_135 : memref<1x128xi32, #tpu.memory_space<vmem>> -> memref<128xi32, #tpu.memory_space<vmem>>
        %dma_start3A_137 = arith.constant 0 : i32
        %dma_start3A_138 = arith.constant 0 : i32
        %dma_start3A_139 = tpu.memref_slice %arg16[%dma_start3A_137, %dma_start3A_138] : memref<10240x16xf32, #tpu.memory_space<vmem_shared>> -> memref<10240x16xf32, #tpu.memory_space<vmem_shared>>
        tpu.enqueue_indirect_dma source(%arg12 : memref<128x16xf32, #tpu.memory_space<vmem>>) target(%dma_start3A_139 : memref<10240x16xf32, #tpu.memory_space<vmem_shared>>) offsets(%dma_start3A_136 : memref<128xi32, #tpu.memory_space<vmem>>) semaphore(%arg27 : memref<!tpu.dma_semaphore, #tpu.memory_space<semaphore_mem>>) {add = true}
      } else {
      }
      %eq3A_118 = arith.constant 5 : i32
      %eq3A_119 = arith.cmpi eq, %rem3A_92, %eq3A_118 : i32
      %convert_element_type3A_120 = arith.extui %eq3A_119 : i1 to i32
      %cond3A_121 = arith.constant 0 : i32
      %cond3A_122 = arith.cmpi ne, %convert_element_type3A_120, %cond3A_121 : i32
      scf.if %cond3A_122 {
        %add3A_123 = arith.constant 3 : i32
        %add3A_124 = arith.addi %while3A_91, %add3A_123 : i32
        %lt3A_125 = arith.cmpi slt, %add3A_124, %select_n3A : i32
        %convert_element_type3A_126 = arith.extui %lt3A_125 : i1 to i32
        %cond3A_127 = arith.constant 0 : i32
        %cond3A_128 = arith.cmpi ne, %convert_element_type3A_126, %cond3A_127 : i32
        scf.if %cond3A_128 {
          %ge3A_140 = arith.constant 3 : i32
          %ge3A_141 = arith.cmpi sge, %while3A_91, %ge3A_140 : i32
          %convert_element_type3A_142 = arith.extui %ge3A_141 : i1 to i32
          %cond3A_143 = arith.constant 0 : i32
          %cond3A_144 = arith.cmpi ne, %convert_element_type3A_142, %cond3A_143 : i32
          scf.if %cond3A_144 {
            %dma_wait3A_153 = arith.constant 0 : i32
            %dma_wait3A_154 = arith.constant 0 : i32
            %dma_wait3A_155 = tpu.memref_slice %arg7[%dma_wait3A_153, %dma_wait3A_154] : memref<80x128xi32, #tpu.memory_space<vmem>> -> memref<1x128xi32, #tpu.memory_space<vmem>>
            %dma_wait3A_156 = tpu.memref_squeeze %dma_wait3A_155 : memref<1x128xi32, #tpu.memory_space<vmem>> -> memref<128xi32, #tpu.memory_space<vmem>>
            %dma_wait3A_157 = arith.constant 0 : i32
            %dma_wait3A_158 = arith.constant 0 : i32
            %dma_wait3A_159 = tpu.memref_slice %arg16[%dma_wait3A_157, %dma_wait3A_158] : memref<10240x16xf32, #tpu.memory_space<vmem_shared>> -> memref<10240x16xf32, #tpu.memory_space<vmem_shared>>
            tpu.wait_indirect_dma semaphore(%arg25 : memref<!tpu.dma_semaphore, #tpu.memory_space<semaphore_mem>>) src(%arg10 : memref<128x16xf32, #tpu.memory_space<vmem>>) dst(%dma_wait3A_159 : memref<10240x16xf32, #tpu.memory_space<vmem_shared>>)
          } else {
          }
          %add3A_145 = arith.constant 3 : i32
          %add3A_146 = arith.addi %while3A_91, %add3A_145 : i32
          %dma_start3A_147 = arith.constant 0 : i32
          %dma_start3A_148 = tpu.memref_slice %arg6[%add3A_146, %dma_start3A_147] : memref<80x128xi32, #tpu.memory_space<vmem>> -> memref<1x128xi32, #tpu.memory_space<vmem>>
          %dma_start3A_149 = tpu.memref_squeeze %dma_start3A_148 : memref<1x128xi32, #tpu.memory_space<vmem>> -> memref<128xi32, #tpu.memory_space<vmem>>
          %dma_start3A_150 = arith.constant 0 : i32
          %dma_start3A_151 = arith.constant 0 : i32
          %dma_start3A_152 = tpu.memref_slice %arg15[%dma_start3A_150, %dma_start3A_151] : memref<10240x16xf32, #tpu.memory_space<vmem_shared>> -> memref<10240x16xf32, #tpu.memory_space<vmem_shared>>
          tpu.enqueue_indirect_dma source(%dma_start3A_152 : memref<10240x16xf32, #tpu.memory_space<vmem_shared>>) target(%arg10 : memref<128x16xf32, #tpu.memory_space<vmem>>) offsets(%dma_start3A_149 : memref<128xi32, #tpu.memory_space<vmem>>) semaphore(%arg19 : memref<!tpu.dma_semaphore, #tpu.memory_space<semaphore_mem>>)
        } else {
        }
        %dma_wait3A = arith.constant 0 : i32
        %dma_wait3A_129 = arith.constant 0 : i32
        %dma_wait3A_130 = tpu.memref_slice %arg6[%dma_wait3A, %dma_wait3A_129] : memref<80x128xi32, #tpu.memory_space<vmem>> -> memref<1x128xi32, #tpu.memory_space<vmem>>
        %dma_wait3A_131 = tpu.memref_squeeze %dma_wait3A_130 : memref<1x128xi32, #tpu.memory_space<vmem>> -> memref<128xi32, #tpu.memory_space<vmem>>
        %dma_wait3A_132 = arith.constant 0 : i32
        %dma_wait3A_133 = arith.constant 0 : i32
        %dma_wait3A_134 = tpu.memref_slice %arg15[%dma_wait3A_132, %dma_wait3A_133] : memref<10240x16xf32, #tpu.memory_space<vmem_shared>> -> memref<10240x16xf32, #tpu.memory_space<vmem_shared>>
        tpu.wait_indirect_dma semaphore(%arg22 : memref<!tpu.dma_semaphore, #tpu.memory_space<semaphore_mem>>) src(%dma_wait3A_134 : memref<10240x16xf32, #tpu.memory_space<vmem_shared>>) dst(%arg13 : memref<128x16xf32, #tpu.memory_space<vmem>>)
        %dma_start3A = arith.constant 0 : i32
        %dma_start3A_135 = tpu.memref_slice %arg7[%while3A_91, %dma_start3A] : memref<80x128xi32, #tpu.memory_space<vmem>> -> memref<1x128xi32, #tpu.memory_space<vmem>>
        %dma_start3A_136 = tpu.memref_squeeze %dma_start3A_135 : memref<1x128xi32, #tpu.memory_space<vmem>> -> memref<128xi32, #tpu.memory_space<vmem>>
        %dma_start3A_137 = arith.constant 0 : i32
        %dma_start3A_138 = arith.constant 0 : i32
        %dma_start3A_139 = tpu.memref_slice %arg16[%dma_start3A_137, %dma_start3A_138] : memref<10240x16xf32, #tpu.memory_space<vmem_shared>> -> memref<10240x16xf32, #tpu.memory_space<vmem_shared>>
        tpu.enqueue_indirect_dma source(%arg13 : memref<128x16xf32, #tpu.memory_space<vmem>>) target(%dma_start3A_139 : memref<10240x16xf32, #tpu.memory_space<vmem_shared>>) offsets(%dma_start3A_136 : memref<128xi32, #tpu.memory_space<vmem>>) semaphore(%arg28 : memref<!tpu.dma_semaphore, #tpu.memory_space<semaphore_mem>>) {add = true}
      } else {
      }
    }
    %while3A_55 = arith.constant 1 : i32
    scf.for %while3A_91 = %while3A_53 to %while3A_49 step %while3A_55  : i32 {
      %rem3A = arith.constant 6 : i32
      %rem3A_92 = arith.remsi %while3A_91, %rem3A : i32
      %eq3A_93 = arith.constant 0 : i32
      %eq3A_94 = arith.cmpi eq, %rem3A_92, %eq3A_93 : i32
      %convert_element_type3A_95 = arith.extui %eq3A_94 : i1 to i32
      %cond3A_96 = arith.constant 0 : i32
      %cond3A_97 = arith.cmpi ne, %convert_element_type3A_95, %cond3A_96 : i32
      scf.if %cond3A_97 {
        %add3A_123 = arith.constant 3 : i32
        %add3A_124 = arith.addi %while3A_91, %add3A_123 : i32
        %lt3A_125 = arith.cmpi slt, %add3A_124, %select_n3A : i32
        %convert_element_type3A_126 = arith.extui %lt3A_125 : i1 to i32
        %cond3A_127 = arith.constant 0 : i32
        %cond3A_128 = arith.cmpi ne, %convert_element_type3A_126, %cond3A_127 : i32
        scf.if %cond3A_128 {
          %ge3A_140 = arith.constant 3 : i32
          %ge3A_141 = arith.cmpi sge, %while3A_91, %ge3A_140 : i32
          %convert_element_type3A_142 = arith.extui %ge3A_141 : i1 to i32
          %cond3A_143 = arith.constant 0 : i32
          %cond3A_144 = arith.cmpi ne, %convert_element_type3A_142, %cond3A_143 : i32
          scf.if %cond3A_144 {
            %dma_wait3A_153 = arith.constant 0 : i32
            %dma_wait3A_154 = arith.constant 0 : i32
            %dma_wait3A_155 = tpu.memref_slice %arg7[%dma_wait3A_153, %dma_wait3A_154] : memref<80x128xi32, #tpu.memory_space<vmem>> -> memref<1x128xi32, #tpu.memory_space<vmem>>
            %dma_wait3A_156 = tpu.memref_squeeze %dma_wait3A_155 : memref<1x128xi32, #tpu.memory_space<vmem>> -> memref<128xi32, #tpu.memory_space<vmem>>
            %dma_wait3A_157 = arith.constant 0 : i32
            %dma_wait3A_158 = arith.constant 0 : i32
            %dma_wait3A_159 = tpu.memref_slice %arg16[%dma_wait3A_157, %dma_wait3A_158] : memref<10240x16xf32, #tpu.memory_space<vmem_shared>> -> memref<10240x16xf32, #tpu.memory_space<vmem_shared>>
            tpu.wait_indirect_dma semaphore(%arg26 : memref<!tpu.dma_semaphore, #tpu.memory_space<semaphore_mem>>) src(%arg11 : memref<128x16xf32, #tpu.memory_space<vmem>>) dst(%dma_wait3A_159 : memref<10240x16xf32, #tpu.memory_space<vmem_shared>>)
          } else {
          }
          %add3A_145 = arith.constant 3 : i32
          %add3A_146 = arith.addi %while3A_91, %add3A_145 : i32
          %dma_start3A_147 = arith.constant 0 : i32
          %dma_start3A_148 = tpu.memref_slice %arg6[%add3A_146, %dma_start3A_147] : memref<80x128xi32, #tpu.memory_space<vmem>> -> memref<1x128xi32, #tpu.memory_space<vmem>>
          %dma_start3A_149 = tpu.memref_squeeze %dma_start3A_148 : memref<1x128xi32, #tpu.memory_space<vmem>> -> memref<128xi32, #tpu.memory_space<vmem>>
          %dma_start3A_150 = arith.constant 0 : i32
          %dma_start3A_151 = arith.constant 0 : i32
          %dma_start3A_152 = tpu.memref_slice %arg15[%dma_start3A_150, %dma_start3A_151] : memref<10240x16xf32, #tpu.memory_space<vmem_shared>> -> memref<10240x16xf32, #tpu.memory_space<vmem_shared>>
          tpu.enqueue_indirect_dma source(%dma_start3A_152 : memref<10240x16xf32, #tpu.memory_space<vmem_shared>>) target(%arg11 : memref<128x16xf32, #tpu.memory_space<vmem>>) offsets(%dma_start3A_149 : memref<128xi32, #tpu.memory_space<vmem>>) semaphore(%arg20 : memref<!tpu.dma_semaphore, #tpu.memory_space<semaphore_mem>>)
        } else {
        }
        %dma_wait3A = arith.constant 0 : i32
        %dma_wait3A_129 = arith.constant 0 : i32
        %dma_wait3A_130 = tpu.memref_slice %arg6[%dma_wait3A, %dma_wait3A_129] : memref<80x128xi32, #tpu.memory_space<vmem>> -> memref<1x128xi32, #tpu.memory_space<vmem>>
        %dma_wait3A_131 = tpu.memref_squeeze %dma_wait3A_130 : memref<1x128xi32, #tpu.memory_space<vmem>> -> memref<128xi32, #tpu.memory_space<vmem>>
        %dma_wait3A_132 = arith.constant 0 : i32
        %dma_wait3A_133 = arith.constant 0 : i32
        %dma_wait3A_134 = tpu.memref_slice %arg15[%dma_wait3A_132, %dma_wait3A_133] : memref<10240x16xf32, #tpu.memory_space<vmem_shared>> -> memref<10240x16xf32, #tpu.memory_space<vmem_shared>>
        tpu.wait_indirect_dma semaphore(%arg17 : memref<!tpu.dma_semaphore, #tpu.memory_space<semaphore_mem>>) src(%dma_wait3A_134 : memref<10240x16xf32, #tpu.memory_space<vmem_shared>>) dst(%arg8 : memref<128x16xf32, #tpu.memory_space<vmem>>)
        %dma_start3A = arith.constant 0 : i32
        %dma_start3A_135 = tpu.memref_slice %arg7[%while3A_91, %dma_start3A] : memref<80x128xi32, #tpu.memory_space<vmem>> -> memref<1x128xi32, #tpu.memory_space<vmem>>
        %dma_start3A_136 = tpu.memref_squeeze %dma_start3A_135 : memref<1x128xi32, #tpu.memory_space<vmem>> -> memref<128xi32, #tpu.memory_space<vmem>>
        %dma_start3A_137 = arith.constant 0 : i32
        %dma_start3A_138 = arith.constant 0 : i32
        %dma_start3A_139 = tpu.memref_slice %arg16[%dma_start3A_137, %dma_start3A_138] : memref<10240x16xf32, #tpu.memory_space<vmem_shared>> -> memref<10240x16xf32, #tpu.memory_space<vmem_shared>>
        tpu.enqueue_indirect_dma source(%arg8 : memref<128x16xf32, #tpu.memory_space<vmem>>) target(%dma_start3A_139 : memref<10240x16xf32, #tpu.memory_space<vmem_shared>>) offsets(%dma_start3A_136 : memref<128xi32, #tpu.memory_space<vmem>>) semaphore(%arg23 : memref<!tpu.dma_semaphore, #tpu.memory_space<semaphore_mem>>) {add = true}
      } else {
      }
      %eq3A_98 = arith.constant 1 : i32
      %eq3A_99 = arith.cmpi eq, %rem3A_92, %eq3A_98 : i32
      %convert_element_type3A_100 = arith.extui %eq3A_99 : i1 to i32
      %cond3A_101 = arith.constant 0 : i32
      %cond3A_102 = arith.cmpi ne, %convert_element_type3A_100, %cond3A_101 : i32
      scf.if %cond3A_102 {
        %add3A_123 = arith.constant 3 : i32
        %add3A_124 = arith.addi %while3A_91, %add3A_123 : i32
        %lt3A_125 = arith.cmpi slt, %add3A_124, %select_n3A : i32
        %convert_element_type3A_126 = arith.extui %lt3A_125 : i1 to i32
        %cond3A_127 = arith.constant 0 : i32
        %cond3A_128 = arith.cmpi ne, %convert_element_type3A_126, %cond3A_127 : i32
        scf.if %cond3A_128 {
          %ge3A_140 = arith.constant 3 : i32
          %ge3A_141 = arith.cmpi sge, %while3A_91, %ge3A_140 : i32
          %convert_element_type3A_142 = arith.extui %ge3A_141 : i1 to i32
          %cond3A_143 = arith.constant 0 : i32
          %cond3A_144 = arith.cmpi ne, %convert_element_type3A_142, %cond3A_143 : i32
          scf.if %cond3A_144 {
            %dma_wait3A_153 = arith.constant 0 : i32
            %dma_wait3A_154 = arith.constant 0 : i32
            %dma_wait3A_155 = tpu.memref_slice %arg7[%dma_wait3A_153, %dma_wait3A_154] : memref<80x128xi32, #tpu.memory_space<vmem>> -> memref<1x128xi32, #tpu.memory_space<vmem>>
            %dma_wait3A_156 = tpu.memref_squeeze %dma_wait3A_155 : memref<1x128xi32, #tpu.memory_space<vmem>> -> memref<128xi32, #tpu.memory_space<vmem>>
            %dma_wait3A_157 = arith.constant 0 : i32
            %dma_wait3A_158 = arith.constant 0 : i32
            %dma_wait3A_159 = tpu.memref_slice %arg16[%dma_wait3A_157, %dma_wait3A_158] : memref<10240x16xf32, #tpu.memory_space<vmem_shared>> -> memref<10240x16xf32, #tpu.memory_space<vmem_shared>>
            tpu.wait_indirect_dma semaphore(%arg27 : memref<!tpu.dma_semaphore, #tpu.memory_space<semaphore_mem>>) src(%arg12 : memref<128x16xf32, #tpu.memory_space<vmem>>) dst(%dma_wait3A_159 : memref<10240x16xf32, #tpu.memory_space<vmem_shared>>)
          } else {
          }
          %add3A_145 = arith.constant 3 : i32
          %add3A_146 = arith.addi %while3A_91, %add3A_145 : i32
          %dma_start3A_147 = arith.constant 0 : i32
          %dma_start3A_148 = tpu.memref_slice %arg6[%add3A_146, %dma_start3A_147] : memref<80x128xi32, #tpu.memory_space<vmem>> -> memref<1x128xi32, #tpu.memory_space<vmem>>
          %dma_start3A_149 = tpu.memref_squeeze %dma_start3A_148 : memref<1x128xi32, #tpu.memory_space<vmem>> -> memref<128xi32, #tpu.memory_space<vmem>>
          %dma_start3A_150 = arith.constant 0 : i32
          %dma_start3A_151 = arith.constant 0 : i32
          %dma_start3A_152 = tpu.memref_slice %arg15[%dma_start3A_150, %dma_start3A_151] : memref<10240x16xf32, #tpu.memory_space<vmem_shared>> -> memref<10240x16xf32, #tpu.memory_space<vmem_shared>>
          tpu.enqueue_indirect_dma source(%dma_start3A_152 : memref<10240x16xf32, #tpu.memory_space<vmem_shared>>) target(%arg12 : memref<128x16xf32, #tpu.memory_space<vmem>>) offsets(%dma_start3A_149 : memref<128xi32, #tpu.memory_space<vmem>>) semaphore(%arg21 : memref<!tpu.dma_semaphore, #tpu.memory_space<semaphore_mem>>)
        } else {
        }
        %dma_wait3A = arith.constant 0 : i32
        %dma_wait3A_129 = arith.constant 0 : i32
        %dma_wait3A_130 = tpu.memref_slice %arg6[%dma_wait3A, %dma_wait3A_129] : memref<80x128xi32, #tpu.memory_space<vmem>> -> memref<1x128xi32, #tpu.memory_space<vmem>>
        %dma_wait3A_131 = tpu.memref_squeeze %dma_wait3A_130 : memref<1x128xi32, #tpu.memory_space<vmem>> -> memref<128xi32, #tpu.memory_space<vmem>>
        %dma_wait3A_132 = arith.constant 0 : i32
        %dma_wait3A_133 = arith.constant 0 : i32
        %dma_wait3A_134 = tpu.memref_slice %arg15[%dma_wait3A_132, %dma_wait3A_133] : memref<10240x16xf32, #tpu.memory_space<vmem_shared>> -> memref<10240x16xf32, #tpu.memory_space<vmem_shared>>
        tpu.wait_indirect_dma semaphore(%arg18 : memref<!tpu.dma_semaphore, #tpu.memory_space<semaphore_mem>>) src(%dma_wait3A_134 : memref<10240x16xf32, #tpu.memory_space<vmem_shared>>) dst(%arg9 : memref<128x16xf32, #tpu.memory_space<vmem>>)
        %dma_start3A = arith.constant 0 : i32
        %dma_start3A_135 = tpu.memref_slice %arg7[%while3A_91, %dma_start3A] : memref<80x128xi32, #tpu.memory_space<vmem>> -> memref<1x128xi32, #tpu.memory_space<vmem>>
        %dma_start3A_136 = tpu.memref_squeeze %dma_start3A_135 : memref<1x128xi32, #tpu.memory_space<vmem>> -> memref<128xi32, #tpu.memory_space<vmem>>
        %dma_start3A_137 = arith.constant 0 : i32
        %dma_start3A_138 = arith.constant 0 : i32
        %dma_start3A_139 = tpu.memref_slice %arg16[%dma_start3A_137, %dma_start3A_138] : memref<10240x16xf32, #tpu.memory_space<vmem_shared>> -> memref<10240x16xf32, #tpu.memory_space<vmem_shared>>
        tpu.enqueue_indirect_dma source(%arg9 : memref<128x16xf32, #tpu.memory_space<vmem>>) target(%dma_start3A_139 : memref<10240x16xf32, #tpu.memory_space<vmem_shared>>) offsets(%dma_start3A_136 : memref<128xi32, #tpu.memory_space<vmem>>) semaphore(%arg24 : memref<!tpu.dma_semaphore, #tpu.memory_space<semaphore_mem>>) {add = true}
      } else {
      }
      %eq3A_103 = arith.constant 2 : i32
      %eq3A_104 = arith.cmpi eq, %rem3A_92, %eq3A_103 : i32
      %convert_element_type3A_105 = arith.extui %eq3A_104 : i1 to i32
      %cond3A_106 = arith.constant 0 : i32
      %cond3A_107 = arith.cmpi ne, %convert_element_type3A_105, %cond3A_106 : i32
      scf.if %cond3A_107 {
        %add3A_123 = arith.constant 3 : i32
        %add3A_124 = arith.addi %while3A_91, %add3A_123 : i32
        %lt3A_125 = arith.cmpi slt, %add3A_124, %select_n3A : i32
        %convert_element_type3A_126 = arith.extui %lt3A_125 : i1 to i32
        %cond3A_127 = arith.constant 0 : i32
        %cond3A_128 = arith.cmpi ne, %convert_element_type3A_126, %cond3A_127 : i32
        scf.if %cond3A_128 {
          %ge3A_140 = arith.constant 3 : i32
          %ge3A_141 = arith.cmpi sge, %while3A_91, %ge3A_140 : i32
          %convert_element_type3A_142 = arith.extui %ge3A_141 : i1 to i32
          %cond3A_143 = arith.constant 0 : i32
          %cond3A_144 = arith.cmpi ne, %convert_element_type3A_142, %cond3A_143 : i32
          scf.if %cond3A_144 {
            %dma_wait3A_153 = arith.constant 0 : i32
            %dma_wait3A_154 = arith.constant 0 : i32
            %dma_wait3A_155 = tpu.memref_slice %arg7[%dma_wait3A_153, %dma_wait3A_154] : memref<80x128xi32, #tpu.memory_space<vmem>> -> memref<1x128xi32, #tpu.memory_space<vmem>>
            %dma_wait3A_156 = tpu.memref_squeeze %dma_wait3A_155 : memref<1x128xi32, #tpu.memory_space<vmem>> -> memref<128xi32, #tpu.memory_space<vmem>>
            %dma_wait3A_157 = arith.constant 0 : i32
            %dma_wait3A_158 = arith.constant 0 : i32
            %dma_wait3A_159 = tpu.memref_slice %arg16[%dma_wait3A_157, %dma_wait3A_158] : memref<10240x16xf32, #tpu.memory_space<vmem_shared>> -> memref<10240x16xf32, #tpu.memory_space<vmem_shared>>
            tpu.wait_indirect_dma semaphore(%arg28 : memref<!tpu.dma_semaphore, #tpu.memory_space<semaphore_mem>>) src(%arg13 : memref<128x16xf32, #tpu.memory_space<vmem>>) dst(%dma_wait3A_159 : memref<10240x16xf32, #tpu.memory_space<vmem_shared>>)
          } else {
          }
          %add3A_145 = arith.constant 3 : i32
          %add3A_146 = arith.addi %while3A_91, %add3A_145 : i32
          %dma_start3A_147 = arith.constant 0 : i32
          %dma_start3A_148 = tpu.memref_slice %arg6[%add3A_146, %dma_start3A_147] : memref<80x128xi32, #tpu.memory_space<vmem>> -> memref<1x128xi32, #tpu.memory_space<vmem>>
          %dma_start3A_149 = tpu.memref_squeeze %dma_start3A_148 : memref<1x128xi32, #tpu.memory_space<vmem>> -> memref<128xi32, #tpu.memory_space<vmem>>
          %dma_start3A_150 = arith.constant 0 : i32
          %dma_start3A_151 = arith.constant 0 : i32
          %dma_start3A_152 = tpu.memref_slice %arg15[%dma_start3A_150, %dma_start3A_151] : memref<10240x16xf32, #tpu.memory_space<vmem_shared>> -> memref<10240x16xf32, #tpu.memory_space<vmem_shared>>
          tpu.enqueue_indirect_dma source(%dma_start3A_152 : memref<10240x16xf32, #tpu.memory_space<vmem_shared>>) target(%arg13 : memref<128x16xf32, #tpu.memory_space<vmem>>) offsets(%dma_start3A_149 : memref<128xi32, #tpu.memory_space<vmem>>) semaphore(%arg22 : memref<!tpu.dma_semaphore, #tpu.memory_space<semaphore_mem>>)
        } else {
        }
        %dma_wait3A = arith.constant 0 : i32
        %dma_wait3A_129 = arith.constant 0 : i32
        %dma_wait3A_130 = tpu.memref_slice %arg6[%dma_wait3A, %dma_wait3A_129] : memref<80x128xi32, #tpu.memory_space<vmem>> -> memref<1x128xi32, #tpu.memory_space<vmem>>
        %dma_wait3A_131 = tpu.memref_squeeze %dma_wait3A_130 : memref<1x128xi32, #tpu.memory_space<vmem>> -> memref<128xi32, #tpu.memory_space<vmem>>
        %dma_wait3A_132 = arith.constant 0 : i32
        %dma_wait3A_133 = arith.constant 0 : i32
        %dma_wait3A_134 = tpu.memref_slice %arg15[%dma_wait3A_132, %dma_wait3A_133] : memref<10240x16xf32, #tpu.memory_space<vmem_shared>> -> memref<10240x16xf32, #tpu.memory_space<vmem_shared>>
        tpu.wait_indirect_dma semaphore(%arg19 : memref<!tpu.dma_semaphore, #tpu.memory_space<semaphore_mem>>) src(%dma_wait3A_134 : memref<10240x16xf32, #tpu.memory_space<vmem_shared>>) dst(%arg10 : memref<128x16xf32, #tpu.memory_space<vmem>>)
        %dma_start3A = arith.constant 0 : i32
        %dma_start3A_135 = tpu.memref_slice %arg7[%while3A_91, %dma_start3A] : memref<80x128xi32, #tpu.memory_space<vmem>> -> memref<1x128xi32, #tpu.memory_space<vmem>>
        %dma_start3A_136 = tpu.memref_squeeze %dma_start3A_135 : memref<1x128xi32, #tpu.memory_space<vmem>> -> memref<128xi32, #tpu.memory_space<vmem>>
        %dma_start3A_137 = arith.constant 0 : i32
        %dma_start3A_138 = arith.constant 0 : i32
        %dma_start3A_139 = tpu.memref_slice %arg16[%dma_start3A_137, %dma_start3A_138] : memref<10240x16xf32, #tpu.memory_space<vmem_shared>> -> memref<10240x16xf32, #tpu.memory_space<vmem_shared>>
        tpu.enqueue_indirect_dma source(%arg10 : memref<128x16xf32, #tpu.memory_space<vmem>>) target(%dma_start3A_139 : memref<10240x16xf32, #tpu.memory_space<vmem_shared>>) offsets(%dma_start3A_136 : memref<128xi32, #tpu.memory_space<vmem>>) semaphore(%arg25 : memref<!tpu.dma_semaphore, #tpu.memory_space<semaphore_mem>>) {add = true}
      } else {
      }
      %eq3A_108 = arith.constant 3 : i32
      %eq3A_109 = arith.cmpi eq, %rem3A_92, %eq3A_108 : i32
      %convert_element_type3A_110 = arith.extui %eq3A_109 : i1 to i32
      %cond3A_111 = arith.constant 0 : i32
      %cond3A_112 = arith.cmpi ne, %convert_element_type3A_110, %cond3A_111 : i32
      scf.if %cond3A_112 {
        %add3A_123 = arith.constant 3 : i32
        %add3A_124 = arith.addi %while3A_91, %add3A_123 : i32
        %lt3A_125 = arith.cmpi slt, %add3A_124, %select_n3A : i32
        %convert_element_type3A_126 = arith.extui %lt3A_125 : i1 to i32
        %cond3A_127 = arith.constant 0 : i32
        %cond3A_128 = arith.cmpi ne, %convert_element_type3A_126, %cond3A_127 : i32
        scf.if %cond3A_128 {
          %ge3A_140 = arith.constant 3 : i32
          %ge3A_141 = arith.cmpi sge, %while3A_91, %ge3A_140 : i32
          %convert_element_type3A_142 = arith.extui %ge3A_141 : i1 to i32
          %cond3A_143 = arith.constant 0 : i32
          %cond3A_144 = arith.cmpi ne, %convert_element_type3A_142, %cond3A_143 : i32
          scf.if %cond3A_144 {
            %dma_wait3A_153 = arith.constant 0 : i32
            %dma_wait3A_154 = arith.constant 0 : i32
            %dma_wait3A_155 = tpu.memref_slice %arg7[%dma_wait3A_153, %dma_wait3A_154] : memref<80x128xi32, #tpu.memory_space<vmem>> -> memref<1x128xi32, #tpu.memory_space<vmem>>
            %dma_wait3A_156 = tpu.memref_squeeze %dma_wait3A_155 : memref<1x128xi32, #tpu.memory_space<vmem>> -> memref<128xi32, #tpu.memory_space<vmem>>
            %dma_wait3A_157 = arith.constant 0 : i32
            %dma_wait3A_158 = arith.constant 0 : i32
            %dma_wait3A_159 = tpu.memref_slice %arg16[%dma_wait3A_157, %dma_wait3A_158] : memref<10240x16xf32, #tpu.memory_space<vmem_shared>> -> memref<10240x16xf32, #tpu.memory_space<vmem_shared>>
            tpu.wait_indirect_dma semaphore(%arg23 : memref<!tpu.dma_semaphore, #tpu.memory_space<semaphore_mem>>) src(%arg8 : memref<128x16xf32, #tpu.memory_space<vmem>>) dst(%dma_wait3A_159 : memref<10240x16xf32, #tpu.memory_space<vmem_shared>>)
          } else {
          }
          %add3A_145 = arith.constant 3 : i32
          %add3A_146 = arith.addi %while3A_91, %add3A_145 : i32
          %dma_start3A_147 = arith.constant 0 : i32
          %dma_start3A_148 = tpu.memref_slice %arg6[%add3A_146, %dma_start3A_147] : memref<80x128xi32, #tpu.memory_space<vmem>> -> memref<1x128xi32, #tpu.memory_space<vmem>>
          %dma_start3A_149 = tpu.memref_squeeze %dma_start3A_148 : memref<1x128xi32, #tpu.memory_space<vmem>> -> memref<128xi32, #tpu.memory_space<vmem>>
          %dma_start3A_150 = arith.constant 0 : i32
          %dma_start3A_151 = arith.constant 0 : i32
          %dma_start3A_152 = tpu.memref_slice %arg15[%dma_start3A_150, %dma_start3A_151] : memref<10240x16xf32, #tpu.memory_space<vmem_shared>> -> memref<10240x16xf32, #tpu.memory_space<vmem_shared>>
          tpu.enqueue_indirect_dma source(%dma_start3A_152 : memref<10240x16xf32, #tpu.memory_space<vmem_shared>>) target(%arg8 : memref<128x16xf32, #tpu.memory_space<vmem>>) offsets(%dma_start3A_149 : memref<128xi32, #tpu.memory_space<vmem>>) semaphore(%arg17 : memref<!tpu.dma_semaphore, #tpu.memory_space<semaphore_mem>>)
        } else {
        }
        %dma_wait3A = arith.constant 0 : i32
        %dma_wait3A_129 = arith.constant 0 : i32
        %dma_wait3A_130 = tpu.memref_slice %arg6[%dma_wait3A, %dma_wait3A_129] : memref<80x128xi32, #tpu.memory_space<vmem>> -> memref<1x128xi32, #tpu.memory_space<vmem>>
        %dma_wait3A_131 = tpu.memref_squeeze %dma_wait3A_130 : memref<1x128xi32, #tpu.memory_space<vmem>> -> memref<128xi32, #tpu.memory_space<vmem>>
        %dma_wait3A_132 = arith.constant 0 : i32
        %dma_wait3A_133 = arith.constant 0 : i32
        %dma_wait3A_134 = tpu.memref_slice %arg15[%dma_wait3A_132, %dma_wait3A_133] : memref<10240x16xf32, #tpu.memory_space<vmem_shared>> -> memref<10240x16xf32, #tpu.memory_space<vmem_shared>>
        tpu.wait_indirect_dma semaphore(%arg20 : memref<!tpu.dma_semaphore, #tpu.memory_space<semaphore_mem>>) src(%dma_wait3A_134 : memref<10240x16xf32, #tpu.memory_space<vmem_shared>>) dst(%arg11 : memref<128x16xf32, #tpu.memory_space<vmem>>)
        %dma_start3A = arith.constant 0 : i32
        %dma_start3A_135 = tpu.memref_slice %arg7[%while3A_91, %dma_start3A] : memref<80x128xi32, #tpu.memory_space<vmem>> -> memref<1x128xi32, #tpu.memory_space<vmem>>
        %dma_start3A_136 = tpu.memref_squeeze %dma_start3A_135 : memref<1x128xi32, #tpu.memory_space<vmem>> -> memref<128xi32, #tpu.memory_space<vmem>>
        %dma_start3A_137 = arith.constant 0 : i32
        %dma_start3A_138 = arith.constant 0 : i32
        %dma_start3A_139 = tpu.memref_slice %arg16[%dma_start3A_137, %dma_start3A_138] : memref<10240x16xf32, #tpu.memory_space<vmem_shared>> -> memref<10240x16xf32, #tpu.memory_space<vmem_shared>>
        tpu.enqueue_indirect_dma source(%arg11 : memref<128x16xf32, #tpu.memory_space<vmem>>) target(%dma_start3A_139 : memref<10240x16xf32, #tpu.memory_space<vmem_shared>>) offsets(%dma_start3A_136 : memref<128xi32, #tpu.memory_space<vmem>>) semaphore(%arg26 : memref<!tpu.dma_semaphore, #tpu.memory_space<semaphore_mem>>) {add = true}
      } else {
      }
      %eq3A_113 = arith.constant 4 : i32
      %eq3A_114 = arith.cmpi eq, %rem3A_92, %eq3A_113 : i32
      %convert_element_type3A_115 = arith.extui %eq3A_114 : i1 to i32
      %cond3A_116 = arith.constant 0 : i32
      %cond3A_117 = arith.cmpi ne, %convert_element_type3A_115, %cond3A_116 : i32
      scf.if %cond3A_117 {
        %add3A_123 = arith.constant 3 : i32
        %add3A_124 = arith.addi %while3A_91, %add3A_123 : i32
        %lt3A_125 = arith.cmpi slt, %add3A_124, %select_n3A : i32
        %convert_element_type3A_126 = arith.extui %lt3A_125 : i1 to i32
        %cond3A_127 = arith.constant 0 : i32
        %cond3A_128 = arith.cmpi ne, %convert_element_type3A_126, %cond3A_127 : i32
        scf.if %cond3A_128 {
          %ge3A_140 = arith.constant 3 : i32
          %ge3A_141 = arith.cmpi sge, %while3A_91, %ge3A_140 : i32
          %convert_element_type3A_142 = arith.extui %ge3A_141 : i1 to i32
          %cond3A_143 = arith.constant 0 : i32
          %cond3A_144 = arith.cmpi ne, %convert_element_type3A_142, %cond3A_143 : i32
          scf.if %cond3A_144 {
            %dma_wait3A_153 = arith.constant 0 : i32
            %dma_wait3A_154 = arith.constant 0 : i32
            %dma_wait3A_155 = tpu.memref_slice %arg7[%dma_wait3A_153, %dma_wait3A_154] : memref<80x128xi32, #tpu.memory_space<vmem>> -> memref<1x128xi32, #tpu.memory_space<vmem>>
            %dma_wait3A_156 = tpu.memref_squeeze %dma_wait3A_155 : memref<1x128xi32, #tpu.memory_space<vmem>> -> memref<128xi32, #tpu.memory_space<vmem>>
            %dma_wait3A_157 = arith.constant 0 : i32
            %dma_wait3A_158 = arith.constant 0 : i32
            %dma_wait3A_159 = tpu.memref_slice %arg16[%dma_wait3A_157, %dma_wait3A_158] : memref<10240x16xf32, #tpu.memory_space<vmem_shared>> -> memref<10240x16xf32, #tpu.memory_space<vmem_shared>>
            tpu.wait_indirect_dma semaphore(%arg24 : memref<!tpu.dma_semaphore, #tpu.memory_space<semaphore_mem>>) src(%arg9 : memref<128x16xf32, #tpu.memory_space<vmem>>) dst(%dma_wait3A_159 : memref<10240x16xf32, #tpu.memory_space<vmem_shared>>)
          } else {
          }
          %add3A_145 = arith.constant 3 : i32
          %add3A_146 = arith.addi %while3A_91, %add3A_145 : i32
          %dma_start3A_147 = arith.constant 0 : i32
          %dma_start3A_148 = tpu.memref_slice %arg6[%add3A_146, %dma_start3A_147] : memref<80x128xi32, #tpu.memory_space<vmem>> -> memref<1x128xi32, #tpu.memory_space<vmem>>
          %dma_start3A_149 = tpu.memref_squeeze %dma_start3A_148 : memref<1x128xi32, #tpu.memory_space<vmem>> -> memref<128xi32, #tpu.memory_space<vmem>>
          %dma_start3A_150 = arith.constant 0 : i32
          %dma_start3A_151 = arith.constant 0 : i32
          %dma_start3A_152 = tpu.memref_slice %arg15[%dma_start3A_150, %dma_start3A_151] : memref<10240x16xf32, #tpu.memory_space<vmem_shared>> -> memref<10240x16xf32, #tpu.memory_space<vmem_shared>>
          tpu.enqueue_indirect_dma source(%dma_start3A_152 : memref<10240x16xf32, #tpu.memory_space<vmem_shared>>) target(%arg9 : memref<128x16xf32, #tpu.memory_space<vmem>>) offsets(%dma_start3A_149 : memref<128xi32, #tpu.memory_space<vmem>>) semaphore(%arg18 : memref<!tpu.dma_semaphore, #tpu.memory_space<semaphore_mem>>)
        } else {
        }
        %dma_wait3A = arith.constant 0 : i32
        %dma_wait3A_129 = arith.constant 0 : i32
        %dma_wait3A_130 = tpu.memref_slice %arg6[%dma_wait3A, %dma_wait3A_129] : memref<80x128xi32, #tpu.memory_space<vmem>> -> memref<1x128xi32, #tpu.memory_space<vmem>>
        %dma_wait3A_131 = tpu.memref_squeeze %dma_wait3A_130 : memref<1x128xi32, #tpu.memory_space<vmem>> -> memref<128xi32, #tpu.memory_space<vmem>>
        %dma_wait3A_132 = arith.constant 0 : i32
        %dma_wait3A_133 = arith.constant 0 : i32
        %dma_wait3A_134 = tpu.memref_slice %arg15[%dma_wait3A_132, %dma_wait3A_133] : memref<10240x16xf32, #tpu.memory_space<vmem_shared>> -> memref<10240x16xf32, #tpu.memory_space<vmem_shared>>
        tpu.wait_indirect_dma semaphore(%arg21 : memref<!tpu.dma_semaphore, #tpu.memory_space<semaphore_mem>>) src(%dma_wait3A_134 : memref<10240x16xf32, #tpu.memory_space<vmem_shared>>) dst(%arg12 : memref<128x16xf32, #tpu.memory_space<vmem>>)
        %dma_start3A = arith.constant 0 : i32
        %dma_start3A_135 = tpu.memref_slice %arg7[%while3A_91, %dma_start3A] : memref<80x128xi32, #tpu.memory_space<vmem>> -> memref<1x128xi32, #tpu.memory_space<vmem>>
        %dma_start3A_136 = tpu.memref_squeeze %dma_start3A_135 : memref<1x128xi32, #tpu.memory_space<vmem>> -> memref<128xi32, #tpu.memory_space<vmem>>
        %dma_start3A_137 = arith.constant 0 : i32
        %dma_start3A_138 = arith.constant 0 : i32
        %dma_start3A_139 = tpu.memref_slice %arg16[%dma_start3A_137, %dma_start3A_138] : memref<10240x16xf32, #tpu.memory_space<vmem_shared>> -> memref<10240x16xf32, #tpu.memory_space<vmem_shared>>
        tpu.enqueue_indirect_dma source(%arg12 : memref<128x16xf32, #tpu.memory_space<vmem>>) target(%dma_start3A_139 : memref<10240x16xf32, #tpu.memory_space<vmem_shared>>) offsets(%dma_start3A_136 : memref<128xi32, #tpu.memory_space<vmem>>) semaphore(%arg27 : memref<!tpu.dma_semaphore, #tpu.memory_space<semaphore_mem>>) {add = true}
      } else {
      }
      %eq3A_118 = arith.constant 5 : i32
      %eq3A_119 = arith.cmpi eq, %rem3A_92, %eq3A_118 : i32
      %convert_element_type3A_120 = arith.extui %eq3A_119 : i1 to i32
      %cond3A_121 = arith.constant 0 : i32
      %cond3A_122 = arith.cmpi ne, %convert_element_type3A_120, %cond3A_121 : i32
      scf.if %cond3A_122 {
        %add3A_123 = arith.constant 3 : i32
        %add3A_124 = arith.addi %while3A_91, %add3A_123 : i32
        %lt3A_125 = arith.cmpi slt, %add3A_124, %select_n3A : i32
        %convert_element_type3A_126 = arith.extui %lt3A_125 : i1 to i32
        %cond3A_127 = arith.constant 0 : i32
        %cond3A_128 = arith.cmpi ne, %convert_element_type3A_126, %cond3A_127 : i32
        scf.if %cond3A_128 {
          %ge3A_140 = arith.constant 3 : i32
          %ge3A_141 = arith.cmpi sge, %while3A_91, %ge3A_140 : i32
          %convert_element_type3A_142 = arith.extui %ge3A_141 : i1 to i32
          %cond3A_143 = arith.constant 0 : i32
          %cond3A_144 = arith.cmpi ne, %convert_element_type3A_142, %cond3A_143 : i32
          scf.if %cond3A_144 {
            %dma_wait3A_153 = arith.constant 0 : i32
            %dma_wait3A_154 = arith.constant 0 : i32
            %dma_wait3A_155 = tpu.memref_slice %arg7[%dma_wait3A_153, %dma_wait3A_154] : memref<80x128xi32, #tpu.memory_space<vmem>> -> memref<1x128xi32, #tpu.memory_space<vmem>>
            %dma_wait3A_156 = tpu.memref_squeeze %dma_wait3A_155 : memref<1x128xi32, #tpu.memory_space<vmem>> -> memref<128xi32, #tpu.memory_space<vmem>>
            %dma_wait3A_157 = arith.constant 0 : i32
            %dma_wait3A_158 = arith.constant 0 : i32
            %dma_wait3A_159 = tpu.memref_slice %arg16[%dma_wait3A_157, %dma_wait3A_158] : memref<10240x16xf32, #tpu.memory_space<vmem_shared>> -> memref<10240x16xf32, #tpu.memory_space<vmem_shared>>
            tpu.wait_indirect_dma semaphore(%arg25 : memref<!tpu.dma_semaphore, #tpu.memory_space<semaphore_mem>>) src(%arg10 : memref<128x16xf32, #tpu.memory_space<vmem>>) dst(%dma_wait3A_159 : memref<10240x16xf32, #tpu.memory_space<vmem_shared>>)
          } else {
          }
          %add3A_145 = arith.constant 3 : i32
          %add3A_146 = arith.addi %while3A_91, %add3A_145 : i32
          %dma_start3A_147 = arith.constant 0 : i32
          %dma_start3A_148 = tpu.memref_slice %arg6[%add3A_146, %dma_start3A_147] : memref<80x128xi32, #tpu.memory_space<vmem>> -> memref<1x128xi32, #tpu.memory_space<vmem>>
          %dma_start3A_149 = tpu.memref_squeeze %dma_start3A_148 : memref<1x128xi32, #tpu.memory_space<vmem>> -> memref<128xi32, #tpu.memory_space<vmem>>
          %dma_start3A_150 = arith.constant 0 : i32
          %dma_start3A_151 = arith.constant 0 : i32
          %dma_start3A_152 = tpu.memref_slice %arg15[%dma_start3A_150, %dma_start3A_151] : memref<10240x16xf32, #tpu.memory_space<vmem_shared>> -> memref<10240x16xf32, #tpu.memory_space<vmem_shared>>
          tpu.enqueue_indirect_dma source(%dma_start3A_152 : memref<10240x16xf32, #tpu.memory_space<vmem_shared>>) target(%arg10 : memref<128x16xf32, #tpu.memory_space<vmem>>) offsets(%dma_start3A_149 : memref<128xi32, #tpu.memory_space<vmem>>) semaphore(%arg19 : memref<!tpu.dma_semaphore, #tpu.memory_space<semaphore_mem>>)
        } else {
        }
        %dma_wait3A = arith.constant 0 : i32
        %dma_wait3A_129 = arith.constant 0 : i32
        %dma_wait3A_130 = tpu.memref_slice %arg6[%dma_wait3A, %dma_wait3A_129] : memref<80x128xi32, #tpu.memory_space<vmem>> -> memref<1x128xi32, #tpu.memory_space<vmem>>
        %dma_wait3A_131 = tpu.memref_squeeze %dma_wait3A_130 : memref<1x128xi32, #tpu.memory_space<vmem>> -> memref<128xi32, #tpu.memory_space<vmem>>
        %dma_wait3A_132 = arith.constant 0 : i32
        %dma_wait3A_133 = arith.constant 0 : i32
        %dma_wait3A_134 = tpu.memref_slice %arg15[%dma_wait3A_132, %dma_wait3A_133] : memref<10240x16xf32, #tpu.memory_space<vmem_shared>> -> memref<10240x16xf32, #tpu.memory_space<vmem_shared>>
        tpu.wait_indirect_dma semaphore(%arg22 : memref<!tpu.dma_semaphore, #tpu.memory_space<semaphore_mem>>) src(%dma_wait3A_134 : memref<10240x16xf32, #tpu.memory_space<vmem_shared>>) dst(%arg13 : memref<128x16xf32, #tpu.memory_space<vmem>>)
        %dma_start3A = arith.constant 0 : i32
        %dma_start3A_135 = tpu.memref_slice %arg7[%while3A_91, %dma_start3A] : memref<80x128xi32, #tpu.memory_space<vmem>> -> memref<1x128xi32, #tpu.memory_space<vmem>>
        %dma_start3A_136 = tpu.memref_squeeze %dma_start3A_135 : memref<1x128xi32, #tpu.memory_space<vmem>> -> memref<128xi32, #tpu.memory_space<vmem>>
        %dma_start3A_137 = arith.constant 0 : i32
        %dma_start3A_138 = arith.constant 0 : i32
        %dma_start3A_139 = tpu.memref_slice %arg16[%dma_start3A_137, %dma_start3A_138] : memref<10240x16xf32, #tpu.memory_space<vmem_shared>> -> memref<10240x16xf32, #tpu.memory_space<vmem_shared>>
        tpu.enqueue_indirect_dma source(%arg13 : memref<128x16xf32, #tpu.memory_space<vmem>>) target(%dma_start3A_139 : memref<10240x16xf32, #tpu.memory_space<vmem_shared>>) offsets(%dma_start3A_136 : memref<128xi32, #tpu.memory_space<vmem>>) semaphore(%arg28 : memref<!tpu.dma_semaphore, #tpu.memory_space<semaphore_mem>>) {add = true}
      } else {
      }
    }
    %ge3A_56 = arith.constant 1 : i32
    %ge3A_57 = arith.cmpi sge, %select_n3A, %ge3A_56 : i32
    %convert_element_type3A_58 = arith.extui %ge3A_57 : i1 to i32
    %cond3A_59 = arith.constant 0 : i32
    %cond3A_60 = arith.cmpi ne, %convert_element_type3A_58, %cond3A_59 : i32
    scf.if %cond3A_60 {
      %dma_wait3A = arith.constant 0 : i32
      %dma_wait3A_91 = arith.constant 0 : i32
      %dma_wait3A_92 = tpu.memref_slice %arg7[%dma_wait3A, %dma_wait3A_91] : memref<80x128xi32, #tpu.memory_space<vmem>> -> memref<1x128xi32, #tpu.memory_space<vmem>>
      %dma_wait3A_93 = tpu.memref_squeeze %dma_wait3A_92 : memref<1x128xi32, #tpu.memory_space<vmem>> -> memref<128xi32, #tpu.memory_space<vmem>>
      %dma_wait3A_94 = arith.constant 0 : i32
      %dma_wait3A_95 = arith.constant 0 : i32
      %dma_wait3A_96 = tpu.memref_slice %arg16[%dma_wait3A_94, %dma_wait3A_95] : memref<10240x16xf32, #tpu.memory_space<vmem_shared>> -> memref<10240x16xf32, #tpu.memory_space<vmem_shared>>
      tpu.wait_indirect_dma semaphore(%arg23 : memref<!tpu.dma_semaphore, #tpu.memory_space<semaphore_mem>>) src(%arg8 : memref<128x16xf32, #tpu.memory_space<vmem>>) dst(%dma_wait3A_96 : memref<10240x16xf32, #tpu.memory_space<vmem_shared>>)
    } else {
    }
    %ge3A_61 = arith.constant 2 : i32
    %ge3A_62 = arith.cmpi sge, %select_n3A, %ge3A_61 : i32
    %convert_element_type3A_63 = arith.extui %ge3A_62 : i1 to i32
    %cond3A_64 = arith.constant 0 : i32
    %cond3A_65 = arith.cmpi ne, %convert_element_type3A_63, %cond3A_64 : i32
    scf.if %cond3A_65 {
      %dma_wait3A = arith.constant 0 : i32
      %dma_wait3A_91 = arith.constant 0 : i32
      %dma_wait3A_92 = tpu.memref_slice %arg7[%dma_wait3A, %dma_wait3A_91] : memref<80x128xi32, #tpu.memory_space<vmem>> -> memref<1x128xi32, #tpu.memory_space<vmem>>
      %dma_wait3A_93 = tpu.memref_squeeze %dma_wait3A_92 : memref<1x128xi32, #tpu.memory_space<vmem>> -> memref<128xi32, #tpu.memory_space<vmem>>
      %dma_wait3A_94 = arith.constant 0 : i32
      %dma_wait3A_95 = arith.constant 0 : i32
      %dma_wait3A_96 = tpu.memref_slice %arg16[%dma_wait3A_94, %dma_wait3A_95] : memref<10240x16xf32, #tpu.memory_space<vmem_shared>> -> memref<10240x16xf32, #tpu.memory_space<vmem_shared>>
      tpu.wait_indirect_dma semaphore(%arg24 : memref<!tpu.dma_semaphore, #tpu.memory_space<semaphore_mem>>) src(%arg9 : memref<128x16xf32, #tpu.memory_space<vmem>>) dst(%dma_wait3A_96 : memref<10240x16xf32, #tpu.memory_space<vmem_shared>>)
    } else {
    }
    %ge3A_66 = arith.constant 3 : i32
    %ge3A_67 = arith.cmpi sge, %select_n3A, %ge3A_66 : i32
    %convert_element_type3A_68 = arith.extui %ge3A_67 : i1 to i32
    %cond3A_69 = arith.constant 0 : i32
    %cond3A_70 = arith.cmpi ne, %convert_element_type3A_68, %cond3A_69 : i32
    scf.if %cond3A_70 {
      %dma_wait3A = arith.constant 0 : i32
      %dma_wait3A_91 = arith.constant 0 : i32
      %dma_wait3A_92 = tpu.memref_slice %arg7[%dma_wait3A, %dma_wait3A_91] : memref<80x128xi32, #tpu.memory_space<vmem>> -> memref<1x128xi32, #tpu.memory_space<vmem>>
      %dma_wait3A_93 = tpu.memref_squeeze %dma_wait3A_92 : memref<1x128xi32, #tpu.memory_space<vmem>> -> memref<128xi32, #tpu.memory_space<vmem>>
      %dma_wait3A_94 = arith.constant 0 : i32
      %dma_wait3A_95 = arith.constant 0 : i32
      %dma_wait3A_96 = tpu.memref_slice %arg16[%dma_wait3A_94, %dma_wait3A_95] : memref<10240x16xf32, #tpu.memory_space<vmem_shared>> -> memref<10240x16xf32, #tpu.memory_space<vmem_shared>>
      tpu.wait_indirect_dma semaphore(%arg25 : memref<!tpu.dma_semaphore, #tpu.memory_space<semaphore_mem>>) src(%arg10 : memref<128x16xf32, #tpu.memory_space<vmem>>) dst(%dma_wait3A_96 : memref<10240x16xf32, #tpu.memory_space<vmem_shared>>)
    } else {
    }
    %ge3A_71 = arith.constant 4 : i32
    %ge3A_72 = arith.cmpi sge, %select_n3A, %ge3A_71 : i32
    %convert_element_type3A_73 = arith.extui %ge3A_72 : i1 to i32
    %cond3A_74 = arith.constant 0 : i32
    %cond3A_75 = arith.cmpi ne, %convert_element_type3A_73, %cond3A_74 : i32
    scf.if %cond3A_75 {
      %dma_wait3A = arith.constant 0 : i32
      %dma_wait3A_91 = arith.constant 0 : i32
      %dma_wait3A_92 = tpu.memref_slice %arg7[%dma_wait3A, %dma_wait3A_91] : memref<80x128xi32, #tpu.memory_space<vmem>> -> memref<1x128xi32, #tpu.memory_space<vmem>>
      %dma_wait3A_93 = tpu.memref_squeeze %dma_wait3A_92 : memref<1x128xi32, #tpu.memory_space<vmem>> -> memref<128xi32, #tpu.memory_space<vmem>>
      %dma_wait3A_94 = arith.constant 0 : i32
      %dma_wait3A_95 = arith.constant 0 : i32
      %dma_wait3A_96 = tpu.memref_slice %arg16[%dma_wait3A_94, %dma_wait3A_95] : memref<10240x16xf32, #tpu.memory_space<vmem_shared>> -> memref<10240x16xf32, #tpu.memory_space<vmem_shared>>
      tpu.wait_indirect_dma semaphore(%arg26 : memref<!tpu.dma_semaphore, #tpu.memory_space<semaphore_mem>>) src(%arg11 : memref<128x16xf32, #tpu.memory_space<vmem>>) dst(%dma_wait3A_96 : memref<10240x16xf32, #tpu.memory_space<vmem_shared>>)
    } else {
    }
    %ge3A_76 = arith.constant 5 : i32
    %ge3A_77 = arith.cmpi sge, %select_n3A, %ge3A_76 : i32
    %convert_element_type3A_78 = arith.extui %ge3A_77 : i1 to i32
    %cond3A_79 = arith.constant 0 : i32
    %cond3A_80 = arith.cmpi ne, %convert_element_type3A_78, %cond3A_79 : i32
    scf.if %cond3A_80 {
      %dma_wait3A = arith.constant 0 : i32
      %dma_wait3A_91 = arith.constant 0 : i32
      %dma_wait3A_92 = tpu.memref_slice %arg7[%dma_wait3A, %dma_wait3A_91] : memref<80x128xi32, #tpu.memory_space<vmem>> -> memref<1x128xi32, #tpu.memory_space<vmem>>
      %dma_wait3A_93 = tpu.memref_squeeze %dma_wait3A_92 : memref<1x128xi32, #tpu.memory_space<vmem>> -> memref<128xi32, #tpu.memory_space<vmem>>
      %dma_wait3A_94 = arith.constant 0 : i32
      %dma_wait3A_95 = arith.constant 0 : i32
      %dma_wait3A_96 = tpu.memref_slice %arg16[%dma_wait3A_94, %dma_wait3A_95] : memref<10240x16xf32, #tpu.memory_space<vmem_shared>> -> memref<10240x16xf32, #tpu.memory_space<vmem_shared>>
      tpu.wait_indirect_dma semaphore(%arg27 : memref<!tpu.dma_semaphore, #tpu.memory_space<semaphore_mem>>) src(%arg12 : memref<128x16xf32, #tpu.memory_space<vmem>>) dst(%dma_wait3A_96 : memref<10240x16xf32, #tpu.memory_space<vmem_shared>>)
    } else {
    }
    %ge3A_81 = arith.constant 6 : i32
    %ge3A_82 = arith.cmpi sge, %select_n3A, %ge3A_81 : i32
    %convert_element_type3A_83 = arith.extui %ge3A_82 : i1 to i32
    %cond3A_84 = arith.constant 0 : i32
    %cond3A_85 = arith.cmpi ne, %convert_element_type3A_83, %cond3A_84 : i32
    scf.if %cond3A_85 {
      %dma_wait3A = arith.constant 0 : i32
      %dma_wait3A_91 = arith.constant 0 : i32
      %dma_wait3A_92 = tpu.memref_slice %arg7[%dma_wait3A, %dma_wait3A_91] : memref<80x128xi32, #tpu.memory_space<vmem>> -> memref<1x128xi32, #tpu.memory_space<vmem>>
      %dma_wait3A_93 = tpu.memref_squeeze %dma_wait3A_92 : memref<1x128xi32, #tpu.memory_space<vmem>> -> memref<128xi32, #tpu.memory_space<vmem>>
      %dma_wait3A_94 = arith.constant 0 : i32
      %dma_wait3A_95 = arith.constant 0 : i32
      %dma_wait3A_96 = tpu.memref_slice %arg16[%dma_wait3A_94, %dma_wait3A_95] : memref<10240x16xf32, #tpu.memory_space<vmem_shared>> -> memref<10240x16xf32, #tpu.memory_space<vmem_shared>>
      tpu.wait_indirect_dma semaphore(%arg28 : memref<!tpu.dma_semaphore, #tpu.memory_space<semaphore_mem>>) src(%arg13 : memref<128x16xf32, #tpu.memory_space<vmem>>) dst(%dma_wait3A_96 : memref<10240x16xf32, #tpu.memory_space<vmem_shared>>)
    } else {
    }
    %barrier3A_86 = arith.constant 0 : index
    tpu.barrier barrier_id(%barrier3A_86)
    %mul3A_87 = arith.constant 640 : i32
    %mul3A_88 = arith.muli %arg1, %mul3A_87 : i32
    "tpu.region"() ({
      %run_scoped3A = tpu.sem_alloc : memref<!tpu.dma_semaphore, #tpu.memory_space<semaphore_mem>>
      %dma_start3A = arith.constant 0 : i32
      %dma_start3A_91 = tpu.memref_slice %arg16[%mul3A_88, %dma_start3A] : memref<10240x16xf32, #tpu.memory_space<vmem_shared>> -> memref<640x16xf32, #tpu.memory_space<vmem_shared>>
      %dma_start3A_92 = arith.constant 0 : i32
      %dma_start3A_93 = tpu.memref_slice %arg16[%mul3A_88, %dma_start3A_92] : memref<10240x16xf32, #tpu.memory_space<vmem_shared>> -> memref<640x16xf32, #tpu.memory_space<vmem_shared>>
      tpu.enqueue_dma source(%dma_start3A_93 : memref<640x16xf32, #tpu.memory_space<vmem_shared>>) target(%arg14 : memref<640x16xf32, #tpu.memory_space<vmem>>) target_semaphore(%run_scoped3A : memref<!tpu.dma_semaphore, #tpu.memory_space<semaphore_mem>>)
      %dma_wait3A = arith.constant 0 : i32
      %dma_wait3A_94 = tpu.memref_slice %arg16[%mul3A_88, %dma_wait3A] : memref<10240x16xf32, #tpu.memory_space<vmem_shared>> -> memref<640x16xf32, #tpu.memory_space<vmem_shared>>
      %dma_wait3A_95 = arith.constant 0 : i32
      %dma_wait3A_96 = tpu.memref_slice %arg16[%mul3A_88, %dma_wait3A_95] : memref<10240x16xf32, #tpu.memory_space<vmem_shared>> -> memref<640x16xf32, #tpu.memory_space<vmem_shared>>
      tpu.wait_dma2 semaphore(%run_scoped3A : memref<!tpu.dma_semaphore, #tpu.memory_space<semaphore_mem>>) src(%dma_wait3A_96 : memref<640x16xf32, #tpu.memory_space<vmem_shared>>) dst(%arg14 : memref<640x16xf32, #tpu.memory_space<vmem>>)
      tpu.yield
    }) : () -> ()
    %mul3A_89 = arith.constant 640 : i32
    %mul3A_90 = arith.muli %arg1, %mul3A_89 : i32
    "tpu.region"() ({
      %run_scoped3A = tpu.sem_alloc : memref<!tpu.dma_semaphore, #tpu.memory_space<semaphore_mem>>
      %dma_start3A = arith.constant 0 : i32
      %dma_start3A_91 = tpu.memref_slice %arg5[%arg0, %mul3A_90, %dma_start3A] : memref<2x10240x16xf32, #tpu.memory_space<hbm>> -> memref<1x640x16xf32, #tpu.memory_space<hbm>>
      %dma_start3A_92 = tpu.memref_squeeze %dma_start3A_91 : memref<1x640x16xf32, #tpu.memory_space<hbm>> -> memref<640x16xf32, #tpu.memory_space<hbm>>
      %dma_start3A_93 = arith.constant 0 : i32
      %dma_start3A_94 = tpu.memref_slice %arg5[%arg0, %mul3A_90, %dma_start3A_93] : memref<2x10240x16xf32, #tpu.memory_space<hbm>> -> memref<1x640x16xf32, #tpu.memory_space<hbm>>
      %dma_start3A_95 = tpu.memref_squeeze %dma_start3A_94 : memref<1x640x16xf32, #tpu.memory_space<hbm>> -> memref<640x16xf32, #tpu.memory_space<hbm>>
      tpu.enqueue_dma source(%arg14 : memref<640x16xf32, #tpu.memory_space<vmem>>) target(%dma_start3A_95 : memref<640x16xf32, #tpu.memory_space<hbm>>) target_semaphore(%run_scoped3A : memref<!tpu.dma_semaphore, #tpu.memory_space<semaphore_mem>>)
      %dma_wait3A = arith.constant 0 : i32
      %dma_wait3A_96 = tpu.memref_slice %arg5[%arg0, %mul3A_90, %dma_wait3A] : memref<2x10240x16xf32, #tpu.memory_space<hbm>> -> memref<1x640x16xf32, #tpu.memory_space<hbm>>
      %dma_wait3A_97 = tpu.memref_squeeze %dma_wait3A_96 : memref<1x640x16xf32, #tpu.memory_space<hbm>> -> memref<640x16xf32, #tpu.memory_space<hbm>>
      %dma_wait3A_98 = arith.constant 0 : i32
      %dma_wait3A_99 = tpu.memref_slice %arg5[%arg0, %mul3A_90, %dma_wait3A_98] : memref<2x10240x16xf32, #tpu.memory_space<hbm>> -> memref<1x640x16xf32, #tpu.memory_space<hbm>>
      %dma_wait3A_100 = tpu.memref_squeeze %dma_wait3A_99 : memref<1x640x16xf32, #tpu.memory_space<hbm>> -> memref<640x16xf32, #tpu.memory_space<hbm>>
      tpu.wait_dma2 semaphore(%run_scoped3A : memref<!tpu.dma_semaphore, #tpu.memory_space<semaphore_mem>>) src(%arg14 : memref<640x16xf32, #tpu.memory_space<vmem>>) dst(%dma_wait3A_100 : memref<640x16xf32, #tpu.memory_space<hbm>>)
      tpu.yield
    }) : () -> ()
    return
  }
}

module attributes {stable_mosaic.version = 14 : i64} {
  func.func @body(%arg0: i32, %arg1: memref<2x32768xi32, #tpu.memory_space<vmem>>, %arg2: memref<256x128xi32, #tpu.memory_space<vmem>>, %arg3: memref<256x128xi32, #tpu.memory_space<vmem>>) attributes {dimension_semantics = [#tpu.dimension_semantics<arbitrary>], iteration_bounds = array<i64: 10>, scalar_prefetch = 0 : i64, scratch_operands = 0 : i64, tpu.core_type = #tpu.core_type<tc>, window_params = [{transform_indices = @transform_0, window_bounds = array<i64: 2, 32768>}, {transform_indices = @transform_1, window_bounds = array<i64: 256, 128>}, {transform_indices = @transform_2, window_bounds = array<i64: 256, 128>}]} {
    %get3A = arith.constant 0 : index
    %get3A_0 = arith.constant 0 : index
    %get3A_1 = vector.load %arg1[%get3A, %get3A_0] : memref<2x32768xi32, #tpu.memory_space<vmem>>, vector<1x32768xi32>
    %get3A_2 = vector.shape_cast %get3A_1 : vector<1x32768xi32> to vector<32768xi32>
    %reshape3A = vector.shape_cast %get3A_2 : vector<32768xi32> to vector<256x128xi32>
    %swap3A = arith.constant 0 : index
    %swap3A_3 = arith.constant 0 : index
    %swap3A_4 = vector.load %arg2[%swap3A, %swap3A_3] : memref<256x128xi32, #tpu.memory_space<vmem>>, vector<256x128xi32>
    tpu.vector_store %arg2[%swap3A, %swap3A_3], %reshape3A {strides = array<i32>} : memref<256x128xi32, #tpu.memory_space<vmem>>, vector<256x128xi32>,
    %get3A_5 = arith.constant 1 : index
    %get3A_6 = arith.constant 0 : index
    %get3A_7 = vector.load %arg1[%get3A_5, %get3A_6] : memref<2x32768xi32, #tpu.memory_space<vmem>>, vector<1x32768xi32>
    %get3A_8 = vector.shape_cast %get3A_7 : vector<1x32768xi32> to vector<32768xi32>
    %reshape3A_9 = vector.shape_cast %get3A_8 : vector<32768xi32> to vector<256x128xi32>
    %swap3A_10 = arith.constant 0 : index
    %swap3A_11 = arith.constant 0 : index
    %swap3A_12 = vector.load %arg3[%swap3A_10, %swap3A_11] : memref<256x128xi32, #tpu.memory_space<vmem>>, vector<256x128xi32>
    tpu.vector_store %arg3[%swap3A_10, %swap3A_11], %reshape3A_9 {strides = array<i32>} : memref<256x128xi32, #tpu.memory_space<vmem>>, vector<256x128xi32>,
    return
  }
  func.func @transform_0(%arg0: i32) -> (i32, i32) {
    %c0_i32 = arith.constant 0 : i32
    %c0_i32_0 = arith.constant 0 : i32
    return %c0_i32, %arg0 : i32, i32
  }
  func.func @transform_1(%arg0: i32) -> (i32, i32) {
    %c0_i32 = arith.constant 0 : i32
    %c0_i32_0 = arith.constant 0 : i32
    return %arg0, %c0_i32 : i32, i32
  }
  func.func @transform_2(%arg0: i32) -> (i32, i32) {
    %c0_i32 = arith.constant 0 : i32
    %c0_i32_0 = arith.constant 0 : i32
    return %arg0, %c0_i32 : i32, i32
  }
}

module attributes {stable_mosaic.version = 14 : i64} {
  func.func @body(%arg0: i32, %arg1: memref<128x1024xf32, #tpu.memory_space<vmem>>, %arg2: memref<1024x128xf32, #tpu.memory_space<vmem>>, %arg3: memref<128x128xf32, #tpu.memory_space<vmem>>) attributes {dimension_semantics = [#tpu.dimension_semantics<arbitrary>], iteration_bounds = array<i64: 10>, scalar_prefetch = 0 : i64, scratch_operands = 0 : i64, tpu.core_type = #tpu.core_type<tc>, window_params = [{transform_indices = @transform_0, window_bounds = array<i64: 128, 1024>}, {pipeline_mode = #tpu.pipeline_mode<synchronous>, transform_indices = @transform_1, window_bounds = array<i64: 1024, 128>}, {transform_indices = @transform_2, window_bounds = array<i64: 128, 128>}]} {
    %get3A = arith.constant 0 : index
    %get3A_0 = arith.constant 0 : index
    %get3A_1 = vector.load %arg1[%get3A, %get3A_0] : memref<128x1024xf32, #tpu.memory_space<vmem>>, vector<128x1024xf32>
    %get3A_2 = arith.constant 0 : index
    %get3A_3 = arith.constant 0 : index
    %get3A_4 = vector.load %arg2[%get3A_2, %get3A_3] : memref<1024x128xf32, #tpu.memory_space<vmem>>, vector<1024x128xf32>
    %dot_general3A = arith.constant dense<0.000000e+00> : vector<128x128xf32>
    %dot_general3A_5 = tpu.matmul %get3A_1, %get3A_4, %dot_general3A {dimension_numbers = #tpu.dot_dimension_numbers<[1], [0], [0], [1], [0, 0, 1, 1], [], []>, transpose_lhs_hint = false} : vector<128x1024xf32>, vector<1024x128xf32>, vector<128x128xf32> -> vector<128x128xf32>
    %swap3A = arith.constant 0 : index
    %swap3A_6 = arith.constant 0 : index
    %swap3A_7 = vector.load %arg3[%swap3A, %swap3A_6] : memref<128x128xf32, #tpu.memory_space<vmem>>, vector<128x128xf32>
    tpu.vector_store %arg3[%swap3A, %swap3A_6], %dot_general3A_5 {strides = array<i32>} : memref<128x128xf32, #tpu.memory_space<vmem>>, vector<128x128xf32>,
    return
  }
  func.func @transform_0(%arg0: i32) -> (i32, i32) {
    %c0_i32 = arith.constant 0 : i32
    %c0_i32_0 = arith.constant 0 : i32
    return %arg0, %c0_i32 : i32, i32
  }
  func.func @transform_1(%arg0: i32) -> (i32, i32) {
    %c0_i32 = arith.constant 0 : i32
    %c0_i32_0 = arith.constant 0 : i32
    %c0_i32_1 = arith.constant 0 : i32
    return %c0_i32, %c0_i32_0 : i32, i32
  }
  func.func @transform_2(%arg0: i32) -> (i32, i32) {
    %c0_i32 = arith.constant 0 : i32
    %c0_i32_0 = arith.constant 0 : i32
    return %arg0, %c0_i32 : i32, i32
  }
}

module attributes {stable_mosaic.version = 14 : i64} {
  func.func @body(%arg0: i32, %arg1: memref<128x128xf32, #tpu.memory_space<vmem>>, %arg2: memref<2x128x128xf32, #tpu.memory_space<vmem>>, %arg3: memref<128x128xf32, #tpu.memory_space<vmem>>, %arg4: memref<128x128xf32, #tpu.memory_space<vmem>>, %arg5: memref<128x128xf32, #tpu.memory_space<vmem>>) attributes {dimension_semantics = [#tpu.dimension_semantics<arbitrary>], iteration_bounds = array<i64: 10>, scalar_prefetch = 0 : i64, scratch_operands = 0 : i64, tpu.core_type = #tpu.core_type<tc>, window_params = [{transform_indices = @transform_0, window_bounds = array<i64: 128, 128>}, {transform_indices = @transform_1, window_bounds = array<i64: 2, 128, 128>}, {transform_indices = @transform_2, window_bounds = array<i64: 128, 128>}, {transform_indices = @transform_3, window_bounds = array<i64: 128, 128>}, {transform_indices = @transform_4, window_bounds = array<i64: 128, 128>}]} {
    %get3A = arith.constant 0 : index
    %get3A_0 = arith.constant 0 : index
    %get3A_1 = arith.constant 0 : index
    %get3A_2 = vector.load %arg2[%get3A, %get3A_0, %get3A_1] : memref<2x128x128xf32, #tpu.memory_space<vmem>>, vector<1x128x128xf32>
    %get3A_3 = vector.shape_cast %get3A_2 : vector<1x128x128xf32> to vector<128x128xf32>
    %get3A_4 = arith.constant 1 : index
    %get3A_5 = arith.constant 0 : index
    %get3A_6 = arith.constant 0 : index
    %get3A_7 = vector.load %arg2[%get3A_4, %get3A_5, %get3A_6] : memref<2x128x128xf32, #tpu.memory_space<vmem>>, vector<1x128x128xf32>
    %get3A_8 = vector.shape_cast %get3A_7 : vector<1x128x128xf32> to vector<128x128xf32>
    %add3A = arith.addf %get3A_3, %get3A_8 : vector<128x128xf32>
    %add3A_9 = arith.constant 1.000000e+00 : f32
    %add3A_10 = vector.broadcast %add3A_9 : f32 to vector<128x128xf32>
    %add3A_11 = arith.addf %add3A, %add3A_10 : vector<128x128xf32>
    %rsqrt3A = math.rsqrt %add3A_11 : vector<128x128xf32>
    %swap3A = arith.constant 0 : index
    %swap3A_12 = arith.constant 0 : index
    %swap3A_13 = vector.load %arg4[%swap3A, %swap3A_12] : memref<128x128xf32, #tpu.memory_space<vmem>>, vector<128x128xf32>
    tpu.vector_store %arg4[%swap3A, %swap3A_12], %rsqrt3A {strides = array<i32>} : memref<128x128xf32, #tpu.memory_space<vmem>>, vector<128x128xf32>,
    %max3A = arith.constant 1.000000e+00 : f32
    %max3A_14 = vector.broadcast %max3A : f32 to vector<128x128xf32>
    %max3A_15 = arith.maximumf %add3A, %max3A_14 : vector<128x128xf32>
    %div3A = arith.constant 1.000000e+00 : f32
    %div3A_16 = vector.broadcast %div3A : f32 to vector<128x128xf32>
    %div3A_17 = arith.divf %div3A_16, %max3A_15 : vector<128x128xf32>
    %swap3A_18 = arith.constant 0 : index
    %swap3A_19 = arith.constant 0 : index
    %swap3A_20 = vector.load %arg5[%swap3A_18, %swap3A_19] : memref<128x128xf32, #tpu.memory_space<vmem>>, vector<128x128xf32>
    tpu.vector_store %arg5[%swap3A_18, %swap3A_19], %div3A_17 {strides = array<i32>} : memref<128x128xf32, #tpu.memory_space<vmem>>, vector<128x128xf32>,
    %get3A_21 = arith.constant 0 : index
    %get3A_22 = arith.constant 0 : index
    %get3A_23 = vector.load %arg1[%get3A_21, %get3A_22] : memref<128x128xf32, #tpu.memory_space<vmem>>, vector<128x128xf32>
    %mul3A = arith.mulf %get3A_23, %rsqrt3A : vector<128x128xf32>
    %swap3A_24 = arith.constant 0 : index
    %swap3A_25 = arith.constant 0 : index
    %swap3A_26 = vector.load %arg3[%swap3A_24, %swap3A_25] : memref<128x128xf32, #tpu.memory_space<vmem>>, vector<128x128xf32>
    tpu.vector_store %arg3[%swap3A_24, %swap3A_25], %mul3A {strides = array<i32>} : memref<128x128xf32, #tpu.memory_space<vmem>>, vector<128x128xf32>,
    return
  }
  func.func @transform_0(%arg0: i32) -> (i32, i32) {
    %c0_i32 = arith.constant 0 : i32
    %c0_i32_0 = arith.constant 0 : i32
    return %arg0, %c0_i32 : i32, i32
  }
  func.func @transform_1(%arg0: i32) -> (i32, i32, i32) {
    %c0_i32 = arith.constant 0 : i32
    %c0_i32_0 = arith.constant 0 : i32
    %c0_i32_1 = arith.constant 0 : i32
    return %c0_i32, %arg0, %c0_i32_0 : i32, i32, i32
  }
  func.func @transform_2(%arg0: i32) -> (i32, i32) {
    %c0_i32 = arith.constant 0 : i32
    %c0_i32_0 = arith.constant 0 : i32
    return %arg0, %c0_i32 : i32, i32
  }
  func.func @transform_3(%arg0: i32) -> (i32, i32) {
    %c0_i32 = arith.constant 0 : i32
    %c0_i32_0 = arith.constant 0 : i32
    return %arg0, %c0_i32 : i32, i32
  }
  func.func @transform_4(%arg0: i32) -> (i32, i32) {
    %c0_i32 = arith.constant 0 : i32
    %c0_i32_0 = arith.constant 0 : i32
    return %arg0, %c0_i32 : i32, i32
  }
}

module attributes {stable_mosaic.version = 14 : i64} {
  func.func @body(%arg0: i32, %arg1: memref<2x128x128xf32, #tpu.memory_space<vmem>>, %arg2: memref<128x128xf32, #tpu.memory_space<vmem>>, %arg3: memref<128x128xf32, #tpu.memory_space<vmem>>, %arg4: memref<128xf32, #tpu.memory_space<vmem>>, %arg5: memref<128x128xf32, #tpu.memory_space<vmem>>) attributes {dimension_semantics = [#tpu.dimension_semantics<arbitrary>], iteration_bounds = array<i64: 10>, scalar_prefetch = 0 : i64, scratch_operands = 0 : i64, tpu.core_type = #tpu.core_type<tc>, window_params = [{transform_indices = @transform_0, window_bounds = array<i64: 2, 128, 128>}, {transform_indices = @transform_1, window_bounds = array<i64: 128, 128>}, {transform_indices = @transform_2, window_bounds = array<i64: 128, 128>}, {pipeline_mode = #tpu.pipeline_mode<synchronous>, transform_indices = @transform_3, window_bounds = array<i64: 128>}, {transform_indices = @transform_4, window_bounds = array<i64: 128, 128>}]} {
    %get3A = arith.constant 0 : index
    %get3A_0 = arith.constant 0 : index
    %get3A_1 = vector.load %arg3[%get3A, %get3A_0] : memref<128x128xf32, #tpu.memory_space<vmem>>, vector<128x128xf32>
    %get3A_2 = arith.constant 0 : index
    %get3A_3 = arith.constant 0 : index
    %get3A_4 = arith.constant 0 : index
    %get3A_5 = vector.load %arg1[%get3A_2, %get3A_3, %get3A_4] : memref<2x128x128xf32, #tpu.memory_space<vmem>>, vector<1x128x128xf32>
    %get3A_6 = vector.shape_cast %get3A_5 : vector<1x128x128xf32> to vector<128x128xf32>
    %get3A_7 = arith.constant 1 : index
    %get3A_8 = arith.constant 0 : index
    %get3A_9 = arith.constant 0 : index
    %get3A_10 = vector.load %arg1[%get3A_7, %get3A_8, %get3A_9] : memref<2x128x128xf32, #tpu.memory_space<vmem>>, vector<1x128x128xf32>
    %get3A_11 = vector.shape_cast %get3A_10 : vector<1x128x128xf32> to vector<128x128xf32>
    %add3A = arith.addf %get3A_6, %get3A_11 : vector<128x128xf32>
    %mul3A = arith.mulf %get3A_1, %add3A : vector<128x128xf32>
    %mul3A_12 = arith.mulf %get3A_1, %get3A_1 : vector<128x128xf32>
    %get3A_13 = arith.constant 0 : index
    %get3A_14 = arith.constant 0 : index
    %get3A_15 = vector.load %arg2[%get3A_13, %get3A_14] : memref<128x128xf32, #tpu.memory_space<vmem>>, vector<128x128xf32>
    %mul3A_16 = arith.mulf %mul3A_12, %get3A_15 : vector<128x128xf32>
    %add3A_17 = arith.addf %mul3A, %mul3A_16 : vector<128x128xf32>
    %get3A_18 = arith.constant 0 : index
    %get3A_19 = vector.load %arg4[%get3A_18] : memref<128xf32, #tpu.memory_space<vmem>>, vector<128xf32>
    %broadcast_in_dim3A = vector.shape_cast %get3A_19 : vector<128xf32> to vector<1x128xf32>
    %add3A_20 = vector.broadcast %broadcast_in_dim3A : vector<1x128xf32> to vector<128x128xf32>
    %add3A_21 = arith.addf %add3A_17, %add3A_20 : vector<128x128xf32>
    %swap3A = arith.constant 0 : index
    %swap3A_22 = arith.constant 0 : index
    %swap3A_23 = vector.load %arg5[%swap3A, %swap3A_22] : memref<128x128xf32, #tpu.memory_space<vmem>>, vector<128x128xf32>
    tpu.vector_store %arg5[%swap3A, %swap3A_22], %add3A_21 {strides = array<i32>} : memref<128x128xf32, #tpu.memory_space<vmem>>, vector<128x128xf32>,
    return
  }
  func.func @transform_0(%arg0: i32) -> (i32, i32, i32) {
    %c0_i32 = arith.constant 0 : i32
    %c0_i32_0 = arith.constant 0 : i32
    %c0_i32_1 = arith.constant 0 : i32
    return %c0_i32, %arg0, %c0_i32_0 : i32, i32, i32
  }
  func.func @transform_1(%arg0: i32) -> (i32, i32) {
    %c0_i32 = arith.constant 0 : i32
    %c0_i32_0 = arith.constant 0 : i32
    return %arg0, %c0_i32 : i32, i32
  }
  func.func @transform_2(%arg0: i32) -> (i32, i32) {
    %c0_i32 = arith.constant 0 : i32
    %c0_i32_0 = arith.constant 0 : i32
    return %arg0, %c0_i32 : i32, i32
  }
  func.func @transform_3(%arg0: i32) -> i32 {
    %c0_i32 = arith.constant 0 : i32
    %c0_i32_0 = arith.constant 0 : i32
    return %c0_i32 : i32
  }
  func.func @transform_4(%arg0: i32) -> (i32, i32) {
    %c0_i32 = arith.constant 0 : i32
    %c0_i32_0 = arith.constant 0 : i32
    return %arg0, %c0_i32 : i32, i32
  }
}

module attributes {stable_mosaic.version = 14 : i64} {
  func.func @body(%arg0: i32, %arg1: memref<2x128x128xf32, #tpu.memory_space<vmem>>, %arg2: memref<128x128xf32, #tpu.memory_space<vmem>>, %arg3: memref<128x128xf32, #tpu.memory_space<vmem>>, %arg4: memref<1024x128xf32, #tpu.memory_space<vmem>>, %arg5: memref<128x40xf32, #tpu.memory_space<vmem>>, %arg6: memref<40xf32, #tpu.memory_space<vmem>>, %arg7: memref<128x40xf32, #tpu.memory_space<vmem>>, %arg8: memref<1024x40xf32, #tpu.memory_space<vmem>>) attributes {dimension_semantics = [#tpu.dimension_semantics<arbitrary>], iteration_bounds = array<i64: 10>, scalar_prefetch = 0 : i64, scratch_operands = 0 : i64, tpu.core_type = #tpu.core_type<tc>, window_params = [{transform_indices = @transform_0, window_bounds = array<i64: 2, 128, 128>}, {transform_indices = @transform_1, window_bounds = array<i64: 128, 128>}, {transform_indices = @transform_2, window_bounds = array<i64: 128, 128>}, {pipeline_mode = #tpu.pipeline_mode<synchronous>, transform_indices = @transform_3, window_bounds = array<i64: 1024, 128>}, {pipeline_mode = #tpu.pipeline_mode<synchronous>, transform_indices = @transform_4, window_bounds = array<i64: 128, 40>}, {pipeline_mode = #tpu.pipeline_mode<synchronous>, transform_indices = @transform_5, window_bounds = array<i64: 40>}, {pipeline_mode = #tpu.pipeline_mode<synchronous>, transform_indices = @transform_6, window_bounds = array<i64: 128, 40>}, {transform_indices = @transform_7, window_bounds = array<i64: 1024, 40>}]} {
    %get3A = arith.constant 0 : index
    %get3A_0 = arith.constant 0 : index
    %get3A_1 = arith.constant 0 : index
    %get3A_2 = vector.load %arg1[%get3A, %get3A_0, %get3A_1] : memref<2x128x128xf32, #tpu.memory_space<vmem>>, vector<1x128x128xf32>
    %get3A_3 = vector.shape_cast %get3A_2 : vector<1x128x128xf32> to vector<128x128xf32>
    %get3A_4 = arith.constant 1 : index
    %get3A_5 = arith.constant 0 : index
    %get3A_6 = arith.constant 0 : index
    %get3A_7 = vector.load %arg1[%get3A_4, %get3A_5, %get3A_6] : memref<2x128x128xf32, #tpu.memory_space<vmem>>, vector<1x128x128xf32>
    %get3A_8 = vector.shape_cast %get3A_7 : vector<1x128x128xf32> to vector<128x128xf32>
    %add3A = arith.addf %get3A_3, %get3A_8 : vector<128x128xf32>
    %get3A_9 = arith.constant 0 : index
    %get3A_10 = arith.constant 0 : index
    %get3A_11 = vector.load %arg3[%get3A_9, %get3A_10] : memref<128x128xf32, #tpu.memory_space<vmem>>, vector<128x128xf32>
    %mul3A = arith.mulf %add3A, %get3A_11 : vector<128x128xf32>
    %get3A_12 = arith.constant 0 : index
    %get3A_13 = arith.constant 0 : index
    %get3A_14 = vector.load %arg4[%get3A_12, %get3A_13] : memref<1024x128xf32, #tpu.memory_space<vmem>>, vector<1024x128xf32>
    %dot_general3A = arith.constant dense<0.000000e+00> : vector<1024x128xf32>
    %dot_general3A_15 = tpu.matmul %get3A_14, %mul3A, %dot_general3A {dimension_numbers = #tpu.dot_dimension_numbers<[1], [0], [0], [1], [0, 0, 1, 1], [], []>, transpose_lhs_hint = false} : vector<1024x128xf32>, vector<128x128xf32>, vector<1024x128xf32> -> vector<1024x128xf32>
    %get3A_16 = arith.constant 0 : index
    %get3A_17 = arith.constant 0 : index
    %get3A_18 = vector.load %arg2[%get3A_16, %get3A_17] : memref<128x128xf32, #tpu.memory_space<vmem>>, vector<128x128xf32>
    %dot_general3A_19 = arith.constant dense<0.000000e+00> : vector<1024x128xf32>
    %dot_general3A_20 = tpu.matmul %get3A_14, %get3A_18, %dot_general3A_19 {dimension_numbers = #tpu.dot_dimension_numbers<[1], [0], [0], [1], [0, 0, 1, 1], [], []>, transpose_lhs_hint = false} : vector<1024x128xf32>, vector<128x128xf32>, vector<1024x128xf32> -> vector<1024x128xf32>
    %iota3A = tpu.iota {dimensions = array<i32: 0>} : vector<1024x128xi32>
    %iota3A_21 = tpu.iota {dimensions = array<i32: 1>} : vector<1024x128xi32>
    %jit3A = arith.constant 16 : i32
    %div3A = vector.broadcast %jit3A : i32 to vector<1024x128xi32>
    %div3A_22 = arith.divsi %iota3A_21, %div3A : vector<1024x128xi32>
    %sign3A = arith.constant 0 : i32
    %sign3A_23 = vector.broadcast %sign3A : i32 to vector<1024x128xi32>
    %sign3A_24 = arith.cmpi sgt, %iota3A_21, %sign3A_23 : vector<1024x128xi32>
    %sign3A_25 = arith.extui %sign3A_24 : vector<1024x128xi1> to vector<1024x128xi32>
    %sign3A_26 = arith.constant 0 : i32
    %sign3A_27 = vector.broadcast %sign3A_26 : i32 to vector<1024x128xi32>
    %sign3A_28 = arith.cmpi slt, %iota3A_21, %sign3A_27 : vector<1024x128xi32>
    %sign3A_29 = arith.extui %sign3A_28 : vector<1024x128xi1> to vector<1024x128xi32>
    %sign3A_30 = arith.subi %sign3A_25, %sign3A_29 : vector<1024x128xi32>
    %sign3A_31 = arith.constant 0 : i32
    %sign3A_32 = arith.cmpi sgt, %jit3A, %sign3A_31 : i32
    %sign3A_33 = arith.extui %sign3A_32 : i1 to i32
    %sign3A_34 = arith.constant 0 : i32
    %sign3A_35 = arith.cmpi slt, %jit3A, %sign3A_34 : i32
    %sign3A_36 = arith.extui %sign3A_35 : i1 to i32
    %sign3A_37 = arith.subi %sign3A_33, %sign3A_36 : i32
    %ne3A = vector.broadcast %sign3A_37 : i32 to vector<1024x128xi32>
    %ne3A_38 = arith.cmpi ne, %sign3A_30, %ne3A : vector<1024x128xi32>
    %rem3A = vector.broadcast %jit3A : i32 to vector<1024x128xi32>
    %rem3A_39 = arith.remsi %iota3A_21, %rem3A : vector<1024x128xi32>
    %ne3A_40 = arith.constant 0 : i32
    %ne3A_41 = vector.broadcast %ne3A_40 : i32 to vector<1024x128xi32>
    %ne3A_42 = arith.cmpi ne, %rem3A_39, %ne3A_41 : vector<1024x128xi32>
    %and3A = arith.andi %ne3A_38, %ne3A_42 : vector<1024x128xi1>
    %sub3A = arith.constant 1 : i32
    %sub3A_43 = vector.broadcast %sub3A : i32 to vector<1024x128xi32>
    %sub3A_44 = arith.subi %div3A_22, %sub3A_43 : vector<1024x128xi32>
    %select_n3A = arith.select %and3A, %sub3A_44, %div3A_22 : vector<1024x128xi1>, vector<1024x128xi32>
    %jit3A_45 = arith.constant 8 : i32
    %eq3A = arith.constant 0 : i32
    %eq3A_46 = arith.cmpi eq, %jit3A_45, %eq3A : i32
    %jit3A_47 = arith.constant 1 : i32
    %select_n3A_48 = arith.select %eq3A_46, %jit3A_47, %jit3A_45 : i32
    %rem3A_49 = vector.broadcast %select_n3A_48 : i32 to vector<1024x128xi32>
    %rem3A_50 = arith.remsi %iota3A, %rem3A_49 : vector<1024x128xi32>
    %ne3A_51 = arith.constant 0 : i32
    %ne3A_52 = vector.broadcast %ne3A_51 : i32 to vector<1024x128xi32>
    %ne3A_53 = arith.cmpi ne, %rem3A_50, %ne3A_52 : vector<1024x128xi32>
    %lt3A = arith.constant 0 : i32
    %lt3A_54 = vector.broadcast %lt3A : i32 to vector<1024x128xi32>
    %lt3A_55 = arith.cmpi slt, %rem3A_50, %lt3A_54 : vector<1024x128xi32>
    %lt3A_56 = arith.constant 0 : i32
    %lt3A_57 = arith.cmpi slt, %select_n3A_48, %lt3A_56 : i32
    %ne3A_58 = vector.broadcast %lt3A_57 : i1 to vector<1024x128xi1>
    %ne3A_59 = vector.broadcast %ne3A_58 : vector<1024x128xi1> to vector<1024x128xi1>
    %ne3A_60 = arith.xori %lt3A_55, %ne3A_59 : vector<1024x128xi1>
    %and3A_61 = arith.andi %ne3A_60, %ne3A_53 : vector<1024x128xi1>
    %add3A_62 = vector.broadcast %select_n3A_48 : i32 to vector<1024x128xi32>
    %add3A_63 = arith.addi %rem3A_50, %add3A_62 : vector<1024x128xi32>
    %select_n3A_64 = arith.select %and3A_61, %add3A_63, %rem3A_50 : vector<1024x128xi1>, vector<1024x128xi32>
    %eq3A_65 = arith.cmpi eq, %select_n3A, %select_n3A_64 : vector<1024x128xi32>
    %convert_element_type3A = arith.extui %eq3A_65 : vector<1024x128xi1> to vector<1024x128xi32>
    %convert_element_type3A_66 = arith.sitofp %convert_element_type3A : vector<1024x128xi32> to vector<1024x128xf32>
    %mul3A_67 = arith.mulf %dot_general3A_15, %convert_element_type3A_66 : vector<1024x128xf32>
    %get3A_68 = arith.constant 0 : index
    %get3A_69 = arith.constant 0 : index
    %get3A_70 = vector.load %arg5[%get3A_68, %get3A_69] : memref<128x40xf32, #tpu.memory_space<vmem>>, vector<128x40xf32>
    %dot_general3A_71 = arith.constant dense<0.000000e+00> : vector<1024x40xf32>
    %dot_general3A_72 = tpu.matmul %mul3A_67, %get3A_70, %dot_general3A_71 {dimension_numbers = #tpu.dot_dimension_numbers<[1], [0], [0], [1], [0, 0, 1, 1], [], []>, transpose_lhs_hint = false} : vector<1024x128xf32>, vector<128x40xf32>, vector<1024x40xf32> -> vector<1024x40xf32>
    %mul3A_73 = arith.mulf %dot_general3A_20, %convert_element_type3A_66 : vector<1024x128xf32>
    %get3A_74 = arith.constant 0 : index
    %get3A_75 = arith.constant 0 : index
    %get3A_76 = vector.load %arg7[%get3A_74, %get3A_75] : memref<128x40xf32, #tpu.memory_space<vmem>>, vector<128x40xf32>
    %dot_general3A_77 = arith.constant dense<0.000000e+00> : vector<1024x40xf32>
    %dot_general3A_78 = tpu.matmul %mul3A_73, %get3A_76, %dot_general3A_77 {dimension_numbers = #tpu.dot_dimension_numbers<[1], [0], [0], [1], [0, 0, 1, 1], [], []>, transpose_lhs_hint = false} : vector<1024x128xf32>, vector<128x40xf32>, vector<1024x40xf32> -> vector<1024x40xf32>
    %add3A_79 = arith.addf %dot_general3A_72, %dot_general3A_78 : vector<1024x40xf32>
    %get3A_80 = arith.constant 0 : index
    %get3A_81 = vector.load %arg6[%get3A_80] : memref<40xf32, #tpu.memory_space<vmem>>, vector<40xf32>
    %broadcast_in_dim3A = vector.shape_cast %get3A_81 : vector<40xf32> to vector<1x40xf32>
    %add3A_82 = vector.broadcast %broadcast_in_dim3A : vector<1x40xf32> to vector<1024x40xf32>
    %add3A_83 = arith.addf %add3A_79, %add3A_82 : vector<1024x40xf32>
    %reduce_max3A = arith.constant dense<0xFF800000> : vector<1024xf32>
    %reduce_max3A_84 = vector.multi_reduction <maximumf>, %add3A_83, %reduce_max3A [1] : vector<1024x40xf32> to vector<1024xf32>
    %broadcast_in_dim3A_85 = vector.shape_cast %reduce_max3A_84 : vector<1024xf32> to vector<1024x1xf32>
    %sub3A_86 = vector.broadcast %broadcast_in_dim3A_85 : vector<1024x1xf32> to vector<1024x40xf32>
    %sub3A_87 = arith.subf %add3A_83, %sub3A_86 : vector<1024x40xf32>
    %exp3A = math.exp %sub3A_87 : vector<1024x40xf32>
    %reduce_sum3A = arith.constant dense<0.000000e+00> : vector<1024xf32>
    %reduce_sum3A_88 = vector.multi_reduction <add>, %exp3A, %reduce_sum3A [1] : vector<1024x40xf32> to vector<1024xf32>
    %broadcast_in_dim3A_89 = vector.shape_cast %reduce_sum3A_88 : vector<1024xf32> to vector<1024x1xf32>
    %log3A = math.log %broadcast_in_dim3A_89 : vector<1024x1xf32>
    %add3A_90 = arith.addf %broadcast_in_dim3A_85, %log3A : vector<1024x1xf32>
    %sub3A_91 = vector.broadcast %add3A_90 : vector<1024x1xf32> to vector<1024x40xf32>
    %sub3A_92 = arith.subf %add3A_83, %sub3A_91 : vector<1024x40xf32>
    %swap3A = arith.constant 0 : index
    %swap3A_93 = arith.constant 0 : index
    %swap3A_94 = vector.load %arg8[%swap3A, %swap3A_93] : memref<1024x40xf32, #tpu.memory_space<vmem>>, vector<1024x40xf32>
    tpu.vector_store %arg8[%swap3A, %swap3A_93], %sub3A_92 {strides = array<i32>} : memref<1024x40xf32, #tpu.memory_space<vmem>>, vector<1024x40xf32>,
    return
  }
  func.func @transform_0(%arg0: i32) -> (i32, i32, i32) {
    %c0_i32 = arith.constant 0 : i32
    %c0_i32_0 = arith.constant 0 : i32
    %c0_i32_1 = arith.constant 0 : i32
    return %c0_i32, %arg0, %c0_i32_0 : i32, i32, i32
  }
  func.func @transform_1(%arg0: i32) -> (i32, i32) {
    %c0_i32 = arith.constant 0 : i32
    %c0_i32_0 = arith.constant 0 : i32
    return %arg0, %c0_i32 : i32, i32
  }
  func.func @transform_2(%arg0: i32) -> (i32, i32) {
    %c0_i32 = arith.constant 0 : i32
    %c0_i32_0 = arith.constant 0 : i32
    return %arg0, %c0_i32 : i32, i32
  }
  func.func @transform_3(%arg0: i32) -> (i32, i32) {
    %c0_i32 = arith.constant 0 : i32
    %c0_i32_0 = arith.constant 0 : i32
    %c0_i32_1 = arith.constant 0 : i32
    return %c0_i32, %c0_i32_0 : i32, i32
  }
  func.func @transform_4(%arg0: i32) -> (i32, i32) {
    %c0_i32 = arith.constant 0 : i32
    %c0_i32_0 = arith.constant 0 : i32
    %c0_i32_1 = arith.constant 0 : i32
    return %c0_i32, %c0_i32_0 : i32, i32
  }
  func.func @transform_5(%arg0: i32) -> i32 {
    %c0_i32 = arith.constant 0 : i32
    %c0_i32_0 = arith.constant 0 : i32
    return %c0_i32 : i32
  }
  func.func @transform_6(%arg0: i32) -> (i32, i32) {
    %c0_i32 = arith.constant 0 : i32
    %c0_i32_0 = arith.constant 0 : i32
    %c0_i32_1 = arith.constant 0 : i32
    return %c0_i32, %c0_i32_0 : i32, i32
  }
  func.func @transform_7(%arg0: i32) -> (i32, i32) {
    %c0_i32 = arith.constant 0 : i32
    %c0_i32_0 = arith.constant 0 : i32
    return %arg0, %c0_i32 : i32, i32
  }
}

</mosaic_0001>

<sc_bundles>
// kernel: kernel.10.cloned.1.call-start
scs
__scs_entry_jumppad:
0x0: {  	(pc) =	sbr.rel $0x88, $3  }
0x1: {  	(tag) =	ssettag $0x0;
	lr =	simm.s32 $0x1  }
0x2: {  	[smem:$0x3F9A] =	sst lr;
	_ =	strace $0xD0000000  }
0x3: {  	_ = 	snop  }
0x4: {  	_ = 	snop  }
0x5: {  	_ = 	snop  }
0x6: {  	_ = 	snop  }
0x7: {  	_ = 	snop  }
__scs_overlays_trampoline_lowered:
0x8: {  	[smem:$0x3FA9] =	sst s0  }
0x9: {  	[smem:$0x3FAA] =	sst s1  }
0xa: {  	[smem:$0x3FAB] =	sst s2  }
0xb: {  	[smem:$0x3FAC] =	sst s3  }
0xc: {  	[smem:$0x3FAD] =	sst s4  }
0xd: {  	[smem:$0x3FAE] =	sst s5  }
0xe: {  	[smem:$0x3FAF] =	sst s6  }
0xf: {  	[smem:$0x3FB0] =	sst s7  }
0x10: {  	[smem:$0x3FB1] =	sst s8  }
0x11: {  	[smem:$0x3FB2] =	sst s9;
	s0 =	simm.s32 @!p0 $0x0  }
0x12: {  	s1 =	sld [smem:$0x3F98];
	s0 =	simm.s32 @p0 $0x1  }
0x13: {  	[smem:$0x3FB3] =	sst s0;
	s0 =	simm.s32 @!p1 $0x0  }
0x14: {  	s2 =	sld [smem:$0x3F97];
	s0 =	simm.s32 @p1 $0x1  }
0x15: {  	[smem:$0x3FB4] =	sst s0;
	s0 =	simm.s32 @!p2 $0x0  }
0x16: {  	s3 =	sld [smem:$0x3FDB];
	s0 =	simm.s32 @p2 $0x1  }
0x17: {  	s4 =	simm.s32 $0x1BF5;
	[smem:$0x3FB6] =	sst s0  }
0x18: {  	s0 =	sld [smem:$0x3F99];
	_ =	swait.ge [sflag:s4], $0x0  }
0x19: {  	s7 =	sld [smem:$0x3F9A]  }
0x1a: {  	s8 =	sadd.s32 $0xFFFFE003, lr  }
0x1b: {  	s9 =	sadd.s32 $0xFFFFFEF7, lr;
	s5 =	simm.s32 $0xFFFFFFFF;
	p2 =	slt.u32 s8, $0xFFFFF086  }
0x1c: {  	p1 =	slt.u32 s9, $0xF7A;
	s5 =	simm.s32 @!p2 $0x0  }
0x1d: {  	s5 =	simm.s32 @p1 $0x1;
	p0 =	seq.s32 s7, s2  }
0x1e: {  	s7 =	smul.u32 @!p0 $0xF7A, s2;
	p2 =	seq.s32 @!p0 s5, $0x0  }
0x1f: {  	s9 =	smul.u32 $0xF7A, s1;
	s8 =	simm.s32 @!p0 $0x1BF5;
	p2 =	por !p2, p0  }
0x20: {  	[sflag:s8] =	ssyncset.s32 @!p0 $0xFFFFF086;
	s6 =	sadd.s32 @!p0 s3, s7;
	s7 =	simm.s32 @!p0 $0x108  }
0x21: {  	s3 =	sadd.s32 s3, s9;
	s6 =	sadd.s32 @!p0 $0x88, s6;
	s7 =	simm.s32 @p2 $0x1082  }
0x22: {  	[simem:s7], [sflag:s8] =	dma.local @!p0 [hbm:s6], $0xF7A  }
0x23: {  	s9 =	sor.u32 $0xD0000000, s2;
	s6 =	simm.s32 $0x108;
	_ =	swait.ge @!p0 [sflag:s8], $0x0  }
0x24: {  	s3 =	sadd.s32 $0x88, s3;
	s6 =	simm.s32 @!p1 $0x1082;
	[sflag:s4] =	ssyncset.s32 $0xFFFFF086  }
0x25: {  	[simem:s6], [sflag:s4] =	dma.local [hbm:s3], $0xF7A  }
0x26: {  	[smem:$0x3F9A] =	sst s1;
	(tag) =	ssettag s2;
	_ =	strace s9  }
0x27: {  	s1 =	sld [smem:$0x3FAA]  }
0x28: {  	s2 =	sld [smem:$0x3FAB]  }
0x29: {  	s4 =	sld [smem:$0x3FAD]  }
0x2a: {  	p0 =	seq.s32 s5, $0x0;
	s5 =	sld [smem:$0x3FAE]  }
0x2b: {  	s6 =	sld [smem:$0x3FAF]  }
0x2c: {  	s7 =	sld [smem:$0x3FB0]  }
0x2d: {  	s3 =	simm.s32 $0x108;
	s8 =	sld [smem:$0x3FB1]  }
0x2e: {  	s3 =	simm.s32 @!p0 $0x1082;
	s9 =	sld [smem:$0x3FB2]  }
0x2f: {  	lr =	sadd.s32 s0, s3;
	s0 =	sld [smem:$0x3FA9]  }
0x30: {  	s3 =	sld [smem:$0x3FAC]  }
0x31: {  	[smem:$0x3FB5] =	sst s10  }
0x32: {  	s10 =	sld [smem:$0x3FB3];
	_ =	sdelay $0x3  }
0x33: {  	p0 =	seq.s32 s10, $0x1;
	s10 =	sld [smem:$0x3FB5];
	_ =	sdelay $0x3  }
0x34: {  	[smem:$0x3FB5] =	sst s10  }
0x35: {  	s10 =	sld [smem:$0x3FB4];
	_ =	sdelay $0x3  }
0x36: {  	p1 =	seq.s32 s10, $0x1;
	s10 =	sld [smem:$0x3FB5];
	_ =	sdelay $0x3  }
0x37: {  	[smem:$0x3FB5] =	sst s10  }
0x38: {  	s10 =	sld [smem:$0x3FB6]  }
0x39: {  	_ = 	snop;
	(pc) =	sbr.ind lr, $3  }
0x3a: {  	_ = 	snop  }
0x3b: {  	_ = 	snop  }
0x3c: {  	p2 =	seq.s32 s10, $0x1;
	s10 =	sld [smem:$0x3FB5]  }
0x3d: {  	_ =	shalt  }
0x3e: {  	_ =	shalt  }
0x3f: {  	_ =	shalt  }
0x40: {  	_ =	shalt  }
0x41: {  	_ =	shalt  }
0x42: {  	_ =	shalt  }
0x43: {  	_ =	shalt  }
0x44: {  	_ =	shalt  }
0x45: {  	_ =	shalt  }
0x46: {  	_ =	shalt  }
0x47: {  	_ =	shalt  }
0x48: {  	_ =	shalt  }
0x49: {  	_ =	shalt  }
0x4a: {  	_ =	shalt  }
0x4b: {  	_ =	shalt  }
0x4c: {  	_ =	shalt  }
0x4d: {  	_ =	shalt  }
0x4e: {  	_ =	shalt  }
0x4f: {  	_ =	shalt  }
0x50: {  	_ =	shalt  }
0x51: {  	_ =	shalt  }
0x52: {  	_ =	shalt  }
0x53: {  	_ =	shalt  }
0x54: {  	_ =	shalt  }
0x55: {  	_ =	shalt  }
0x56: {  	_ =	shalt  }
0x57: {  	_ =	shalt  }
0x58: {  	_ =	shalt  }
0x59: {  	_ =	shalt  }
0x5a: {  	_ =	shalt  }
0x5b: {  	_ =	shalt  }
0x5c: {  	_ =	shalt  }
0x5d: {  	_ =	shalt  }
0x5e: {  	_ =	shalt  }
0x5f: {  	_ =	shalt  }
0x60: {  	_ =	shalt  }
0x61: {  	_ =	shalt  }
0x62: {  	_ =	shalt  }
0x63: {  	_ =	shalt  }
0x64: {  	_ =	shalt  }
0x65: {  	_ =	shalt  }
0x66: {  	_ =	shalt  }
0x67: {  	_ =	shalt  }
0x68: {  	_ =	shalt  }
0x69: {  	_ =	shalt  }
0x6a: {  	_ =	shalt  }
0x6b: {  	_ =	shalt  }
0x6c: {  	_ =	shalt  }
0x6d: {  	_ =	shalt  }
0x6e: {  	_ =	shalt  }
0x6f: {  	_ =	shalt  }
0x70: {  	_ =	shalt  }
0x71: {  	_ =	shalt  }
0x72: {  	_ =	shalt  }
0x73: {  	_ =	shalt  }
0x74: {  	_ =	shalt  }
0x75: {  	_ =	shalt  }
0x76: {  	_ =	shalt  }
0x77: {  	_ =	shalt  }
0x78: {  	_ =	shalt  }
0x79: {  	_ =	shalt  }
0x7a: {  	_ =	shalt  }
0x7b: {  	_ =	shalt  }
0x7c: {  	_ =	shalt  }
0x7d: {  	_ =	shalt  }
0x7e: {  	_ =	shalt  }
0x7f: {  	_ =	shalt  }
0x80: {  	_ =	shalt  }
0x81: {  	_ =	shalt  }
0x82: {  	_ =	shalt  }
0x83: {  	_ =	shalt  }
0x84: {  	_ =	shalt  }
0x85: {  	_ =	shalt  }
0x86: {  	_ =	shalt  }
0x87: {  	_ =	shalt  }
.Lfunc_end0:
.L_simem_size_0:
called_computation_lowered:
.L_overlay_start_0:
0x88: {  	s2 =	sld [smem:$0x3FD9]  }
0x89: {  	s3 =	sld [smem:$0x3FFE];
	_ =	sdelay $0x1  }
0x8a: {  	s1 =	srdreg.scid  }
0x8b: {  	s0 =	sand.u32 $0x1, s1  }
0x8c: {  	s17 =	sshll.u32 s0, $0xA;
	s2 =	sadd.s32 s3, s2  }
0x8d: {  	s2 =	sadd.s32 s2, s17  }
0x8e: {  	[smem:$0x3FC1] =	sst s2  }
0x8f: {  	_ = 	snop  }
0x90: {  	s2 =	sld [smem:$0x3FD0];
	(tm) =	ssettm $0x1  }
0x91: {  	s18 =	sld [smem:$0x3FFB];
	_ =	sdelay $0x3  }
0x92: {  	_ =	strace s18  }
0x93: {  	s3 =	sld [smem:$0x3FFC];
	_ =	sdelay $0x3  }
0x94: {  	_ =	strace s3  }
0x95: {  	s3 =	sld [smem:$0x3FFD];
	_ =	sdelay $0x3  }
0x96: {  	_ =	strace s3  }
0x97: {  	_ =	strace $0x8FFFFFFF  }
0x98: {  	s19 =	sld [smem:$0x3FDB];
	_ =	sdelay $0x1  }
0x99: {  	s4 =	simm.s32 $_scs_section_size  }
0x9a: {  	s5 =	simm.s32 $_size__tile_overlayer_lowered;
	s6 =	simm.s32 $_tile_overlayer_lowered  }
0x9b: {  	s22 =	simm.s32 $0x1BFF;
	s21 =	sshll.u32 s6, $0x1;
	s3 =	sadd.s32 s4, s19  }
0x9c: {  	s7 =	simm.s32 $0x0;
	s20 =	sshll.u32 s5, $0x1;
	s5 =	sadd.s32 s21, s3  }
0x9d: {  	[timem:s7], [sflag:s22] =	dma.local [hbm:s5], s20  }
0x9e: {  	_ =	swait.ge [sflag:s22], s20  }
0x9f: {  	s4 =	ssub.s32 $0x0, s20;
	[sflag:s22] =	ssyncset.done $0x0  }
0xa0: {  	[sflag:s22] =	ssyncadd.s32 s4;
	_ =	sdelay $0x1  }
0xa1: {  	s23 =	simm.s32 $0x1B8B  }
0xa2: {  	_ =	swait.ge [sflag:s23], $0x1  }
0xa3: {  	[sflag:s23] =	ssyncset.done $0x0  }
0xa4: {  	s25 =	simm.s32 $0x1B8E;
	s24 =	sld [smem:$0x3FFE];
	[sflag:s23] =	ssyncadd.s32 $0xFFFFFFFF  }
0xa5: {  	s26 =	simm.s32 $execute0_lowered;
	[smem:$0x3FD2] =	sst s25  }
0xa6: {  	s5 =	sshll.u32 s26, $0x1;
	_ =	strace $0x80000046;
	[dreg:$0x1] =	wrdreg $0xFFFFFFFF  }
0xa7: {  	s28 =	simm.s32 $_size_execute0_lowered;
	s3 =	sadd.s32 s3, s5;
	[dreg:$0x0] =	wrdreg $0x0  }
0xa8: {  	s5 =	sshll.u32 s28, $0x1;
	[dreg:$0x2] =	wrdreg s3  }
0xa9: {  	[dreg:$0x3] =	wrdreg s5  }
0xaa: {  	[dreg:$0x4] =	wrdreg $0xC0  }
0xab: {  	_ =	task [dreg:s7], $0x5FFFF  }
0xac: {  	[dreg:$0x1] =	wrdreg $0xFFFFFFFF  }
0xad: {  	[dreg:$0x0] =	wrdreg $0x60  }
0xae: {  	[dreg:$0x2] =	wrdreg s2  }
0xaf: {  	[dreg:$0x3] =	wrdreg s24  }
0xb0: {  	[dreg:$0x4] =	wrdreg $0x58000  }
0xb1: {  	[dreg:$0x5] =	wrdreg $0x9  }
0xb2: {  	_ =	task.clear_ibuf [dreg:s7], $0x6FFFF;
	_ =	strace $0x90000046  }
0xb3: {  	s29 =	simm.s32 $0x9;
	_ =	strace $0x80000048  }
0xb4: {  	_ =	swait.ge [sflag:s29], $0x1  }
0xb5: {  	[sflag:s29] =	ssyncadd.s32 $0xFFFFFFFF  }
0xb6: {  	_ =	strace $0x90000048  }
0xb7: {  	_ =	sfence  }
0xb8: {  	s30 =	sld [smem:$0x0];
	_ =	sdelay $0x2  }
0xb9: {  	s31 =	sshll.u32 s1, $0xD;
	s1 =	sshrl.u32 s1, $0x2  }
0xba: {  	s3 =	sand.u32 $0x4000, s31;
	s1 =	sadd.s32 s1, s30  }
0xbb: {  	s0 =	sor.u32 s3, s0;
	s1 =	sshll.u32 s1, $0x11  }
0xbc: {  	s0 =	sor.u32 s1, s0  }
0xbd: {  	s0 =	sadd.s32 $0x8F2B, s0  }
0xbe: {  	[sflag:s0] =	ssyncadd.remote.s32 $0x1  }
0xbf: {  	_ =	sfence.sel $0xFFFF  }
0xc0: {  	[dreg:$0x0] =	wrdreg $0xFFFFFFFF;
	(pc) =	sbr.abs _section_cstart, $3  }
0xc1: {  	[dreg:$0x1] =	wrdreg $0xFFFFFFFF  }
0xc2: {  	_ =	task.clear_ibuf [dreg:s7], $0x2FFFF;
	_ =	strace $0x9FFFFFFF  }
0xc3: {  	(tm) =	ssettm $0x7FFFFFFF  }
tec
execute0_lowered:
.L_overlay_start_1:
0x0: {  	(tag) =	ssettag $0x1  }
0x1: {  	s6 =	rddreg [dreg:$0x0];
	s1 =	srdreg.scid  }
0x2: {  	s0 =	stileid.u32;
	s4 =	rddreg [dreg:$0x1]  }
0x3: {  	s2 =	rddreg [dreg:$0x2];
	s3 =	simm.s32 $0x0;
	s12 =	simm.s32 $0x80  }
0x4: {  	s13 =	simm.s32 $0x2800;
	s14 =	simm.s32 $0x100;
	s15 =	simm.s32 $0x180  }
0x5: {  	s16 =	simm.s32 $0x1;
	s17 =	simm.s32 $0x2;
	s18 =	simm.s32 $0x3  }
0x6: {  	s19 =	simm.s32 $0x4;
	s20 =	simm.s32 $0x0;
	s5 =	sand.u32 $0x1, s1  }
0x7: {  	s7 =	smul.u32 $0x2800, s0;
	s1 =	rddreg [dreg:$0x3];
	s9 =	sshll.u32 s0, $0x1  }
0x8: {  	[smem:$0x7FF] =	sst s3;
	s8 =	smul.u32 $0x28000, s5;
	s9 =	sor.u32 s5, s9  }
0x9: {  	_ =	strace $0x80000047;
	s5 =	ssub.s32 $0x2, s5;
	s10 =	smul.u32 $0x500, s9  }
0xa: {  	s11 =	sshrl.u32 s5, $0x1;
	p0 =	seq.s32 s9, $0x1F;
	s8 =	sadd.s32 s7, s8  }
0xb: {  	s31 =	ssub.s32 s5, s11;
	s7 =	sadd.s32 s7, s2;
	s11 =	simm.s32 $0x5  }
0xc: {  	s8 =	sshrl.u32 s8, $0x3;
	s5 =	sadd.s32 s6, s10;
	s6 =	sadd.s32 $0x9B00, s6  }
0xd: {  	s9 =	smax.u32 s31, $0x1;
	s8 =	sadd.s32 s8, s4;
	s4 =	simm.s32 $0x14  }
0xe: {  	v0 =	vimm.f32 $1.000000000e+00;
	v1 =	vimm.f32 $0.0e+00;
	s10 =	simm.s32 $0x3000;
	s4 =	simm.s32 @!p0 $0x50;
	s8 =	sadd.s32 $0xD600, s8  }
.LBB2_1:
0xf: {  	s21 =	simm.s32 $0x40;
	s22 =	simm.s32 $0x0  }
.LBB2_2:
0x10: {  	p1 =	sne.s32 s21, $0x1FC0;
	[tilespmem:s22+$0x2800] =	vst v0;
	s22 =	smov.u32 s21;
	s21 =	sadd.s32 $0x40, s21  }
.Ltmp0:
0x11: {  	(pc) =	sbr.rel @p1 .LBB2_2-.Ltmp0, $2  }
0x12: {  	_ =	sdelay $0x2  }
0x13: {  	s22 =	sshra.s32 s22, $0x2  }
0x14: {  	[tilespmem:s22+$0x2800] =	vst v0;
	s21 =	simm.s32 @p0 $0x0  }
0x15: {  	[tilespmem:s21], [sflag:$0x5] =	stream.linear.gather @p0 [hbm4b:s6+s21], $0xA00, $0x38;
	[tilespmem:$0x8000] =	vst v63  }
0x16: {  	s21 =	simm.s32 @p0 $0x5  }
0x17: {  	_ =	swait.ge @p0 [sflag:s21], $0xA00  }
0x18: {  	[sflag:s21] =	ssyncset.done @p0 $0x0  }
0x19: {  	[sflag:s21] =	ssyncadd.s32 @p0 $0xFFFFF600;
	s21 =	simm.s32 @!p0 $0x0  }
0x1a: {  	[tilespmem:s21], [sflag:$0x5] =	stream.linear.gather @!p0 [hbm4b:s5+s21], $0x2800, $0x38;
	[tilespmem:$0x8000] =	vst v63  }
0x1b: {  	s21 =	simm.s32 @!p0 $0x5  }
0x1c: {  	_ =	swait.ge @!p0 [sflag:s21], $0x2800  }
0x1d: {  	[sflag:s21] =	ssyncset.done @!p0 $0x0  }
0x1e: {  	s22 =	simm.s32 $0x0;
	[sflag:s21] =	ssyncadd.s32 @!p0 $0xFFFFD800;
	s21 =	simm.s32 $0x40  }
.LBB2_4:
0x1f: {  	p1 =	sne.s32 s21, $0x9FC0;
	[tilespmem:s22+$0x3000] =	vst v1;
	s22 =	smov.u32 s21;
	s21 =	sadd.s32 $0x40, s21  }
.Ltmp1:
0x20: {  	(pc) =	sbr.rel @p1 .LBB2_4-.Ltmp1, $2  }
0x21: {  	_ =	sdelay $0x2  }
0x22: {  	s22 =	sshra.s32 s22, $0x2  }
0x23: {  	[tilespmem:s22+$0x3000] =	vst v1  }
0x24: {  	[spmem:s7] =	stream.linear.scatter [tilespmem:s10], [sflag:$0x5], $0x2800, $0x38;
	[tilespmem:$0x8000] =	vst v63  }
0x25: {  	_ =	swait.ge [sflag:s11], $0x2800  }
0x26: {  	[sflag:s11] =	ssyncset.done $0x0  }
0x27: {  	[sflag:s11] =	ssyncadd.s32 $0xFFFFD800  }
0x28: {  	[bflag:$0x0] =	sbarrier.arrive $0xFFFF  }
0x29: {  	[spmem:s2] =	stream.indirect.scatter.add.f32 [tilespmem:s13], [sflag:$0x1], $0x10, s3, s12, $0xb8;
	[tilespmem:$0x8000] =	vst v63  }
0x2a: {  	_ = 	snop  }
0x2b: {  	[spmem:s2] =	stream.indirect.scatter.add.f32 [tilespmem:s13], [sflag:$0x2], $0x10, s12, s12, $0xb8;
	[tilespmem:$0x8000] =	vst v63  }
0x2c: {  	_ = 	snop  }
0x2d: {  	[spmem:s2] =	stream.indirect.scatter.add.f32 [tilespmem:s13], [sflag:$0x3], $0x10, s14, s12, $0xb8;
	[tilespmem:$0x8000] =	vst v63  }
0x2e: {  	s21 =	simm.s32 $0x4;
	s22 =	simm.s32 $0x200  }
0x2f: {  	[spmem:s2] =	stream.indirect.scatter.add.f32 [tilespmem:s13], [sflag:$0x4], $0x10, s15, s12, $0xb8;
	[tilespmem:$0x8000] =	vst v63  }
.LBB2_6:
0x30: {  	s23 =	sand.u32 $0x3, s21  }
0x31: {  	p1 =	sgt.s32 s23, $0x1  }
0x32: {  	p3 =	seq.s32 @p1 s23, $0x2  }
0x33: {  	p2 =	por !p3, !p1  }
0x34: {  	s24 =	simm.s32 @!p2 $0x3  }
0x35: {  	_ =	swait.ge @!p2 [sflag:s24], $0x800  }
0x36: {  	p3 =	por p3, !p1;
	[sflag:s24] =	ssyncset.done @!p2 $0x0  }
0x37: {  	s25 =	simm.s32 @!p3 $0x4;
	[sflag:s24] =	ssyncadd.s32 @!p2 $0xFFFFF800  }
0x38: {  	p4 =	seq.s32 @!p1 s23, $0x0;
	_ =	swait.ge @!p3 [sflag:s25], $0x800  }
0x39: {  	p5 =	por !p4, p1;
	[sflag:s25] =	ssyncset.done @!p3 $0x0  }
0x3a: {  	s23 =	simm.s32 @!p5 $0x1;
	[sflag:s25] =	ssyncadd.s32 @!p3 $0xFFFFF800  }
0x3b: {  	_ =	swait.ge @!p5 [sflag:s23], $0x800  }
0x3c: {  	s21 =	sadd.s32 $0x1, s21;
	s24 =	simm.s32 @p2 $0x4;
	[sflag:s23] =	ssyncset.done @!p5 $0x0  }
0x3d: {  	p3 =	por p4, p1;
	[sflag:s23] =	ssyncadd.s32 @!p5 $0xFFFFF800;
	s23 =	simm.s32 @p5 $0x2  }
0x3e: {  	s25 =	simm.s32 @!p3 $0x2;
	s23 =	smov.u32 @p1 s24;
	p1 =	sne.s32 s4, s21  }
.Ltmp2:
0x3f: {  	_ =	swait.ge @!p3 [sflag:s25], $0x800;
	(pc) =	sbr.rel @p1 .LBB2_6-.Ltmp2, $4  }
0x40: {  	[sflag:s25] =	ssyncset.done @!p3 $0x0  }
0x41: {  	[sflag:s25] =	ssyncadd.s32 @!p3 $0xFFFFF800  }
0x42: {  	[spmem:s2] =	stream.indirect.scatter.add.f32 [tilespmem:s13], [sflag:s23], $0x10, s22, s12, $0xb8;
	[tilespmem:$0x8000] =	vst v63  }
0x43: {  	s22 =	sadd.s32 $0x80, s22  }
0x44: {  	_ =	swait.ge [sflag:s16], $0x800  }
0x45: {  	[sflag:s16] =	ssyncset.done $0x0  }
0x46: {  	[sflag:s16] =	ssyncadd.s32 $0xFFFFF800  }
0x47: {  	_ =	swait.ge [sflag:s17], $0x800  }
0x48: {  	[sflag:s17] =	ssyncset.done $0x0  }
0x49: {  	[sflag:s17] =	ssyncadd.s32 $0xFFFFF800  }
0x4a: {  	_ =	swait.ge [sflag:s18], $0x800  }
0x4b: {  	[sflag:s18] =	ssyncset.done $0x0  }
0x4c: {  	[sflag:s18] =	ssyncadd.s32 $0xFFFFF800  }
0x4d: {  	_ =	swait.ge [sflag:s19], $0x800  }
0x4e: {  	[sflag:s19] =	ssyncset.done $0x0  }
0x4f: {  	[sflag:s19] =	ssyncadd.s32 $0xFFFFF800  }
0x50: {  	[bflag:$0x0] =	sbarrier.arrive $0xFFFF  }
0x51: {  	[tilespmem:s10], [sflag:$0x5] =	stream.linear.gather [spmem:s7], $0x2800, $0x38;
	[tilespmem:$0x8000] =	vst v63  }
0x52: {  	s20 =	sadd.s32 $0x1, s20;
	_ =	swait.ge [sflag:s11], $0x2800  }
0x53: {  	p1 =	sne.s32 s20, s9;
	[sflag:s11] =	ssyncset.done $0x0  }
.Ltmp3:
0x54: {  	[sflag:s11] =	ssyncadd.s32 $0xFFFFD800;
	(pc) =	sbr.rel @p1 .LBB2_1-.Ltmp3, $4  }
0x55: {  	[hbm4b:s8+s3] =	stream.linear.scatter [tilespmem:s10], [sflag:$0x5], $0x2800, $0x38;
	[tilespmem:$0x8000] =	vst v63  }
0x56: {  	_ =	swait.ge [sflag:s11], $0x2800  }
0x57: {  	[sflag:s11] =	ssyncset.done $0x0  }
0x58: {  	[sflag:s11] =	ssyncadd.s32 $0xFFFFD800  }
0x59: {  	_ =	sfence.sel $0x180000  }
0x5a: {  	[bflag:$0x0] =	sbarrier.arrive $0xFFFF  }
0x5b: {  	p0 =	sne.s32 s0, $0x0;
	_ =	strace $0x90000047  }
0x5c: {  	s0 =	sadd.s32 @!p0 $0x100000, s1;
	[bflag:$0x2] =	sbarrier.arrive $0xFFFF  }
0x5d: {  	[sflag:s0] =	ssyncadd.tile.s32 @!p0 $0x1;
	_ =	shalt  }
.Lfunc_end2:
_tile_overlayer_lowered:
.L_overlay_start_2:
0x5e: {  	(tag) =	ssettag $0x2  }
0x5f: {  	s0 =	rddreg [dreg:$0x0];
	s2 =	stileid.u32  }
0x60: {  	s1 =	rddreg [dreg:$0x1];
	p0 =	sne.s32 s2, $0x0  }
0x61: {  	s3 =	rddreg [dreg:$0x2];
	[bflag:$0x3] =	sbarrier.arrive $0xFFFF;
	s2 =	simm.s32 @!p0 $0x1C05  }
0x62: {  	[timem:s3], [sflag:s2] =	dma.local @!p0 [hbm:s0], s1  }
0x63: {  	s0 =	simm.s32 @!p0 $0x5  }
0x64: {  	_ =	swait.ge @!p0 [sflag:s0], s1  }
0x65: {  	s1 =	ssub.s32 @!p0 $0x0, s1;
	[sflag:s0] =	ssyncset.done @!p0 $0x0  }
0x66: {  	[sflag:s0] =	ssyncadd.s32 @!p0 s1  }
0x67: {  	[bflag:$0x3] =	sbarrier.arrive $0xFFFF  }
0x68: {  	_ =	shalt  }

// kernel: kernel.13.cloned.1.call-start
scs
__scs_entry_jumppad:
0x0: {  	(pc) =	sbr.rel $0x88, $3  }
0x1: {  	(tag) =	ssettag $0x0;
	lr =	simm.s32 $0x1  }
0x2: {  	[smem:$0x3F9A] =	sst lr;
	_ =	strace $0xD0000000  }
0x3: {  	_ = 	snop  }
0x4: {  	_ = 	snop  }
0x5: {  	_ = 	snop  }
0x6: {  	_ = 	snop  }
0x7: {  	_ = 	snop  }
__scs_overlays_trampoline_lowered:
0x8: {  	[smem:$0x3FA9] =	sst s0  }
0x9: {  	[smem:$0x3FAA] =	sst s1  }
0xa: {  	[smem:$0x3FAB] =	sst s2  }
0xb: {  	[smem:$0x3FAC] =	sst s3  }
0xc: {  	[smem:$0x3FAD] =	sst s4  }
0xd: {  	[smem:$0x3FAE] =	sst s5  }
0xe: {  	[smem:$0x3FAF] =	sst s6  }
0xf: {  	[smem:$0x3FB0] =	sst s7  }
0x10: {  	[smem:$0x3FB1] =	sst s8  }
0x11: {  	[smem:$0x3FB2] =	sst s9;
	s0 =	simm.s32 @!p0 $0x0  }
0x12: {  	s1 =	sld [smem:$0x3F98];
	s0 =	simm.s32 @p0 $0x1  }
0x13: {  	[smem:$0x3FB3] =	sst s0;
	s0 =	simm.s32 @!p1 $0x0  }
0x14: {  	s2 =	sld [smem:$0x3F97];
	s0 =	simm.s32 @p1 $0x1  }
0x15: {  	[smem:$0x3FB4] =	sst s0;
	s0 =	simm.s32 @!p2 $0x0  }
0x16: {  	s3 =	sld [smem:$0x3FDB];
	s0 =	simm.s32 @p2 $0x1  }
0x17: {  	s4 =	simm.s32 $0x1BF5;
	[smem:$0x3FB6] =	sst s0  }
0x18: {  	s0 =	sld [smem:$0x3F99];
	_ =	swait.ge [sflag:s4], $0x0  }
0x19: {  	s7 =	sld [smem:$0x3F9A]  }
0x1a: {  	s8 =	sadd.s32 $0xFFFFE003, lr  }
0x1b: {  	s9 =	sadd.s32 $0xFFFFFEF7, lr;
	s5 =	simm.s32 $0xFFFFFFFF;
	p2 =	slt.u32 s8, $0xFFFFF086  }
0x1c: {  	p1 =	slt.u32 s9, $0xF7A;
	s5 =	simm.s32 @!p2 $0x0  }
0x1d: {  	s5 =	simm.s32 @p1 $0x1;
	p0 =	seq.s32 s7, s2  }
0x1e: {  	s7 =	smul.u32 @!p0 $0xF7A, s2;
	p2 =	seq.s32 @!p0 s5, $0x0  }
0x1f: {  	s9 =	smul.u32 $0xF7A, s1;
	s8 =	simm.s32 @!p0 $0x1BF5;
	p2 =	por !p2, p0  }
0x20: {  	[sflag:s8] =	ssyncset.s32 @!p0 $0xFFFFF086;
	s6 =	sadd.s32 @!p0 s3, s7;
	s7 =	simm.s32 @!p0 $0x108  }
0x21: {  	s3 =	sadd.s32 s3, s9;
	s6 =	sadd.s32 @!p0 $0x88, s6;
	s7 =	simm.s32 @p2 $0x1082  }
0x22: {  	[simem:s7], [sflag:s8] =	dma.local @!p0 [hbm:s6], $0xF7A  }
0x23: {  	s9 =	sor.u32 $0xD0000000, s2;
	s6 =	simm.s32 $0x108;
	_ =	swait.ge @!p0 [sflag:s8], $0x0  }
0x24: {  	s3 =	sadd.s32 $0x88, s3;
	s6 =	simm.s32 @!p1 $0x1082;
	[sflag:s4] =	ssyncset.s32 $0xFFFFF086  }
0x25: {  	[simem:s6], [sflag:s4] =	dma.local [hbm:s3], $0xF7A  }
0x26: {  	[smem:$0x3F9A] =	sst s1;
	(tag) =	ssettag s2;
	_ =	strace s9  }
0x27: {  	s1 =	sld [smem:$0x3FAA]  }
0x28: {  	s2 =	sld [smem:$0x3FAB]  }
0x29: {  	s4 =	sld [smem:$0x3FAD]  }
0x2a: {  	p0 =	seq.s32 s5, $0x0;
	s5 =	sld [smem:$0x3FAE]  }
0x2b: {  	s6 =	sld [smem:$0x3FAF]  }
0x2c: {  	s7 =	sld [smem:$0x3FB0]  }
0x2d: {  	s3 =	simm.s32 $0x108;
	s8 =	sld [smem:$0x3FB1]  }
0x2e: {  	s3 =	simm.s32 @!p0 $0x1082;
	s9 =	sld [smem:$0x3FB2]  }
0x2f: {  	lr =	sadd.s32 s0, s3;
	s0 =	sld [smem:$0x3FA9]  }
0x30: {  	s3 =	sld [smem:$0x3FAC]  }
0x31: {  	[smem:$0x3FB5] =	sst s10  }
0x32: {  	s10 =	sld [smem:$0x3FB3];
	_ =	sdelay $0x3  }
0x33: {  	p0 =	seq.s32 s10, $0x1;
	s10 =	sld [smem:$0x3FB5];
	_ =	sdelay $0x3  }
0x34: {  	[smem:$0x3FB5] =	sst s10  }
0x35: {  	s10 =	sld [smem:$0x3FB4];
	_ =	sdelay $0x3  }
0x36: {  	p1 =	seq.s32 s10, $0x1;
	s10 =	sld [smem:$0x3FB5];
	_ =	sdelay $0x3  }
0x37: {  	[smem:$0x3FB5] =	sst s10  }
0x38: {  	s10 =	sld [smem:$0x3FB6]  }
0x39: {  	_ = 	snop;
	(pc) =	sbr.ind lr, $3  }
0x3a: {  	_ = 	snop  }
0x3b: {  	_ = 	snop  }
0x3c: {  	p2 =	seq.s32 s10, $0x1;
	s10 =	sld [smem:$0x3FB5]  }
0x3d: {  	_ =	shalt  }
0x3e: {  	_ =	shalt  }
0x3f: {  	_ =	shalt  }
0x40: {  	_ =	shalt  }
0x41: {  	_ =	shalt  }
0x42: {  	_ =	shalt  }
0x43: {  	_ =	shalt  }
0x44: {  	_ =	shalt  }
0x45: {  	_ =	shalt  }
0x46: {  	_ =	shalt  }
0x47: {  	_ =	shalt  }
0x48: {  	_ =	shalt  }
0x49: {  	_ =	shalt  }
0x4a: {  	_ =	shalt  }
0x4b: {  	_ =	shalt  }
0x4c: {  	_ =	shalt  }
0x4d: {  	_ =	shalt  }
0x4e: {  	_ =	shalt  }
0x4f: {  	_ =	shalt  }
0x50: {  	_ =	shalt  }
0x51: {  	_ =	shalt  }
0x52: {  	_ =	shalt  }
0x53: {  	_ =	shalt  }
0x54: {  	_ =	shalt  }
0x55: {  	_ =	shalt  }
0x56: {  	_ =	shalt  }
0x57: {  	_ =	shalt  }
0x58: {  	_ =	shalt  }
0x59: {  	_ =	shalt  }
0x5a: {  	_ =	shalt  }
0x5b: {  	_ =	shalt  }
0x5c: {  	_ =	shalt  }
0x5d: {  	_ =	shalt  }
0x5e: {  	_ =	shalt  }
0x5f: {  	_ =	shalt  }
0x60: {  	_ =	shalt  }
0x61: {  	_ =	shalt  }
0x62: {  	_ =	shalt  }
0x63: {  	_ =	shalt  }
0x64: {  	_ =	shalt  }
0x65: {  	_ =	shalt  }
0x66: {  	_ =	shalt  }
0x67: {  	_ =	shalt  }
0x68: {  	_ =	shalt  }
0x69: {  	_ =	shalt  }
0x6a: {  	_ =	shalt  }
0x6b: {  	_ =	shalt  }
0x6c: {  	_ =	shalt  }
0x6d: {  	_ =	shalt  }
0x6e: {  	_ =	shalt  }
0x6f: {  	_ =	shalt  }
0x70: {  	_ =	shalt  }
0x71: {  	_ =	shalt  }
0x72: {  	_ =	shalt  }
0x73: {  	_ =	shalt  }
0x74: {  	_ =	shalt  }
0x75: {  	_ =	shalt  }
0x76: {  	_ =	shalt  }
0x77: {  	_ =	shalt  }
0x78: {  	_ =	shalt  }
0x79: {  	_ =	shalt  }
0x7a: {  	_ =	shalt  }
0x7b: {  	_ =	shalt  }
0x7c: {  	_ =	shalt  }
0x7d: {  	_ =	shalt  }
0x7e: {  	_ =	shalt  }
0x7f: {  	_ =	shalt  }
0x80: {  	_ =	shalt  }
0x81: {  	_ =	shalt  }
0x82: {  	_ =	shalt  }
0x83: {  	_ =	shalt  }
0x84: {  	_ =	shalt  }
0x85: {  	_ =	shalt  }
0x86: {  	_ =	shalt  }
0x87: {  	_ =	shalt  }
.Lfunc_end0:
.L_simem_size_0:
called_computation.1_lowered:
.L_overlay_start_0:
0x88: {  	s2 =	sld [smem:$0x3FD9]  }
0x89: {  	s3 =	sld [smem:$0x3FFE];
	_ =	sdelay $0x1  }
0x8a: {  	s1 =	srdreg.scid  }
0x8b: {  	s0 =	sand.u32 $0x1, s1  }
0x8c: {  	s17 =	sshll.u32 s0, $0xA;
	s2 =	sadd.s32 s3, s2  }
0x8d: {  	s2 =	sadd.s32 s2, s17  }
0x8e: {  	[smem:$0x3FC1] =	sst s2  }
0x8f: {  	_ = 	snop  }
0x90: {  	s2 =	sld [smem:$0x3FD0];
	(tm) =	ssettm $0x1  }
0x91: {  	s18 =	sld [smem:$0x3FFB];
	_ =	sdelay $0x3  }
0x92: {  	_ =	strace s18  }
0x93: {  	s3 =	sld [smem:$0x3FFC];
	_ =	sdelay $0x3  }
0x94: {  	_ =	strace s3  }
0x95: {  	s3 =	sld [smem:$0x3FFD];
	_ =	sdelay $0x3  }
0x96: {  	_ =	strace s3  }
0x97: {  	_ =	strace $0x8FFFFFFF  }
0x98: {  	s19 =	sld [smem:$0x3FDB];
	_ =	sdelay $0x1  }
0x99: {  	s4 =	simm.s32 $_scs_section_size  }
0x9a: {  	s5 =	simm.s32 $_size__tile_overlayer_lowered;
	s6 =	simm.s32 $_tile_overlayer_lowered  }
0x9b: {  	s22 =	simm.s32 $0x1BFF;
	s21 =	sshll.u32 s6, $0x1;
	s3 =	sadd.s32 s4, s19  }
0x9c: {  	s7 =	simm.s32 $0x0;
	s20 =	sshll.u32 s5, $0x1;
	s5 =	sadd.s32 s21, s3  }
0x9d: {  	[timem:s7], [sflag:s22] =	dma.local [hbm:s5], s20  }
0x9e: {  	_ =	swait.ge [sflag:s22], s20  }
0x9f: {  	s4 =	ssub.s32 $0x0, s20;
	[sflag:s22] =	ssyncset.done $0x0  }
0xa0: {  	[sflag:s22] =	ssyncadd.s32 s4;
	_ =	sdelay $0x1  }
0xa1: {  	s23 =	simm.s32 $0x1B8B  }
0xa2: {  	_ =	swait.ge [sflag:s23], $0x1  }
0xa3: {  	[sflag:s23] =	ssyncset.done $0x0  }
0xa4: {  	s25 =	simm.s32 $0x1B8E;
	s24 =	sld [smem:$0x3FFE];
	[sflag:s23] =	ssyncadd.s32 $0xFFFFFFFF  }
0xa5: {  	s26 =	simm.s32 $execute0_lowered;
	[smem:$0x3FD2] =	sst s25  }
0xa6: {  	s5 =	sshll.u32 s26, $0x1;
	_ =	strace $0x80000049;
	[dreg:$0x1] =	wrdreg $0xFFFFFFFF  }
0xa7: {  	s28 =	simm.s32 $_size_execute0_lowered;
	s3 =	sadd.s32 s3, s5;
	[dreg:$0x0] =	wrdreg $0x0  }
0xa8: {  	s5 =	sshll.u32 s28, $0x1;
	[dreg:$0x2] =	wrdreg s3  }
0xa9: {  	[dreg:$0x3] =	wrdreg s5  }
0xaa: {  	[dreg:$0x4] =	wrdreg $0xC0  }
0xab: {  	_ =	task [dreg:s7], $0x5FFFF  }
0xac: {  	[dreg:$0x1] =	wrdreg $0xFFFFFFFF  }
0xad: {  	[dreg:$0x0] =	wrdreg $0x60  }
0xae: {  	[dreg:$0x2] =	wrdreg s24  }
0xaf: {  	[dreg:$0x3] =	wrdreg s2  }
0xb0: {  	[dreg:$0x4] =	wrdreg $0xA8000  }
0xb1: {  	[dreg:$0x5] =	wrdreg $0xD0000  }
0xb2: {  	[dreg:$0x6] =	wrdreg $0x9  }
0xb3: {  	_ =	task.clear_ibuf [dreg:s7], $0x7FFFF;
	_ =	strace $0x90000049  }
0xb4: {  	s29 =	simm.s32 $0x9;
	_ =	strace $0x8000004B  }
0xb5: {  	_ =	swait.ge [sflag:s29], $0x1  }
0xb6: {  	[sflag:s29] =	ssyncadd.s32 $0xFFFFFFFF  }
0xb7: {  	_ =	strace $0x9000004B  }
0xb8: {  	_ =	sfence  }
0xb9: {  	s30 =	sld [smem:$0x0];
	_ =	sdelay $0x2  }
0xba: {  	s31 =	sshll.u32 s1, $0xD;
	s1 =	sshrl.u32 s1, $0x2  }
0xbb: {  	s3 =	sand.u32 $0x4000, s31;
	s1 =	sadd.s32 s1, s30  }
0xbc: {  	s0 =	sor.u32 s3, s0;
	s1 =	sshll.u32 s1, $0x11  }
0xbd: {  	s0 =	sor.u32 s1, s0  }
0xbe: {  	s0 =	sadd.s32 $0x8F2B, s0  }
0xbf: {  	[sflag:s0] =	ssyncadd.remote.s32 $0x1  }
0xc0: {  	_ =	sfence.sel $0xFFFF  }
0xc1: {  	[dreg:$0x0] =	wrdreg $0xFFFFFFFF;
	(pc) =	sbr.abs _section_cstart, $3  }
0xc2: {  	[dreg:$0x1] =	wrdreg $0xFFFFFFFF  }
0xc3: {  	_ =	task.clear_ibuf [dreg:s7], $0x2FFFF;
	_ =	strace $0x9FFFFFFF  }
0xc4: {  	(tm) =	ssettm $0x7FFFFFFF  }
0xc5: {  	_ =	shalt  }
tec
execute0_lowered:
.L_overlay_start_1:
0x0: {  	(tag) =	ssettag $0x1  }
0x1: {  	s0 =	rddreg [dreg:$0x0]  }
0x2: {  	s1 =	rddreg [dreg:$0x1]  }
0x3: {  	s2 =	rddreg [dreg:$0x2]  }
0x4: {  	s3 =	rddreg [dreg:$0x3]  }
0x5: {  	s6 =	stileid.u32;
	s5 =	srdreg.scid  }
0x6: {  	s4 =	simm.s32 $0x0;
	s15 =	simm.s32 $0x8000;
	s16 =	simm.s32 $0xD  }
0x7: {  	s17 =	simm.s32 $0x80;
	s21 =	simm.s32 $0x6000;
	s22 =	simm.s32 $0x7  }
0x8: {  	s23 =	simm.s32 $0x8;
	s24 =	simm.s32 $0x9;
	s25 =	simm.s32 $0xA  }
0x9: {  	s26 =	simm.s32 $0xB;
	s28 =	simm.s32 $0xC;
	s29 =	simm.s32 $0x0  }
0xa: {  	s12 =	smul.u32 $0x2800, s6;
	s5 =	sand.u32 $0x1, s5;
	[smem:$0x7FF] =	sst s4  }
0xb: {  	s6 =	sshll.u32 s6, $0x1;
	s7 =	smul.u32 $0x28000, s5;
	_ =	strace $0x8000004A  }
0xc: {  	s6 =	sor.u32 s5, s6;
	s5 =	ssub.s32 $0x2, s5;
	s8 =	sshrl.u32 s12, $0x3  }
0xd: {  	s9 =	smul.u32 $0x500, s6;
	s31 =	sshrl.u32 s5, $0x1;
	p0 =	seq.s32 s6, $0x1F  }
0xe: {  	s11 =	sadd.s32 s12, s2;
	s7 =	sadd.s32 s12, s7;
	s10 =	sadd.s32 s8, s0  }
.Ltmp0:
0xf: {  	s14 =	ssub.s32 s5, s31;
	s5 =	simm.s32 $0x14;
	(pc) =	sbr.rel .LBB2_1-.Ltmp0, $4  }
0x10: {  	s8 =	sadd.s32 $0xD100, s0;
	s12 =	sadd.s32 s12, s3;
	s7 =	sshrl.u32 s7, $0x3  }
0x11: {  	s30 =	sadd.s32 s9, s0;
	s5 =	simm.s32 @!p0 $0x50;
	s10 =	sadd.s32 $0xD600, s10  }
0x12: {  	s14 =	smax.u32 s14, $0x1;
	s13 =	sadd.s32 s7, s0;
	s6 =	sadd.s32 $0x3600, s30  }
0x13: {  	v0 =	vimm.f32 $0.0e+00;
	s7 =	sadd.s32 s1, s9;
	s9 =	sadd.s32 $0x9B00, s1;
	s13 =	sadd.s32 $0x12600, s13  }
.LBB2_8:
0x14: {  	_ =	swait.ge [sflag:s22], $0x800  }
0x15: {  	[sflag:s22] =	ssyncset.done $0x0  }
0x16: {  	[sflag:s22] =	ssyncadd.s32 $0xFFFFF800  }
0x17: {  	_ =	swait.ge [sflag:s23], $0x800  }
0x18: {  	[sflag:s23] =	ssyncset.done $0x0  }
0x19: {  	[sflag:s23] =	ssyncadd.s32 $0xFFFFF800  }
0x1a: {  	_ =	swait.ge [sflag:s24], $0x800  }
0x1b: {  	[sflag:s24] =	ssyncset.done $0x0  }
0x1c: {  	[sflag:s24] =	ssyncadd.s32 $0xFFFFF800  }
0x1d: {  	_ =	swait.ge [sflag:s25], $0x800  }
0x1e: {  	[sflag:s25] =	ssyncset.done $0x0  }
0x1f: {  	[sflag:s25] =	ssyncadd.s32 $0xFFFFF800  }
0x20: {  	_ =	swait.ge [sflag:s26], $0x800  }
0x21: {  	[sflag:s26] =	ssyncset.done $0x0  }
0x22: {  	[sflag:s26] =	ssyncadd.s32 $0xFFFFF800  }
0x23: {  	_ =	swait.ge [sflag:s28], $0x800  }
0x24: {  	[sflag:s28] =	ssyncset.done $0x0  }
0x25: {  	[sflag:s28] =	ssyncadd.s32 $0xFFFFF800  }
0x26: {  	[bflag:$0x0] =	sbarrier.arrive $0xFFFF  }
0x27: {  	[tilespmem:s15], [sflag:$0xD] =	stream.linear.gather [spmem:s12], $0x2800, $0x38;
	[tilespmem:$0xF800] =	vst v63  }
0x28: {  	s29 =	sadd.s32 $0x1, s29;
	_ =	swait.ge [sflag:s16], $0x2800  }
0x29: {  	p1 =	sne.s32 s29, s14;
	[sflag:s16] =	ssyncset.done $0x0  }
.Ltmp1:
0x2a: {  	[sflag:s16] =	ssyncadd.s32 $0xFFFFD800;
	(pc) =	sbr.rel @!p1 .LBB2_9-.Ltmp1, $4  }
0x2b: {  	[hbm4b:s13+s4] =	stream.linear.scatter [tilespmem:s15], [sflag:$0xD], $0x2800, $0x38;
	[tilespmem:$0xF800] =	vst v63  }
0x2c: {  	_ =	swait.ge [sflag:s16], $0x2800  }
0x2d: {  	[sflag:s16] =	ssyncset.done $0x0  }
0x2e: {  	[sflag:s16] =	ssyncadd.s32 $0xFFFFD800  }
.LBB2_1:
0x2f: {  	s0 =	simm.s32 @p0 $0x0;
	s1 =	simm.s32 @p0 $0xD  }
0x30: {  	[tilespmem:s0], [sflag:$0xD] =	stream.linear.gather @p0 [hbm4b:s8+s0], $0xA00, $0x38;
	[tilespmem:$0xF800] =	vst v63  }
0x31: {  	_ =	swait.ge @p0 [sflag:s1], $0xA00  }
0x32: {  	[sflag:s1] =	ssyncset.done @p0 $0x0  }
0x33: {  	s18 =	simm.s32 @p0 $0x2800;
	[sflag:s1] =	ssyncadd.s32 @p0 $0xFFFFF600  }
0x34: {  	[tilespmem:s18], [sflag:$0xD] =	stream.linear.gather @p0 [hbm4b:s9+s0], $0xA00, $0x38;
	[tilespmem:$0xF800] =	vst v63  }
0x35: {  	_ =	swait.ge @p0 [sflag:s1], $0xA00  }
0x36: {  	[sflag:s1] =	ssyncset.done @p0 $0x0  }
0x37: {  	s0 =	simm.s32 @!p0 $0x0;
	[sflag:s1] =	ssyncadd.s32 @p0 $0xFFFFF600;
	s1 =	simm.s32 @!p0 $0xD  }
0x38: {  	[tilespmem:s0], [sflag:$0xD] =	stream.linear.gather @!p0 [hbm4b:s6+s0], $0x2800, $0x38;
	[tilespmem:$0xF800] =	vst v63  }
0x39: {  	_ =	swait.ge @!p0 [sflag:s1], $0x2800  }
0x3a: {  	[sflag:s1] =	ssyncset.done @!p0 $0x0  }
0x3b: {  	s18 =	simm.s32 @!p0 $0x2800;
	[sflag:s1] =	ssyncadd.s32 @!p0 $0xFFFFD800  }
0x3c: {  	[tilespmem:s18], [sflag:$0xD] =	stream.linear.gather @!p0 [hbm4b:s7+s0], $0x2800, $0x38;
	[tilespmem:$0xF800] =	vst v63  }
0x3d: {  	_ =	swait.ge @!p0 [sflag:s1], $0x2800  }
0x3e: {  	[sflag:s1] =	ssyncset.done @!p0 $0x0  }
0x3f: {  	[sflag:s1] =	ssyncadd.s32 @!p0 $0xFFFFD800  }
0x40: {  	[tilespmem:s15], [sflag:$0xD] =	stream.linear.gather [hbm4b:s10+s4], $0x2800, $0x38;
	[tilespmem:$0xF800] =	vst v63  }
0x41: {  	_ =	swait.ge [sflag:s16], $0x2800  }
0x42: {  	[sflag:s16] =	ssyncset.done $0x0  }
0x43: {  	[sflag:s16] =	ssyncadd.s32 $0xFFFFD800  }
0x44: {  	[spmem:s11] =	stream.linear.scatter [tilespmem:s15], [sflag:$0xD], $0x2800, $0x38;
	[tilespmem:$0xF800] =	vst v63  }
0x45: {  	_ =	swait.ge [sflag:s16], $0x2800  }
0x46: {  	[sflag:s16] =	ssyncset.done $0x0  }
0x47: {  	s0 =	simm.s32 $0x40;
	s1 =	simm.s32 $0x0;
	[sflag:s16] =	ssyncadd.s32 $0xFFFFD800  }
.LBB2_2:
0x48: {  	p1 =	sne.s32 s0, $0x9FC0;
	[tilespmem:s1+$0x8000] =	vst v0;
	s1 =	smov.u32 s0;
	s0 =	sadd.s32 $0x40, s0  }
.Ltmp2:
0x49: {  	(pc) =	sbr.rel @p1 .LBB2_2-.Ltmp2, $2  }
0x4a: {  	_ =	sdelay $0x2  }
0x4b: {  	s1 =	sshra.s32 s1, $0x2  }
0x4c: {  	[tilespmem:s1+$0x8000] =	vst v0  }
0x4d: {  	[spmem:s12] =	stream.linear.scatter [tilespmem:s15], [sflag:$0xD], $0x2800, $0x38;
	[tilespmem:$0xF800] =	vst v63  }
0x4e: {  	_ =	swait.ge [sflag:s16], $0x2800  }
0x4f: {  	[sflag:s16] =	ssyncset.done $0x0  }
0x50: {  	[sflag:s16] =	ssyncadd.s32 $0xFFFFD800  }
0x51: {  	s30 =	simm.s32 $0x0;
	s0 =	simm.s32 $0x5000;
	[bflag:$0x0] =	sbarrier.arrive $0xFFFF  }
0x52: {  	[tilespmem:s0], [sflag:$0x1] =	stream.indirect.gather [spmem:s2], $0x10, s30, s17, $0xb8;
	[tilespmem:$0xF800] =	vst v63  }
.Ltmp3:
0x53: {  	_ = 	snop;
	(pc) =	sbr.rel .LBB2_4-.Ltmp3, $4  }
0x54: {  	s19 =	simm.s32 $0x5800  }
0x55: {  	[tilespmem:s19], [sflag:$0x2] =	stream.indirect.gather [spmem:s2], $0x10, s17, s17, $0xb8;
	[tilespmem:$0xF800] =	vst v63  }
0x56: {  	s20 =	simm.s32 $0x100;
	s31 =	simm.s32 $0x2800;
	s0 =	simm.s32 $0x180  }
0x57: {  	[tilespmem:s21], [sflag:$0x3] =	stream.indirect.gather [spmem:s2], $0x10, s20, s17, $0xb8;
	[tilespmem:$0xF800] =	vst v63  }
.LBB2_6:
0x58: {  	p1 =	seq.s32 s18, $0x3  }
0x59: {  	p2 =	sge.u32 @p1 s1, s5  }
0x5a: {  	p2 =	por p2, !p1  }
0x5b: {  	s19 =	simm.s32 @!p2 $0x7  }
0x5c: {  	_ =	swait.ge @!p2 [sflag:s19], $0x800  }
0x5d: {  	[sflag:s19] =	ssyncset.done @!p2 $0x0  }
0x5e: {  	s20 =	simm.s32 @!p2 $0x5000;
	[sflag:s19] =	ssyncadd.s32 @!p2 $0xFFFFF800;
	s19 =	simm.s32 @!p2 $0x80  }
0x5f: {  	[tilespmem:s20], [sflag:$0x1] =	stream.indirect.gather @!p2 [spmem:s2], $0x10, s0, s19, $0xb8;
	[tilespmem:$0xF800] =	vst v63  }
0x60: {  	s19 =	simm.s32 @p1 $0x4;
	p2 =	seq.s32 @!p1 s18, $0x4  }
0x61: {  	_ =	swait.ge @p1 [sflag:s19], $0x800;
	p3 =	por !p2, p1  }
0x62: {  	s20 =	simm.s32 @p1 $0x6800;
	[sflag:s19] =	ssyncset.done @p1 $0x0;
	p4 =	sge.u32 @!p3 s1, s5  }
0x63: {  	[sflag:s19] =	ssyncadd.s32 @p1 $0xFFFFF800;
	s19 =	simm.s32 @p1 $0x80;
	p4 =	por @!p1 p4, !p2  }
0x64: {  	[spmem:s3] =	stream.indirect.scatter.add.f32 @p1 [tilespmem:s20], [sflag:$0xA], $0x10, s31, s19, $0xb8;
	[tilespmem:$0xF800] =	vst v63  }
0x65: {  	p4 =	por p4, p1  }
0x66: {  	s18 =	simm.s32 @!p4 $0x8  }
0x67: {  	_ =	swait.ge @!p4 [sflag:s18], $0x800  }
0x68: {  	[sflag:s18] =	ssyncset.done @!p4 $0x0  }
0x69: {  	s19 =	simm.s32 @!p4 $0x5800;
	[sflag:s18] =	ssyncadd.s32 @!p4 $0xFFFFF800;
	s18 =	simm.s32 @!p4 $0x80  }
0x6a: {  	[tilespmem:s19], [sflag:$0x2] =	stream.indirect.gather @!p4 [spmem:s2], $0x10, s0, s18, $0xb8;
	[tilespmem:$0xF800] =	vst v63  }
0x6b: {  	s18 =	simm.s32 @!p3 $0x5  }
0x6c: {  	_ =	swait.ge @!p3 [sflag:s18], $0x800  }
0x6d: {  	[sflag:s18] =	ssyncset.done @!p3 $0x0  }
0x6e: {  	s19 =	simm.s32 @!p3 $0x7000;
	[sflag:s18] =	ssyncadd.s32 @!p3 $0xFFFFF800;
	s18 =	simm.s32 @!p3 $0x80  }
0x6f: {  	[spmem:s3] =	stream.indirect.scatter.add.f32 @!p3 [tilespmem:s19], [sflag:$0xB], $0x10, s31, s18, $0xb8;
	[tilespmem:$0xF800] =	vst v63  }
0x70: {  	p3 =	por p2, p1  }
0x71: {  	p4 =	sge.u32 @!p3 s1, s5  }
0x72: {  	p2 =	por @!p1 p4, p2  }
0x73: {  	p1 =	por p2, p1  }
0x74: {  	s1 =	simm.s32 @!p1 $0x9  }
0x75: {  	_ =	swait.ge @!p1 [sflag:s1], $0x800  }
0x76: {  	[sflag:s1] =	ssyncset.done @!p1 $0x0  }
0x77: {  	s18 =	simm.s32 @!p1 $0x6000;
	[sflag:s1] =	ssyncadd.s32 @!p1 $0xFFFFF800;
	s1 =	simm.s32 @!p1 $0x80  }
0x78: {  	[tilespmem:s18], [sflag:$0x3] =	stream.indirect.gather @!p1 [spmem:s2], $0x10, s0, s1, $0xb8;
	[tilespmem:$0xF800] =	vst v63  }
0x79: {  	s1 =	simm.s32 @!p3 $0x6  }
0x7a: {  	_ =	swait.ge @!p3 [sflag:s1], $0x800  }
0x7b: {  	[sflag:s1] =	ssyncset.done @!p3 $0x0  }
0x7c: {  	s18 =	simm.s32 @!p3 $0x7800;
	[sflag:s1] =	ssyncadd.s32 @!p3 $0xFFFFF800;
	s1 =	simm.s32 @!p3 $0x80  }
0x7d: {  	[spmem:s3] =	stream.indirect.scatter.add.f32 @!p3 [tilespmem:s18], [sflag:$0xC], $0x10, s31, s1, $0xb8;
	[tilespmem:$0xF800] =	vst v63  }
.LBB2_7:
0x7e: {  	s30 =	sadd.s32 $0x1, s30  }
0x7f: {  	p1 =	sne.s32 s5, s30  }
.Ltmp4:
0x80: {  	_ = 	snop;
	(pc) =	sbr.rel @!p1 .LBB2_8-.Ltmp4, $2  }
0x81: {  	_ =	sdelay $0x2  }
0x82: {  	s31 =	sadd.s32 $0x80, s31;
	s0 =	sadd.s32 $0x80, s0  }
.LBB2_4:
0x83: {  	s1 =	smulhi.u32 $0xAAAAAAAB, s30;
	_ =	sdelay $0x1  }
0x84: {  	s1 =	sshrl.u32 s1, $0x2  }
0x85: {  	s1 =	smul.u32 $0xFFFFFFFA, s1;
	_ =	sdelay $0x1  }
0x86: {  	s18 =	sadd.s32 s1, s30  }
0x87: {  	p1 =	sgt.s32 s18, $0x2  }
.Ltmp5:
0x88: {  	_ = 	snop;
	(pc) =	sbr.rel @p1 .LBB2_6-.Ltmp5, $2  }
0x89: {  	_ =	sdelay $0x2  }
0x8a: {  	s1 =	sadd.s32 $0x3, s30  }
0x8b: {  	p1 =	seq.s32 s18, $0x0  }
0x8c: {  	p2 =	sge.u32 @p1 s1, s5  }
0x8d: {  	p3 =	por p2, !p1  }
0x8e: {  	p4 =	slt.u32 @!p3 s30, $0x3  }
0x8f: {  	p2 =	por @p1 p4, p2  }
0x90: {  	p2 =	por p2, !p1  }
0x91: {  	s19 =	simm.s32 @!p2 $0xA  }
0x92: {  	_ =	swait.ge @!p2 [sflag:s19], $0x800  }
0x93: {  	s20 =	simm.s32 @!p3 $0x6800;
	[sflag:s19] =	ssyncset.done @!p2 $0x0  }
0x94: {  	[sflag:s19] =	ssyncadd.s32 @!p2 $0xFFFFF800;
	s19 =	simm.s32 @!p3 $0x80;
	p2 =	seq.s32 @!p1 s18, $0x1  }
0x95: {  	[tilespmem:s20], [sflag:$0x4] =	stream.indirect.gather @!p3 [spmem:s2], $0x10, s0, s19, $0xb8;
	[tilespmem:$0xF800] =	vst v63  }
0x96: {  	s19 =	simm.s32 @p1 $0x1;
	p3 =	por !p2, p1  }
0x97: {  	_ =	swait.ge @p1 [sflag:s19], $0x800;
	p4 =	sge.u32 @!p3 s1, s5  }
0x98: {  	s20 =	simm.s32 @p1 $0x5000;
	[sflag:s19] =	ssyncset.done @p1 $0x0;
	p5 =	por @!p1 p4, !p2  }
0x99: {  	[sflag:s19] =	ssyncadd.s32 @p1 $0xFFFFF800;
	s19 =	simm.s32 @p1 $0x80;
	p5 =	por p5, p1  }
0x9a: {  	[spmem:s3] =	stream.indirect.scatter.add.f32 @p1 [tilespmem:s20], [sflag:$0x7], $0x10, s31, s19, $0xb8;
	[tilespmem:$0xF800] =	vst v63  }
0x9b: {  	p6 =	slt.u32 @!p5 s30, $0x3  }
0x9c: {  	p4 =	por @!p3 p6, p4  }
0x9d: {  	p4 =	por @!p1 p4, !p2  }
0x9e: {  	p4 =	por p4, p1  }
0x9f: {  	s18 =	simm.s32 @!p4 $0xB  }
0xa0: {  	_ =	swait.ge @!p4 [sflag:s18], $0x800  }
0xa1: {  	[sflag:s18] =	ssyncset.done @!p4 $0x0  }
0xa2: {  	s19 =	simm.s32 @!p5 $0x7000;
	[sflag:s18] =	ssyncadd.s32 @!p4 $0xFFFFF800;
	s18 =	simm.s32 @!p5 $0x80  }
0xa3: {  	[tilespmem:s19], [sflag:$0x5] =	stream.indirect.gather @!p5 [spmem:s2], $0x10, s0, s18, $0xb8;
	[tilespmem:$0xF800] =	vst v63  }
0xa4: {  	s18 =	simm.s32 @!p3 $0x2  }
0xa5: {  	_ =	swait.ge @!p3 [sflag:s18], $0x800  }
0xa6: {  	[sflag:s18] =	ssyncset.done @!p3 $0x0  }
0xa7: {  	s19 =	simm.s32 @!p3 $0x5800;
	[sflag:s18] =	ssyncadd.s32 @!p3 $0xFFFFF800;
	s18 =	simm.s32 @!p3 $0x80  }
0xa8: {  	[spmem:s3] =	stream.indirect.scatter.add.f32 @!p3 [tilespmem:s19], [sflag:$0x8], $0x10, s31, s18, $0xb8;
	[tilespmem:$0xF800] =	vst v63  }
0xa9: {  	p3 =	por p2, p1  }
0xaa: {  	p4 =	sge.u32 @!p3 s1, s5  }
0xab: {  	p5 =	por @!p1 p4, p2  }
0xac: {  	p5 =	por p5, p1  }
0xad: {  	p6 =	slt.u32 @!p5 s30, $0x3  }
0xae: {  	p4 =	por @!p3 p6, p4  }
0xaf: {  	p2 =	por @!p1 p4, p2  }
0xb0: {  	p1 =	por p2, p1  }
0xb1: {  	s1 =	simm.s32 @!p1 $0xC  }
0xb2: {  	_ =	swait.ge @!p1 [sflag:s1], $0x800  }
0xb3: {  	[sflag:s1] =	ssyncset.done @!p1 $0x0  }
0xb4: {  	s18 =	simm.s32 @!p5 $0x7800;
	[sflag:s1] =	ssyncadd.s32 @!p1 $0xFFFFF800;
	s1 =	simm.s32 @!p5 $0x80  }
0xb5: {  	[tilespmem:s18], [sflag:$0x6] =	stream.indirect.gather @!p5 [spmem:s2], $0x10, s0, s1, $0xb8;
	[tilespmem:$0xF800] =	vst v63  }
.Ltmp6:
0xb6: {  	s1 =	simm.s32 @!p3 $0x3;
	(pc) =	sbr.rel .LBB2_7-.Ltmp6, $4  }
0xb7: {  	_ =	swait.ge @!p3 [sflag:s1], $0x800  }
0xb8: {  	[sflag:s1] =	ssyncset.done @!p3 $0x0  }
0xb9: {  	s18 =	simm.s32 @!p3 $0x6000;
	[sflag:s1] =	ssyncadd.s32 @!p3 $0xFFFFF800;
	s1 =	simm.s32 @!p3 $0x80  }
0xba: {  	[spmem:s3] =	stream.indirect.scatter.add.f32 @!p3 [tilespmem:s18], [sflag:$0x9], $0x10, s31, s1, $0xb8;
	[tilespmem:$0xF800] =	vst v63  }
.LBB2_9:
0xbb: {  	_ =	sfence.sel $0x180000  }
0xbc: {  	[bflag:$0x0] =	sbarrier.arrive $0xFFFF  }
0xbd: {  	_ =	strace $0x9000004A  }
0xbe: {  	s0 =	stileid.u32;
	[bflag:$0x2] =	sbarrier.arrive $0xFFFF  }
0xbf: {  	p0 =	sne.s32 s0, $0x0;
	s0 =	rddreg [dreg:$0x4]  }
0xc0: {  	s0 =	sadd.s32 @!p0 $0x100000, s0  }
0xc1: {  	[sflag:s0] =	ssyncadd.tile.s32 @!p0 $0x1;
	_ =	shalt  }
.Lfunc_end2:
_tile_overlayer_lowered:
.L_overlay_start_2:
0xc2: {  	(tag) =	ssettag $0x2  }
0xc3: {  	s0 =	rddreg [dreg:$0x0];
	s2 =	stileid.u32  }
0xc4: {  	s1 =	rddreg [dreg:$0x1];
	p0 =	sne.s32 s2, $0x0  }
0xc5: {  	s3 =	rddreg [dreg:$0x2];
	[bflag:$0x3] =	sbarrier.arrive $0xFFFF;
	s2 =	simm.s32 @!p0 $0x1C0D  }
0xc6: {  	[timem:s3], [sflag:s2] =	dma.local @!p0 [hbm:s0], s1  }
0xc7: {  	s0 =	simm.s32 @!p0 $0xD  }
0xc8: {  	_ =	swait.ge @!p0 [sflag:s0], s1  }
0xc9: {  	s1 =	ssub.s32 @!p0 $0x0, s1;
	[sflag:s0] =	ssyncset.done @!p0 $0x0  }
0xca: {  	[sflag:s0] =	ssyncadd.s32 @!p0 s1  }
0xcb: {  	[bflag:$0x3] =	sbarrier.arrive $0xFFFF  }
0xcc: {  	_ =	shalt  }

// kernel: kernel.16.cloned.1.call-start
scs
__scs_entry_jumppad:
0x0: {  	(pc) =	sbr.rel $0x88, $3  }
0x1: {  	(tag) =	ssettag $0x0;
	lr =	simm.s32 $0x1  }
0x2: {  	[smem:$0x3F9A] =	sst lr;
	_ =	strace $0xD0000000  }
0x3: {  	_ = 	snop  }
0x4: {  	_ = 	snop  }
0x5: {  	_ = 	snop  }
0x6: {  	_ = 	snop  }
0x7: {  	_ = 	snop  }
__scs_overlays_trampoline_lowered:
0x8: {  	[smem:$0x3FA9] =	sst s0  }
0x9: {  	[smem:$0x3FAA] =	sst s1  }
0xa: {  	[smem:$0x3FAB] =	sst s2  }
0xb: {  	[smem:$0x3FAC] =	sst s3  }
0xc: {  	[smem:$0x3FAD] =	sst s4  }
0xd: {  	[smem:$0x3FAE] =	sst s5  }
0xe: {  	[smem:$0x3FAF] =	sst s6  }
0xf: {  	[smem:$0x3FB0] =	sst s7  }
0x10: {  	[smem:$0x3FB1] =	sst s8  }
0x11: {  	[smem:$0x3FB2] =	sst s9;
	s0 =	simm.s32 @!p0 $0x0  }
0x12: {  	s1 =	sld [smem:$0x3F98];
	s0 =	simm.s32 @p0 $0x1  }
0x13: {  	[smem:$0x3FB3] =	sst s0;
	s0 =	simm.s32 @!p1 $0x0  }
0x14: {  	s2 =	sld [smem:$0x3F97];
	s0 =	simm.s32 @p1 $0x1  }
0x15: {  	[smem:$0x3FB4] =	sst s0;
	s0 =	simm.s32 @!p2 $0x0  }
0x16: {  	s3 =	sld [smem:$0x3FDB];
	s0 =	simm.s32 @p2 $0x1  }
0x17: {  	s4 =	simm.s32 $0x1BF5;
	[smem:$0x3FB6] =	sst s0  }
0x18: {  	s0 =	sld [smem:$0x3F99];
	_ =	swait.ge [sflag:s4], $0x0  }
0x19: {  	s7 =	sld [smem:$0x3F9A]  }
0x1a: {  	s8 =	sadd.s32 $0xFFFFE003, lr  }
0x1b: {  	s9 =	sadd.s32 $0xFFFFFEF7, lr;
	s5 =	simm.s32 $0xFFFFFFFF;
	p2 =	slt.u32 s8, $0xFFFFF086  }
0x1c: {  	p1 =	slt.u32 s9, $0xF7A;
	s5 =	simm.s32 @!p2 $0x0  }
0x1d: {  	s5 =	simm.s32 @p1 $0x1;
	p0 =	seq.s32 s7, s2  }
0x1e: {  	s7 =	smul.u32 @!p0 $0xF7A, s2;
	p2 =	seq.s32 @!p0 s5, $0x0  }
0x1f: {  	s9 =	smul.u32 $0xF7A, s1;
	s8 =	simm.s32 @!p0 $0x1BF5;
	p2 =	por !p2, p0  }
0x20: {  	[sflag:s8] =	ssyncset.s32 @!p0 $0xFFFFF086;
	s6 =	sadd.s32 @!p0 s3, s7;
	s7 =	simm.s32 @!p0 $0x108  }
0x21: {  	s3 =	sadd.s32 s3, s9;
	s6 =	sadd.s32 @!p0 $0x88, s6;
	s7 =	simm.s32 @p2 $0x1082  }
0x22: {  	[simem:s7], [sflag:s8] =	dma.local @!p0 [hbm:s6], $0xF7A  }
0x23: {  	s9 =	sor.u32 $0xD0000000, s2;
	s6 =	simm.s32 $0x108;
	_ =	swait.ge @!p0 [sflag:s8], $0x0  }
0x24: {  	s3 =	sadd.s32 $0x88, s3;
	s6 =	simm.s32 @!p1 $0x1082;
	[sflag:s4] =	ssyncset.s32 $0xFFFFF086  }
0x25: {  	[simem:s6], [sflag:s4] =	dma.local [hbm:s3], $0xF7A  }
0x26: {  	[smem:$0x3F9A] =	sst s1;
	(tag) =	ssettag s2;
	_ =	strace s9  }
0x27: {  	s1 =	sld [smem:$0x3FAA]  }
0x28: {  	s2 =	sld [smem:$0x3FAB]  }
0x29: {  	s4 =	sld [smem:$0x3FAD]  }
0x2a: {  	p0 =	seq.s32 s5, $0x0;
	s5 =	sld [smem:$0x3FAE]  }
0x2b: {  	s6 =	sld [smem:$0x3FAF]  }
0x2c: {  	s7 =	sld [smem:$0x3FB0]  }
0x2d: {  	s3 =	simm.s32 $0x108;
	s8 =	sld [smem:$0x3FB1]  }
0x2e: {  	s3 =	simm.s32 @!p0 $0x1082;
	s9 =	sld [smem:$0x3FB2]  }
0x2f: {  	lr =	sadd.s32 s0, s3;
	s0 =	sld [smem:$0x3FA9]  }
0x30: {  	s3 =	sld [smem:$0x3FAC]  }
0x31: {  	[smem:$0x3FB5] =	sst s10  }
0x32: {  	s10 =	sld [smem:$0x3FB3];
	_ =	sdelay $0x3  }
0x33: {  	p0 =	seq.s32 s10, $0x1;
	s10 =	sld [smem:$0x3FB5];
	_ =	sdelay $0x3  }
0x34: {  	[smem:$0x3FB5] =	sst s10  }
0x35: {  	s10 =	sld [smem:$0x3FB4];
	_ =	sdelay $0x3  }
0x36: {  	p1 =	seq.s32 s10, $0x1;
	s10 =	sld [smem:$0x3FB5];
	_ =	sdelay $0x3  }
0x37: {  	[smem:$0x3FB5] =	sst s10  }
0x38: {  	s10 =	sld [smem:$0x3FB6]  }
0x39: {  	_ = 	snop;
	(pc) =	sbr.ind lr, $3  }
0x3a: {  	_ = 	snop  }
0x3b: {  	_ = 	snop  }
0x3c: {  	p2 =	seq.s32 s10, $0x1;
	s10 =	sld [smem:$0x3FB5]  }
0x3d: {  	_ =	shalt  }
0x3e: {  	_ =	shalt  }
0x3f: {  	_ =	shalt  }
0x40: {  	_ =	shalt  }
0x41: {  	_ =	shalt  }
0x42: {  	_ =	shalt  }
0x43: {  	_ =	shalt  }
0x44: {  	_ =	shalt  }
0x45: {  	_ =	shalt  }
0x46: {  	_ =	shalt  }
0x47: {  	_ =	shalt  }
0x48: {  	_ =	shalt  }
0x49: {  	_ =	shalt  }
0x4a: {  	_ =	shalt  }
0x4b: {  	_ =	shalt  }
0x4c: {  	_ =	shalt  }
0x4d: {  	_ =	shalt  }
0x4e: {  	_ =	shalt  }
0x4f: {  	_ =	shalt  }
0x50: {  	_ =	shalt  }
0x51: {  	_ =	shalt  }
0x52: {  	_ =	shalt  }
0x53: {  	_ =	shalt  }
0x54: {  	_ =	shalt  }
0x55: {  	_ =	shalt  }
0x56: {  	_ =	shalt  }
0x57: {  	_ =	shalt  }
0x58: {  	_ =	shalt  }
0x59: {  	_ =	shalt  }
0x5a: {  	_ =	shalt  }
0x5b: {  	_ =	shalt  }
0x5c: {  	_ =	shalt  }
0x5d: {  	_ =	shalt  }
0x5e: {  	_ =	shalt  }
0x5f: {  	_ =	shalt  }
0x60: {  	_ =	shalt  }
0x61: {  	_ =	shalt  }
0x62: {  	_ =	shalt  }
0x63: {  	_ =	shalt  }
0x64: {  	_ =	shalt  }
0x65: {  	_ =	shalt  }
0x66: {  	_ =	shalt  }
0x67: {  	_ =	shalt  }
0x68: {  	_ =	shalt  }
0x69: {  	_ =	shalt  }
0x6a: {  	_ =	shalt  }
0x6b: {  	_ =	shalt  }
0x6c: {  	_ =	shalt  }
0x6d: {  	_ =	shalt  }
0x6e: {  	_ =	shalt  }
0x6f: {  	_ =	shalt  }
0x70: {  	_ =	shalt  }
0x71: {  	_ =	shalt  }
0x72: {  	_ =	shalt  }
0x73: {  	_ =	shalt  }
0x74: {  	_ =	shalt  }
0x75: {  	_ =	shalt  }
0x76: {  	_ =	shalt  }
0x77: {  	_ =	shalt  }
0x78: {  	_ =	shalt  }
0x79: {  	_ =	shalt  }
0x7a: {  	_ =	shalt  }
0x7b: {  	_ =	shalt  }
0x7c: {  	_ =	shalt  }
0x7d: {  	_ =	shalt  }
0x7e: {  	_ =	shalt  }
0x7f: {  	_ =	shalt  }
0x80: {  	_ =	shalt  }
0x81: {  	_ =	shalt  }
0x82: {  	_ =	shalt  }
0x83: {  	_ =	shalt  }
0x84: {  	_ =	shalt  }
0x85: {  	_ =	shalt  }
0x86: {  	_ =	shalt  }
0x87: {  	_ =	shalt  }
.Lfunc_end0:
.L_simem_size_0:
called_computation.2_lowered:
.L_overlay_start_0:
0x88: {  	s2 =	sld [smem:$0x3FD9]  }
0x89: {  	s3 =	sld [smem:$0x3FFE];
	_ =	sdelay $0x1  }
0x8a: {  	s1 =	srdreg.scid  }
0x8b: {  	s0 =	sand.u32 $0x1, s1  }
0x8c: {  	s17 =	sshll.u32 s0, $0xA;
	s2 =	sadd.s32 s3, s2  }
0x8d: {  	s2 =	sadd.s32 s2, s17  }
0x8e: {  	[smem:$0x3FC1] =	sst s2  }
0x8f: {  	_ = 	snop  }
0x90: {  	s2 =	sld [smem:$0x3FD0];
	(tm) =	ssettm $0x1  }
0x91: {  	s18 =	sld [smem:$0x3FFB];
	_ =	sdelay $0x3  }
0x92: {  	_ =	strace s18  }
0x93: {  	s3 =	sld [smem:$0x3FFC];
	_ =	sdelay $0x3  }
0x94: {  	_ =	strace s3  }
0x95: {  	s3 =	sld [smem:$0x3FFD];
	_ =	sdelay $0x3  }
0x96: {  	_ =	strace s3  }
0x97: {  	_ =	strace $0x8FFFFFFF  }
0x98: {  	s19 =	sld [smem:$0x3FDB];
	_ =	sdelay $0x1  }
0x99: {  	s4 =	simm.s32 $_scs_section_size  }
0x9a: {  	s5 =	simm.s32 $_size__tile_overlayer_lowered;
	s6 =	simm.s32 $_tile_overlayer_lowered  }
0x9b: {  	s22 =	simm.s32 $0x1BFF;
	s21 =	sshll.u32 s6, $0x1;
	s3 =	sadd.s32 s4, s19  }
0x9c: {  	s7 =	simm.s32 $0x0;
	s20 =	sshll.u32 s5, $0x1;
	s5 =	sadd.s32 s21, s3  }
0x9d: {  	[timem:s7], [sflag:s22] =	dma.local [hbm:s5], s20  }
0x9e: {  	_ =	swait.ge [sflag:s22], s20  }
0x9f: {  	s4 =	ssub.s32 $0x0, s20;
	[sflag:s22] =	ssyncset.done $0x0  }
0xa0: {  	[sflag:s22] =	ssyncadd.s32 s4;
	_ =	sdelay $0x1  }
0xa1: {  	s23 =	simm.s32 $0x1B8B  }
0xa2: {  	_ =	swait.ge [sflag:s23], $0x1  }
0xa3: {  	[sflag:s23] =	ssyncset.done $0x0  }
0xa4: {  	s25 =	simm.s32 $0x1B8E;
	s24 =	sld [smem:$0x3FFE];
	[sflag:s23] =	ssyncadd.s32 $0xFFFFFFFF  }
0xa5: {  	s26 =	simm.s32 $execute0_lowered;
	[smem:$0x3FD2] =	sst s25  }
0xa6: {  	s5 =	sshll.u32 s26, $0x1;
	_ =	strace $0x8000004C;
	[dreg:$0x1] =	wrdreg $0xFFFFFFFF  }
0xa7: {  	s28 =	simm.s32 $_size_execute0_lowered;
	s3 =	sadd.s32 s3, s5;
	[dreg:$0x0] =	wrdreg $0x0  }
0xa8: {  	s5 =	sshll.u32 s28, $0x1;
	[dreg:$0x2] =	wrdreg s3  }
0xa9: {  	[dreg:$0x3] =	wrdreg s5  }
0xaa: {  	[dreg:$0x4] =	wrdreg $0xC0  }
0xab: {  	_ =	task [dreg:s7], $0x5FFFF  }
0xac: {  	[dreg:$0x1] =	wrdreg $0xFFFFFFFF  }
0xad: {  	[dreg:$0x0] =	wrdreg $0x60  }
0xae: {  	[dreg:$0x2] =	wrdreg s24  }
0xaf: {  	[dreg:$0x3] =	wrdreg s2  }
0xb0: {  	[dreg:$0x4] =	wrdreg $0xA8000  }
0xb1: {  	[dreg:$0x5] =	wrdreg $0xD0000  }
0xb2: {  	[dreg:$0x6] =	wrdreg $0x9  }
0xb3: {  	_ =	task.clear_ibuf [dreg:s7], $0x7FFFF;
	_ =	strace $0x9000004C  }
0xb4: {  	s29 =	simm.s32 $0x9;
	_ =	strace $0x8000004E  }
0xb5: {  	_ =	swait.ge [sflag:s29], $0x1  }
0xb6: {  	[sflag:s29] =	ssyncadd.s32 $0xFFFFFFFF  }
0xb7: {  	_ =	strace $0x9000004E  }
0xb8: {  	_ =	sfence  }
0xb9: {  	s30 =	sld [smem:$0x0];
	_ =	sdelay $0x2  }
0xba: {  	s31 =	sshll.u32 s1, $0xD;
	s1 =	sshrl.u32 s1, $0x2  }
0xbb: {  	s3 =	sand.u32 $0x4000, s31;
	s1 =	sadd.s32 s1, s30  }
0xbc: {  	s0 =	sor.u32 s3, s0;
	s1 =	sshll.u32 s1, $0x11  }
0xbd: {  	s0 =	sor.u32 s1, s0  }
0xbe: {  	s0 =	sadd.s32 $0x8F2B, s0  }
0xbf: {  	[sflag:s0] =	ssyncadd.remote.s32 $0x1  }
0xc0: {  	_ =	sfence.sel $0xFFFF  }
0xc1: {  	[dreg:$0x0] =	wrdreg $0xFFFFFFFF;
	(pc) =	sbr.abs _section_cstart, $3  }
0xc2: {  	[dreg:$0x1] =	wrdreg $0xFFFFFFFF  }
0xc3: {  	_ =	task.clear_ibuf [dreg:s7], $0x2FFFF;
	_ =	strace $0x9FFFFFFF  }
0xc4: {  	(tm) =	ssettm $0x7FFFFFFF  }
0xc5: {  	_ =	shalt  }
tec
execute0_lowered:
.L_overlay_start_1:
0x0: {  	(tag) =	ssettag $0x1  }
0x1: {  	s0 =	rddreg [dreg:$0x0]  }
0x2: {  	s1 =	rddreg [dreg:$0x1]  }
0x3: {  	s2 =	rddreg [dreg:$0x2]  }
0x4: {  	s3 =	rddreg [dreg:$0x3]  }
0x5: {  	s6 =	stileid.u32;
	s5 =	srdreg.scid  }
0x6: {  	s4 =	simm.s32 $0x0;
	s15 =	simm.s32 $0x8000;
	s16 =	simm.s32 $0xD  }
0x7: {  	s17 =	simm.s32 $0x80;
	s21 =	simm.s32 $0x6000;
	s22 =	simm.s32 $0x7  }
0x8: {  	s23 =	simm.s32 $0x8;
	s24 =	simm.s32 $0x9;
	s25 =	simm.s32 $0xA  }
0x9: {  	s26 =	simm.s32 $0xB;
	s28 =	simm.s32 $0xC;
	s29 =	simm.s32 $0x0  }
0xa: {  	s12 =	smul.u32 $0x2800, s6;
	s5 =	sand.u32 $0x1, s5;
	[smem:$0x7FF] =	sst s4  }
0xb: {  	s6 =	sshll.u32 s6, $0x1;
	s7 =	smul.u32 $0x28000, s5;
	_ =	strace $0x8000004D  }
0xc: {  	s6 =	sor.u32 s5, s6;
	s5 =	ssub.s32 $0x2, s5;
	s8 =	sshrl.u32 s12, $0x3  }
0xd: {  	s9 =	smul.u32 $0x500, s6;
	s31 =	sshrl.u32 s5, $0x1;
	p0 =	seq.s32 s6, $0x1F  }
0xe: {  	s11 =	sadd.s32 s12, s2;
	s7 =	sadd.s32 s12, s7;
	s10 =	sadd.s32 s8, s0  }
.Ltmp0:
0xf: {  	s14 =	ssub.s32 s5, s31;
	s5 =	simm.s32 $0x14;
	(pc) =	sbr.rel .LBB2_1-.Ltmp0, $4  }
0x10: {  	s8 =	sadd.s32 $0xD100, s0;
	s12 =	sadd.s32 s12, s3;
	s7 =	sshrl.u32 s7, $0x3  }
0x11: {  	s30 =	sadd.s32 s9, s0;
	s5 =	simm.s32 @!p0 $0x50;
	s10 =	sadd.s32 $0xD600, s10  }
0x12: {  	s14 =	smax.u32 s14, $0x1;
	s13 =	sadd.s32 s7, s0;
	s6 =	sadd.s32 $0x3600, s30  }
0x13: {  	v0 =	vimm.f32 $0.0e+00;
	s7 =	sadd.s32 s1, s9;
	s9 =	sadd.s32 $0x9B00, s1;
	s13 =	sadd.s32 $0x12600, s13  }
.LBB2_8:
0x14: {  	_ =	swait.ge [sflag:s22], $0x800  }
0x15: {  	[sflag:s22] =	ssyncset.done $0x0  }
0x16: {  	[sflag:s22] =	ssyncadd.s32 $0xFFFFF800  }
0x17: {  	_ =	swait.ge [sflag:s23], $0x800  }
0x18: {  	[sflag:s23] =	ssyncset.done $0x0  }
0x19: {  	[sflag:s23] =	ssyncadd.s32 $0xFFFFF800  }
0x1a: {  	_ =	swait.ge [sflag:s24], $0x800  }
0x1b: {  	[sflag:s24] =	ssyncset.done $0x0  }
0x1c: {  	[sflag:s24] =	ssyncadd.s32 $0xFFFFF800  }
0x1d: {  	_ =	swait.ge [sflag:s25], $0x800  }
0x1e: {  	[sflag:s25] =	ssyncset.done $0x0  }
0x1f: {  	[sflag:s25] =	ssyncadd.s32 $0xFFFFF800  }
0x20: {  	_ =	swait.ge [sflag:s26], $0x800  }
0x21: {  	[sflag:s26] =	ssyncset.done $0x0  }
0x22: {  	[sflag:s26] =	ssyncadd.s32 $0xFFFFF800  }
0x23: {  	_ =	swait.ge [sflag:s28], $0x800  }
0x24: {  	[sflag:s28] =	ssyncset.done $0x0  }
0x25: {  	[sflag:s28] =	ssyncadd.s32 $0xFFFFF800  }
0x26: {  	[bflag:$0x0] =	sbarrier.arrive $0xFFFF  }
0x27: {  	[tilespmem:s15], [sflag:$0xD] =	stream.linear.gather [spmem:s12], $0x2800, $0x38;
	[tilespmem:$0xF800] =	vst v63  }
0x28: {  	s29 =	sadd.s32 $0x1, s29;
	_ =	swait.ge [sflag:s16], $0x2800  }
0x29: {  	p1 =	sne.s32 s29, s14;
	[sflag:s16] =	ssyncset.done $0x0  }
.Ltmp1:
0x2a: {  	[sflag:s16] =	ssyncadd.s32 $0xFFFFD800;
	(pc) =	sbr.rel @!p1 .LBB2_9-.Ltmp1, $4  }
0x2b: {  	[hbm4b:s13+s4] =	stream.linear.scatter [tilespmem:s15], [sflag:$0xD], $0x2800, $0x38;
	[tilespmem:$0xF800] =	vst v63  }
0x2c: {  	_ =	swait.ge [sflag:s16], $0x2800  }
0x2d: {  	[sflag:s16] =	ssyncset.done $0x0  }
0x2e: {  	[sflag:s16] =	ssyncadd.s32 $0xFFFFD800  }
.LBB2_1:
0x2f: {  	s0 =	simm.s32 @p0 $0x0;
	s1 =	simm.s32 @p0 $0xD  }
0x30: {  	[tilespmem:s0], [sflag:$0xD] =	stream.linear.gather @p0 [hbm4b:s8+s0], $0xA00, $0x38;
	[tilespmem:$0xF800] =	vst v63  }
0x31: {  	_ =	swait.ge @p0 [sflag:s1], $0xA00  }
0x32: {  	[sflag:s1] =	ssyncset.done @p0 $0x0  }
0x33: {  	s18 =	simm.s32 @p0 $0x2800;
	[sflag:s1] =	ssyncadd.s32 @p0 $0xFFFFF600  }
0x34: {  	[tilespmem:s18], [sflag:$0xD] =	stream.linear.gather @p0 [hbm4b:s9+s0], $0xA00, $0x38;
	[tilespmem:$0xF800] =	vst v63  }
0x35: {  	_ =	swait.ge @p0 [sflag:s1], $0xA00  }
0x36: {  	[sflag:s1] =	ssyncset.done @p0 $0x0  }
0x37: {  	s0 =	simm.s32 @!p0 $0x0;
	[sflag:s1] =	ssyncadd.s32 @p0 $0xFFFFF600;
	s1 =	simm.s32 @!p0 $0xD  }
0x38: {  	[tilespmem:s0], [sflag:$0xD] =	stream.linear.gather @!p0 [hbm4b:s6+s0], $0x2800, $0x38;
	[tilespmem:$0xF800] =	vst v63  }
0x39: {  	_ =	swait.ge @!p0 [sflag:s1], $0x2800  }
0x3a: {  	[sflag:s1] =	ssyncset.done @!p0 $0x0  }
0x3b: {  	s18 =	simm.s32 @!p0 $0x2800;
	[sflag:s1] =	ssyncadd.s32 @!p0 $0xFFFFD800  }
0x3c: {  	[tilespmem:s18], [sflag:$0xD] =	stream.linear.gather @!p0 [hbm4b:s7+s0], $0x2800, $0x38;
	[tilespmem:$0xF800] =	vst v63  }
0x3d: {  	_ =	swait.ge @!p0 [sflag:s1], $0x2800  }
0x3e: {  	[sflag:s1] =	ssyncset.done @!p0 $0x0  }
0x3f: {  	[sflag:s1] =	ssyncadd.s32 @!p0 $0xFFFFD800  }
0x40: {  	[tilespmem:s15], [sflag:$0xD] =	stream.linear.gather [hbm4b:s10+s4], $0x2800, $0x38;
	[tilespmem:$0xF800] =	vst v63  }
0x41: {  	_ =	swait.ge [sflag:s16], $0x2800  }
0x42: {  	[sflag:s16] =	ssyncset.done $0x0  }
0x43: {  	[sflag:s16] =	ssyncadd.s32 $0xFFFFD800  }
0x44: {  	[spmem:s11] =	stream.linear.scatter [tilespmem:s15], [sflag:$0xD], $0x2800, $0x38;
	[tilespmem:$0xF800] =	vst v63  }
0x45: {  	_ =	swait.ge [sflag:s16], $0x2800  }
0x46: {  	[sflag:s16] =	ssyncset.done $0x0  }
0x47: {  	s0 =	simm.s32 $0x40;
	s1 =	simm.s32 $0x0;
	[sflag:s16] =	ssyncadd.s32 $0xFFFFD800  }
.LBB2_2:
0x48: {  	p1 =	sne.s32 s0, $0x9FC0;
	[tilespmem:s1+$0x8000] =	vst v0;
	s1 =	smov.u32 s0;
	s0 =	sadd.s32 $0x40, s0  }
.Ltmp2:
0x49: {  	(pc) =	sbr.rel @p1 .LBB2_2-.Ltmp2, $2  }
0x4a: {  	_ =	sdelay $0x2  }
0x4b: {  	s1 =	sshra.s32 s1, $0x2  }
0x4c: {  	[tilespmem:s1+$0x8000] =	vst v0  }
0x4d: {  	[spmem:s12] =	stream.linear.scatter [tilespmem:s15], [sflag:$0xD], $0x2800, $0x38;
	[tilespmem:$0xF800] =	vst v63  }
0x4e: {  	_ =	swait.ge [sflag:s16], $0x2800  }
0x4f: {  	[sflag:s16] =	ssyncset.done $0x0  }
0x50: {  	[sflag:s16] =	ssyncadd.s32 $0xFFFFD800  }
0x51: {  	s30 =	simm.s32 $0x0;
	s0 =	simm.s32 $0x5000;
	[bflag:$0x0] =	sbarrier.arrive $0xFFFF  }
0x52: {  	[tilespmem:s0], [sflag:$0x1] =	stream.indirect.gather [spmem:s2], $0x10, s30, s17, $0xb8;
	[tilespmem:$0xF800] =	vst v63  }
.Ltmp3:
0x53: {  	_ = 	snop;
	(pc) =	sbr.rel .LBB2_4-.Ltmp3, $4  }
0x54: {  	s19 =	simm.s32 $0x5800  }
0x55: {  	[tilespmem:s19], [sflag:$0x2] =	stream.indirect.gather [spmem:s2], $0x10, s17, s17, $0xb8;
	[tilespmem:$0xF800] =	vst v63  }
0x56: {  	s20 =	simm.s32 $0x100;
	s31 =	simm.s32 $0x2800;
	s0 =	simm.s32 $0x180  }
0x57: {  	[tilespmem:s21], [sflag:$0x3] =	stream.indirect.gather [spmem:s2], $0x10, s20, s17, $0xb8;
	[tilespmem:$0xF800] =	vst v63  }
.LBB2_6:
0x58: {  	p1 =	seq.s32 s18, $0x3  }
0x59: {  	p2 =	sge.u32 @p1 s1, s5  }
0x5a: {  	p2 =	por p2, !p1  }
0x5b: {  	s19 =	simm.s32 @!p2 $0x7  }
0x5c: {  	_ =	swait.ge @!p2 [sflag:s19], $0x800  }
0x5d: {  	[sflag:s19] =	ssyncset.done @!p2 $0x0  }
0x5e: {  	s20 =	simm.s32 @!p2 $0x5000;
	[sflag:s19] =	ssyncadd.s32 @!p2 $0xFFFFF800;
	s19 =	simm.s32 @!p2 $0x80  }
0x5f: {  	[tilespmem:s20], [sflag:$0x1] =	stream.indirect.gather @!p2 [spmem:s2], $0x10, s0, s19, $0xb8;
	[tilespmem:$0xF800] =	vst v63  }
0x60: {  	s19 =	simm.s32 @p1 $0x4;
	p2 =	seq.s32 @!p1 s18, $0x4  }
0x61: {  	_ =	swait.ge @p1 [sflag:s19], $0x800;
	p3 =	por !p2, p1  }
0x62: {  	s20 =	simm.s32 @p1 $0x6800;
	[sflag:s19] =	ssyncset.done @p1 $0x0;
	p4 =	sge.u32 @!p3 s1, s5  }
0x63: {  	[sflag:s19] =	ssyncadd.s32 @p1 $0xFFFFF800;
	s19 =	simm.s32 @p1 $0x80;
	p4 =	por @!p1 p4, !p2  }
0x64: {  	[spmem:s3] =	stream.indirect.scatter.add.f32 @p1 [tilespmem:s20], [sflag:$0xA], $0x10, s31, s19, $0xb8;
	[tilespmem:$0xF800] =	vst v63  }
0x65: {  	p4 =	por p4, p1  }
0x66: {  	s18 =	simm.s32 @!p4 $0x8  }
0x67: {  	_ =	swait.ge @!p4 [sflag:s18], $0x800  }
0x68: {  	[sflag:s18] =	ssyncset.done @!p4 $0x0  }
0x69: {  	s19 =	simm.s32 @!p4 $0x5800;
	[sflag:s18] =	ssyncadd.s32 @!p4 $0xFFFFF800;
	s18 =	simm.s32 @!p4 $0x80  }
0x6a: {  	[tilespmem:s19], [sflag:$0x2] =	stream.indirect.gather @!p4 [spmem:s2], $0x10, s0, s18, $0xb8;
	[tilespmem:$0xF800] =	vst v63  }
0x6b: {  	s18 =	simm.s32 @!p3 $0x5  }
0x6c: {  	_ =	swait.ge @!p3 [sflag:s18], $0x800  }
0x6d: {  	[sflag:s18] =	ssyncset.done @!p3 $0x0  }
0x6e: {  	s19 =	simm.s32 @!p3 $0x7000;
	[sflag:s18] =	ssyncadd.s32 @!p3 $0xFFFFF800;
	s18 =	simm.s32 @!p3 $0x80  }
0x6f: {  	[spmem:s3] =	stream.indirect.scatter.add.f32 @!p3 [tilespmem:s19], [sflag:$0xB], $0x10, s31, s18, $0xb8;
	[tilespmem:$0xF800] =	vst v63  }
0x70: {  	p3 =	por p2, p1  }
0x71: {  	p4 =	sge.u32 @!p3 s1, s5  }
0x72: {  	p2 =	por @!p1 p4, p2  }
0x73: {  	p1 =	por p2, p1  }
0x74: {  	s1 =	simm.s32 @!p1 $0x9  }
0x75: {  	_ =	swait.ge @!p1 [sflag:s1], $0x800  }
0x76: {  	[sflag:s1] =	ssyncset.done @!p1 $0x0  }
0x77: {  	s18 =	simm.s32 @!p1 $0x6000;
	[sflag:s1] =	ssyncadd.s32 @!p1 $0xFFFFF800;
	s1 =	simm.s32 @!p1 $0x80  }
0x78: {  	[tilespmem:s18], [sflag:$0x3] =	stream.indirect.gather @!p1 [spmem:s2], $0x10, s0, s1, $0xb8;
	[tilespmem:$0xF800] =	vst v63  }
0x79: {  	s1 =	simm.s32 @!p3 $0x6  }
0x7a: {  	_ =	swait.ge @!p3 [sflag:s1], $0x800  }
0x7b: {  	[sflag:s1] =	ssyncset.done @!p3 $0x0  }
0x7c: {  	s18 =	simm.s32 @!p3 $0x7800;
	[sflag:s1] =	ssyncadd.s32 @!p3 $0xFFFFF800;
	s1 =	simm.s32 @!p3 $0x80  }
0x7d: {  	[spmem:s3] =	stream.indirect.scatter.add.f32 @!p3 [tilespmem:s18], [sflag:$0xC], $0x10, s31, s1, $0xb8;
	[tilespmem:$0xF800] =	vst v63  }
.LBB2_7:
0x7e: {  	s30 =	sadd.s32 $0x1, s30  }
0x7f: {  	p1 =	sne.s32 s5, s30  }
.Ltmp4:
0x80: {  	_ = 	snop;
	(pc) =	sbr.rel @!p1 .LBB2_8-.Ltmp4, $2  }
0x81: {  	_ =	sdelay $0x2  }
0x82: {  	s31 =	sadd.s32 $0x80, s31;
	s0 =	sadd.s32 $0x80, s0  }
.LBB2_4:
0x83: {  	s1 =	smulhi.u32 $0xAAAAAAAB, s30;
	_ =	sdelay $0x1  }
0x84: {  	s1 =	sshrl.u32 s1, $0x2  }
0x85: {  	s1 =	smul.u32 $0xFFFFFFFA, s1;
	_ =	sdelay $0x1  }
0x86: {  	s18 =	sadd.s32 s1, s30  }
0x87: {  	p1 =	sgt.s32 s18, $0x2  }
.Ltmp5:
0x88: {  	_ = 	snop;
	(pc) =	sbr.rel @p1 .LBB2_6-.Ltmp5, $2  }
0x89: {  	_ =	sdelay $0x2  }
0x8a: {  	s1 =	sadd.s32 $0x3, s30  }
0x8b: {  	p1 =	seq.s32 s18, $0x0  }
0x8c: {  	p2 =	sge.u32 @p1 s1, s5  }
0x8d: {  	p3 =	por p2, !p1  }
0x8e: {  	p4 =	slt.u32 @!p3 s30, $0x3  }
0x8f: {  	p2 =	por @p1 p4, p2  }
0x90: {  	p2 =	por p2, !p1  }
0x91: {  	s19 =	simm.s32 @!p2 $0xA  }
0x92: {  	_ =	swait.ge @!p2 [sflag:s19], $0x800  }
0x93: {  	s20 =	simm.s32 @!p3 $0x6800;
	[sflag:s19] =	ssyncset.done @!p2 $0x0  }
0x94: {  	[sflag:s19] =	ssyncadd.s32 @!p2 $0xFFFFF800;
	s19 =	simm.s32 @!p3 $0x80;
	p2 =	seq.s32 @!p1 s18, $0x1  }
0x95: {  	[tilespmem:s20], [sflag:$0x4] =	stream.indirect.gather @!p3 [spmem:s2], $0x10, s0, s19, $0xb8;
	[tilespmem:$0xF800] =	vst v63  }
0x96: {  	s19 =	simm.s32 @p1 $0x1;
	p3 =	por !p2, p1  }
0x97: {  	_ =	swait.ge @p1 [sflag:s19], $0x800;
	p4 =	sge.u32 @!p3 s1, s5  }
0x98: {  	s20 =	simm.s32 @p1 $0x5000;
	[sflag:s19] =	ssyncset.done @p1 $0x0;
	p5 =	por @!p1 p4, !p2  }
0x99: {  	[sflag:s19] =	ssyncadd.s32 @p1 $0xFFFFF800;
	s19 =	simm.s32 @p1 $0x80;
	p5 =	por p5, p1  }
0x9a: {  	[spmem:s3] =	stream.indirect.scatter.add.f32 @p1 [tilespmem:s20], [sflag:$0x7], $0x10, s31, s19, $0xb8;
	[tilespmem:$0xF800] =	vst v63  }
0x9b: {  	p6 =	slt.u32 @!p5 s30, $0x3  }
0x9c: {  	p4 =	por @!p3 p6, p4  }
0x9d: {  	p4 =	por @!p1 p4, !p2  }
0x9e: {  	p4 =	por p4, p1  }
0x9f: {  	s18 =	simm.s32 @!p4 $0xB  }
0xa0: {  	_ =	swait.ge @!p4 [sflag:s18], $0x800  }
0xa1: {  	[sflag:s18] =	ssyncset.done @!p4 $0x0  }
0xa2: {  	s19 =	simm.s32 @!p5 $0x7000;
	[sflag:s18] =	ssyncadd.s32 @!p4 $0xFFFFF800;
	s18 =	simm.s32 @!p5 $0x80  }
0xa3: {  	[tilespmem:s19], [sflag:$0x5] =	stream.indirect.gather @!p5 [spmem:s2], $0x10, s0, s18, $0xb8;
	[tilespmem:$0xF800] =	vst v63  }
0xa4: {  	s18 =	simm.s32 @!p3 $0x2  }
0xa5: {  	_ =	swait.ge @!p3 [sflag:s18], $0x800  }
0xa6: {  	[sflag:s18] =	ssyncset.done @!p3 $0x0  }
0xa7: {  	s19 =	simm.s32 @!p3 $0x5800;
	[sflag:s18] =	ssyncadd.s32 @!p3 $0xFFFFF800;
	s18 =	simm.s32 @!p3 $0x80  }
0xa8: {  	[spmem:s3] =	stream.indirect.scatter.add.f32 @!p3 [tilespmem:s19], [sflag:$0x8], $0x10, s31, s18, $0xb8;
	[tilespmem:$0xF800] =	vst v63  }
0xa9: {  	p3 =	por p2, p1  }
0xaa: {  	p4 =	sge.u32 @!p3 s1, s5  }
0xab: {  	p5 =	por @!p1 p4, p2  }
0xac: {  	p5 =	por p5, p1  }
0xad: {  	p6 =	slt.u32 @!p5 s30, $0x3  }
0xae: {  	p4 =	por @!p3 p6, p4  }
0xaf: {  	p2 =	por @!p1 p4, p2  }
0xb0: {  	p1 =	por p2, p1  }
0xb1: {  	s1 =	simm.s32 @!p1 $0xC  }
0xb2: {  	_ =	swait.ge @!p1 [sflag:s1], $0x800  }
0xb3: {  	[sflag:s1] =	ssyncset.done @!p1 $0x0  }
0xb4: {  	s18 =	simm.s32 @!p5 $0x7800;
	[sflag:s1] =	ssyncadd.s32 @!p1 $0xFFFFF800;
	s1 =	simm.s32 @!p5 $0x80  }
0xb5: {  	[tilespmem:s18], [sflag:$0x6] =	stream.indirect.gather @!p5 [spmem:s2], $0x10, s0, s1, $0xb8;
	[tilespmem:$0xF800] =	vst v63  }
.Ltmp6:
0xb6: {  	s1 =	simm.s32 @!p3 $0x3;
	(pc) =	sbr.rel .LBB2_7-.Ltmp6, $4  }
0xb7: {  	_ =	swait.ge @!p3 [sflag:s1], $0x800  }
0xb8: {  	[sflag:s1] =	ssyncset.done @!p3 $0x0  }
0xb9: {  	s18 =	simm.s32 @!p3 $0x6000;
	[sflag:s1] =	ssyncadd.s32 @!p3 $0xFFFFF800;
	s1 =	simm.s32 @!p3 $0x80  }
0xba: {  	[spmem:s3] =	stream.indirect.scatter.add.f32 @!p3 [tilespmem:s18], [sflag:$0x9], $0x10, s31, s1, $0xb8;
	[tilespmem:$0xF800] =	vst v63  }
.LBB2_9:
0xbb: {  	_ =	sfence.sel $0x180000  }
0xbc: {  	[bflag:$0x0] =	sbarrier.arrive $0xFFFF  }
0xbd: {  	_ =	strace $0x9000004D  }
0xbe: {  	s0 =	stileid.u32;
	[bflag:$0x2] =	sbarrier.arrive $0xFFFF  }
0xbf: {  	p0 =	sne.s32 s0, $0x0;
	s0 =	rddreg [dreg:$0x4]  }
0xc0: {  	s0 =	sadd.s32 @!p0 $0x100000, s0  }
0xc1: {  	[sflag:s0] =	ssyncadd.tile.s32 @!p0 $0x1;
	_ =	shalt  }
.Lfunc_end2:
_tile_overlayer_lowered:
.L_overlay_start_2:
0xc2: {  	(tag) =	ssettag $0x2  }
0xc3: {  	s0 =	rddreg [dreg:$0x0];
	s2 =	stileid.u32  }
0xc4: {  	s1 =	rddreg [dreg:$0x1];
	p0 =	sne.s32 s2, $0x0  }
0xc5: {  	s3 =	rddreg [dreg:$0x2];
	[bflag:$0x3] =	sbarrier.arrive $0xFFFF;
	s2 =	simm.s32 @!p0 $0x1C0D  }
0xc6: {  	[timem:s3], [sflag:s2] =	dma.local @!p0 [hbm:s0], s1  }
0xc7: {  	s0 =	simm.s32 @!p0 $0xD  }
0xc8: {  	_ =	swait.ge @!p0 [sflag:s0], s1  }
0xc9: {  	s1 =	ssub.s32 @!p0 $0x0, s1;
	[sflag:s0] =	ssyncset.done @!p0 $0x0  }
0xca: {  	[sflag:s0] =	ssyncadd.s32 @!p0 s1  }
0xcb: {  	[bflag:$0x3] =	sbarrier.arrive $0xFFFF  }
0xcc: {  	_ =	shalt  }

</sc_bundles>
